<compile_context>
chip_gen: v7x
topology: tpu7x:2x2x1
jax: 0.10.2.dev20260603
libtpu: 0.0.44.dev20260713+nightly
codegen_flags: <defaults>
</compile_context>

<pallas_src>
import functools

import jax
import jax.numpy as jnp
from jax import lax
from jax.experimental import pallas as pl
from jax.experimental.pallas import tpu as pltpu
from jax.experimental.pallas import tpu_sc as plsc

_MIN_DIST = 8.0
_STEP_DIST = 0.1
_NUM_BINS = 140

_B, _H, _W = 8, 256, 256
_N = _B * _H * _W
_NW = 32
_PER_W = _N // _NW
_C = 2048
_STEPS = _PER_W // _C
_L = 16

_BK = 28


def _sc_bin_indices(ipt_flat):
    mesh = plsc.VectorSubcoreMesh(core_axis_name="c", subcore_axis_name="s")

    @functools.partial(
        pl.kernel,
        mesh=mesh,
        out_type=jax.ShapeDtypeStruct((_N,), jnp.int32),
        compiler_params=pltpu.CompilerParams(
            needs_layout_passes=False, use_tc_tiling_on_sc=False),
        scratch_types=[
            pltpu.VMEM((_C,), jnp.float32),
            pltpu.VMEM((_C,), jnp.float32),
            pltpu.VMEM((_C,), jnp.int32),
            pltpu.VMEM((_C,), jnp.int32),
            pltpu.SemaphoreType.DMA,
            pltpu.SemaphoreType.DMA,
            pltpu.SemaphoreType.DMA,
            pltpu.SemaphoreType.DMA,
        ],
    )
    def k(ipt_hbm, idx_hbm, in0, in1, ob0, ob1, sin0, sin1, sout0, sout1):
        wid = lax.axis_index("s") * 2 + lax.axis_index("c")
        base = wid * _PER_W

        pltpu.async_copy(ipt_hbm.at[pl.ds(base, _C)], in0, sin0)
        pltpu.async_copy(ipt_hbm.at[pl.ds(base + _C, _C)], in1, sin1)

        bufs = ((in0, ob0, sin0, sout0), (in1, ob1, sin1, sout1))

        def step_pair(i, carry):
            for b in range(2):
                inb, ob, s_in, s_out = bufs[b]
                s = i * 2 + b

                @pl.when(s >= 2)
                def _wait_out():
                    pltpu.make_async_copy(
                        ob, idx_hbm.at[pl.ds(0, _C)], s_out).wait()

                pltpu.make_async_copy(
                    ipt_hbm.at[pl.ds(0, _C)], inb, s_in).wait()

                for j in range(_C // _L):
                    x = inb[pl.ds(j * _L, _L)]
                    v = ((x - _MIN_DIST) / _STEP_DIST).astype(jnp.int32)
                    v = jnp.minimum(jnp.maximum(v, 0), _NUM_BINS - 1)
                    ob[pl.ds(j * _L, _L)] = v

                pltpu.async_copy(
                    ob, idx_hbm.at[pl.ds(base + s * _C, _C)], s_out)

                @pl.when(s + 2 < _STEPS)
                def _prefetch():
                    pltpu.async_copy(
                        ipt_hbm.at[pl.ds(base + (s + 2) * _C, _C)], inb, s_in)
            return carry

        lax.fori_loop(0, _STEPS // 2, step_pair, 0)

        pltpu.make_async_copy(ob0, idx_hbm.at[pl.ds(0, _C)], sout0).wait()
        pltpu.make_async_copy(ob1, idx_hbm.at[pl.ds(0, _C)], sout1).wait()

    return k(ipt_flat)


def _tc_expand_body(idx_ref, o_ref):
    kb = pl.program_id(1)
    idx = idx_ref[...]
    kk = jax.lax.broadcasted_iota(jnp.int32, (1, _BK, _H, _W), 1) + kb * _BK
    o_ref[...] = (idx[:, None, :, :] == kk).astype(jnp.float32)


def kernel(ipt, table):
    del table
    idx = _sc_bin_indices(ipt.reshape(-1)).reshape(_B, _H, _W)
    out_t = pl.pallas_call(
        _tc_expand_body,
        grid=(_B, _NUM_BINS // _BK),
        in_specs=[pl.BlockSpec((1, _H, _W), lambda b, kb: (b, 0, 0))],
        out_specs=pl.BlockSpec((1, _BK, _H, _W), lambda b, kb: (b, kb, 0, 0)),
        out_shape=jax.ShapeDtypeStruct((_B, _NUM_BINS, _H, _W), jnp.float32),
    )(idx)
    return out_t.transpose(0, 2, 3, 1)

# --- scband reference (transcript-rebuilt; emitter-appended) ---
"""Pipeline reference for scband-loss-embedding-33097017983412 (READ-ONLY COPY).

The authoritative reference and input builder live on the scoring server;
editing this copy changes nothing except your own understanding.
"""

import jax, jax.numpy as jnp
import numpy as np

MAX_DIST = 22.0
MIN_DIST = 8.0
STEP_DIST = 0.1
NUM_BINS = int(round((MAX_DIST - MIN_DIST) / STEP_DIST))  # 140


def setup_inputs(seed: int = 0) -> dict:
    key = jax.random.key(seed)
    k1 = jax.random.fold_in(key, 0)
    # distances drawn uniformly in [min_dist, max_dist) so bin indices are in-range
    ipt = jax.random.uniform(k1, (8, 256, 256), dtype=jnp.float32, minval=MIN_DIST, maxval=MAX_DIST)
    # embedding_dict buffer: identity matrix -> one-hot rows
    table = jnp.eye(NUM_BINS, dtype=jnp.float32)
    return {"ipt": ipt, "table": table}


def reference(ipt, table):
    # Faithful (intended) semantics of LossEmbedding.forward: bin each distance
    # into [0, NUM_BINS) via idx = (dist - min_dist) / step_dist and gather the
    # one-hot embedding row from the identity embedding_dict.
    idx = jnp.floor((ipt - MIN_DIST) / STEP_DIST).astype(jnp.int32)
    idx = jnp.clip(idx, 0, NUM_BINS - 1)
    out = jnp.take(table, idx, axis=0)  # [B, H, W, NUM_BINS]
    return out

if __name__ == "__main__":
    import jax
    _d = setup_inputs()
    print(jax.jit(kernel)(*tuple(_d.values())))

</pallas_src>

<mosaic_0001>
#map = affine_map<(d0, d1) -> (0)>
module attributes {stable_mosaic.version = 14 : i64} {
  func.func @k(%arg0: i32, %arg1: i32, %arg2: memref<524288xf32, #tpu.memory_space<hbm>>, %arg3: memref<524288xi32, #tpu.memory_space<hbm>>, %arg4: memref<2048xf32, #tpu.memory_space<vmem>>, %arg5: memref<2048xf32, #tpu.memory_space<vmem>>, %arg6: memref<2048xi32, #tpu.memory_space<vmem>>, %arg7: memref<2048xi32, #tpu.memory_space<vmem>>, %arg8: memref<!tpu.dma_semaphore, #tpu.memory_space<semaphore_mem>>, %arg9: memref<!tpu.dma_semaphore, #tpu.memory_space<semaphore_mem>>, %arg10: memref<!tpu.dma_semaphore, #tpu.memory_space<semaphore_mem>>, %arg11: memref<!tpu.dma_semaphore, #tpu.memory_space<semaphore_mem>>) attributes {dimension_semantics = [#tpu.dimension_semantics<core_parallel>, #tpu.dimension_semantics<subcore_parallel>], iteration_bounds = array<i64: 2, 16>, scalar_prefetch = 0 : i64, scratch_operands = 8 : i64, tpu.core_type = #tpu.core_type<sc_vector_subcore>, window_params = [{transform_indices = #map}, {transform_indices = #map}]} {
    %mul3A = arith.constant 2 : i32
    %mul3A_0 = arith.muli %arg1, %mul3A : i32
    %add3A = arith.addi %mul3A_0, %arg0 : i32
    %mul3A_1 = arith.constant 16384 : i32
    %mul3A_2 = arith.muli %add3A, %mul3A_1 : i32
    %dma_start3A = tpu.memref_slice %arg2[%mul3A_2] : memref<524288xf32, #tpu.memory_space<hbm>> -> memref<2048xf32, #tpu.memory_space<hbm>>
    %dma_start3A_3 = tpu.memref_slice %arg2[%mul3A_2] : memref<524288xf32, #tpu.memory_space<hbm>> -> memref<2048xf32, #tpu.memory_space<hbm>>
    tpu.enqueue_dma source(%dma_start3A_3 : memref<2048xf32, #tpu.memory_space<hbm>>) target(%arg4 : memref<2048xf32, #tpu.memory_space<vmem>>) target_semaphore(%arg8 : memref<!tpu.dma_semaphore, #tpu.memory_space<semaphore_mem>>)
    %add3A_4 = arith.constant 2048 : i32
    %add3A_5 = arith.addi %mul3A_2, %add3A_4 : i32
    %dma_start3A_6 = tpu.memref_slice %arg2[%add3A_5] : memref<524288xf32, #tpu.memory_space<hbm>> -> memref<2048xf32, #tpu.memory_space<hbm>>
    %dma_start3A_7 = tpu.memref_slice %arg2[%add3A_5] : memref<524288xf32, #tpu.memory_space<hbm>> -> memref<2048xf32, #tpu.memory_space<hbm>>
    tpu.enqueue_dma source(%dma_start3A_7 : memref<2048xf32, #tpu.memory_space<hbm>>) target(%arg5 : memref<2048xf32, #tpu.memory_space<vmem>>) target_semaphore(%arg9 : memref<!tpu.dma_semaphore, #tpu.memory_space<semaphore_mem>>)
    %scan3A = arith.constant 0 : i32
    %scan3A_8 = arith.constant 0 : i32
    %scan3A_9 = arith.constant 4 : i32
    %scan3A_10 = arith.addi %scan3A_8, %scan3A_9 : i32
    %scan3A_11 = arith.constant 1 : i32
    scf.for %scan3A_20 = %scan3A_8 to %scan3A_10 step %scan3A_11  : i32 {
      %mul3A_21 = arith.constant 2 : i32
      %mul3A_22 = arith.muli %scan3A_20, %mul3A_21 : i32
      %add3A_23 = arith.constant 0 : i32
      %add3A_24 = arith.addi %mul3A_22, %add3A_23 : i32
      %ge3A = arith.constant 2 : i32
      %ge3A_25 = arith.cmpi sge, %add3A_24, %ge3A : i32
      %convert_element_type3A = arith.extui %ge3A_25 : i1 to i32
      %cond3A = arith.constant 0 : i32
      %cond3A_26 = arith.cmpi ne, %convert_element_type3A, %cond3A : i32
      scf.if %cond3A_26 {
        %dma_wait3A_4413 = arith.constant 0 : i32
        %dma_wait3A_4414 = tpu.memref_slice %arg3[%dma_wait3A_4413] : memref<524288xi32, #tpu.memory_space<hbm>> -> memref<2048xi32, #tpu.memory_space<hbm>>
        %dma_wait3A_4415 = arith.constant 0 : i32
        %dma_wait3A_4416 = tpu.memref_slice %arg3[%dma_wait3A_4415] : memref<524288xi32, #tpu.memory_space<hbm>> -> memref<2048xi32, #tpu.memory_space<hbm>>
        tpu.wait_dma2 semaphore(%arg10 : memref<!tpu.dma_semaphore, #tpu.memory_space<semaphore_mem>>) src(%arg6 : memref<2048xi32, #tpu.memory_space<vmem>>) dst(%dma_wait3A_4416 : memref<2048xi32, #tpu.memory_space<hbm>>)
      } else {
      }
      %dma_wait3A_27 = arith.constant 0 : i32
      %dma_wait3A_28 = tpu.memref_slice %arg2[%dma_wait3A_27] : memref<524288xf32, #tpu.memory_space<hbm>> -> memref<2048xf32, #tpu.memory_space<hbm>>
      %dma_wait3A_29 = arith.constant 0 : i32
      %dma_wait3A_30 = tpu.memref_slice %arg2[%dma_wait3A_29] : memref<524288xf32, #tpu.memory_space<hbm>> -> memref<2048xf32, #tpu.memory_space<hbm>>
      tpu.wait_dma2 semaphore(%arg8 : memref<!tpu.dma_semaphore, #tpu.memory_space<semaphore_mem>>) src(%dma_wait3A_30 : memref<2048xf32, #tpu.memory_space<hbm>>) dst(%arg4 : memref<2048xf32, #tpu.memory_space<vmem>>)
      %get3A = arith.constant 0 : index
      %get3A_31 = tpu.vector_load %arg4[%get3A] {strides = array<i32>} : memref<2048xf32, #tpu.memory_space<vmem>>, vector<16xf32>,
      %sub3A = arith.constant 8.000000e+00 : f32
      %sub3A_32 = vector.broadcast %sub3A : f32 to vector<16xf32>
      %sub3A_33 = arith.subf %get3A_31, %sub3A_32 : vector<16xf32>
      %div3A = arith.constant 1.000000e-01 : f32
      %div3A_34 = vector.broadcast %div3A : f32 to vector<16xf32>
      %div3A_35 = arith.divf %sub3A_33, %div3A_34 : vector<16xf32>
      %convert_element_type3A_36 = arith.fptosi %div3A_35 : vector<16xf32> to vector<16xi32>
      %max3A = arith.constant 0 : i32
      %max3A_37 = vector.broadcast %max3A : i32 to vector<16xi32>
      %max3A_38 = arith.maxsi %convert_element_type3A_36, %max3A_37 : vector<16xi32>
      %min3A = arith.constant 139 : i32
      %min3A_39 = vector.broadcast %min3A : i32 to vector<16xi32>
      %min3A_40 = arith.minsi %max3A_38, %min3A_39 : vector<16xi32>
      %swap3A = arith.constant 0 : index
      %swap3A_41 = tpu.vector_load %arg6[%swap3A] {strides = array<i32>} : memref<2048xi32, #tpu.memory_space<vmem>>, vector<16xi32>,
      tpu.vector_store %arg6[%swap3A], %min3A_40 {strides = array<i32>} : memref<2048xi32, #tpu.memory_space<vmem>>, vector<16xi32>,
      %get3A_42 = arith.constant 16 : index
      %get3A_43 = tpu.vector_load %arg4[%get3A_42] {strides = array<i32>} : memref<2048xf32, #tpu.memory_space<vmem>>, vector<16xf32>,
      %sub3A_44 = arith.constant 8.000000e+00 : f32
      %sub3A_45 = vector.broadcast %sub3A_44 : f32 to vector<16xf32>
      %sub3A_46 = arith.subf %get3A_43, %sub3A_45 : vector<16xf32>
      %div3A_47 = arith.constant 1.000000e-01 : f32
      %div3A_48 = vector.broadcast %div3A_47 : f32 to vector<16xf32>
      %div3A_49 = arith.divf %sub3A_46, %div3A_48 : vector<16xf32>
      %convert_element_type3A_50 = arith.fptosi %div3A_49 : vector<16xf32> to vector<16xi32>
      %max3A_51 = arith.constant 0 : i32
      %max3A_52 = vector.broadcast %max3A_51 : i32 to vector<16xi32>
      %max3A_53 = arith.maxsi %convert_element_type3A_50, %max3A_52 : vector<16xi32>
      %min3A_54 = arith.constant 139 : i32
      %min3A_55 = vector.broadcast %min3A_54 : i32 to vector<16xi32>
      %min3A_56 = arith.minsi %max3A_53, %min3A_55 : vector<16xi32>
      %swap3A_57 = arith.constant 16 : index
      %swap3A_58 = tpu.vector_load %arg6[%swap3A_57] {strides = array<i32>} : memref<2048xi32, #tpu.memory_space<vmem>>, vector<16xi32>,
      tpu.vector_store %arg6[%swap3A_57], %min3A_56 {strides = array<i32>} : memref<2048xi32, #tpu.memory_space<vmem>>, vector<16xi32>,
      %get3A_59 = arith.constant 32 : index
      %get3A_60 = tpu.vector_load %arg4[%get3A_59] {strides = array<i32>} : memref<2048xf32, #tpu.memory_space<vmem>>, vector<16xf32>,
      %sub3A_61 = arith.constant 8.000000e+00 : f32
      %sub3A_62 = vector.broadcast %sub3A_61 : f32 to vector<16xf32>
      %sub3A_63 = arith.subf %get3A_60, %sub3A_62 : vector<16xf32>
      %div3A_64 = arith.constant 1.000000e-01 : f32
      %div3A_65 = vector.broadcast %div3A_64 : f32 to vector<16xf32>
      %div3A_66 = arith.divf %sub3A_63, %div3A_65 : vector<16xf32>
      %convert_element_type3A_67 = arith.fptosi %div3A_66 : vector<16xf32> to vector<16xi32>
      %max3A_68 = arith.constant 0 : i32
      %max3A_69 = vector.broadcast %max3A_68 : i32 to vector<16xi32>
      %max3A_70 = arith.maxsi %convert_element_type3A_67, %max3A_69 : vector<16xi32>
      %min3A_71 = arith.constant 139 : i32
      %min3A_72 = vector.broadcast %min3A_71 : i32 to vector<16xi32>
      %min3A_73 = arith.minsi %max3A_70, %min3A_72 : vector<16xi32>
      %swap3A_74 = arith.constant 32 : index
      %swap3A_75 = tpu.vector_load %arg6[%swap3A_74] {strides = array<i32>} : memref<2048xi32, #tpu.memory_space<vmem>>, vector<16xi32>,
      tpu.vector_store %arg6[%swap3A_74], %min3A_73 {strides = array<i32>} : memref<2048xi32, #tpu.memory_space<vmem>>, vector<16xi32>,
      %get3A_76 = arith.constant 48 : index
      %get3A_77 = tpu.vector_load %arg4[%get3A_76] {strides = array<i32>} : memref<2048xf32, #tpu.memory_space<vmem>>, vector<16xf32>,
      %sub3A_78 = arith.constant 8.000000e+00 : f32
      %sub3A_79 = vector.broadcast %sub3A_78 : f32 to vector<16xf32>
      %sub3A_80 = arith.subf %get3A_77, %sub3A_79 : vector<16xf32>
      %div3A_81 = arith.constant 1.000000e-01 : f32
      %div3A_82 = vector.broadcast %div3A_81 : f32 to vector<16xf32>
      %div3A_83 = arith.divf %sub3A_80, %div3A_82 : vector<16xf32>
      %convert_element_type3A_84 = arith.fptosi %div3A_83 : vector<16xf32> to vector<16xi32>
      %max3A_85 = arith.constant 0 : i32
      %max3A_86 = vector.broadcast %max3A_85 : i32 to vector<16xi32>
      %max3A_87 = arith.maxsi %convert_element_type3A_84, %max3A_86 : vector<16xi32>
      %min3A_88 = arith.constant 139 : i32
      %min3A_89 = vector.broadcast %min3A_88 : i32 to vector<16xi32>
      %min3A_90 = arith.minsi %max3A_87, %min3A_89 : vector<16xi32>
      %swap3A_91 = arith.constant 48 : index
      %swap3A_92 = tpu.vector_load %arg6[%swap3A_91] {strides = array<i32>} : memref<2048xi32, #tpu.memory_space<vmem>>, vector<16xi32>,
      tpu.vector_store %arg6[%swap3A_91], %min3A_90 {strides = array<i32>} : memref<2048xi32, #tpu.memory_space<vmem>>, vector<16xi32>,
      %get3A_93 = arith.constant 64 : index
      %get3A_94 = tpu.vector_load %arg4[%get3A_93] {strides = array<i32>} : memref<2048xf32, #tpu.memory_space<vmem>>, vector<16xf32>,
      %sub3A_95 = arith.constant 8.000000e+00 : f32
      %sub3A_96 = vector.broadcast %sub3A_95 : f32 to vector<16xf32>
      %sub3A_97 = arith.subf %get3A_94, %sub3A_96 : vector<16xf32>
      %div3A_98 = arith.constant 1.000000e-01 : f32
      %div3A_99 = vector.broadcast %div3A_98 : f32 to vector<16xf32>
      %div3A_100 = arith.divf %sub3A_97, %div3A_99 : vector<16xf32>
      %convert_element_type3A_101 = arith.fptosi %div3A_100 : vector<16xf32> to vector<16xi32>
      %max3A_102 = arith.constant 0 : i32
      %max3A_103 = vector.broadcast %max3A_102 : i32 to vector<16xi32>
      %max3A_104 = arith.maxsi %convert_element_type3A_101, %max3A_103 : vector<16xi32>
      %min3A_105 = arith.constant 139 : i32
      %min3A_106 = vector.broadcast %min3A_105 : i32 to vector<16xi32>
      %min3A_107 = arith.minsi %max3A_104, %min3A_106 : vector<16xi32>
      %swap3A_108 = arith.constant 64 : index
      %swap3A_109 = tpu.vector_load %arg6[%swap3A_108] {strides = array<i32>} : memref<2048xi32, #tpu.memory_space<vmem>>, vector<16xi32>,
      tpu.vector_store %arg6[%swap3A_108], %min3A_107 {strides = array<i32>} : memref<2048xi32, #tpu.memory_space<vmem>>, vector<16xi32>,
      %get3A_110 = arith.constant 80 : index
      %get3A_111 = tpu.vector_load %arg4[%get3A_110] {strides = array<i32>} : memref<2048xf32, #tpu.memory_space<vmem>>, vector<16xf32>,
      %sub3A_112 = arith.constant 8.000000e+00 : f32
      %sub3A_113 = vector.broadcast %sub3A_112 : f32 to vector<16xf32>
      %sub3A_114 = arith.subf %get3A_111, %sub3A_113 : vector<16xf32>
      %div3A_115 = arith.constant 1.000000e-01 : f32
      %div3A_116 = vector.broadcast %div3A_115 : f32 to vector<16xf32>
      %div3A_117 = arith.divf %sub3A_114, %div3A_116 : vector<16xf32>
      %convert_element_type3A_118 = arith.fptosi %div3A_117 : vector<16xf32> to vector<16xi32>
      %max3A_119 = arith.constant 0 : i32
      %max3A_120 = vector.broadcast %max3A_119 : i32 to vector<16xi32>
      %max3A_121 = arith.maxsi %convert_element_type3A_118, %max3A_120 : vector<16xi32>
      %min3A_122 = arith.constant 139 : i32
      %min3A_123 = vector.broadcast %min3A_122 : i32 to vector<16xi32>
      %min3A_124 = arith.minsi %max3A_121, %min3A_123 : vector<16xi32>
      %swap3A_125 = arith.constant 80 : index
      %swap3A_126 = tpu.vector_load %arg6[%swap3A_125] {strides = array<i32>} : memref<2048xi32, #tpu.memory_space<vmem>>, vector<16xi32>,
      tpu.vector_store %arg6[%swap3A_125], %min3A_124 {strides = array<i32>} : memref<2048xi32, #tpu.memory_space<vmem>>, vector<16xi32>,
      %get3A_127 = arith.constant 96 : index
      %get3A_128 = tpu.vector_load %arg4[%get3A_127] {strides = array<i32>} : memref<2048xf32, #tpu.memory_space<vmem>>, vector<16xf32>,
      %sub3A_129 = arith.constant 8.000000e+00 : f32
      %sub3A_130 = vector.broadcast %sub3A_129 : f32 to vector<16xf32>
      %sub3A_131 = arith.subf %get3A_128, %sub3A_130 : vector<16xf32>
      %div3A_132 = arith.constant 1.000000e-01 : f32
      %div3A_133 = vector.broadcast %div3A_132 : f32 to vector<16xf32>
      %div3A_134 = arith.divf %sub3A_131, %div3A_133 : vector<16xf32>
      %convert_element_type3A_135 = arith.fptosi %div3A_134 : vector<16xf32> to vector<16xi32>
      %max3A_136 = arith.constant 0 : i32
      %max3A_137 = vector.broadcast %max3A_136 : i32 to vector<16xi32>
      %max3A_138 = arith.maxsi %convert_element_type3A_135, %max3A_137 : vector<16xi32>
      %min3A_139 = arith.constant 139 : i32
      %min3A_140 = vector.broadcast %min3A_139 : i32 to vector<16xi32>
      %min3A_141 = arith.minsi %max3A_138, %min3A_140 : vector<16xi32>
      %swap3A_142 = arith.constant 96 : index
      %swap3A_143 = tpu.vector_load %arg6[%swap3A_142] {strides = array<i32>} : memref<2048xi32, #tpu.memory_space<vmem>>, vector<16xi32>,
      tpu.vector_store %arg6[%swap3A_142], %min3A_141 {strides = array<i32>} : memref<2048xi32, #tpu.memory_space<vmem>>, vector<16xi32>,
      %get3A_144 = arith.constant 112 : index
      %get3A_145 = tpu.vector_load %arg4[%get3A_144] {strides = array<i32>} : memref<2048xf32, #tpu.memory_space<vmem>>, vector<16xf32>,
      %sub3A_146 = arith.constant 8.000000e+00 : f32
      %sub3A_147 = vector.broadcast %sub3A_146 : f32 to vector<16xf32>
      %sub3A_148 = arith.subf %get3A_145, %sub3A_147 : vector<16xf32>
      %div3A_149 = arith.constant 1.000000e-01 : f32
      %div3A_150 = vector.broadcast %div3A_149 : f32 to vector<16xf32>
      %div3A_151 = arith.divf %sub3A_148, %div3A_150 : vector<16xf32>
      %convert_element_type3A_152 = arith.fptosi %div3A_151 : vector<16xf32> to vector<16xi32>
      %max3A_153 = arith.constant 0 : i32
      %max3A_154 = vector.broadcast %max3A_153 : i32 to vector<16xi32>
      %max3A_155 = arith.maxsi %convert_element_type3A_152, %max3A_154 : vector<16xi32>
      %min3A_156 = arith.constant 139 : i32
      %min3A_157 = vector.broadcast %min3A_156 : i32 to vector<16xi32>
      %min3A_158 = arith.minsi %max3A_155, %min3A_157 : vector<16xi32>
      %swap3A_159 = arith.constant 112 : index
      %swap3A_160 = tpu.vector_load %arg6[%swap3A_159] {strides = array<i32>} : memref<2048xi32, #tpu.memory_space<vmem>>, vector<16xi32>,
      tpu.vector_store %arg6[%swap3A_159], %min3A_158 {strides = array<i32>} : memref<2048xi32, #tpu.memory_space<vmem>>, vector<16xi32>,
      %get3A_161 = arith.constant 128 : index
      %get3A_162 = tpu.vector_load %arg4[%get3A_161] {strides = array<i32>} : memref<2048xf32, #tpu.memory_space<vmem>>, vector<16xf32>,
      %sub3A_163 = arith.constant 8.000000e+00 : f32
      %sub3A_164 = vector.broadcast %sub3A_163 : f32 to vector<16xf32>
      %sub3A_165 = arith.subf %get3A_162, %sub3A_164 : vector<16xf32>
      %div3A_166 = arith.constant 1.000000e-01 : f32
      %div3A_167 = vector.broadcast %div3A_166 : f32 to vector<16xf32>
      %div3A_168 = arith.divf %sub3A_165, %div3A_167 : vector<16xf32>
      %convert_element_type3A_169 = arith.fptosi %div3A_168 : vector<16xf32> to vector<16xi32>
      %max3A_170 = arith.constant 0 : i32
      %max3A_171 = vector.broadcast %max3A_170 : i32 to vector<16xi32>
      %max3A_172 = arith.maxsi %convert_element_type3A_169, %max3A_171 : vector<16xi32>
      %min3A_173 = arith.constant 139 : i32
      %min3A_174 = vector.broadcast %min3A_173 : i32 to vector<16xi32>
      %min3A_175 = arith.minsi %max3A_172, %min3A_174 : vector<16xi32>
      %swap3A_176 = arith.constant 128 : index
      %swap3A_177 = tpu.vector_load %arg6[%swap3A_176] {strides = array<i32>} : memref<2048xi32, #tpu.memory_space<vmem>>, vector<16xi32>,
      tpu.vector_store %arg6[%swap3A_176], %min3A_175 {strides = array<i32>} : memref<2048xi32, #tpu.memory_space<vmem>>, vector<16xi32>,
      %get3A_178 = arith.constant 144 : index
      %get3A_179 = tpu.vector_load %arg4[%get3A_178] {strides = array<i32>} : memref<2048xf32, #tpu.memory_space<vmem>>, vector<16xf32>,
      %sub3A_180 = arith.constant 8.000000e+00 : f32
      %sub3A_181 = vector.broadcast %sub3A_180 : f32 to vector<16xf32>
      %sub3A_182 = arith.subf %get3A_179, %sub3A_181 : vector<16xf32>
      %div3A_183 = arith.constant 1.000000e-01 : f32
      %div3A_184 = vector.broadcast %div3A_183 : f32 to vector<16xf32>
      %div3A_185 = arith.divf %sub3A_182, %div3A_184 : vector<16xf32>
      %convert_element_type3A_186 = arith.fptosi %div3A_185 : vector<16xf32> to vector<16xi32>
      %max3A_187 = arith.constant 0 : i32
      %max3A_188 = vector.broadcast %max3A_187 : i32 to vector<16xi32>
      %max3A_189 = arith.maxsi %convert_element_type3A_186, %max3A_188 : vector<16xi32>
      %min3A_190 = arith.constant 139 : i32
      %min3A_191 = vector.broadcast %min3A_190 : i32 to vector<16xi32>
      %min3A_192 = arith.minsi %max3A_189, %min3A_191 : vector<16xi32>
      %swap3A_193 = arith.constant 144 : index
      %swap3A_194 = tpu.vector_load %arg6[%swap3A_193] {strides = array<i32>} : memref<2048xi32, #tpu.memory_space<vmem>>, vector<16xi32>,
      tpu.vector_store %arg6[%swap3A_193], %min3A_192 {strides = array<i32>} : memref<2048xi32, #tpu.memory_space<vmem>>, vector<16xi32>,
      %get3A_195 = arith.constant 160 : index
      %get3A_196 = tpu.vector_load %arg4[%get3A_195] {strides = array<i32>} : memref<2048xf32, #tpu.memory_space<vmem>>, vector<16xf32>,
      %sub3A_197 = arith.constant 8.000000e+00 : f32
      %sub3A_198 = vector.broadcast %sub3A_197 : f32 to vector<16xf32>
      %sub3A_199 = arith.subf %get3A_196, %sub3A_198 : vector<16xf32>
      %div3A_200 = arith.constant 1.000000e-01 : f32
      %div3A_201 = vector.broadcast %div3A_200 : f32 to vector<16xf32>
      %div3A_202 = arith.divf %sub3A_199, %div3A_201 : vector<16xf32>
      %convert_element_type3A_203 = arith.fptosi %div3A_202 : vector<16xf32> to vector<16xi32>
      %max3A_204 = arith.constant 0 : i32
      %max3A_205 = vector.broadcast %max3A_204 : i32 to vector<16xi32>
      %max3A_206 = arith.maxsi %convert_element_type3A_203, %max3A_205 : vector<16xi32>
      %min3A_207 = arith.constant 139 : i32
      %min3A_208 = vector.broadcast %min3A_207 : i32 to vector<16xi32>
      %min3A_209 = arith.minsi %max3A_206, %min3A_208 : vector<16xi32>
      %swap3A_210 = arith.constant 160 : index
      %swap3A_211 = tpu.vector_load %arg6[%swap3A_210] {strides = array<i32>} : memref<2048xi32, #tpu.memory_space<vmem>>, vector<16xi32>,
      tpu.vector_store %arg6[%swap3A_210], %min3A_209 {strides = array<i32>} : memref<2048xi32, #tpu.memory_space<vmem>>, vector<16xi32>,
      %get3A_212 = arith.constant 176 : index
      %get3A_213 = tpu.vector_load %arg4[%get3A_212] {strides = array<i32>} : memref<2048xf32, #tpu.memory_space<vmem>>, vector<16xf32>,
      %sub3A_214 = arith.constant 8.000000e+00 : f32
      %sub3A_215 = vector.broadcast %sub3A_214 : f32 to vector<16xf32>
      %sub3A_216 = arith.subf %get3A_213, %sub3A_215 : vector<16xf32>
      %div3A_217 = arith.constant 1.000000e-01 : f32
      %div3A_218 = vector.broadcast %div3A_217 : f32 to vector<16xf32>
      %div3A_219 = arith.divf %sub3A_216, %div3A_218 : vector<16xf32>
      %convert_element_type3A_220 = arith.fptosi %div3A_219 : vector<16xf32> to vector<16xi32>
      %max3A_221 = arith.constant 0 : i32
      %max3A_222 = vector.broadcast %max3A_221 : i32 to vector<16xi32>
      %max3A_223 = arith.maxsi %convert_element_type3A_220, %max3A_222 : vector<16xi32>
      %min3A_224 = arith.constant 139 : i32
      %min3A_225 = vector.broadcast %min3A_224 : i32 to vector<16xi32>
      %min3A_226 = arith.minsi %max3A_223, %min3A_225 : vector<16xi32>
      %swap3A_227 = arith.constant 176 : index
      %swap3A_228 = tpu.vector_load %arg6[%swap3A_227] {strides = array<i32>} : memref<2048xi32, #tpu.memory_space<vmem>>, vector<16xi32>,
      tpu.vector_store %arg6[%swap3A_227], %min3A_226 {strides = array<i32>} : memref<2048xi32, #tpu.memory_space<vmem>>, vector<16xi32>,
      %get3A_229 = arith.constant 192 : index
      %get3A_230 = tpu.vector_load %arg4[%get3A_229] {strides = array<i32>} : memref<2048xf32, #tpu.memory_space<vmem>>, vector<16xf32>,
      %sub3A_231 = arith.constant 8.000000e+00 : f32
      %sub3A_232 = vector.broadcast %sub3A_231 : f32 to vector<16xf32>
      %sub3A_233 = arith.subf %get3A_230, %sub3A_232 : vector<16xf32>
      %div3A_234 = arith.constant 1.000000e-01 : f32
      %div3A_235 = vector.broadcast %div3A_234 : f32 to vector<16xf32>
      %div3A_236 = arith.divf %sub3A_233, %div3A_235 : vector<16xf32>
      %convert_element_type3A_237 = arith.fptosi %div3A_236 : vector<16xf32> to vector<16xi32>
      %max3A_238 = arith.constant 0 : i32
      %max3A_239 = vector.broadcast %max3A_238 : i32 to vector<16xi32>
      %max3A_240 = arith.maxsi %convert_element_type3A_237, %max3A_239 : vector<16xi32>
      %min3A_241 = arith.constant 139 : i32
      %min3A_242 = vector.broadcast %min3A_241 : i32 to vector<16xi32>
      %min3A_243 = arith.minsi %max3A_240, %min3A_242 : vector<16xi32>
      %swap3A_244 = arith.constant 192 : index
      %swap3A_245 = tpu.vector_load %arg6[%swap3A_244] {strides = array<i32>} : memref<2048xi32, #tpu.memory_space<vmem>>, vector<16xi32>,
      tpu.vector_store %arg6[%swap3A_244], %min3A_243 {strides = array<i32>} : memref<2048xi32, #tpu.memory_space<vmem>>, vector<16xi32>,
      %get3A_246 = arith.constant 208 : index
      %get3A_247 = tpu.vector_load %arg4[%get3A_246] {strides = array<i32>} : memref<2048xf32, #tpu.memory_space<vmem>>, vector<16xf32>,
      %sub3A_248 = arith.constant 8.000000e+00 : f32
      %sub3A_249 = vector.broadcast %sub3A_248 : f32 to vector<16xf32>
      %sub3A_250 = arith.subf %get3A_247, %sub3A_249 : vector<16xf32>
      %div3A_251 = arith.constant 1.000000e-01 : f32
      %div3A_252 = vector.broadcast %div3A_251 : f32 to vector<16xf32>
      %div3A_253 = arith.divf %sub3A_250, %div3A_252 : vector<16xf32>
      %convert_element_type3A_254 = arith.fptosi %div3A_253 : vector<16xf32> to vector<16xi32>
      %max3A_255 = arith.constant 0 : i32
      %max3A_256 = vector.broadcast %max3A_255 : i32 to vector<16xi32>
      %max3A_257 = arith.maxsi %convert_element_type3A_254, %max3A_256 : vector<16xi32>
      %min3A_258 = arith.constant 139 : i32
      %min3A_259 = vector.broadcast %min3A_258 : i32 to vector<16xi32>
      %min3A_260 = arith.minsi %max3A_257, %min3A_259 : vector<16xi32>
      %swap3A_261 = arith.constant 208 : index
      %swap3A_262 = tpu.vector_load %arg6[%swap3A_261] {strides = array<i32>} : memref<2048xi32, #tpu.memory_space<vmem>>, vector<16xi32>,
      tpu.vector_store %arg6[%swap3A_261], %min3A_260 {strides = array<i32>} : memref<2048xi32, #tpu.memory_space<vmem>>, vector<16xi32>,
      %get3A_263 = arith.constant 224 : index
      %get3A_264 = tpu.vector_load %arg4[%get3A_263] {strides = array<i32>} : memref<2048xf32, #tpu.memory_space<vmem>>, vector<16xf32>,
      %sub3A_265 = arith.constant 8.000000e+00 : f32
      %sub3A_266 = vector.broadcast %sub3A_265 : f32 to vector<16xf32>
      %sub3A_267 = arith.subf %get3A_264, %sub3A_266 : vector<16xf32>
      %div3A_268 = arith.constant 1.000000e-01 : f32
      %div3A_269 = vector.broadcast %div3A_268 : f32 to vector<16xf32>
      %div3A_270 = arith.divf %sub3A_267, %div3A_269 : vector<16xf32>
      %convert_element_type3A_271 = arith.fptosi %div3A_270 : vector<16xf32> to vector<16xi32>
      %max3A_272 = arith.constant 0 : i32
      %max3A_273 = vector.broadcast %max3A_272 : i32 to vector<16xi32>
      %max3A_274 = arith.maxsi %convert_element_type3A_271, %max3A_273 : vector<16xi32>
      %min3A_275 = arith.constant 139 : i32
      %min3A_276 = vector.broadcast %min3A_275 : i32 to vector<16xi32>
      %min3A_277 = arith.minsi %max3A_274, %min3A_276 : vector<16xi32>
      %swap3A_278 = arith.constant 224 : index
      %swap3A_279 = tpu.vector_load %arg6[%swap3A_278] {strides = array<i32>} : memref<2048xi32, #tpu.memory_space<vmem>>, vector<16xi32>,
      tpu.vector_store %arg6[%swap3A_278], %min3A_277 {strides = array<i32>} : memref<2048xi32, #tpu.memory_space<vmem>>, vector<16xi32>,
      %get3A_280 = arith.constant 240 : index
      %get3A_281 = tpu.vector_load %arg4[%get3A_280] {strides = array<i32>} : memref<2048xf32, #tpu.memory_space<vmem>>, vector<16xf32>,
      %sub3A_282 = arith.constant 8.000000e+00 : f32
      %sub3A_283 = vector.broadcast %sub3A_282 : f32 to vector<16xf32>
      %sub3A_284 = arith.subf %get3A_281, %sub3A_283 : vector<16xf32>
      %div3A_285 = arith.constant 1.000000e-01 : f32
      %div3A_286 = vector.broadcast %div3A_285 : f32 to vector<16xf32>
      %div3A_287 = arith.divf %sub3A_284, %div3A_286 : vector<16xf32>
      %convert_element_type3A_288 = arith.fptosi %div3A_287 : vector<16xf32> to vector<16xi32>
      %max3A_289 = arith.constant 0 : i32
      %max3A_290 = vector.broadcast %max3A_289 : i32 to vector<16xi32>
      %max3A_291 = arith.maxsi %convert_element_type3A_288, %max3A_290 : vector<16xi32>
      %min3A_292 = arith.constant 139 : i32
      %min3A_293 = vector.broadcast %min3A_292 : i32 to vector<16xi32>
      %min3A_294 = arith.minsi %max3A_291, %min3A_293 : vector<16xi32>
      %swap3A_295 = arith.constant 240 : index
      %swap3A_296 = tpu.vector_load %arg6[%swap3A_295] {strides = array<i32>} : memref<2048xi32, #tpu.memory_space<vmem>>, vector<16xi32>,
      tpu.vector_store %arg6[%swap3A_295], %min3A_294 {strides = array<i32>} : memref<2048xi32, #tpu.memory_space<vmem>>, vector<16xi32>,
      %get3A_297 = arith.constant 256 : index
      %get3A_298 = tpu.vector_load %arg4[%get3A_297] {strides = array<i32>} : memref<2048xf32, #tpu.memory_space<vmem>>, vector<16xf32>,
      %sub3A_299 = arith.constant 8.000000e+00 : f32
      %sub3A_300 = vector.broadcast %sub3A_299 : f32 to vector<16xf32>
      %sub3A_301 = arith.subf %get3A_298, %sub3A_300 : vector<16xf32>
      %div3A_302 = arith.constant 1.000000e-01 : f32
      %div3A_303 = vector.broadcast %div3A_302 : f32 to vector<16xf32>
      %div3A_304 = arith.divf %sub3A_301, %div3A_303 : vector<16xf32>
      %convert_element_type3A_305 = arith.fptosi %div3A_304 : vector<16xf32> to vector<16xi32>
      %max3A_306 = arith.constant 0 : i32
      %max3A_307 = vector.broadcast %max3A_306 : i32 to vector<16xi32>
      %max3A_308 = arith.maxsi %convert_element_type3A_305, %max3A_307 : vector<16xi32>
      %min3A_309 = arith.constant 139 : i32
      %min3A_310 = vector.broadcast %min3A_309 : i32 to vector<16xi32>
      %min3A_311 = arith.minsi %max3A_308, %min3A_310 : vector<16xi32>
      %swap3A_312 = arith.constant 256 : index
      %swap3A_313 = tpu.vector_load %arg6[%swap3A_312] {strides = array<i32>} : memref<2048xi32, #tpu.memory_space<vmem>>, vector<16xi32>,
      tpu.vector_store %arg6[%swap3A_312], %min3A_311 {strides = array<i32>} : memref<2048xi32, #tpu.memory_space<vmem>>, vector<16xi32>,
      %get3A_314 = arith.constant 272 : index
      %get3A_315 = tpu.vector_load %arg4[%get3A_314] {strides = array<i32>} : memref<2048xf32, #tpu.memory_space<vmem>>, vector<16xf32>,
      %sub3A_316 = arith.constant 8.000000e+00 : f32
      %sub3A_317 = vector.broadcast %sub3A_316 : f32 to vector<16xf32>
      %sub3A_318 = arith.subf %get3A_315, %sub3A_317 : vector<16xf32>
      %div3A_319 = arith.constant 1.000000e-01 : f32
      %div3A_320 = vector.broadcast %div3A_319 : f32 to vector<16xf32>
      %div3A_321 = arith.divf %sub3A_318, %div3A_320 : vector<16xf32>
      %convert_element_type3A_322 = arith.fptosi %div3A_321 : vector<16xf32> to vector<16xi32>
      %max3A_323 = arith.constant 0 : i32
      %max3A_324 = vector.broadcast %max3A_323 : i32 to vector<16xi32>
      %max3A_325 = arith.maxsi %convert_element_type3A_322, %max3A_324 : vector<16xi32>
      %min3A_326 = arith.constant 139 : i32
      %min3A_327 = vector.broadcast %min3A_326 : i32 to vector<16xi32>
      %min3A_328 = arith.minsi %max3A_325, %min3A_327 : vector<16xi32>
      %swap3A_329 = arith.constant 272 : index
      %swap3A_330 = tpu.vector_load %arg6[%swap3A_329] {strides = array<i32>} : memref<2048xi32, #tpu.memory_space<vmem>>, vector<16xi32>,
      tpu.vector_store %arg6[%swap3A_329], %min3A_328 {strides = array<i32>} : memref<2048xi32, #tpu.memory_space<vmem>>, vector<16xi32>,
      %get3A_331 = arith.constant 288 : index
      %get3A_332 = tpu.vector_load %arg4[%get3A_331] {strides = array<i32>} : memref<2048xf32, #tpu.memory_space<vmem>>, vector<16xf32>,
      %sub3A_333 = arith.constant 8.000000e+00 : f32
      %sub3A_334 = vector.broadcast %sub3A_333 : f32 to vector<16xf32>
      %sub3A_335 = arith.subf %get3A_332, %sub3A_334 : vector<16xf32>
      %div3A_336 = arith.constant 1.000000e-01 : f32
      %div3A_337 = vector.broadcast %div3A_336 : f32 to vector<16xf32>
      %div3A_338 = arith.divf %sub3A_335, %div3A_337 : vector<16xf32>
      %convert_element_type3A_339 = arith.fptosi %div3A_338 : vector<16xf32> to vector<16xi32>
      %max3A_340 = arith.constant 0 : i32
      %max3A_341 = vector.broadcast %max3A_340 : i32 to vector<16xi32>
      %max3A_342 = arith.maxsi %convert_element_type3A_339, %max3A_341 : vector<16xi32>
      %min3A_343 = arith.constant 139 : i32
      %min3A_344 = vector.broadcast %min3A_343 : i32 to vector<16xi32>
      %min3A_345 = arith.minsi %max3A_342, %min3A_344 : vector<16xi32>
      %swap3A_346 = arith.constant 288 : index
      %swap3A_347 = tpu.vector_load %arg6[%swap3A_346] {strides = array<i32>} : memref<2048xi32, #tpu.memory_space<vmem>>, vector<16xi32>,
      tpu.vector_store %arg6[%swap3A_346], %min3A_345 {strides = array<i32>} : memref<2048xi32, #tpu.memory_space<vmem>>, vector<16xi32>,
      %get3A_348 = arith.constant 304 : index
      %get3A_349 = tpu.vector_load %arg4[%get3A_348] {strides = array<i32>} : memref<2048xf32, #tpu.memory_space<vmem>>, vector<16xf32>,
      %sub3A_350 = arith.constant 8.000000e+00 : f32
      %sub3A_351 = vector.broadcast %sub3A_350 : f32 to vector<16xf32>
      %sub3A_352 = arith.subf %get3A_349, %sub3A_351 : vector<16xf32>
      %div3A_353 = arith.constant 1.000000e-01 : f32
      %div3A_354 = vector.broadcast %div3A_353 : f32 to vector<16xf32>
      %div3A_355 = arith.divf %sub3A_352, %div3A_354 : vector<16xf32>
      %convert_element_type3A_356 = arith.fptosi %div3A_355 : vector<16xf32> to vector<16xi32>
      %max3A_357 = arith.constant 0 : i32
      %max3A_358 = vector.broadcast %max3A_357 : i32 to vector<16xi32>
      %max3A_359 = arith.maxsi %convert_element_type3A_356, %max3A_358 : vector<16xi32>
      %min3A_360 = arith.constant 139 : i32
      %min3A_361 = vector.broadcast %min3A_360 : i32 to vector<16xi32>
      %min3A_362 = arith.minsi %max3A_359, %min3A_361 : vector<16xi32>
      %swap3A_363 = arith.constant 304 : index
      %swap3A_364 = tpu.vector_load %arg6[%swap3A_363] {strides = array<i32>} : memref<2048xi32, #tpu.memory_space<vmem>>, vector<16xi32>,
      tpu.vector_store %arg6[%swap3A_363], %min3A_362 {strides = array<i32>} : memref<2048xi32, #tpu.memory_space<vmem>>, vector<16xi32>,
      %get3A_365 = arith.constant 320 : index
      %get3A_366 = tpu.vector_load %arg4[%get3A_365] {strides = array<i32>} : memref<2048xf32, #tpu.memory_space<vmem>>, vector<16xf32>,
      %sub3A_367 = arith.constant 8.000000e+00 : f32
      %sub3A_368 = vector.broadcast %sub3A_367 : f32 to vector<16xf32>
      %sub3A_369 = arith.subf %get3A_366, %sub3A_368 : vector<16xf32>
      %div3A_370 = arith.constant 1.000000e-01 : f32
      %div3A_371 = vector.broadcast %div3A_370 : f32 to vector<16xf32>
      %div3A_372 = arith.divf %sub3A_369, %div3A_371 : vector<16xf32>
      %convert_element_type3A_373 = arith.fptosi %div3A_372 : vector<16xf32> to vector<16xi32>
      %max3A_374 = arith.constant 0 : i32
      %max3A_375 = vector.broadcast %max3A_374 : i32 to vector<16xi32>
      %max3A_376 = arith.maxsi %convert_element_type3A_373, %max3A_375 : vector<16xi32>
      %min3A_377 = arith.constant 139 : i32
      %min3A_378 = vector.broadcast %min3A_377 : i32 to vector<16xi32>
      %min3A_379 = arith.minsi %max3A_376, %min3A_378 : vector<16xi32>
      %swap3A_380 = arith.constant 320 : index
      %swap3A_381 = tpu.vector_load %arg6[%swap3A_380] {strides = array<i32>} : memref<2048xi32, #tpu.memory_space<vmem>>, vector<16xi32>,
      tpu.vector_store %arg6[%swap3A_380], %min3A_379 {strides = array<i32>} : memref<2048xi32, #tpu.memory_space<vmem>>, vector<16xi32>,
      %get3A_382 = arith.constant 336 : index
      %get3A_383 = tpu.vector_load %arg4[%get3A_382] {strides = array<i32>} : memref<2048xf32, #tpu.memory_space<vmem>>, vector<16xf32>,
      %sub3A_384 = arith.constant 8.000000e+00 : f32
      %sub3A_385 = vector.broadcast %sub3A_384 : f32 to vector<16xf32>
      %sub3A_386 = arith.subf %get3A_383, %sub3A_385 : vector<16xf32>
      %div3A_387 = arith.constant 1.000000e-01 : f32
      %div3A_388 = vector.broadcast %div3A_387 : f32 to vector<16xf32>
      %div3A_389 = arith.divf %sub3A_386, %div3A_388 : vector<16xf32>
      %convert_element_type3A_390 = arith.fptosi %div3A_389 : vector<16xf32> to vector<16xi32>
      %max3A_391 = arith.constant 0 : i32
      %max3A_392 = vector.broadcast %max3A_391 : i32 to vector<16xi32>
      %max3A_393 = arith.maxsi %convert_element_type3A_390, %max3A_392 : vector<16xi32>
      %min3A_394 = arith.constant 139 : i32
      %min3A_395 = vector.broadcast %min3A_394 : i32 to vector<16xi32>
      %min3A_396 = arith.minsi %max3A_393, %min3A_395 : vector<16xi32>
      %swap3A_397 = arith.constant 336 : index
      %swap3A_398 = tpu.vector_load %arg6[%swap3A_397] {strides = array<i32>} : memref<2048xi32, #tpu.memory_space<vmem>>, vector<16xi32>,
      tpu.vector_store %arg6[%swap3A_397], %min3A_396 {strides = array<i32>} : memref<2048xi32, #tpu.memory_space<vmem>>, vector<16xi32>,
      %get3A_399 = arith.constant 352 : index
      %get3A_400 = tpu.vector_load %arg4[%get3A_399] {strides = array<i32>} : memref<2048xf32, #tpu.memory_space<vmem>>, vector<16xf32>,
      %sub3A_401 = arith.constant 8.000000e+00 : f32
      %sub3A_402 = vector.broadcast %sub3A_401 : f32 to vector<16xf32>
      %sub3A_403 = arith.subf %get3A_400, %sub3A_402 : vector<16xf32>
      %div3A_404 = arith.constant 1.000000e-01 : f32
      %div3A_405 = vector.broadcast %div3A_404 : f32 to vector<16xf32>
      %div3A_406 = arith.divf %sub3A_403, %div3A_405 : vector<16xf32>
      %convert_element_type3A_407 = arith.fptosi %div3A_406 : vector<16xf32> to vector<16xi32>
      %max3A_408 = arith.constant 0 : i32
      %max3A_409 = vector.broadcast %max3A_408 : i32 to vector<16xi32>
      %max3A_410 = arith.maxsi %convert_element_type3A_407, %max3A_409 : vector<16xi32>
      %min3A_411 = arith.constant 139 : i32
      %min3A_412 = vector.broadcast %min3A_411 : i32 to vector<16xi32>
      %min3A_413 = arith.minsi %max3A_410, %min3A_412 : vector<16xi32>
      %swap3A_414 = arith.constant 352 : index
      %swap3A_415 = tpu.vector_load %arg6[%swap3A_414] {strides = array<i32>} : memref<2048xi32, #tpu.memory_space<vmem>>, vector<16xi32>,
      tpu.vector_store %arg6[%swap3A_414], %min3A_413 {strides = array<i32>} : memref<2048xi32, #tpu.memory_space<vmem>>, vector<16xi32>,
      %get3A_416 = arith.constant 368 : index
      %get3A_417 = tpu.vector_load %arg4[%get3A_416] {strides = array<i32>} : memref<2048xf32, #tpu.memory_space<vmem>>, vector<16xf32>,
      %sub3A_418 = arith.constant 8.000000e+00 : f32
      %sub3A_419 = vector.broadcast %sub3A_418 : f32 to vector<16xf32>
      %sub3A_420 = arith.subf %get3A_417, %sub3A_419 : vector<16xf32>
      %div3A_421 = arith.constant 1.000000e-01 : f32
      %div3A_422 = vector.broadcast %div3A_421 : f32 to vector<16xf32>
      %div3A_423 = arith.divf %sub3A_420, %div3A_422 : vector<16xf32>
      %convert_element_type3A_424 = arith.fptosi %div3A_423 : vector<16xf32> to vector<16xi32>
      %max3A_425 = arith.constant 0 : i32
      %max3A_426 = vector.broadcast %max3A_425 : i32 to vector<16xi32>
      %max3A_427 = arith.maxsi %convert_element_type3A_424, %max3A_426 : vector<16xi32>
      %min3A_428 = arith.constant 139 : i32
      %min3A_429 = vector.broadcast %min3A_428 : i32 to vector<16xi32>
      %min3A_430 = arith.minsi %max3A_427, %min3A_429 : vector<16xi32>
      %swap3A_431 = arith.constant 368 : index
      %swap3A_432 = tpu.vector_load %arg6[%swap3A_431] {strides = array<i32>} : memref<2048xi32, #tpu.memory_space<vmem>>, vector<16xi32>,
      tpu.vector_store %arg6[%swap3A_431], %min3A_430 {strides = array<i32>} : memref<2048xi32, #tpu.memory_space<vmem>>, vector<16xi32>,
      %get3A_433 = arith.constant 384 : index
      %get3A_434 = tpu.vector_load %arg4[%get3A_433] {strides = array<i32>} : memref<2048xf32, #tpu.memory_space<vmem>>, vector<16xf32>,
      %sub3A_435 = arith.constant 8.000000e+00 : f32
      %sub3A_436 = vector.broadcast %sub3A_435 : f32 to vector<16xf32>
      %sub3A_437 = arith.subf %get3A_434, %sub3A_436 : vector<16xf32>
      %div3A_438 = arith.constant 1.000000e-01 : f32
      %div3A_439 = vector.broadcast %div3A_438 : f32 to vector<16xf32>
      %div3A_440 = arith.divf %sub3A_437, %div3A_439 : vector<16xf32>
      %convert_element_type3A_441 = arith.fptosi %div3A_440 : vector<16xf32> to vector<16xi32>
      %max3A_442 = arith.constant 0 : i32
      %max3A_443 = vector.broadcast %max3A_442 : i32 to vector<16xi32>
      %max3A_444 = arith.maxsi %convert_element_type3A_441, %max3A_443 : vector<16xi32>
      %min3A_445 = arith.constant 139 : i32
      %min3A_446 = vector.broadcast %min3A_445 : i32 to vector<16xi32>
      %min3A_447 = arith.minsi %max3A_444, %min3A_446 : vector<16xi32>
      %swap3A_448 = arith.constant 384 : index
      %swap3A_449 = tpu.vector_load %arg6[%swap3A_448] {strides = array<i32>} : memref<2048xi32, #tpu.memory_space<vmem>>, vector<16xi32>,
      tpu.vector_store %arg6[%swap3A_448], %min3A_447 {strides = array<i32>} : memref<2048xi32, #tpu.memory_space<vmem>>, vector<16xi32>,
      %get3A_450 = arith.constant 400 : index
      %get3A_451 = tpu.vector_load %arg4[%get3A_450] {strides = array<i32>} : memref<2048xf32, #tpu.memory_space<vmem>>, vector<16xf32>,
      %sub3A_452 = arith.constant 8.000000e+00 : f32
      %sub3A_453 = vector.broadcast %sub3A_452 : f32 to vector<16xf32>
      %sub3A_454 = arith.subf %get3A_451, %sub3A_453 : vector<16xf32>
      %div3A_455 = arith.constant 1.000000e-01 : f32
      %div3A_456 = vector.broadcast %div3A_455 : f32 to vector<16xf32>
      %div3A_457 = arith.divf %sub3A_454, %div3A_456 : vector<16xf32>
      %convert_element_type3A_458 = arith.fptosi %div3A_457 : vector<16xf32> to vector<16xi32>
      %max3A_459 = arith.constant 0 : i32
      %max3A_460 = vector.broadcast %max3A_459 : i32 to vector<16xi32>
      %max3A_461 = arith.maxsi %convert_element_type3A_458, %max3A_460 : vector<16xi32>
      %min3A_462 = arith.constant 139 : i32
      %min3A_463 = vector.broadcast %min3A_462 : i32 to vector<16xi32>
      %min3A_464 = arith.minsi %max3A_461, %min3A_463 : vector<16xi32>
      %swap3A_465 = arith.constant 400 : index
      %swap3A_466 = tpu.vector_load %arg6[%swap3A_465] {strides = array<i32>} : memref<2048xi32, #tpu.memory_space<vmem>>, vector<16xi32>,
      tpu.vector_store %arg6[%swap3A_465], %min3A_464 {strides = array<i32>} : memref<2048xi32, #tpu.memory_space<vmem>>, vector<16xi32>,
      %get3A_467 = arith.constant 416 : index
      %get3A_468 = tpu.vector_load %arg4[%get3A_467] {strides = array<i32>} : memref<2048xf32, #tpu.memory_space<vmem>>, vector<16xf32>,
      %sub3A_469 = arith.constant 8.000000e+00 : f32
      %sub3A_470 = vector.broadcast %sub3A_469 : f32 to vector<16xf32>
      %sub3A_471 = arith.subf %get3A_468, %sub3A_470 : vector<16xf32>
      %div3A_472 = arith.constant 1.000000e-01 : f32
      %div3A_473 = vector.broadcast %div3A_472 : f32 to vector<16xf32>
      %div3A_474 = arith.divf %sub3A_471, %div3A_473 : vector<16xf32>
      %convert_element_type3A_475 = arith.fptosi %div3A_474 : vector<16xf32> to vector<16xi32>
      %max3A_476 = arith.constant 0 : i32
      %max3A_477 = vector.broadcast %max3A_476 : i32 to vector<16xi32>
      %max3A_478 = arith.maxsi %convert_element_type3A_475, %max3A_477 : vector<16xi32>
      %min3A_479 = arith.constant 139 : i32
      %min3A_480 = vector.broadcast %min3A_479 : i32 to vector<16xi32>
      %min3A_481 = arith.minsi %max3A_478, %min3A_480 : vector<16xi32>
      %swap3A_482 = arith.constant 416 : index
      %swap3A_483 = tpu.vector_load %arg6[%swap3A_482] {strides = array<i32>} : memref<2048xi32, #tpu.memory_space<vmem>>, vector<16xi32>,
      tpu.vector_store %arg6[%swap3A_482], %min3A_481 {strides = array<i32>} : memref<2048xi32, #tpu.memory_space<vmem>>, vector<16xi32>,
      %get3A_484 = arith.constant 432 : index
      %get3A_485 = tpu.vector_load %arg4[%get3A_484] {strides = array<i32>} : memref<2048xf32, #tpu.memory_space<vmem>>, vector<16xf32>,
      %sub3A_486 = arith.constant 8.000000e+00 : f32
      %sub3A_487 = vector.broadcast %sub3A_486 : f32 to vector<16xf32>
      %sub3A_488 = arith.subf %get3A_485, %sub3A_487 : vector<16xf32>
      %div3A_489 = arith.constant 1.000000e-01 : f32
      %div3A_490 = vector.broadcast %div3A_489 : f32 to vector<16xf32>
      %div3A_491 = arith.divf %sub3A_488, %div3A_490 : vector<16xf32>
      %convert_element_type3A_492 = arith.fptosi %div3A_491 : vector<16xf32> to vector<16xi32>
      %max3A_493 = arith.constant 0 : i32
      %max3A_494 = vector.broadcast %max3A_493 : i32 to vector<16xi32>
      %max3A_495 = arith.maxsi %convert_element_type3A_492, %max3A_494 : vector<16xi32>
      %min3A_496 = arith.constant 139 : i32
      %min3A_497 = vector.broadcast %min3A_496 : i32 to vector<16xi32>
      %min3A_498 = arith.minsi %max3A_495, %min3A_497 : vector<16xi32>
      %swap3A_499 = arith.constant 432 : index
      %swap3A_500 = tpu.vector_load %arg6[%swap3A_499] {strides = array<i32>} : memref<2048xi32, #tpu.memory_space<vmem>>, vector<16xi32>,
      tpu.vector_store %arg6[%swap3A_499], %min3A_498 {strides = array<i32>} : memref<2048xi32, #tpu.memory_space<vmem>>, vector<16xi32>,
      %get3A_501 = arith.constant 448 : index
      %get3A_502 = tpu.vector_load %arg4[%get3A_501] {strides = array<i32>} : memref<2048xf32, #tpu.memory_space<vmem>>, vector<16xf32>,
      %sub3A_503 = arith.constant 8.000000e+00 : f32
      %sub3A_504 = vector.broadcast %sub3A_503 : f32 to vector<16xf32>
      %sub3A_505 = arith.subf %get3A_502, %sub3A_504 : vector<16xf32>
      %div3A_506 = arith.constant 1.000000e-01 : f32
      %div3A_507 = vector.broadcast %div3A_506 : f32 to vector<16xf32>
      %div3A_508 = arith.divf %sub3A_505, %div3A_507 : vector<16xf32>
      %convert_element_type3A_509 = arith.fptosi %div3A_508 : vector<16xf32> to vector<16xi32>
      %max3A_510 = arith.constant 0 : i32
      %max3A_511 = vector.broadcast %max3A_510 : i32 to vector<16xi32>
      %max3A_512 = arith.maxsi %convert_element_type3A_509, %max3A_511 : vector<16xi32>
      %min3A_513 = arith.constant 139 : i32
      %min3A_514 = vector.broadcast %min3A_513 : i32 to vector<16xi32>
      %min3A_515 = arith.minsi %max3A_512, %min3A_514 : vector<16xi32>
      %swap3A_516 = arith.constant 448 : index
      %swap3A_517 = tpu.vector_load %arg6[%swap3A_516] {strides = array<i32>} : memref<2048xi32, #tpu.memory_space<vmem>>, vector<16xi32>,
      tpu.vector_store %arg6[%swap3A_516], %min3A_515 {strides = array<i32>} : memref<2048xi32, #tpu.memory_space<vmem>>, vector<16xi32>,
      %get3A_518 = arith.constant 464 : index
      %get3A_519 = tpu.vector_load %arg4[%get3A_518] {strides = array<i32>} : memref<2048xf32, #tpu.memory_space<vmem>>, vector<16xf32>,
      %sub3A_520 = arith.constant 8.000000e+00 : f32
      %sub3A_521 = vector.broadcast %sub3A_520 : f32 to vector<16xf32>
      %sub3A_522 = arith.subf %get3A_519, %sub3A_521 : vector<16xf32>
      %div3A_523 = arith.constant 1.000000e-01 : f32
      %div3A_524 = vector.broadcast %div3A_523 : f32 to vector<16xf32>
      %div3A_525 = arith.divf %sub3A_522, %div3A_524 : vector<16xf32>
      %convert_element_type3A_526 = arith.fptosi %div3A_525 : vector<16xf32> to vector<16xi32>
      %max3A_527 = arith.constant 0 : i32
      %max3A_528 = vector.broadcast %max3A_527 : i32 to vector<16xi32>
      %max3A_529 = arith.maxsi %convert_element_type3A_526, %max3A_528 : vector<16xi32>
      %min3A_530 = arith.constant 139 : i32
      %min3A_531 = vector.broadcast %min3A_530 : i32 to vector<16xi32>
      %min3A_532 = arith.minsi %max3A_529, %min3A_531 : vector<16xi32>
      %swap3A_533 = arith.constant 464 : index
      %swap3A_534 = tpu.vector_load %arg6[%swap3A_533] {strides = array<i32>} : memref<2048xi32, #tpu.memory_space<vmem>>, vector<16xi32>,
      tpu.vector_store %arg6[%swap3A_533], %min3A_532 {strides = array<i32>} : memref<2048xi32, #tpu.memory_space<vmem>>, vector<16xi32>,
      %get3A_535 = arith.constant 480 : index
      %get3A_536 = tpu.vector_load %arg4[%get3A_535] {strides = array<i32>} : memref<2048xf32, #tpu.memory_space<vmem>>, vector<16xf32>,
      %sub3A_537 = arith.constant 8.000000e+00 : f32
      %sub3A_538 = vector.broadcast %sub3A_537 : f32 to vector<16xf32>
      %sub3A_539 = arith.subf %get3A_536, %sub3A_538 : vector<16xf32>
      %div3A_540 = arith.constant 1.000000e-01 : f32
      %div3A_541 = vector.broadcast %div3A_540 : f32 to vector<16xf32>
      %div3A_542 = arith.divf %sub3A_539, %div3A_541 : vector<16xf32>
      %convert_element_type3A_543 = arith.fptosi %div3A_542 : vector<16xf32> to vector<16xi32>
      %max3A_544 = arith.constant 0 : i32
      %max3A_545 = vector.broadcast %max3A_544 : i32 to vector<16xi32>
      %max3A_546 = arith.maxsi %convert_element_type3A_543, %max3A_545 : vector<16xi32>
      %min3A_547 = arith.constant 139 : i32
      %min3A_548 = vector.broadcast %min3A_547 : i32 to vector<16xi32>
      %min3A_549 = arith.minsi %max3A_546, %min3A_548 : vector<16xi32>
      %swap3A_550 = arith.constant 480 : index
      %swap3A_551 = tpu.vector_load %arg6[%swap3A_550] {strides = array<i32>} : memref<2048xi32, #tpu.memory_space<vmem>>, vector<16xi32>,
      tpu.vector_store %arg6[%swap3A_550], %min3A_549 {strides = array<i32>} : memref<2048xi32, #tpu.memory_space<vmem>>, vector<16xi32>,
      %get3A_552 = arith.constant 496 : index
      %get3A_553 = tpu.vector_load %arg4[%get3A_552] {strides = array<i32>} : memref<2048xf32, #tpu.memory_space<vmem>>, vector<16xf32>,
      %sub3A_554 = arith.constant 8.000000e+00 : f32
      %sub3A_555 = vector.broadcast %sub3A_554 : f32 to vector<16xf32>
      %sub3A_556 = arith.subf %get3A_553, %sub3A_555 : vector<16xf32>
      %div3A_557 = arith.constant 1.000000e-01 : f32
      %div3A_558 = vector.broadcast %div3A_557 : f32 to vector<16xf32>
      %div3A_559 = arith.divf %sub3A_556, %div3A_558 : vector<16xf32>
      %convert_element_type3A_560 = arith.fptosi %div3A_559 : vector<16xf32> to vector<16xi32>
      %max3A_561 = arith.constant 0 : i32
      %max3A_562 = vector.broadcast %max3A_561 : i32 to vector<16xi32>
      %max3A_563 = arith.maxsi %convert_element_type3A_560, %max3A_562 : vector<16xi32>
      %min3A_564 = arith.constant 139 : i32
      %min3A_565 = vector.broadcast %min3A_564 : i32 to vector<16xi32>
      %min3A_566 = arith.minsi %max3A_563, %min3A_565 : vector<16xi32>
      %swap3A_567 = arith.constant 496 : index
      %swap3A_568 = tpu.vector_load %arg6[%swap3A_567] {strides = array<i32>} : memref<2048xi32, #tpu.memory_space<vmem>>, vector<16xi32>,
      tpu.vector_store %arg6[%swap3A_567], %min3A_566 {strides = array<i32>} : memref<2048xi32, #tpu.memory_space<vmem>>, vector<16xi32>,
      %get3A_569 = arith.constant 512 : index
      %get3A_570 = tpu.vector_load %arg4[%get3A_569] {strides = array<i32>} : memref<2048xf32, #tpu.memory_space<vmem>>, vector<16xf32>,
      %sub3A_571 = arith.constant 8.000000e+00 : f32
      %sub3A_572 = vector.broadcast %sub3A_571 : f32 to vector<16xf32>
      %sub3A_573 = arith.subf %get3A_570, %sub3A_572 : vector<16xf32>
      %div3A_574 = arith.constant 1.000000e-01 : f32
      %div3A_575 = vector.broadcast %div3A_574 : f32 to vector<16xf32>
      %div3A_576 = arith.divf %sub3A_573, %div3A_575 : vector<16xf32>
      %convert_element_type3A_577 = arith.fptosi %div3A_576 : vector<16xf32> to vector<16xi32>
      %max3A_578 = arith.constant 0 : i32
      %max3A_579 = vector.broadcast %max3A_578 : i32 to vector<16xi32>
      %max3A_580 = arith.maxsi %convert_element_type3A_577, %max3A_579 : vector<16xi32>
      %min3A_581 = arith.constant 139 : i32
      %min3A_582 = vector.broadcast %min3A_581 : i32 to vector<16xi32>
      %min3A_583 = arith.minsi %max3A_580, %min3A_582 : vector<16xi32>
      %swap3A_584 = arith.constant 512 : index
      %swap3A_585 = tpu.vector_load %arg6[%swap3A_584] {strides = array<i32>} : memref<2048xi32, #tpu.memory_space<vmem>>, vector<16xi32>,
      tpu.vector_store %arg6[%swap3A_584], %min3A_583 {strides = array<i32>} : memref<2048xi32, #tpu.memory_space<vmem>>, vector<16xi32>,
      %get3A_586 = arith.constant 528 : index
      %get3A_587 = tpu.vector_load %arg4[%get3A_586] {strides = array<i32>} : memref<2048xf32, #tpu.memory_space<vmem>>, vector<16xf32>,
      %sub3A_588 = arith.constant 8.000000e+00 : f32
      %sub3A_589 = vector.broadcast %sub3A_588 : f32 to vector<16xf32>
      %sub3A_590 = arith.subf %get3A_587, %sub3A_589 : vector<16xf32>
      %div3A_591 = arith.constant 1.000000e-01 : f32
      %div3A_592 = vector.broadcast %div3A_591 : f32 to vector<16xf32>
      %div3A_593 = arith.divf %sub3A_590, %div3A_592 : vector<16xf32>
      %convert_element_type3A_594 = arith.fptosi %div3A_593 : vector<16xf32> to vector<16xi32>
      %max3A_595 = arith.constant 0 : i32
      %max3A_596 = vector.broadcast %max3A_595 : i32 to vector<16xi32>
      %max3A_597 = arith.maxsi %convert_element_type3A_594, %max3A_596 : vector<16xi32>
      %min3A_598 = arith.constant 139 : i32
      %min3A_599 = vector.broadcast %min3A_598 : i32 to vector<16xi32>
      %min3A_600 = arith.minsi %max3A_597, %min3A_599 : vector<16xi32>
      %swap3A_601 = arith.constant 528 : index
      %swap3A_602 = tpu.vector_load %arg6[%swap3A_601] {strides = array<i32>} : memref<2048xi32, #tpu.memory_space<vmem>>, vector<16xi32>,
      tpu.vector_store %arg6[%swap3A_601], %min3A_600 {strides = array<i32>} : memref<2048xi32, #tpu.memory_space<vmem>>, vector<16xi32>,
      %get3A_603 = arith.constant 544 : index
      %get3A_604 = tpu.vector_load %arg4[%get3A_603] {strides = array<i32>} : memref<2048xf32, #tpu.memory_space<vmem>>, vector<16xf32>,
      %sub3A_605 = arith.constant 8.000000e+00 : f32
      %sub3A_606 = vector.broadcast %sub3A_605 : f32 to vector<16xf32>
      %sub3A_607 = arith.subf %get3A_604, %sub3A_606 : vector<16xf32>
      %div3A_608 = arith.constant 1.000000e-01 : f32
      %div3A_609 = vector.broadcast %div3A_608 : f32 to vector<16xf32>
      %div3A_610 = arith.divf %sub3A_607, %div3A_609 : vector<16xf32>
      %convert_element_type3A_611 = arith.fptosi %div3A_610 : vector<16xf32> to vector<16xi32>
      %max3A_612 = arith.constant 0 : i32
      %max3A_613 = vector.broadcast %max3A_612 : i32 to vector<16xi32>
      %max3A_614 = arith.maxsi %convert_element_type3A_611, %max3A_613 : vector<16xi32>
      %min3A_615 = arith.constant 139 : i32
      %min3A_616 = vector.broadcast %min3A_615 : i32 to vector<16xi32>
      %min3A_617 = arith.minsi %max3A_614, %min3A_616 : vector<16xi32>
      %swap3A_618 = arith.constant 544 : index
      %swap3A_619 = tpu.vector_load %arg6[%swap3A_618] {strides = array<i32>} : memref<2048xi32, #tpu.memory_space<vmem>>, vector<16xi32>,
      tpu.vector_store %arg6[%swap3A_618], %min3A_617 {strides = array<i32>} : memref<2048xi32, #tpu.memory_space<vmem>>, vector<16xi32>,
      %get3A_620 = arith.constant 560 : index
      %get3A_621 = tpu.vector_load %arg4[%get3A_620] {strides = array<i32>} : memref<2048xf32, #tpu.memory_space<vmem>>, vector<16xf32>,
      %sub3A_622 = arith.constant 8.000000e+00 : f32
      %sub3A_623 = vector.broadcast %sub3A_622 : f32 to vector<16xf32>
      %sub3A_624 = arith.subf %get3A_621, %sub3A_623 : vector<16xf32>
      %div3A_625 = arith.constant 1.000000e-01 : f32
      %div3A_626 = vector.broadcast %div3A_625 : f32 to vector<16xf32>
      %div3A_627 = arith.divf %sub3A_624, %div3A_626 : vector<16xf32>
      %convert_element_type3A_628 = arith.fptosi %div3A_627 : vector<16xf32> to vector<16xi32>
      %max3A_629 = arith.constant 0 : i32
      %max3A_630 = vector.broadcast %max3A_629 : i32 to vector<16xi32>
      %max3A_631 = arith.maxsi %convert_element_type3A_628, %max3A_630 : vector<16xi32>
      %min3A_632 = arith.constant 139 : i32
      %min3A_633 = vector.broadcast %min3A_632 : i32 to vector<16xi32>
      %min3A_634 = arith.minsi %max3A_631, %min3A_633 : vector<16xi32>
      %swap3A_635 = arith.constant 560 : index
      %swap3A_636 = tpu.vector_load %arg6[%swap3A_635] {strides = array<i32>} : memref<2048xi32, #tpu.memory_space<vmem>>, vector<16xi32>,
      tpu.vector_store %arg6[%swap3A_635], %min3A_634 {strides = array<i32>} : memref<2048xi32, #tpu.memory_space<vmem>>, vector<16xi32>,
      %get3A_637 = arith.constant 576 : index
      %get3A_638 = tpu.vector_load %arg4[%get3A_637] {strides = array<i32>} : memref<2048xf32, #tpu.memory_space<vmem>>, vector<16xf32>,
      %sub3A_639 = arith.constant 8.000000e+00 : f32
      %sub3A_640 = vector.broadcast %sub3A_639 : f32 to vector<16xf32>
      %sub3A_641 = arith.subf %get3A_638, %sub3A_640 : vector<16xf32>
      %div3A_642 = arith.constant 1.000000e-01 : f32
      %div3A_643 = vector.broadcast %div3A_642 : f32 to vector<16xf32>
      %div3A_644 = arith.divf %sub3A_641, %div3A_643 : vector<16xf32>
      %convert_element_type3A_645 = arith.fptosi %div3A_644 : vector<16xf32> to vector<16xi32>
      %max3A_646 = arith.constant 0 : i32
      %max3A_647 = vector.broadcast %max3A_646 : i32 to vector<16xi32>
      %max3A_648 = arith.maxsi %convert_element_type3A_645, %max3A_647 : vector<16xi32>
      %min3A_649 = arith.constant 139 : i32
      %min3A_650 = vector.broadcast %min3A_649 : i32 to vector<16xi32>
      %min3A_651 = arith.minsi %max3A_648, %min3A_650 : vector<16xi32>
      %swap3A_652 = arith.constant 576 : index
      %swap3A_653 = tpu.vector_load %arg6[%swap3A_652] {strides = array<i32>} : memref<2048xi32, #tpu.memory_space<vmem>>, vector<16xi32>,
      tpu.vector_store %arg6[%swap3A_652], %min3A_651 {strides = array<i32>} : memref<2048xi32, #tpu.memory_space<vmem>>, vector<16xi32>,
      %get3A_654 = arith.constant 592 : index
      %get3A_655 = tpu.vector_load %arg4[%get3A_654] {strides = array<i32>} : memref<2048xf32, #tpu.memory_space<vmem>>, vector<16xf32>,
      %sub3A_656 = arith.constant 8.000000e+00 : f32
      %sub3A_657 = vector.broadcast %sub3A_656 : f32 to vector<16xf32>
      %sub3A_658 = arith.subf %get3A_655, %sub3A_657 : vector<16xf32>
      %div3A_659 = arith.constant 1.000000e-01 : f32
      %div3A_660 = vector.broadcast %div3A_659 : f32 to vector<16xf32>
      %div3A_661 = arith.divf %sub3A_658, %div3A_660 : vector<16xf32>
      %convert_element_type3A_662 = arith.fptosi %div3A_661 : vector<16xf32> to vector<16xi32>
      %max3A_663 = arith.constant 0 : i32
      %max3A_664 = vector.broadcast %max3A_663 : i32 to vector<16xi32>
      %max3A_665 = arith.maxsi %convert_element_type3A_662, %max3A_664 : vector<16xi32>
      %min3A_666 = arith.constant 139 : i32
      %min3A_667 = vector.broadcast %min3A_666 : i32 to vector<16xi32>
      %min3A_668 = arith.minsi %max3A_665, %min3A_667 : vector<16xi32>
      %swap3A_669 = arith.constant 592 : index
      %swap3A_670 = tpu.vector_load %arg6[%swap3A_669] {strides = array<i32>} : memref<2048xi32, #tpu.memory_space<vmem>>, vector<16xi32>,
      tpu.vector_store %arg6[%swap3A_669], %min3A_668 {strides = array<i32>} : memref<2048xi32, #tpu.memory_space<vmem>>, vector<16xi32>,
      %get3A_671 = arith.constant 608 : index
      %get3A_672 = tpu.vector_load %arg4[%get3A_671] {strides = array<i32>} : memref<2048xf32, #tpu.memory_space<vmem>>, vector<16xf32>,
      %sub3A_673 = arith.constant 8.000000e+00 : f32
      %sub3A_674 = vector.broadcast %sub3A_673 : f32 to vector<16xf32>
      %sub3A_675 = arith.subf %get3A_672, %sub3A_674 : vector<16xf32>
      %div3A_676 = arith.constant 1.000000e-01 : f32
      %div3A_677 = vector.broadcast %div3A_676 : f32 to vector<16xf32>
      %div3A_678 = arith.divf %sub3A_675, %div3A_677 : vector<16xf32>
      %convert_element_type3A_679 = arith.fptosi %div3A_678 : vector<16xf32> to vector<16xi32>
      %max3A_680 = arith.constant 0 : i32
      %max3A_681 = vector.broadcast %max3A_680 : i32 to vector<16xi32>
      %max3A_682 = arith.maxsi %convert_element_type3A_679, %max3A_681 : vector<16xi32>
      %min3A_683 = arith.constant 139 : i32
      %min3A_684 = vector.broadcast %min3A_683 : i32 to vector<16xi32>
      %min3A_685 = arith.minsi %max3A_682, %min3A_684 : vector<16xi32>
      %swap3A_686 = arith.constant 608 : index
      %swap3A_687 = tpu.vector_load %arg6[%swap3A_686] {strides = array<i32>} : memref<2048xi32, #tpu.memory_space<vmem>>, vector<16xi32>,
      tpu.vector_store %arg6[%swap3A_686], %min3A_685 {strides = array<i32>} : memref<2048xi32, #tpu.memory_space<vmem>>, vector<16xi32>,
      %get3A_688 = arith.constant 624 : index
      %get3A_689 = tpu.vector_load %arg4[%get3A_688] {strides = array<i32>} : memref<2048xf32, #tpu.memory_space<vmem>>, vector<16xf32>,
      %sub3A_690 = arith.constant 8.000000e+00 : f32
      %sub3A_691 = vector.broadcast %sub3A_690 : f32 to vector<16xf32>
      %sub3A_692 = arith.subf %get3A_689, %sub3A_691 : vector<16xf32>
      %div3A_693 = arith.constant 1.000000e-01 : f32
      %div3A_694 = vector.broadcast %div3A_693 : f32 to vector<16xf32>
      %div3A_695 = arith.divf %sub3A_692, %div3A_694 : vector<16xf32>
      %convert_element_type3A_696 = arith.fptosi %div3A_695 : vector<16xf32> to vector<16xi32>
      %max3A_697 = arith.constant 0 : i32
      %max3A_698 = vector.broadcast %max3A_697 : i32 to vector<16xi32>
      %max3A_699 = arith.maxsi %convert_element_type3A_696, %max3A_698 : vector<16xi32>
      %min3A_700 = arith.constant 139 : i32
      %min3A_701 = vector.broadcast %min3A_700 : i32 to vector<16xi32>
      %min3A_702 = arith.minsi %max3A_699, %min3A_701 : vector<16xi32>
      %swap3A_703 = arith.constant 624 : index
      %swap3A_704 = tpu.vector_load %arg6[%swap3A_703] {strides = array<i32>} : memref<2048xi32, #tpu.memory_space<vmem>>, vector<16xi32>,
      tpu.vector_store %arg6[%swap3A_703], %min3A_702 {strides = array<i32>} : memref<2048xi32, #tpu.memory_space<vmem>>, vector<16xi32>,
      %get3A_705 = arith.constant 640 : index
      %get3A_706 = tpu.vector_load %arg4[%get3A_705] {strides = array<i32>} : memref<2048xf32, #tpu.memory_space<vmem>>, vector<16xf32>,
      %sub3A_707 = arith.constant 8.000000e+00 : f32
      %sub3A_708 = vector.broadcast %sub3A_707 : f32 to vector<16xf32>
      %sub3A_709 = arith.subf %get3A_706, %sub3A_708 : vector<16xf32>
      %div3A_710 = arith.constant 1.000000e-01 : f32
      %div3A_711 = vector.broadcast %div3A_710 : f32 to vector<16xf32>
      %div3A_712 = arith.divf %sub3A_709, %div3A_711 : vector<16xf32>
      %convert_element_type3A_713 = arith.fptosi %div3A_712 : vector<16xf32> to vector<16xi32>
      %max3A_714 = arith.constant 0 : i32
      %max3A_715 = vector.broadcast %max3A_714 : i32 to vector<16xi32>
      %max3A_716 = arith.maxsi %convert_element_type3A_713, %max3A_715 : vector<16xi32>
      %min3A_717 = arith.constant 139 : i32
      %min3A_718 = vector.broadcast %min3A_717 : i32 to vector<16xi32>
      %min3A_719 = arith.minsi %max3A_716, %min3A_718 : vector<16xi32>
      %swap3A_720 = arith.constant 640 : index
      %swap3A_721 = tpu.vector_load %arg6[%swap3A_720] {strides = array<i32>} : memref<2048xi32, #tpu.memory_space<vmem>>, vector<16xi32>,
      tpu.vector_store %arg6[%swap3A_720], %min3A_719 {strides = array<i32>} : memref<2048xi32, #tpu.memory_space<vmem>>, vector<16xi32>,
      %get3A_722 = arith.constant 656 : index
      %get3A_723 = tpu.vector_load %arg4[%get3A_722] {strides = array<i32>} : memref<2048xf32, #tpu.memory_space<vmem>>, vector<16xf32>,
      %sub3A_724 = arith.constant 8.000000e+00 : f32
      %sub3A_725 = vector.broadcast %sub3A_724 : f32 to vector<16xf32>
      %sub3A_726 = arith.subf %get3A_723, %sub3A_725 : vector<16xf32>
      %div3A_727 = arith.constant 1.000000e-01 : f32
      %div3A_728 = vector.broadcast %div3A_727 : f32 to vector<16xf32>
      %div3A_729 = arith.divf %sub3A_726, %div3A_728 : vector<16xf32>
      %convert_element_type3A_730 = arith.fptosi %div3A_729 : vector<16xf32> to vector<16xi32>
      %max3A_731 = arith.constant 0 : i32
      %max3A_732 = vector.broadcast %max3A_731 : i32 to vector<16xi32>
      %max3A_733 = arith.maxsi %convert_element_type3A_730, %max3A_732 : vector<16xi32>
      %min3A_734 = arith.constant 139 : i32
      %min3A_735 = vector.broadcast %min3A_734 : i32 to vector<16xi32>
      %min3A_736 = arith.minsi %max3A_733, %min3A_735 : vector<16xi32>
      %swap3A_737 = arith.constant 656 : index
      %swap3A_738 = tpu.vector_load %arg6[%swap3A_737] {strides = array<i32>} : memref<2048xi32, #tpu.memory_space<vmem>>, vector<16xi32>,
      tpu.vector_store %arg6[%swap3A_737], %min3A_736 {strides = array<i32>} : memref<2048xi32, #tpu.memory_space<vmem>>, vector<16xi32>,
      %get3A_739 = arith.constant 672 : index
      %get3A_740 = tpu.vector_load %arg4[%get3A_739] {strides = array<i32>} : memref<2048xf32, #tpu.memory_space<vmem>>, vector<16xf32>,
      %sub3A_741 = arith.constant 8.000000e+00 : f32
      %sub3A_742 = vector.broadcast %sub3A_741 : f32 to vector<16xf32>
      %sub3A_743 = arith.subf %get3A_740, %sub3A_742 : vector<16xf32>
      %div3A_744 = arith.constant 1.000000e-01 : f32
      %div3A_745 = vector.broadcast %div3A_744 : f32 to vector<16xf32>
      %div3A_746 = arith.divf %sub3A_743, %div3A_745 : vector<16xf32>
      %convert_element_type3A_747 = arith.fptosi %div3A_746 : vector<16xf32> to vector<16xi32>
      %max3A_748 = arith.constant 0 : i32
      %max3A_749 = vector.broadcast %max3A_748 : i32 to vector<16xi32>
      %max3A_750 = arith.maxsi %convert_element_type3A_747, %max3A_749 : vector<16xi32>
      %min3A_751 = arith.constant 139 : i32
      %min3A_752 = vector.broadcast %min3A_751 : i32 to vector<16xi32>
      %min3A_753 = arith.minsi %max3A_750, %min3A_752 : vector<16xi32>
      %swap3A_754 = arith.constant 672 : index
      %swap3A_755 = tpu.vector_load %arg6[%swap3A_754] {strides = array<i32>} : memref<2048xi32, #tpu.memory_space<vmem>>, vector<16xi32>,
      tpu.vector_store %arg6[%swap3A_754], %min3A_753 {strides = array<i32>} : memref<2048xi32, #tpu.memory_space<vmem>>, vector<16xi32>,
      %get3A_756 = arith.constant 688 : index
      %get3A_757 = tpu.vector_load %arg4[%get3A_756] {strides = array<i32>} : memref<2048xf32, #tpu.memory_space<vmem>>, vector<16xf32>,
      %sub3A_758 = arith.constant 8.000000e+00 : f32
      %sub3A_759 = vector.broadcast %sub3A_758 : f32 to vector<16xf32>
      %sub3A_760 = arith.subf %get3A_757, %sub3A_759 : vector<16xf32>
      %div3A_761 = arith.constant 1.000000e-01 : f32
      %div3A_762 = vector.broadcast %div3A_761 : f32 to vector<16xf32>
      %div3A_763 = arith.divf %sub3A_760, %div3A_762 : vector<16xf32>
      %convert_element_type3A_764 = arith.fptosi %div3A_763 : vector<16xf32> to vector<16xi32>
      %max3A_765 = arith.constant 0 : i32
      %max3A_766 = vector.broadcast %max3A_765 : i32 to vector<16xi32>
      %max3A_767 = arith.maxsi %convert_element_type3A_764, %max3A_766 : vector<16xi32>
      %min3A_768 = arith.constant 139 : i32
      %min3A_769 = vector.broadcast %min3A_768 : i32 to vector<16xi32>
      %min3A_770 = arith.minsi %max3A_767, %min3A_769 : vector<16xi32>
      %swap3A_771 = arith.constant 688 : index
      %swap3A_772 = tpu.vector_load %arg6[%swap3A_771] {strides = array<i32>} : memref<2048xi32, #tpu.memory_space<vmem>>, vector<16xi32>,
      tpu.vector_store %arg6[%swap3A_771], %min3A_770 {strides = array<i32>} : memref<2048xi32, #tpu.memory_space<vmem>>, vector<16xi32>,
      %get3A_773 = arith.constant 704 : index
      %get3A_774 = tpu.vector_load %arg4[%get3A_773] {strides = array<i32>} : memref<2048xf32, #tpu.memory_space<vmem>>, vector<16xf32>,
      %sub3A_775 = arith.constant 8.000000e+00 : f32
      %sub3A_776 = vector.broadcast %sub3A_775 : f32 to vector<16xf32>
      %sub3A_777 = arith.subf %get3A_774, %sub3A_776 : vector<16xf32>
      %div3A_778 = arith.constant 1.000000e-01 : f32
      %div3A_779 = vector.broadcast %div3A_778 : f32 to vector<16xf32>
      %div3A_780 = arith.divf %sub3A_777, %div3A_779 : vector<16xf32>
      %convert_element_type3A_781 = arith.fptosi %div3A_780 : vector<16xf32> to vector<16xi32>
      %max3A_782 = arith.constant 0 : i32
      %max3A_783 = vector.broadcast %max3A_782 : i32 to vector<16xi32>
      %max3A_784 = arith.maxsi %convert_element_type3A_781, %max3A_783 : vector<16xi32>
      %min3A_785 = arith.constant 139 : i32
      %min3A_786 = vector.broadcast %min3A_785 : i32 to vector<16xi32>
      %min3A_787 = arith.minsi %max3A_784, %min3A_786 : vector<16xi32>
      %swap3A_788 = arith.constant 704 : index
      %swap3A_789 = tpu.vector_load %arg6[%swap3A_788] {strides = array<i32>} : memref<2048xi32, #tpu.memory_space<vmem>>, vector<16xi32>,
      tpu.vector_store %arg6[%swap3A_788], %min3A_787 {strides = array<i32>} : memref<2048xi32, #tpu.memory_space<vmem>>, vector<16xi32>,
      %get3A_790 = arith.constant 720 : index
      %get3A_791 = tpu.vector_load %arg4[%get3A_790] {strides = array<i32>} : memref<2048xf32, #tpu.memory_space<vmem>>, vector<16xf32>,
      %sub3A_792 = arith.constant 8.000000e+00 : f32
      %sub3A_793 = vector.broadcast %sub3A_792 : f32 to vector<16xf32>
      %sub3A_794 = arith.subf %get3A_791, %sub3A_793 : vector<16xf32>
      %div3A_795 = arith.constant 1.000000e-01 : f32
      %div3A_796 = vector.broadcast %div3A_795 : f32 to vector<16xf32>
      %div3A_797 = arith.divf %sub3A_794, %div3A_796 : vector<16xf32>
      %convert_element_type3A_798 = arith.fptosi %div3A_797 : vector<16xf32> to vector<16xi32>
      %max3A_799 = arith.constant 0 : i32
      %max3A_800 = vector.broadcast %max3A_799 : i32 to vector<16xi32>
      %max3A_801 = arith.maxsi %convert_element_type3A_798, %max3A_800 : vector<16xi32>
      %min3A_802 = arith.constant 139 : i32
      %min3A_803 = vector.broadcast %min3A_802 : i32 to vector<16xi32>
      %min3A_804 = arith.minsi %max3A_801, %min3A_803 : vector<16xi32>
      %swap3A_805 = arith.constant 720 : index
      %swap3A_806 = tpu.vector_load %arg6[%swap3A_805] {strides = array<i32>} : memref<2048xi32, #tpu.memory_space<vmem>>, vector<16xi32>,
      tpu.vector_store %arg6[%swap3A_805], %min3A_804 {strides = array<i32>} : memref<2048xi32, #tpu.memory_space<vmem>>, vector<16xi32>,
      %get3A_807 = arith.constant 736 : index
      %get3A_808 = tpu.vector_load %arg4[%get3A_807] {strides = array<i32>} : memref<2048xf32, #tpu.memory_space<vmem>>, vector<16xf32>,
      %sub3A_809 = arith.constant 8.000000e+00 : f32
      %sub3A_810 = vector.broadcast %sub3A_809 : f32 to vector<16xf32>
      %sub3A_811 = arith.subf %get3A_808, %sub3A_810 : vector<16xf32>
      %div3A_812 = arith.constant 1.000000e-01 : f32
      %div3A_813 = vector.broadcast %div3A_812 : f32 to vector<16xf32>
      %div3A_814 = arith.divf %sub3A_811, %div3A_813 : vector<16xf32>
      %convert_element_type3A_815 = arith.fptosi %div3A_814 : vector<16xf32> to vector<16xi32>
      %max3A_816 = arith.constant 0 : i32
      %max3A_817 = vector.broadcast %max3A_816 : i32 to vector<16xi32>
      %max3A_818 = arith.maxsi %convert_element_type3A_815, %max3A_817 : vector<16xi32>
      %min3A_819 = arith.constant 139 : i32
      %min3A_820 = vector.broadcast %min3A_819 : i32 to vector<16xi32>
      %min3A_821 = arith.minsi %max3A_818, %min3A_820 : vector<16xi32>
      %swap3A_822 = arith.constant 736 : index
      %swap3A_823 = tpu.vector_load %arg6[%swap3A_822] {strides = array<i32>} : memref<2048xi32, #tpu.memory_space<vmem>>, vector<16xi32>,
      tpu.vector_store %arg6[%swap3A_822], %min3A_821 {strides = array<i32>} : memref<2048xi32, #tpu.memory_space<vmem>>, vector<16xi32>,
      %get3A_824 = arith.constant 752 : index
      %get3A_825 = tpu.vector_load %arg4[%get3A_824] {strides = array<i32>} : memref<2048xf32, #tpu.memory_space<vmem>>, vector<16xf32>,
      %sub3A_826 = arith.constant 8.000000e+00 : f32
      %sub3A_827 = vector.broadcast %sub3A_826 : f32 to vector<16xf32>
      %sub3A_828 = arith.subf %get3A_825, %sub3A_827 : vector<16xf32>
      %div3A_829 = arith.constant 1.000000e-01 : f32
      %div3A_830 = vector.broadcast %div3A_829 : f32 to vector<16xf32>
      %div3A_831 = arith.divf %sub3A_828, %div3A_830 : vector<16xf32>
      %convert_element_type3A_832 = arith.fptosi %div3A_831 : vector<16xf32> to vector<16xi32>
      %max3A_833 = arith.constant 0 : i32
      %max3A_834 = vector.broadcast %max3A_833 : i32 to vector<16xi32>
      %max3A_835 = arith.maxsi %convert_element_type3A_832, %max3A_834 : vector<16xi32>
      %min3A_836 = arith.constant 139 : i32
      %min3A_837 = vector.broadcast %min3A_836 : i32 to vector<16xi32>
      %min3A_838 = arith.minsi %max3A_835, %min3A_837 : vector<16xi32>
      %swap3A_839 = arith.constant 752 : index
      %swap3A_840 = tpu.vector_load %arg6[%swap3A_839] {strides = array<i32>} : memref<2048xi32, #tpu.memory_space<vmem>>, vector<16xi32>,
      tpu.vector_store %arg6[%swap3A_839], %min3A_838 {strides = array<i32>} : memref<2048xi32, #tpu.memory_space<vmem>>, vector<16xi32>,
      %get3A_841 = arith.constant 768 : index
      %get3A_842 = tpu.vector_load %arg4[%get3A_841] {strides = array<i32>} : memref<2048xf32, #tpu.memory_space<vmem>>, vector<16xf32>,
      %sub3A_843 = arith.constant 8.000000e+00 : f32
      %sub3A_844 = vector.broadcast %sub3A_843 : f32 to vector<16xf32>
      %sub3A_845 = arith.subf %get3A_842, %sub3A_844 : vector<16xf32>
      %div3A_846 = arith.constant 1.000000e-01 : f32
      %div3A_847 = vector.broadcast %div3A_846 : f32 to vector<16xf32>
      %div3A_848 = arith.divf %sub3A_845, %div3A_847 : vector<16xf32>
      %convert_element_type3A_849 = arith.fptosi %div3A_848 : vector<16xf32> to vector<16xi32>
      %max3A_850 = arith.constant 0 : i32
      %max3A_851 = vector.broadcast %max3A_850 : i32 to vector<16xi32>
      %max3A_852 = arith.maxsi %convert_element_type3A_849, %max3A_851 : vector<16xi32>
      %min3A_853 = arith.constant 139 : i32
      %min3A_854 = vector.broadcast %min3A_853 : i32 to vector<16xi32>
      %min3A_855 = arith.minsi %max3A_852, %min3A_854 : vector<16xi32>
      %swap3A_856 = arith.constant 768 : index
      %swap3A_857 = tpu.vector_load %arg6[%swap3A_856] {strides = array<i32>} : memref<2048xi32, #tpu.memory_space<vmem>>, vector<16xi32>,
      tpu.vector_store %arg6[%swap3A_856], %min3A_855 {strides = array<i32>} : memref<2048xi32, #tpu.memory_space<vmem>>, vector<16xi32>,
      %get3A_858 = arith.constant 784 : index
      %get3A_859 = tpu.vector_load %arg4[%get3A_858] {strides = array<i32>} : memref<2048xf32, #tpu.memory_space<vmem>>, vector<16xf32>,
      %sub3A_860 = arith.constant 8.000000e+00 : f32
      %sub3A_861 = vector.broadcast %sub3A_860 : f32 to vector<16xf32>
      %sub3A_862 = arith.subf %get3A_859, %sub3A_861 : vector<16xf32>
      %div3A_863 = arith.constant 1.000000e-01 : f32
      %div3A_864 = vector.broadcast %div3A_863 : f32 to vector<16xf32>
      %div3A_865 = arith.divf %sub3A_862, %div3A_864 : vector<16xf32>
      %convert_element_type3A_866 = arith.fptosi %div3A_865 : vector<16xf32> to vector<16xi32>
      %max3A_867 = arith.constant 0 : i32
      %max3A_868 = vector.broadcast %max3A_867 : i32 to vector<16xi32>
      %max3A_869 = arith.maxsi %convert_element_type3A_866, %max3A_868 : vector<16xi32>
      %min3A_870 = arith.constant 139 : i32
      %min3A_871 = vector.broadcast %min3A_870 : i32 to vector<16xi32>
      %min3A_872 = arith.minsi %max3A_869, %min3A_871 : vector<16xi32>
      %swap3A_873 = arith.constant 784 : index
      %swap3A_874 = tpu.vector_load %arg6[%swap3A_873] {strides = array<i32>} : memref<2048xi32, #tpu.memory_space<vmem>>, vector<16xi32>,
      tpu.vector_store %arg6[%swap3A_873], %min3A_872 {strides = array<i32>} : memref<2048xi32, #tpu.memory_space<vmem>>, vector<16xi32>,
      %get3A_875 = arith.constant 800 : index
      %get3A_876 = tpu.vector_load %arg4[%get3A_875] {strides = array<i32>} : memref<2048xf32, #tpu.memory_space<vmem>>, vector<16xf32>,
      %sub3A_877 = arith.constant 8.000000e+00 : f32
      %sub3A_878 = vector.broadcast %sub3A_877 : f32 to vector<16xf32>
      %sub3A_879 = arith.subf %get3A_876, %sub3A_878 : vector<16xf32>
      %div3A_880 = arith.constant 1.000000e-01 : f32
      %div3A_881 = vector.broadcast %div3A_880 : f32 to vector<16xf32>
      %div3A_882 = arith.divf %sub3A_879, %div3A_881 : vector<16xf32>
      %convert_element_type3A_883 = arith.fptosi %div3A_882 : vector<16xf32> to vector<16xi32>
      %max3A_884 = arith.constant 0 : i32
      %max3A_885 = vector.broadcast %max3A_884 : i32 to vector<16xi32>
      %max3A_886 = arith.maxsi %convert_element_type3A_883, %max3A_885 : vector<16xi32>
      %min3A_887 = arith.constant 139 : i32
      %min3A_888 = vector.broadcast %min3A_887 : i32 to vector<16xi32>
      %min3A_889 = arith.minsi %max3A_886, %min3A_888 : vector<16xi32>
      %swap3A_890 = arith.constant 800 : index
      %swap3A_891 = tpu.vector_load %arg6[%swap3A_890] {strides = array<i32>} : memref<2048xi32, #tpu.memory_space<vmem>>, vector<16xi32>,
      tpu.vector_store %arg6[%swap3A_890], %min3A_889 {strides = array<i32>} : memref<2048xi32, #tpu.memory_space<vmem>>, vector<16xi32>,
      %get3A_892 = arith.constant 816 : index
      %get3A_893 = tpu.vector_load %arg4[%get3A_892] {strides = array<i32>} : memref<2048xf32, #tpu.memory_space<vmem>>, vector<16xf32>,
      %sub3A_894 = arith.constant 8.000000e+00 : f32
      %sub3A_895 = vector.broadcast %sub3A_894 : f32 to vector<16xf32>
      %sub3A_896 = arith.subf %get3A_893, %sub3A_895 : vector<16xf32>
      %div3A_897 = arith.constant 1.000000e-01 : f32
      %div3A_898 = vector.broadcast %div3A_897 : f32 to vector<16xf32>
      %div3A_899 = arith.divf %sub3A_896, %div3A_898 : vector<16xf32>
      %convert_element_type3A_900 = arith.fptosi %div3A_899 : vector<16xf32> to vector<16xi32>
      %max3A_901 = arith.constant 0 : i32
      %max3A_902 = vector.broadcast %max3A_901 : i32 to vector<16xi32>
      %max3A_903 = arith.maxsi %convert_element_type3A_900, %max3A_902 : vector<16xi32>
      %min3A_904 = arith.constant 139 : i32
      %min3A_905 = vector.broadcast %min3A_904 : i32 to vector<16xi32>
      %min3A_906 = arith.minsi %max3A_903, %min3A_905 : vector<16xi32>
      %swap3A_907 = arith.constant 816 : index
      %swap3A_908 = tpu.vector_load %arg6[%swap3A_907] {strides = array<i32>} : memref<2048xi32, #tpu.memory_space<vmem>>, vector<16xi32>,
      tpu.vector_store %arg6[%swap3A_907], %min3A_906 {strides = array<i32>} : memref<2048xi32, #tpu.memory_space<vmem>>, vector<16xi32>,
      %get3A_909 = arith.constant 832 : index
      %get3A_910 = tpu.vector_load %arg4[%get3A_909] {strides = array<i32>} : memref<2048xf32, #tpu.memory_space<vmem>>, vector<16xf32>,
      %sub3A_911 = arith.constant 8.000000e+00 : f32
      %sub3A_912 = vector.broadcast %sub3A_911 : f32 to vector<16xf32>
      %sub3A_913 = arith.subf %get3A_910, %sub3A_912 : vector<16xf32>
      %div3A_914 = arith.constant 1.000000e-01 : f32
      %div3A_915 = vector.broadcast %div3A_914 : f32 to vector<16xf32>
      %div3A_916 = arith.divf %sub3A_913, %div3A_915 : vector<16xf32>
      %convert_element_type3A_917 = arith.fptosi %div3A_916 : vector<16xf32> to vector<16xi32>
      %max3A_918 = arith.constant 0 : i32
      %max3A_919 = vector.broadcast %max3A_918 : i32 to vector<16xi32>
      %max3A_920 = arith.maxsi %convert_element_type3A_917, %max3A_919 : vector<16xi32>
      %min3A_921 = arith.constant 139 : i32
      %min3A_922 = vector.broadcast %min3A_921 : i32 to vector<16xi32>
      %min3A_923 = arith.minsi %max3A_920, %min3A_922 : vector<16xi32>
      %swap3A_924 = arith.constant 832 : index
      %swap3A_925 = tpu.vector_load %arg6[%swap3A_924] {strides = array<i32>} : memref<2048xi32, #tpu.memory_space<vmem>>, vector<16xi32>,
      tpu.vector_store %arg6[%swap3A_924], %min3A_923 {strides = array<i32>} : memref<2048xi32, #tpu.memory_space<vmem>>, vector<16xi32>,
      %get3A_926 = arith.constant 848 : index
      %get3A_927 = tpu.vector_load %arg4[%get3A_926] {strides = array<i32>} : memref<2048xf32, #tpu.memory_space<vmem>>, vector<16xf32>,
      %sub3A_928 = arith.constant 8.000000e+00 : f32
      %sub3A_929 = vector.broadcast %sub3A_928 : f32 to vector<16xf32>
      %sub3A_930 = arith.subf %get3A_927, %sub3A_929 : vector<16xf32>
      %div3A_931 = arith.constant 1.000000e-01 : f32
      %div3A_932 = vector.broadcast %div3A_931 : f32 to vector<16xf32>
      %div3A_933 = arith.divf %sub3A_930, %div3A_932 : vector<16xf32>
      %convert_element_type3A_934 = arith.fptosi %div3A_933 : vector<16xf32> to vector<16xi32>
      %max3A_935 = arith.constant 0 : i32
      %max3A_936 = vector.broadcast %max3A_935 : i32 to vector<16xi32>
      %max3A_937 = arith.maxsi %convert_element_type3A_934, %max3A_936 : vector<16xi32>
      %min3A_938 = arith.constant 139 : i32
      %min3A_939 = vector.broadcast %min3A_938 : i32 to vector<16xi32>
      %min3A_940 = arith.minsi %max3A_937, %min3A_939 : vector<16xi32>
      %swap3A_941 = arith.constant 848 : index
      %swap3A_942 = tpu.vector_load %arg6[%swap3A_941] {strides = array<i32>} : memref<2048xi32, #tpu.memory_space<vmem>>, vector<16xi32>,
      tpu.vector_store %arg6[%swap3A_941], %min3A_940 {strides = array<i32>} : memref<2048xi32, #tpu.memory_space<vmem>>, vector<16xi32>,
      %get3A_943 = arith.constant 864 : index
      %get3A_944 = tpu.vector_load %arg4[%get3A_943] {strides = array<i32>} : memref<2048xf32, #tpu.memory_space<vmem>>, vector<16xf32>,
      %sub3A_945 = arith.constant 8.000000e+00 : f32
      %sub3A_946 = vector.broadcast %sub3A_945 : f32 to vector<16xf32>
      %sub3A_947 = arith.subf %get3A_944, %sub3A_946 : vector<16xf32>
      %div3A_948 = arith.constant 1.000000e-01 : f32
      %div3A_949 = vector.broadcast %div3A_948 : f32 to vector<16xf32>
      %div3A_950 = arith.divf %sub3A_947, %div3A_949 : vector<16xf32>
      %convert_element_type3A_951 = arith.fptosi %div3A_950 : vector<16xf32> to vector<16xi32>
      %max3A_952 = arith.constant 0 : i32
      %max3A_953 = vector.broadcast %max3A_952 : i32 to vector<16xi32>
      %max3A_954 = arith.maxsi %convert_element_type3A_951, %max3A_953 : vector<16xi32>
      %min3A_955 = arith.constant 139 : i32
      %min3A_956 = vector.broadcast %min3A_955 : i32 to vector<16xi32>
      %min3A_957 = arith.minsi %max3A_954, %min3A_956 : vector<16xi32>
      %swap3A_958 = arith.constant 864 : index
      %swap3A_959 = tpu.vector_load %arg6[%swap3A_958] {strides = array<i32>} : memref<2048xi32, #tpu.memory_space<vmem>>, vector<16xi32>,
      tpu.vector_store %arg6[%swap3A_958], %min3A_957 {strides = array<i32>} : memref<2048xi32, #tpu.memory_space<vmem>>, vector<16xi32>,
      %get3A_960 = arith.constant 880 : index
      %get3A_961 = tpu.vector_load %arg4[%get3A_960] {strides = array<i32>} : memref<2048xf32, #tpu.memory_space<vmem>>, vector<16xf32>,
      %sub3A_962 = arith.constant 8.000000e+00 : f32
      %sub3A_963 = vector.broadcast %sub3A_962 : f32 to vector<16xf32>
      %sub3A_964 = arith.subf %get3A_961, %sub3A_963 : vector<16xf32>
      %div3A_965 = arith.constant 1.000000e-01 : f32
      %div3A_966 = vector.broadcast %div3A_965 : f32 to vector<16xf32>
      %div3A_967 = arith.divf %sub3A_964, %div3A_966 : vector<16xf32>
      %convert_element_type3A_968 = arith.fptosi %div3A_967 : vector<16xf32> to vector<16xi32>
      %max3A_969 = arith.constant 0 : i32
      %max3A_970 = vector.broadcast %max3A_969 : i32 to vector<16xi32>
      %max3A_971 = arith.maxsi %convert_element_type3A_968, %max3A_970 : vector<16xi32>
      %min3A_972 = arith.constant 139 : i32
      %min3A_973 = vector.broadcast %min3A_972 : i32 to vector<16xi32>
      %min3A_974 = arith.minsi %max3A_971, %min3A_973 : vector<16xi32>
      %swap3A_975 = arith.constant 880 : index
      %swap3A_976 = tpu.vector_load %arg6[%swap3A_975] {strides = array<i32>} : memref<2048xi32, #tpu.memory_space<vmem>>, vector<16xi32>,
      tpu.vector_store %arg6[%swap3A_975], %min3A_974 {strides = array<i32>} : memref<2048xi32, #tpu.memory_space<vmem>>, vector<16xi32>,
      %get3A_977 = arith.constant 896 : index
      %get3A_978 = tpu.vector_load %arg4[%get3A_977] {strides = array<i32>} : memref<2048xf32, #tpu.memory_space<vmem>>, vector<16xf32>,
      %sub3A_979 = arith.constant 8.000000e+00 : f32
      %sub3A_980 = vector.broadcast %sub3A_979 : f32 to vector<16xf32>
      %sub3A_981 = arith.subf %get3A_978, %sub3A_980 : vector<16xf32>
      %div3A_982 = arith.constant 1.000000e-01 : f32
      %div3A_983 = vector.broadcast %div3A_982 : f32 to vector<16xf32>
      %div3A_984 = arith.divf %sub3A_981, %div3A_983 : vector<16xf32>
      %convert_element_type3A_985 = arith.fptosi %div3A_984 : vector<16xf32> to vector<16xi32>
      %max3A_986 = arith.constant 0 : i32
      %max3A_987 = vector.broadcast %max3A_986 : i32 to vector<16xi32>
      %max3A_988 = arith.maxsi %convert_element_type3A_985, %max3A_987 : vector<16xi32>
      %min3A_989 = arith.constant 139 : i32
      %min3A_990 = vector.broadcast %min3A_989 : i32 to vector<16xi32>
      %min3A_991 = arith.minsi %max3A_988, %min3A_990 : vector<16xi32>
      %swap3A_992 = arith.constant 896 : index
      %swap3A_993 = tpu.vector_load %arg6[%swap3A_992] {strides = array<i32>} : memref<2048xi32, #tpu.memory_space<vmem>>, vector<16xi32>,
      tpu.vector_store %arg6[%swap3A_992], %min3A_991 {strides = array<i32>} : memref<2048xi32, #tpu.memory_space<vmem>>, vector<16xi32>,
      %get3A_994 = arith.constant 912 : index
      %get3A_995 = tpu.vector_load %arg4[%get3A_994] {strides = array<i32>} : memref<2048xf32, #tpu.memory_space<vmem>>, vector<16xf32>,
      %sub3A_996 = arith.constant 8.000000e+00 : f32
      %sub3A_997 = vector.broadcast %sub3A_996 : f32 to vector<16xf32>
      %sub3A_998 = arith.subf %get3A_995, %sub3A_997 : vector<16xf32>
      %div3A_999 = arith.constant 1.000000e-01 : f32
      %div3A_1000 = vector.broadcast %div3A_999 : f32 to vector<16xf32>
      %div3A_1001 = arith.divf %sub3A_998, %div3A_1000 : vector<16xf32>
      %convert_element_type3A_1002 = arith.fptosi %div3A_1001 : vector<16xf32> to vector<16xi32>
      %max3A_1003 = arith.constant 0 : i32
      %max3A_1004 = vector.broadcast %max3A_1003 : i32 to vector<16xi32>
      %max3A_1005 = arith.maxsi %convert_element_type3A_1002, %max3A_1004 : vector<16xi32>
      %min3A_1006 = arith.constant 139 : i32
      %min3A_1007 = vector.broadcast %min3A_1006 : i32 to vector<16xi32>
      %min3A_1008 = arith.minsi %max3A_1005, %min3A_1007 : vector<16xi32>
      %swap3A_1009 = arith.constant 912 : index
      %swap3A_1010 = tpu.vector_load %arg6[%swap3A_1009] {strides = array<i32>} : memref<2048xi32, #tpu.memory_space<vmem>>, vector<16xi32>,
      tpu.vector_store %arg6[%swap3A_1009], %min3A_1008 {strides = array<i32>} : memref<2048xi32, #tpu.memory_space<vmem>>, vector<16xi32>,
      %get3A_1011 = arith.constant 928 : index
      %get3A_1012 = tpu.vector_load %arg4[%get3A_1011] {strides = array<i32>} : memref<2048xf32, #tpu.memory_space<vmem>>, vector<16xf32>,
      %sub3A_1013 = arith.constant 8.000000e+00 : f32
      %sub3A_1014 = vector.broadcast %sub3A_1013 : f32 to vector<16xf32>
      %sub3A_1015 = arith.subf %get3A_1012, %sub3A_1014 : vector<16xf32>
      %div3A_1016 = arith.constant 1.000000e-01 : f32
      %div3A_1017 = vector.broadcast %div3A_1016 : f32 to vector<16xf32>
      %div3A_1018 = arith.divf %sub3A_1015, %div3A_1017 : vector<16xf32>
      %convert_element_type3A_1019 = arith.fptosi %div3A_1018 : vector<16xf32> to vector<16xi32>
      %max3A_1020 = arith.constant 0 : i32
      %max3A_1021 = vector.broadcast %max3A_1020 : i32 to vector<16xi32>
      %max3A_1022 = arith.maxsi %convert_element_type3A_1019, %max3A_1021 : vector<16xi32>
      %min3A_1023 = arith.constant 139 : i32
      %min3A_1024 = vector.broadcast %min3A_1023 : i32 to vector<16xi32>
      %min3A_1025 = arith.minsi %max3A_1022, %min3A_1024 : vector<16xi32>
      %swap3A_1026 = arith.constant 928 : index
      %swap3A_1027 = tpu.vector_load %arg6[%swap3A_1026] {strides = array<i32>} : memref<2048xi32, #tpu.memory_space<vmem>>, vector<16xi32>,
      tpu.vector_store %arg6[%swap3A_1026], %min3A_1025 {strides = array<i32>} : memref<2048xi32, #tpu.memory_space<vmem>>, vector<16xi32>,
      %get3A_1028 = arith.constant 944 : index
      %get3A_1029 = tpu.vector_load %arg4[%get3A_1028] {strides = array<i32>} : memref<2048xf32, #tpu.memory_space<vmem>>, vector<16xf32>,
      %sub3A_1030 = arith.constant 8.000000e+00 : f32
      %sub3A_1031 = vector.broadcast %sub3A_1030 : f32 to vector<16xf32>
      %sub3A_1032 = arith.subf %get3A_1029, %sub3A_1031 : vector<16xf32>
      %div3A_1033 = arith.constant 1.000000e-01 : f32
      %div3A_1034 = vector.broadcast %div3A_1033 : f32 to vector<16xf32>
      %div3A_1035 = arith.divf %sub3A_1032, %div3A_1034 : vector<16xf32>
      %convert_element_type3A_1036 = arith.fptosi %div3A_1035 : vector<16xf32> to vector<16xi32>
      %max3A_1037 = arith.constant 0 : i32
      %max3A_1038 = vector.broadcast %max3A_1037 : i32 to vector<16xi32>
      %max3A_1039 = arith.maxsi %convert_element_type3A_1036, %max3A_1038 : vector<16xi32>
      %min3A_1040 = arith.constant 139 : i32
      %min3A_1041 = vector.broadcast %min3A_1040 : i32 to vector<16xi32>
      %min3A_1042 = arith.minsi %max3A_1039, %min3A_1041 : vector<16xi32>
      %swap3A_1043 = arith.constant 944 : index
      %swap3A_1044 = tpu.vector_load %arg6[%swap3A_1043] {strides = array<i32>} : memref<2048xi32, #tpu.memory_space<vmem>>, vector<16xi32>,
      tpu.vector_store %arg6[%swap3A_1043], %min3A_1042 {strides = array<i32>} : memref<2048xi32, #tpu.memory_space<vmem>>, vector<16xi32>,
      %get3A_1045 = arith.constant 960 : index
      %get3A_1046 = tpu.vector_load %arg4[%get3A_1045] {strides = array<i32>} : memref<2048xf32, #tpu.memory_space<vmem>>, vector<16xf32>,
      %sub3A_1047 = arith.constant 8.000000e+00 : f32
      %sub3A_1048 = vector.broadcast %sub3A_1047 : f32 to vector<16xf32>
      %sub3A_1049 = arith.subf %get3A_1046, %sub3A_1048 : vector<16xf32>
      %div3A_1050 = arith.constant 1.000000e-01 : f32
      %div3A_1051 = vector.broadcast %div3A_1050 : f32 to vector<16xf32>
      %div3A_1052 = arith.divf %sub3A_1049, %div3A_1051 : vector<16xf32>
      %convert_element_type3A_1053 = arith.fptosi %div3A_1052 : vector<16xf32> to vector<16xi32>
      %max3A_1054 = arith.constant 0 : i32
      %max3A_1055 = vector.broadcast %max3A_1054 : i32 to vector<16xi32>
      %max3A_1056 = arith.maxsi %convert_element_type3A_1053, %max3A_1055 : vector<16xi32>
      %min3A_1057 = arith.constant 139 : i32
      %min3A_1058 = vector.broadcast %min3A_1057 : i32 to vector<16xi32>
      %min3A_1059 = arith.minsi %max3A_1056, %min3A_1058 : vector<16xi32>
      %swap3A_1060 = arith.constant 960 : index
      %swap3A_1061 = tpu.vector_load %arg6[%swap3A_1060] {strides = array<i32>} : memref<2048xi32, #tpu.memory_space<vmem>>, vector<16xi32>,
      tpu.vector_store %arg6[%swap3A_1060], %min3A_1059 {strides = array<i32>} : memref<2048xi32, #tpu.memory_space<vmem>>, vector<16xi32>,
      %get3A_1062 = arith.constant 976 : index
      %get3A_1063 = tpu.vector_load %arg4[%get3A_1062] {strides = array<i32>} : memref<2048xf32, #tpu.memory_space<vmem>>, vector<16xf32>,
      %sub3A_1064 = arith.constant 8.000000e+00 : f32
      %sub3A_1065 = vector.broadcast %sub3A_1064 : f32 to vector<16xf32>
      %sub3A_1066 = arith.subf %get3A_1063, %sub3A_1065 : vector<16xf32>
      %div3A_1067 = arith.constant 1.000000e-01 : f32
      %div3A_1068 = vector.broadcast %div3A_1067 : f32 to vector<16xf32>
      %div3A_1069 = arith.divf %sub3A_1066, %div3A_1068 : vector<16xf32>
      %convert_element_type3A_1070 = arith.fptosi %div3A_1069 : vector<16xf32> to vector<16xi32>
      %max3A_1071 = arith.constant 0 : i32
      %max3A_1072 = vector.broadcast %max3A_1071 : i32 to vector<16xi32>
      %max3A_1073 = arith.maxsi %convert_element_type3A_1070, %max3A_1072 : vector<16xi32>
      %min3A_1074 = arith.constant 139 : i32
      %min3A_1075 = vector.broadcast %min3A_1074 : i32 to vector<16xi32>
      %min3A_1076 = arith.minsi %max3A_1073, %min3A_1075 : vector<16xi32>
      %swap3A_1077 = arith.constant 976 : index
      %swap3A_1078 = tpu.vector_load %arg6[%swap3A_1077] {strides = array<i32>} : memref<2048xi32, #tpu.memory_space<vmem>>, vector<16xi32>,
      tpu.vector_store %arg6[%swap3A_1077], %min3A_1076 {strides = array<i32>} : memref<2048xi32, #tpu.memory_space<vmem>>, vector<16xi32>,
      %get3A_1079 = arith.constant 992 : index
      %get3A_1080 = tpu.vector_load %arg4[%get3A_1079] {strides = array<i32>} : memref<2048xf32, #tpu.memory_space<vmem>>, vector<16xf32>,
      %sub3A_1081 = arith.constant 8.000000e+00 : f32
      %sub3A_1082 = vector.broadcast %sub3A_1081 : f32 to vector<16xf32>
      %sub3A_1083 = arith.subf %get3A_1080, %sub3A_1082 : vector<16xf32>
      %div3A_1084 = arith.constant 1.000000e-01 : f32
      %div3A_1085 = vector.broadcast %div3A_1084 : f32 to vector<16xf32>
      %div3A_1086 = arith.divf %sub3A_1083, %div3A_1085 : vector<16xf32>
      %convert_element_type3A_1087 = arith.fptosi %div3A_1086 : vector<16xf32> to vector<16xi32>
      %max3A_1088 = arith.constant 0 : i32
      %max3A_1089 = vector.broadcast %max3A_1088 : i32 to vector<16xi32>
      %max3A_1090 = arith.maxsi %convert_element_type3A_1087, %max3A_1089 : vector<16xi32>
      %min3A_1091 = arith.constant 139 : i32
      %min3A_1092 = vector.broadcast %min3A_1091 : i32 to vector<16xi32>
      %min3A_1093 = arith.minsi %max3A_1090, %min3A_1092 : vector<16xi32>
      %swap3A_1094 = arith.constant 992 : index
      %swap3A_1095 = tpu.vector_load %arg6[%swap3A_1094] {strides = array<i32>} : memref<2048xi32, #tpu.memory_space<vmem>>, vector<16xi32>,
      tpu.vector_store %arg6[%swap3A_1094], %min3A_1093 {strides = array<i32>} : memref<2048xi32, #tpu.memory_space<vmem>>, vector<16xi32>,
      %get3A_1096 = arith.constant 1008 : index
      %get3A_1097 = tpu.vector_load %arg4[%get3A_1096] {strides = array<i32>} : memref<2048xf32, #tpu.memory_space<vmem>>, vector<16xf32>,
      %sub3A_1098 = arith.constant 8.000000e+00 : f32
      %sub3A_1099 = vector.broadcast %sub3A_1098 : f32 to vector<16xf32>
      %sub3A_1100 = arith.subf %get3A_1097, %sub3A_1099 : vector<16xf32>
      %div3A_1101 = arith.constant 1.000000e-01 : f32
      %div3A_1102 = vector.broadcast %div3A_1101 : f32 to vector<16xf32>
      %div3A_1103 = arith.divf %sub3A_1100, %div3A_1102 : vector<16xf32>
      %convert_element_type3A_1104 = arith.fptosi %div3A_1103 : vector<16xf32> to vector<16xi32>
      %max3A_1105 = arith.constant 0 : i32
      %max3A_1106 = vector.broadcast %max3A_1105 : i32 to vector<16xi32>
      %max3A_1107 = arith.maxsi %convert_element_type3A_1104, %max3A_1106 : vector<16xi32>
      %min3A_1108 = arith.constant 139 : i32
      %min3A_1109 = vector.broadcast %min3A_1108 : i32 to vector<16xi32>
      %min3A_1110 = arith.minsi %max3A_1107, %min3A_1109 : vector<16xi32>
      %swap3A_1111 = arith.constant 1008 : index
      %swap3A_1112 = tpu.vector_load %arg6[%swap3A_1111] {strides = array<i32>} : memref<2048xi32, #tpu.memory_space<vmem>>, vector<16xi32>,
      tpu.vector_store %arg6[%swap3A_1111], %min3A_1110 {strides = array<i32>} : memref<2048xi32, #tpu.memory_space<vmem>>, vector<16xi32>,
      %get3A_1113 = arith.constant 1024 : index
      %get3A_1114 = tpu.vector_load %arg4[%get3A_1113] {strides = array<i32>} : memref<2048xf32, #tpu.memory_space<vmem>>, vector<16xf32>,
      %sub3A_1115 = arith.constant 8.000000e+00 : f32
      %sub3A_1116 = vector.broadcast %sub3A_1115 : f32 to vector<16xf32>
      %sub3A_1117 = arith.subf %get3A_1114, %sub3A_1116 : vector<16xf32>
      %div3A_1118 = arith.constant 1.000000e-01 : f32
      %div3A_1119 = vector.broadcast %div3A_1118 : f32 to vector<16xf32>
      %div3A_1120 = arith.divf %sub3A_1117, %div3A_1119 : vector<16xf32>
      %convert_element_type3A_1121 = arith.fptosi %div3A_1120 : vector<16xf32> to vector<16xi32>
      %max3A_1122 = arith.constant 0 : i32
      %max3A_1123 = vector.broadcast %max3A_1122 : i32 to vector<16xi32>
      %max3A_1124 = arith.maxsi %convert_element_type3A_1121, %max3A_1123 : vector<16xi32>
      %min3A_1125 = arith.constant 139 : i32
      %min3A_1126 = vector.broadcast %min3A_1125 : i32 to vector<16xi32>
      %min3A_1127 = arith.minsi %max3A_1124, %min3A_1126 : vector<16xi32>
      %swap3A_1128 = arith.constant 1024 : index
      %swap3A_1129 = tpu.vector_load %arg6[%swap3A_1128] {strides = array<i32>} : memref<2048xi32, #tpu.memory_space<vmem>>, vector<16xi32>,
      tpu.vector_store %arg6[%swap3A_1128], %min3A_1127 {strides = array<i32>} : memref<2048xi32, #tpu.memory_space<vmem>>, vector<16xi32>,
      %get3A_1130 = arith.constant 1040 : index
      %get3A_1131 = tpu.vector_load %arg4[%get3A_1130] {strides = array<i32>} : memref<2048xf32, #tpu.memory_space<vmem>>, vector<16xf32>,
      %sub3A_1132 = arith.constant 8.000000e+00 : f32
      %sub3A_1133 = vector.broadcast %sub3A_1132 : f32 to vector<16xf32>
      %sub3A_1134 = arith.subf %get3A_1131, %sub3A_1133 : vector<16xf32>
      %div3A_1135 = arith.constant 1.000000e-01 : f32
      %div3A_1136 = vector.broadcast %div3A_1135 : f32 to vector<16xf32>
      %div3A_1137 = arith.divf %sub3A_1134, %div3A_1136 : vector<16xf32>
      %convert_element_type3A_1138 = arith.fptosi %div3A_1137 : vector<16xf32> to vector<16xi32>
      %max3A_1139 = arith.constant 0 : i32
      %max3A_1140 = vector.broadcast %max3A_1139 : i32 to vector<16xi32>
      %max3A_1141 = arith.maxsi %convert_element_type3A_1138, %max3A_1140 : vector<16xi32>
      %min3A_1142 = arith.constant 139 : i32
      %min3A_1143 = vector.broadcast %min3A_1142 : i32 to vector<16xi32>
      %min3A_1144 = arith.minsi %max3A_1141, %min3A_1143 : vector<16xi32>
      %swap3A_1145 = arith.constant 1040 : index
      %swap3A_1146 = tpu.vector_load %arg6[%swap3A_1145] {strides = array<i32>} : memref<2048xi32, #tpu.memory_space<vmem>>, vector<16xi32>,
      tpu.vector_store %arg6[%swap3A_1145], %min3A_1144 {strides = array<i32>} : memref<2048xi32, #tpu.memory_space<vmem>>, vector<16xi32>,
      %get3A_1147 = arith.constant 1056 : index
      %get3A_1148 = tpu.vector_load %arg4[%get3A_1147] {strides = array<i32>} : memref<2048xf32, #tpu.memory_space<vmem>>, vector<16xf32>,
      %sub3A_1149 = arith.constant 8.000000e+00 : f32
      %sub3A_1150 = vector.broadcast %sub3A_1149 : f32 to vector<16xf32>
      %sub3A_1151 = arith.subf %get3A_1148, %sub3A_1150 : vector<16xf32>
      %div3A_1152 = arith.constant 1.000000e-01 : f32
      %div3A_1153 = vector.broadcast %div3A_1152 : f32 to vector<16xf32>
      %div3A_1154 = arith.divf %sub3A_1151, %div3A_1153 : vector<16xf32>
      %convert_element_type3A_1155 = arith.fptosi %div3A_1154 : vector<16xf32> to vector<16xi32>
      %max3A_1156 = arith.constant 0 : i32
      %max3A_1157 = vector.broadcast %max3A_1156 : i32 to vector<16xi32>
      %max3A_1158 = arith.maxsi %convert_element_type3A_1155, %max3A_1157 : vector<16xi32>
      %min3A_1159 = arith.constant 139 : i32
      %min3A_1160 = vector.broadcast %min3A_1159 : i32 to vector<16xi32>
      %min3A_1161 = arith.minsi %max3A_1158, %min3A_1160 : vector<16xi32>
      %swap3A_1162 = arith.constant 1056 : index
      %swap3A_1163 = tpu.vector_load %arg6[%swap3A_1162] {strides = array<i32>} : memref<2048xi32, #tpu.memory_space<vmem>>, vector<16xi32>,
      tpu.vector_store %arg6[%swap3A_1162], %min3A_1161 {strides = array<i32>} : memref<2048xi32, #tpu.memory_space<vmem>>, vector<16xi32>,
      %get3A_1164 = arith.constant 1072 : index
      %get3A_1165 = tpu.vector_load %arg4[%get3A_1164] {strides = array<i32>} : memref<2048xf32, #tpu.memory_space<vmem>>, vector<16xf32>,
      %sub3A_1166 = arith.constant 8.000000e+00 : f32
      %sub3A_1167 = vector.broadcast %sub3A_1166 : f32 to vector<16xf32>
      %sub3A_1168 = arith.subf %get3A_1165, %sub3A_1167 : vector<16xf32>
      %div3A_1169 = arith.constant 1.000000e-01 : f32
      %div3A_1170 = vector.broadcast %div3A_1169 : f32 to vector<16xf32>
      %div3A_1171 = arith.divf %sub3A_1168, %div3A_1170 : vector<16xf32>
      %convert_element_type3A_1172 = arith.fptosi %div3A_1171 : vector<16xf32> to vector<16xi32>
      %max3A_1173 = arith.constant 0 : i32
      %max3A_1174 = vector.broadcast %max3A_1173 : i32 to vector<16xi32>
      %max3A_1175 = arith.maxsi %convert_element_type3A_1172, %max3A_1174 : vector<16xi32>
      %min3A_1176 = arith.constant 139 : i32
      %min3A_1177 = vector.broadcast %min3A_1176 : i32 to vector<16xi32>
      %min3A_1178 = arith.minsi %max3A_1175, %min3A_1177 : vector<16xi32>
      %swap3A_1179 = arith.constant 1072 : index
      %swap3A_1180 = tpu.vector_load %arg6[%swap3A_1179] {strides = array<i32>} : memref<2048xi32, #tpu.memory_space<vmem>>, vector<16xi32>,
      tpu.vector_store %arg6[%swap3A_1179], %min3A_1178 {strides = array<i32>} : memref<2048xi32, #tpu.memory_space<vmem>>, vector<16xi32>,
      %get3A_1181 = arith.constant 1088 : index
      %get3A_1182 = tpu.vector_load %arg4[%get3A_1181] {strides = array<i32>} : memref<2048xf32, #tpu.memory_space<vmem>>, vector<16xf32>,
      %sub3A_1183 = arith.constant 8.000000e+00 : f32
      %sub3A_1184 = vector.broadcast %sub3A_1183 : f32 to vector<16xf32>
      %sub3A_1185 = arith.subf %get3A_1182, %sub3A_1184 : vector<16xf32>
      %div3A_1186 = arith.constant 1.000000e-01 : f32
      %div3A_1187 = vector.broadcast %div3A_1186 : f32 to vector<16xf32>
      %div3A_1188 = arith.divf %sub3A_1185, %div3A_1187 : vector<16xf32>
      %convert_element_type3A_1189 = arith.fptosi %div3A_1188 : vector<16xf32> to vector<16xi32>
      %max3A_1190 = arith.constant 0 : i32
      %max3A_1191 = vector.broadcast %max3A_1190 : i32 to vector<16xi32>
      %max3A_1192 = arith.maxsi %convert_element_type3A_1189, %max3A_1191 : vector<16xi32>
      %min3A_1193 = arith.constant 139 : i32
      %min3A_1194 = vector.broadcast %min3A_1193 : i32 to vector<16xi32>
      %min3A_1195 = arith.minsi %max3A_1192, %min3A_1194 : vector<16xi32>
      %swap3A_1196 = arith.constant 1088 : index
      %swap3A_1197 = tpu.vector_load %arg6[%swap3A_1196] {strides = array<i32>} : memref<2048xi32, #tpu.memory_space<vmem>>, vector<16xi32>,
      tpu.vector_store %arg6[%swap3A_1196], %min3A_1195 {strides = array<i32>} : memref<2048xi32, #tpu.memory_space<vmem>>, vector<16xi32>,
      %get3A_1198 = arith.constant 1104 : index
      %get3A_1199 = tpu.vector_load %arg4[%get3A_1198] {strides = array<i32>} : memref<2048xf32, #tpu.memory_space<vmem>>, vector<16xf32>,
      %sub3A_1200 = arith.constant 8.000000e+00 : f32
      %sub3A_1201 = vector.broadcast %sub3A_1200 : f32 to vector<16xf32>
      %sub3A_1202 = arith.subf %get3A_1199, %sub3A_1201 : vector<16xf32>
      %div3A_1203 = arith.constant 1.000000e-01 : f32
      %div3A_1204 = vector.broadcast %div3A_1203 : f32 to vector<16xf32>
      %div3A_1205 = arith.divf %sub3A_1202, %div3A_1204 : vector<16xf32>
      %convert_element_type3A_1206 = arith.fptosi %div3A_1205 : vector<16xf32> to vector<16xi32>
      %max3A_1207 = arith.constant 0 : i32
      %max3A_1208 = vector.broadcast %max3A_1207 : i32 to vector<16xi32>
      %max3A_1209 = arith.maxsi %convert_element_type3A_1206, %max3A_1208 : vector<16xi32>
      %min3A_1210 = arith.constant 139 : i32
      %min3A_1211 = vector.broadcast %min3A_1210 : i32 to vector<16xi32>
      %min3A_1212 = arith.minsi %max3A_1209, %min3A_1211 : vector<16xi32>
      %swap3A_1213 = arith.constant 1104 : index
      %swap3A_1214 = tpu.vector_load %arg6[%swap3A_1213] {strides = array<i32>} : memref<2048xi32, #tpu.memory_space<vmem>>, vector<16xi32>,
      tpu.vector_store %arg6[%swap3A_1213], %min3A_1212 {strides = array<i32>} : memref<2048xi32, #tpu.memory_space<vmem>>, vector<16xi32>,
      %get3A_1215 = arith.constant 1120 : index
      %get3A_1216 = tpu.vector_load %arg4[%get3A_1215] {strides = array<i32>} : memref<2048xf32, #tpu.memory_space<vmem>>, vector<16xf32>,
      %sub3A_1217 = arith.constant 8.000000e+00 : f32
      %sub3A_1218 = vector.broadcast %sub3A_1217 : f32 to vector<16xf32>
      %sub3A_1219 = arith.subf %get3A_1216, %sub3A_1218 : vector<16xf32>
      %div3A_1220 = arith.constant 1.000000e-01 : f32
      %div3A_1221 = vector.broadcast %div3A_1220 : f32 to vector<16xf32>
      %div3A_1222 = arith.divf %sub3A_1219, %div3A_1221 : vector<16xf32>
      %convert_element_type3A_1223 = arith.fptosi %div3A_1222 : vector<16xf32> to vector<16xi32>
      %max3A_1224 = arith.constant 0 : i32
      %max3A_1225 = vector.broadcast %max3A_1224 : i32 to vector<16xi32>
      %max3A_1226 = arith.maxsi %convert_element_type3A_1223, %max3A_1225 : vector<16xi32>
      %min3A_1227 = arith.constant 139 : i32
      %min3A_1228 = vector.broadcast %min3A_1227 : i32 to vector<16xi32>
      %min3A_1229 = arith.minsi %max3A_1226, %min3A_1228 : vector<16xi32>
      %swap3A_1230 = arith.constant 1120 : index
      %swap3A_1231 = tpu.vector_load %arg6[%swap3A_1230] {strides = array<i32>} : memref<2048xi32, #tpu.memory_space<vmem>>, vector<16xi32>,
      tpu.vector_store %arg6[%swap3A_1230], %min3A_1229 {strides = array<i32>} : memref<2048xi32, #tpu.memory_space<vmem>>, vector<16xi32>,
      %get3A_1232 = arith.constant 1136 : index
      %get3A_1233 = tpu.vector_load %arg4[%get3A_1232] {strides = array<i32>} : memref<2048xf32, #tpu.memory_space<vmem>>, vector<16xf32>,
      %sub3A_1234 = arith.constant 8.000000e+00 : f32
      %sub3A_1235 = vector.broadcast %sub3A_1234 : f32 to vector<16xf32>
      %sub3A_1236 = arith.subf %get3A_1233, %sub3A_1235 : vector<16xf32>
      %div3A_1237 = arith.constant 1.000000e-01 : f32
      %div3A_1238 = vector.broadcast %div3A_1237 : f32 to vector<16xf32>
      %div3A_1239 = arith.divf %sub3A_1236, %div3A_1238 : vector<16xf32>
      %convert_element_type3A_1240 = arith.fptosi %div3A_1239 : vector<16xf32> to vector<16xi32>
      %max3A_1241 = arith.constant 0 : i32
      %max3A_1242 = vector.broadcast %max3A_1241 : i32 to vector<16xi32>
      %max3A_1243 = arith.maxsi %convert_element_type3A_1240, %max3A_1242 : vector<16xi32>
      %min3A_1244 = arith.constant 139 : i32
      %min3A_1245 = vector.broadcast %min3A_1244 : i32 to vector<16xi32>
      %min3A_1246 = arith.minsi %max3A_1243, %min3A_1245 : vector<16xi32>
      %swap3A_1247 = arith.constant 1136 : index
      %swap3A_1248 = tpu.vector_load %arg6[%swap3A_1247] {strides = array<i32>} : memref<2048xi32, #tpu.memory_space<vmem>>, vector<16xi32>,
      tpu.vector_store %arg6[%swap3A_1247], %min3A_1246 {strides = array<i32>} : memref<2048xi32, #tpu.memory_space<vmem>>, vector<16xi32>,
      %get3A_1249 = arith.constant 1152 : index
      %get3A_1250 = tpu.vector_load %arg4[%get3A_1249] {strides = array<i32>} : memref<2048xf32, #tpu.memory_space<vmem>>, vector<16xf32>,
      %sub3A_1251 = arith.constant 8.000000e+00 : f32
      %sub3A_1252 = vector.broadcast %sub3A_1251 : f32 to vector<16xf32>
      %sub3A_1253 = arith.subf %get3A_1250, %sub3A_1252 : vector<16xf32>
      %div3A_1254 = arith.constant 1.000000e-01 : f32
      %div3A_1255 = vector.broadcast %div3A_1254 : f32 to vector<16xf32>
      %div3A_1256 = arith.divf %sub3A_1253, %div3A_1255 : vector<16xf32>
      %convert_element_type3A_1257 = arith.fptosi %div3A_1256 : vector<16xf32> to vector<16xi32>
      %max3A_1258 = arith.constant 0 : i32
      %max3A_1259 = vector.broadcast %max3A_1258 : i32 to vector<16xi32>
      %max3A_1260 = arith.maxsi %convert_element_type3A_1257, %max3A_1259 : vector<16xi32>
      %min3A_1261 = arith.constant 139 : i32
      %min3A_1262 = vector.broadcast %min3A_1261 : i32 to vector<16xi32>
      %min3A_1263 = arith.minsi %max3A_1260, %min3A_1262 : vector<16xi32>
      %swap3A_1264 = arith.constant 1152 : index
      %swap3A_1265 = tpu.vector_load %arg6[%swap3A_1264] {strides = array<i32>} : memref<2048xi32, #tpu.memory_space<vmem>>, vector<16xi32>,
      tpu.vector_store %arg6[%swap3A_1264], %min3A_1263 {strides = array<i32>} : memref<2048xi32, #tpu.memory_space<vmem>>, vector<16xi32>,
      %get3A_1266 = arith.constant 1168 : index
      %get3A_1267 = tpu.vector_load %arg4[%get3A_1266] {strides = array<i32>} : memref<2048xf32, #tpu.memory_space<vmem>>, vector<16xf32>,
      %sub3A_1268 = arith.constant 8.000000e+00 : f32
      %sub3A_1269 = vector.broadcast %sub3A_1268 : f32 to vector<16xf32>
      %sub3A_1270 = arith.subf %get3A_1267, %sub3A_1269 : vector<16xf32>
      %div3A_1271 = arith.constant 1.000000e-01 : f32
      %div3A_1272 = vector.broadcast %div3A_1271 : f32 to vector<16xf32>
      %div3A_1273 = arith.divf %sub3A_1270, %div3A_1272 : vector<16xf32>
      %convert_element_type3A_1274 = arith.fptosi %div3A_1273 : vector<16xf32> to vector<16xi32>
      %max3A_1275 = arith.constant 0 : i32
      %max3A_1276 = vector.broadcast %max3A_1275 : i32 to vector<16xi32>
      %max3A_1277 = arith.maxsi %convert_element_type3A_1274, %max3A_1276 : vector<16xi32>
      %min3A_1278 = arith.constant 139 : i32
      %min3A_1279 = vector.broadcast %min3A_1278 : i32 to vector<16xi32>
      %min3A_1280 = arith.minsi %max3A_1277, %min3A_1279 : vector<16xi32>
      %swap3A_1281 = arith.constant 1168 : index
      %swap3A_1282 = tpu.vector_load %arg6[%swap3A_1281] {strides = array<i32>} : memref<2048xi32, #tpu.memory_space<vmem>>, vector<16xi32>,
      tpu.vector_store %arg6[%swap3A_1281], %min3A_1280 {strides = array<i32>} : memref<2048xi32, #tpu.memory_space<vmem>>, vector<16xi32>,
      %get3A_1283 = arith.constant 1184 : index
      %get3A_1284 = tpu.vector_load %arg4[%get3A_1283] {strides = array<i32>} : memref<2048xf32, #tpu.memory_space<vmem>>, vector<16xf32>,
      %sub3A_1285 = arith.constant 8.000000e+00 : f32
      %sub3A_1286 = vector.broadcast %sub3A_1285 : f32 to vector<16xf32>
      %sub3A_1287 = arith.subf %get3A_1284, %sub3A_1286 : vector<16xf32>
      %div3A_1288 = arith.constant 1.000000e-01 : f32
      %div3A_1289 = vector.broadcast %div3A_1288 : f32 to vector<16xf32>
      %div3A_1290 = arith.divf %sub3A_1287, %div3A_1289 : vector<16xf32>
      %convert_element_type3A_1291 = arith.fptosi %div3A_1290 : vector<16xf32> to vector<16xi32>
      %max3A_1292 = arith.constant 0 : i32
      %max3A_1293 = vector.broadcast %max3A_1292 : i32 to vector<16xi32>
      %max3A_1294 = arith.maxsi %convert_element_type3A_1291, %max3A_1293 : vector<16xi32>
      %min3A_1295 = arith.constant 139 : i32
      %min3A_1296 = vector.broadcast %min3A_1295 : i32 to vector<16xi32>
      %min3A_1297 = arith.minsi %max3A_1294, %min3A_1296 : vector<16xi32>
      %swap3A_1298 = arith.constant 1184 : index
      %swap3A_1299 = tpu.vector_load %arg6[%swap3A_1298] {strides = array<i32>} : memref<2048xi32, #tpu.memory_space<vmem>>, vector<16xi32>,
      tpu.vector_store %arg6[%swap3A_1298], %min3A_1297 {strides = array<i32>} : memref<2048xi32, #tpu.memory_space<vmem>>, vector<16xi32>,
      %get3A_1300 = arith.constant 1200 : index
      %get3A_1301 = tpu.vector_load %arg4[%get3A_1300] {strides = array<i32>} : memref<2048xf32, #tpu.memory_space<vmem>>, vector<16xf32>,
      %sub3A_1302 = arith.constant 8.000000e+00 : f32
      %sub3A_1303 = vector.broadcast %sub3A_1302 : f32 to vector<16xf32>
      %sub3A_1304 = arith.subf %get3A_1301, %sub3A_1303 : vector<16xf32>
      %div3A_1305 = arith.constant 1.000000e-01 : f32
      %div3A_1306 = vector.broadcast %div3A_1305 : f32 to vector<16xf32>
      %div3A_1307 = arith.divf %sub3A_1304, %div3A_1306 : vector<16xf32>
      %convert_element_type3A_1308 = arith.fptosi %div3A_1307 : vector<16xf32> to vector<16xi32>
      %max3A_1309 = arith.constant 0 : i32
      %max3A_1310 = vector.broadcast %max3A_1309 : i32 to vector<16xi32>
      %max3A_1311 = arith.maxsi %convert_element_type3A_1308, %max3A_1310 : vector<16xi32>
      %min3A_1312 = arith.constant 139 : i32
      %min3A_1313 = vector.broadcast %min3A_1312 : i32 to vector<16xi32>
      %min3A_1314 = arith.minsi %max3A_1311, %min3A_1313 : vector<16xi32>
      %swap3A_1315 = arith.constant 1200 : index
      %swap3A_1316 = tpu.vector_load %arg6[%swap3A_1315] {strides = array<i32>} : memref<2048xi32, #tpu.memory_space<vmem>>, vector<16xi32>,
      tpu.vector_store %arg6[%swap3A_1315], %min3A_1314 {strides = array<i32>} : memref<2048xi32, #tpu.memory_space<vmem>>, vector<16xi32>,
      %get3A_1317 = arith.constant 1216 : index
      %get3A_1318 = tpu.vector_load %arg4[%get3A_1317] {strides = array<i32>} : memref<2048xf32, #tpu.memory_space<vmem>>, vector<16xf32>,
      %sub3A_1319 = arith.constant 8.000000e+00 : f32
      %sub3A_1320 = vector.broadcast %sub3A_1319 : f32 to vector<16xf32>
      %sub3A_1321 = arith.subf %get3A_1318, %sub3A_1320 : vector<16xf32>
      %div3A_1322 = arith.constant 1.000000e-01 : f32
      %div3A_1323 = vector.broadcast %div3A_1322 : f32 to vector<16xf32>
      %div3A_1324 = arith.divf %sub3A_1321, %div3A_1323 : vector<16xf32>
      %convert_element_type3A_1325 = arith.fptosi %div3A_1324 : vector<16xf32> to vector<16xi32>
      %max3A_1326 = arith.constant 0 : i32
      %max3A_1327 = vector.broadcast %max3A_1326 : i32 to vector<16xi32>
      %max3A_1328 = arith.maxsi %convert_element_type3A_1325, %max3A_1327 : vector<16xi32>
      %min3A_1329 = arith.constant 139 : i32
      %min3A_1330 = vector.broadcast %min3A_1329 : i32 to vector<16xi32>
      %min3A_1331 = arith.minsi %max3A_1328, %min3A_1330 : vector<16xi32>
      %swap3A_1332 = arith.constant 1216 : index
      %swap3A_1333 = tpu.vector_load %arg6[%swap3A_1332] {strides = array<i32>} : memref<2048xi32, #tpu.memory_space<vmem>>, vector<16xi32>,
      tpu.vector_store %arg6[%swap3A_1332], %min3A_1331 {strides = array<i32>} : memref<2048xi32, #tpu.memory_space<vmem>>, vector<16xi32>,
      %get3A_1334 = arith.constant 1232 : index
      %get3A_1335 = tpu.vector_load %arg4[%get3A_1334] {strides = array<i32>} : memref<2048xf32, #tpu.memory_space<vmem>>, vector<16xf32>,
      %sub3A_1336 = arith.constant 8.000000e+00 : f32
      %sub3A_1337 = vector.broadcast %sub3A_1336 : f32 to vector<16xf32>
      %sub3A_1338 = arith.subf %get3A_1335, %sub3A_1337 : vector<16xf32>
      %div3A_1339 = arith.constant 1.000000e-01 : f32
      %div3A_1340 = vector.broadcast %div3A_1339 : f32 to vector<16xf32>
      %div3A_1341 = arith.divf %sub3A_1338, %div3A_1340 : vector<16xf32>
      %convert_element_type3A_1342 = arith.fptosi %div3A_1341 : vector<16xf32> to vector<16xi32>
      %max3A_1343 = arith.constant 0 : i32
      %max3A_1344 = vector.broadcast %max3A_1343 : i32 to vector<16xi32>
      %max3A_1345 = arith.maxsi %convert_element_type3A_1342, %max3A_1344 : vector<16xi32>
      %min3A_1346 = arith.constant 139 : i32
      %min3A_1347 = vector.broadcast %min3A_1346 : i32 to vector<16xi32>
      %min3A_1348 = arith.minsi %max3A_1345, %min3A_1347 : vector<16xi32>
      %swap3A_1349 = arith.constant 1232 : index
      %swap3A_1350 = tpu.vector_load %arg6[%swap3A_1349] {strides = array<i32>} : memref<2048xi32, #tpu.memory_space<vmem>>, vector<16xi32>,
      tpu.vector_store %arg6[%swap3A_1349], %min3A_1348 {strides = array<i32>} : memref<2048xi32, #tpu.memory_space<vmem>>, vector<16xi32>,
      %get3A_1351 = arith.constant 1248 : index
      %get3A_1352 = tpu.vector_load %arg4[%get3A_1351] {strides = array<i32>} : memref<2048xf32, #tpu.memory_space<vmem>>, vector<16xf32>,
      %sub3A_1353 = arith.constant 8.000000e+00 : f32
      %sub3A_1354 = vector.broadcast %sub3A_1353 : f32 to vector<16xf32>
      %sub3A_1355 = arith.subf %get3A_1352, %sub3A_1354 : vector<16xf32>
      %div3A_1356 = arith.constant 1.000000e-01 : f32
      %div3A_1357 = vector.broadcast %div3A_1356 : f32 to vector<16xf32>
      %div3A_1358 = arith.divf %sub3A_1355, %div3A_1357 : vector<16xf32>
      %convert_element_type3A_1359 = arith.fptosi %div3A_1358 : vector<16xf32> to vector<16xi32>
      %max3A_1360 = arith.constant 0 : i32
      %max3A_1361 = vector.broadcast %max3A_1360 : i32 to vector<16xi32>
      %max3A_1362 = arith.maxsi %convert_element_type3A_1359, %max3A_1361 : vector<16xi32>
      %min3A_1363 = arith.constant 139 : i32
      %min3A_1364 = vector.broadcast %min3A_1363 : i32 to vector<16xi32>
      %min3A_1365 = arith.minsi %max3A_1362, %min3A_1364 : vector<16xi32>
      %swap3A_1366 = arith.constant 1248 : index
      %swap3A_1367 = tpu.vector_load %arg6[%swap3A_1366] {strides = array<i32>} : memref<2048xi32, #tpu.memory_space<vmem>>, vector<16xi32>,
      tpu.vector_store %arg6[%swap3A_1366], %min3A_1365 {strides = array<i32>} : memref<2048xi32, #tpu.memory_space<vmem>>, vector<16xi32>,
      %get3A_1368 = arith.constant 1264 : index
      %get3A_1369 = tpu.vector_load %arg4[%get3A_1368] {strides = array<i32>} : memref<2048xf32, #tpu.memory_space<vmem>>, vector<16xf32>,
      %sub3A_1370 = arith.constant 8.000000e+00 : f32
      %sub3A_1371 = vector.broadcast %sub3A_1370 : f32 to vector<16xf32>
      %sub3A_1372 = arith.subf %get3A_1369, %sub3A_1371 : vector<16xf32>
      %div3A_1373 = arith.constant 1.000000e-01 : f32
      %div3A_1374 = vector.broadcast %div3A_1373 : f32 to vector<16xf32>
      %div3A_1375 = arith.divf %sub3A_1372, %div3A_1374 : vector<16xf32>
      %convert_element_type3A_1376 = arith.fptosi %div3A_1375 : vector<16xf32> to vector<16xi32>
      %max3A_1377 = arith.constant 0 : i32
      %max3A_1378 = vector.broadcast %max3A_1377 : i32 to vector<16xi32>
      %max3A_1379 = arith.maxsi %convert_element_type3A_1376, %max3A_1378 : vector<16xi32>
      %min3A_1380 = arith.constant 139 : i32
      %min3A_1381 = vector.broadcast %min3A_1380 : i32 to vector<16xi32>
      %min3A_1382 = arith.minsi %max3A_1379, %min3A_1381 : vector<16xi32>
      %swap3A_1383 = arith.constant 1264 : index
      %swap3A_1384 = tpu.vector_load %arg6[%swap3A_1383] {strides = array<i32>} : memref<2048xi32, #tpu.memory_space<vmem>>, vector<16xi32>,
      tpu.vector_store %arg6[%swap3A_1383], %min3A_1382 {strides = array<i32>} : memref<2048xi32, #tpu.memory_space<vmem>>, vector<16xi32>,
      %get3A_1385 = arith.constant 1280 : index
      %get3A_1386 = tpu.vector_load %arg4[%get3A_1385] {strides = array<i32>} : memref<2048xf32, #tpu.memory_space<vmem>>, vector<16xf32>,
      %sub3A_1387 = arith.constant 8.000000e+00 : f32
      %sub3A_1388 = vector.broadcast %sub3A_1387 : f32 to vector<16xf32>
      %sub3A_1389 = arith.subf %get3A_1386, %sub3A_1388 : vector<16xf32>
      %div3A_1390 = arith.constant 1.000000e-01 : f32
      %div3A_1391 = vector.broadcast %div3A_1390 : f32 to vector<16xf32>
      %div3A_1392 = arith.divf %sub3A_1389, %div3A_1391 : vector<16xf32>
      %convert_element_type3A_1393 = arith.fptosi %div3A_1392 : vector<16xf32> to vector<16xi32>
      %max3A_1394 = arith.constant 0 : i32
      %max3A_1395 = vector.broadcast %max3A_1394 : i32 to vector<16xi32>
      %max3A_1396 = arith.maxsi %convert_element_type3A_1393, %max3A_1395 : vector<16xi32>
      %min3A_1397 = arith.constant 139 : i32
      %min3A_1398 = vector.broadcast %min3A_1397 : i32 to vector<16xi32>
      %min3A_1399 = arith.minsi %max3A_1396, %min3A_1398 : vector<16xi32>
      %swap3A_1400 = arith.constant 1280 : index
      %swap3A_1401 = tpu.vector_load %arg6[%swap3A_1400] {strides = array<i32>} : memref<2048xi32, #tpu.memory_space<vmem>>, vector<16xi32>,
      tpu.vector_store %arg6[%swap3A_1400], %min3A_1399 {strides = array<i32>} : memref<2048xi32, #tpu.memory_space<vmem>>, vector<16xi32>,
      %get3A_1402 = arith.constant 1296 : index
      %get3A_1403 = tpu.vector_load %arg4[%get3A_1402] {strides = array<i32>} : memref<2048xf32, #tpu.memory_space<vmem>>, vector<16xf32>,
      %sub3A_1404 = arith.constant 8.000000e+00 : f32
      %sub3A_1405 = vector.broadcast %sub3A_1404 : f32 to vector<16xf32>
      %sub3A_1406 = arith.subf %get3A_1403, %sub3A_1405 : vector<16xf32>
      %div3A_1407 = arith.constant 1.000000e-01 : f32
      %div3A_1408 = vector.broadcast %div3A_1407 : f32 to vector<16xf32>
      %div3A_1409 = arith.divf %sub3A_1406, %div3A_1408 : vector<16xf32>
      %convert_element_type3A_1410 = arith.fptosi %div3A_1409 : vector<16xf32> to vector<16xi32>
      %max3A_1411 = arith.constant 0 : i32
      %max3A_1412 = vector.broadcast %max3A_1411 : i32 to vector<16xi32>
      %max3A_1413 = arith.maxsi %convert_element_type3A_1410, %max3A_1412 : vector<16xi32>
      %min3A_1414 = arith.constant 139 : i32
      %min3A_1415 = vector.broadcast %min3A_1414 : i32 to vector<16xi32>
      %min3A_1416 = arith.minsi %max3A_1413, %min3A_1415 : vector<16xi32>
      %swap3A_1417 = arith.constant 1296 : index
      %swap3A_1418 = tpu.vector_load %arg6[%swap3A_1417] {strides = array<i32>} : memref<2048xi32, #tpu.memory_space<vmem>>, vector<16xi32>,
      tpu.vector_store %arg6[%swap3A_1417], %min3A_1416 {strides = array<i32>} : memref<2048xi32, #tpu.memory_space<vmem>>, vector<16xi32>,
      %get3A_1419 = arith.constant 1312 : index
      %get3A_1420 = tpu.vector_load %arg4[%get3A_1419] {strides = array<i32>} : memref<2048xf32, #tpu.memory_space<vmem>>, vector<16xf32>,
      %sub3A_1421 = arith.constant 8.000000e+00 : f32
      %sub3A_1422 = vector.broadcast %sub3A_1421 : f32 to vector<16xf32>
      %sub3A_1423 = arith.subf %get3A_1420, %sub3A_1422 : vector<16xf32>
      %div3A_1424 = arith.constant 1.000000e-01 : f32
      %div3A_1425 = vector.broadcast %div3A_1424 : f32 to vector<16xf32>
      %div3A_1426 = arith.divf %sub3A_1423, %div3A_1425 : vector<16xf32>
      %convert_element_type3A_1427 = arith.fptosi %div3A_1426 : vector<16xf32> to vector<16xi32>
      %max3A_1428 = arith.constant 0 : i32
      %max3A_1429 = vector.broadcast %max3A_1428 : i32 to vector<16xi32>
      %max3A_1430 = arith.maxsi %convert_element_type3A_1427, %max3A_1429 : vector<16xi32>
      %min3A_1431 = arith.constant 139 : i32
      %min3A_1432 = vector.broadcast %min3A_1431 : i32 to vector<16xi32>
      %min3A_1433 = arith.minsi %max3A_1430, %min3A_1432 : vector<16xi32>
      %swap3A_1434 = arith.constant 1312 : index
      %swap3A_1435 = tpu.vector_load %arg6[%swap3A_1434] {strides = array<i32>} : memref<2048xi32, #tpu.memory_space<vmem>>, vector<16xi32>,
      tpu.vector_store %arg6[%swap3A_1434], %min3A_1433 {strides = array<i32>} : memref<2048xi32, #tpu.memory_space<vmem>>, vector<16xi32>,
      %get3A_1436 = arith.constant 1328 : index
      %get3A_1437 = tpu.vector_load %arg4[%get3A_1436] {strides = array<i32>} : memref<2048xf32, #tpu.memory_space<vmem>>, vector<16xf32>,
      %sub3A_1438 = arith.constant 8.000000e+00 : f32
      %sub3A_1439 = vector.broadcast %sub3A_1438 : f32 to vector<16xf32>
      %sub3A_1440 = arith.subf %get3A_1437, %sub3A_1439 : vector<16xf32>
      %div3A_1441 = arith.constant 1.000000e-01 : f32
      %div3A_1442 = vector.broadcast %div3A_1441 : f32 to vector<16xf32>
      %div3A_1443 = arith.divf %sub3A_1440, %div3A_1442 : vector<16xf32>
      %convert_element_type3A_1444 = arith.fptosi %div3A_1443 : vector<16xf32> to vector<16xi32>
      %max3A_1445 = arith.constant 0 : i32
      %max3A_1446 = vector.broadcast %max3A_1445 : i32 to vector<16xi32>
      %max3A_1447 = arith.maxsi %convert_element_type3A_1444, %max3A_1446 : vector<16xi32>
      %min3A_1448 = arith.constant 139 : i32
      %min3A_1449 = vector.broadcast %min3A_1448 : i32 to vector<16xi32>
      %min3A_1450 = arith.minsi %max3A_1447, %min3A_1449 : vector<16xi32>
      %swap3A_1451 = arith.constant 1328 : index
      %swap3A_1452 = tpu.vector_load %arg6[%swap3A_1451] {strides = array<i32>} : memref<2048xi32, #tpu.memory_space<vmem>>, vector<16xi32>,
      tpu.vector_store %arg6[%swap3A_1451], %min3A_1450 {strides = array<i32>} : memref<2048xi32, #tpu.memory_space<vmem>>, vector<16xi32>,
      %get3A_1453 = arith.constant 1344 : index
      %get3A_1454 = tpu.vector_load %arg4[%get3A_1453] {strides = array<i32>} : memref<2048xf32, #tpu.memory_space<vmem>>, vector<16xf32>,
      %sub3A_1455 = arith.constant 8.000000e+00 : f32
      %sub3A_1456 = vector.broadcast %sub3A_1455 : f32 to vector<16xf32>
      %sub3A_1457 = arith.subf %get3A_1454, %sub3A_1456 : vector<16xf32>
      %div3A_1458 = arith.constant 1.000000e-01 : f32
      %div3A_1459 = vector.broadcast %div3A_1458 : f32 to vector<16xf32>
      %div3A_1460 = arith.divf %sub3A_1457, %div3A_1459 : vector<16xf32>
      %convert_element_type3A_1461 = arith.fptosi %div3A_1460 : vector<16xf32> to vector<16xi32>
      %max3A_1462 = arith.constant 0 : i32
      %max3A_1463 = vector.broadcast %max3A_1462 : i32 to vector<16xi32>
      %max3A_1464 = arith.maxsi %convert_element_type3A_1461, %max3A_1463 : vector<16xi32>
      %min3A_1465 = arith.constant 139 : i32
      %min3A_1466 = vector.broadcast %min3A_1465 : i32 to vector<16xi32>
      %min3A_1467 = arith.minsi %max3A_1464, %min3A_1466 : vector<16xi32>
      %swap3A_1468 = arith.constant 1344 : index
      %swap3A_1469 = tpu.vector_load %arg6[%swap3A_1468] {strides = array<i32>} : memref<2048xi32, #tpu.memory_space<vmem>>, vector<16xi32>,
      tpu.vector_store %arg6[%swap3A_1468], %min3A_1467 {strides = array<i32>} : memref<2048xi32, #tpu.memory_space<vmem>>, vector<16xi32>,
      %get3A_1470 = arith.constant 1360 : index
      %get3A_1471 = tpu.vector_load %arg4[%get3A_1470] {strides = array<i32>} : memref<2048xf32, #tpu.memory_space<vmem>>, vector<16xf32>,
      %sub3A_1472 = arith.constant 8.000000e+00 : f32
      %sub3A_1473 = vector.broadcast %sub3A_1472 : f32 to vector<16xf32>
      %sub3A_1474 = arith.subf %get3A_1471, %sub3A_1473 : vector<16xf32>
      %div3A_1475 = arith.constant 1.000000e-01 : f32
      %div3A_1476 = vector.broadcast %div3A_1475 : f32 to vector<16xf32>
      %div3A_1477 = arith.divf %sub3A_1474, %div3A_1476 : vector<16xf32>
      %convert_element_type3A_1478 = arith.fptosi %div3A_1477 : vector<16xf32> to vector<16xi32>
      %max3A_1479 = arith.constant 0 : i32
      %max3A_1480 = vector.broadcast %max3A_1479 : i32 to vector<16xi32>
      %max3A_1481 = arith.maxsi %convert_element_type3A_1478, %max3A_1480 : vector<16xi32>
      %min3A_1482 = arith.constant 139 : i32
      %min3A_1483 = vector.broadcast %min3A_1482 : i32 to vector<16xi32>
      %min3A_1484 = arith.minsi %max3A_1481, %min3A_1483 : vector<16xi32>
      %swap3A_1485 = arith.constant 1360 : index
      %swap3A_1486 = tpu.vector_load %arg6[%swap3A_1485] {strides = array<i32>} : memref<2048xi32, #tpu.memory_space<vmem>>, vector<16xi32>,
      tpu.vector_store %arg6[%swap3A_1485], %min3A_1484 {strides = array<i32>} : memref<2048xi32, #tpu.memory_space<vmem>>, vector<16xi32>,
      %get3A_1487 = arith.constant 1376 : index
      %get3A_1488 = tpu.vector_load %arg4[%get3A_1487] {strides = array<i32>} : memref<2048xf32, #tpu.memory_space<vmem>>, vector<16xf32>,
      %sub3A_1489 = arith.constant 8.000000e+00 : f32
      %sub3A_1490 = vector.broadcast %sub3A_1489 : f32 to vector<16xf32>
      %sub3A_1491 = arith.subf %get3A_1488, %sub3A_1490 : vector<16xf32>
      %div3A_1492 = arith.constant 1.000000e-01 : f32
      %div3A_1493 = vector.broadcast %div3A_1492 : f32 to vector<16xf32>
      %div3A_1494 = arith.divf %sub3A_1491, %div3A_1493 : vector<16xf32>
      %convert_element_type3A_1495 = arith.fptosi %div3A_1494 : vector<16xf32> to vector<16xi32>
      %max3A_1496 = arith.constant 0 : i32
      %max3A_1497 = vector.broadcast %max3A_1496 : i32 to vector<16xi32>
      %max3A_1498 = arith.maxsi %convert_element_type3A_1495, %max3A_1497 : vector<16xi32>
      %min3A_1499 = arith.constant 139 : i32
      %min3A_1500 = vector.broadcast %min3A_1499 : i32 to vector<16xi32>
      %min3A_1501 = arith.minsi %max3A_1498, %min3A_1500 : vector<16xi32>
      %swap3A_1502 = arith.constant 1376 : index
      %swap3A_1503 = tpu.vector_load %arg6[%swap3A_1502] {strides = array<i32>} : memref<2048xi32, #tpu.memory_space<vmem>>, vector<16xi32>,
      tpu.vector_store %arg6[%swap3A_1502], %min3A_1501 {strides = array<i32>} : memref<2048xi32, #tpu.memory_space<vmem>>, vector<16xi32>,
      %get3A_1504 = arith.constant 1392 : index
      %get3A_1505 = tpu.vector_load %arg4[%get3A_1504] {strides = array<i32>} : memref<2048xf32, #tpu.memory_space<vmem>>, vector<16xf32>,
      %sub3A_1506 = arith.constant 8.000000e+00 : f32
      %sub3A_1507 = vector.broadcast %sub3A_1506 : f32 to vector<16xf32>
      %sub3A_1508 = arith.subf %get3A_1505, %sub3A_1507 : vector<16xf32>
      %div3A_1509 = arith.constant 1.000000e-01 : f32
      %div3A_1510 = vector.broadcast %div3A_1509 : f32 to vector<16xf32>
      %div3A_1511 = arith.divf %sub3A_1508, %div3A_1510 : vector<16xf32>
      %convert_element_type3A_1512 = arith.fptosi %div3A_1511 : vector<16xf32> to vector<16xi32>
      %max3A_1513 = arith.constant 0 : i32
      %max3A_1514 = vector.broadcast %max3A_1513 : i32 to vector<16xi32>
      %max3A_1515 = arith.maxsi %convert_element_type3A_1512, %max3A_1514 : vector<16xi32>
      %min3A_1516 = arith.constant 139 : i32
      %min3A_1517 = vector.broadcast %min3A_1516 : i32 to vector<16xi32>
      %min3A_1518 = arith.minsi %max3A_1515, %min3A_1517 : vector<16xi32>
      %swap3A_1519 = arith.constant 1392 : index
      %swap3A_1520 = tpu.vector_load %arg6[%swap3A_1519] {strides = array<i32>} : memref<2048xi32, #tpu.memory_space<vmem>>, vector<16xi32>,
      tpu.vector_store %arg6[%swap3A_1519], %min3A_1518 {strides = array<i32>} : memref<2048xi32, #tpu.memory_space<vmem>>, vector<16xi32>,
      %get3A_1521 = arith.constant 1408 : index
      %get3A_1522 = tpu.vector_load %arg4[%get3A_1521] {strides = array<i32>} : memref<2048xf32, #tpu.memory_space<vmem>>, vector<16xf32>,
      %sub3A_1523 = arith.constant 8.000000e+00 : f32
      %sub3A_1524 = vector.broadcast %sub3A_1523 : f32 to vector<16xf32>
      %sub3A_1525 = arith.subf %get3A_1522, %sub3A_1524 : vector<16xf32>
      %div3A_1526 = arith.constant 1.000000e-01 : f32
      %div3A_1527 = vector.broadcast %div3A_1526 : f32 to vector<16xf32>
      %div3A_1528 = arith.divf %sub3A_1525, %div3A_1527 : vector<16xf32>
      %convert_element_type3A_1529 = arith.fptosi %div3A_1528 : vector<16xf32> to vector<16xi32>
      %max3A_1530 = arith.constant 0 : i32
      %max3A_1531 = vector.broadcast %max3A_1530 : i32 to vector<16xi32>
      %max3A_1532 = arith.maxsi %convert_element_type3A_1529, %max3A_1531 : vector<16xi32>
      %min3A_1533 = arith.constant 139 : i32
      %min3A_1534 = vector.broadcast %min3A_1533 : i32 to vector<16xi32>
      %min3A_1535 = arith.minsi %max3A_1532, %min3A_1534 : vector<16xi32>
      %swap3A_1536 = arith.constant 1408 : index
      %swap3A_1537 = tpu.vector_load %arg6[%swap3A_1536] {strides = array<i32>} : memref<2048xi32, #tpu.memory_space<vmem>>, vector<16xi32>,
      tpu.vector_store %arg6[%swap3A_1536], %min3A_1535 {strides = array<i32>} : memref<2048xi32, #tpu.memory_space<vmem>>, vector<16xi32>,
      %get3A_1538 = arith.constant 1424 : index
      %get3A_1539 = tpu.vector_load %arg4[%get3A_1538] {strides = array<i32>} : memref<2048xf32, #tpu.memory_space<vmem>>, vector<16xf32>,
      %sub3A_1540 = arith.constant 8.000000e+00 : f32
      %sub3A_1541 = vector.broadcast %sub3A_1540 : f32 to vector<16xf32>
      %sub3A_1542 = arith.subf %get3A_1539, %sub3A_1541 : vector<16xf32>
      %div3A_1543 = arith.constant 1.000000e-01 : f32
      %div3A_1544 = vector.broadcast %div3A_1543 : f32 to vector<16xf32>
      %div3A_1545 = arith.divf %sub3A_1542, %div3A_1544 : vector<16xf32>
      %convert_element_type3A_1546 = arith.fptosi %div3A_1545 : vector<16xf32> to vector<16xi32>
      %max3A_1547 = arith.constant 0 : i32
      %max3A_1548 = vector.broadcast %max3A_1547 : i32 to vector<16xi32>
      %max3A_1549 = arith.maxsi %convert_element_type3A_1546, %max3A_1548 : vector<16xi32>
      %min3A_1550 = arith.constant 139 : i32
      %min3A_1551 = vector.broadcast %min3A_1550 : i32 to vector<16xi32>
      %min3A_1552 = arith.minsi %max3A_1549, %min3A_1551 : vector<16xi32>
      %swap3A_1553 = arith.constant 1424 : index
      %swap3A_1554 = tpu.vector_load %arg6[%swap3A_1553] {strides = array<i32>} : memref<2048xi32, #tpu.memory_space<vmem>>, vector<16xi32>,
      tpu.vector_store %arg6[%swap3A_1553], %min3A_1552 {strides = array<i32>} : memref<2048xi32, #tpu.memory_space<vmem>>, vector<16xi32>,
      %get3A_1555 = arith.constant 1440 : index
      %get3A_1556 = tpu.vector_load %arg4[%get3A_1555] {strides = array<i32>} : memref<2048xf32, #tpu.memory_space<vmem>>, vector<16xf32>,
      %sub3A_1557 = arith.constant 8.000000e+00 : f32
      %sub3A_1558 = vector.broadcast %sub3A_1557 : f32 to vector<16xf32>
      %sub3A_1559 = arith.subf %get3A_1556, %sub3A_1558 : vector<16xf32>
      %div3A_1560 = arith.constant 1.000000e-01 : f32
      %div3A_1561 = vector.broadcast %div3A_1560 : f32 to vector<16xf32>
      %div3A_1562 = arith.divf %sub3A_1559, %div3A_1561 : vector<16xf32>
      %convert_element_type3A_1563 = arith.fptosi %div3A_1562 : vector<16xf32> to vector<16xi32>
      %max3A_1564 = arith.constant 0 : i32
      %max3A_1565 = vector.broadcast %max3A_1564 : i32 to vector<16xi32>
      %max3A_1566 = arith.maxsi %convert_element_type3A_1563, %max3A_1565 : vector<16xi32>
      %min3A_1567 = arith.constant 139 : i32
      %min3A_1568 = vector.broadcast %min3A_1567 : i32 to vector<16xi32>
      %min3A_1569 = arith.minsi %max3A_1566, %min3A_1568 : vector<16xi32>
      %swap3A_1570 = arith.constant 1440 : index
      %swap3A_1571 = tpu.vector_load %arg6[%swap3A_1570] {strides = array<i32>} : memref<2048xi32, #tpu.memory_space<vmem>>, vector<16xi32>,
      tpu.vector_store %arg6[%swap3A_1570], %min3A_1569 {strides = array<i32>} : memref<2048xi32, #tpu.memory_space<vmem>>, vector<16xi32>,
      %get3A_1572 = arith.constant 1456 : index
      %get3A_1573 = tpu.vector_load %arg4[%get3A_1572] {strides = array<i32>} : memref<2048xf32, #tpu.memory_space<vmem>>, vector<16xf32>,
      %sub3A_1574 = arith.constant 8.000000e+00 : f32
      %sub3A_1575 = vector.broadcast %sub3A_1574 : f32 to vector<16xf32>
      %sub3A_1576 = arith.subf %get3A_1573, %sub3A_1575 : vector<16xf32>
      %div3A_1577 = arith.constant 1.000000e-01 : f32
      %div3A_1578 = vector.broadcast %div3A_1577 : f32 to vector<16xf32>
      %div3A_1579 = arith.divf %sub3A_1576, %div3A_1578 : vector<16xf32>
      %convert_element_type3A_1580 = arith.fptosi %div3A_1579 : vector<16xf32> to vector<16xi32>
      %max3A_1581 = arith.constant 0 : i32
      %max3A_1582 = vector.broadcast %max3A_1581 : i32 to vector<16xi32>
      %max3A_1583 = arith.maxsi %convert_element_type3A_1580, %max3A_1582 : vector<16xi32>
      %min3A_1584 = arith.constant 139 : i32
      %min3A_1585 = vector.broadcast %min3A_1584 : i32 to vector<16xi32>
      %min3A_1586 = arith.minsi %max3A_1583, %min3A_1585 : vector<16xi32>
      %swap3A_1587 = arith.constant 1456 : index
      %swap3A_1588 = tpu.vector_load %arg6[%swap3A_1587] {strides = array<i32>} : memref<2048xi32, #tpu.memory_space<vmem>>, vector<16xi32>,
      tpu.vector_store %arg6[%swap3A_1587], %min3A_1586 {strides = array<i32>} : memref<2048xi32, #tpu.memory_space<vmem>>, vector<16xi32>,
      %get3A_1589 = arith.constant 1472 : index
      %get3A_1590 = tpu.vector_load %arg4[%get3A_1589] {strides = array<i32>} : memref<2048xf32, #tpu.memory_space<vmem>>, vector<16xf32>,
      %sub3A_1591 = arith.constant 8.000000e+00 : f32
      %sub3A_1592 = vector.broadcast %sub3A_1591 : f32 to vector<16xf32>
      %sub3A_1593 = arith.subf %get3A_1590, %sub3A_1592 : vector<16xf32>
      %div3A_1594 = arith.constant 1.000000e-01 : f32
      %div3A_1595 = vector.broadcast %div3A_1594 : f32 to vector<16xf32>
      %div3A_1596 = arith.divf %sub3A_1593, %div3A_1595 : vector<16xf32>
      %convert_element_type3A_1597 = arith.fptosi %div3A_1596 : vector<16xf32> to vector<16xi32>
      %max3A_1598 = arith.constant 0 : i32
      %max3A_1599 = vector.broadcast %max3A_1598 : i32 to vector<16xi32>
      %max3A_1600 = arith.maxsi %convert_element_type3A_1597, %max3A_1599 : vector<16xi32>
      %min3A_1601 = arith.constant 139 : i32
      %min3A_1602 = vector.broadcast %min3A_1601 : i32 to vector<16xi32>
      %min3A_1603 = arith.minsi %max3A_1600, %min3A_1602 : vector<16xi32>
      %swap3A_1604 = arith.constant 1472 : index
      %swap3A_1605 = tpu.vector_load %arg6[%swap3A_1604] {strides = array<i32>} : memref<2048xi32, #tpu.memory_space<vmem>>, vector<16xi32>,
      tpu.vector_store %arg6[%swap3A_1604], %min3A_1603 {strides = array<i32>} : memref<2048xi32, #tpu.memory_space<vmem>>, vector<16xi32>,
      %get3A_1606 = arith.constant 1488 : index
      %get3A_1607 = tpu.vector_load %arg4[%get3A_1606] {strides = array<i32>} : memref<2048xf32, #tpu.memory_space<vmem>>, vector<16xf32>,
      %sub3A_1608 = arith.constant 8.000000e+00 : f32
      %sub3A_1609 = vector.broadcast %sub3A_1608 : f32 to vector<16xf32>
      %sub3A_1610 = arith.subf %get3A_1607, %sub3A_1609 : vector<16xf32>
      %div3A_1611 = arith.constant 1.000000e-01 : f32
      %div3A_1612 = vector.broadcast %div3A_1611 : f32 to vector<16xf32>
      %div3A_1613 = arith.divf %sub3A_1610, %div3A_1612 : vector<16xf32>
      %convert_element_type3A_1614 = arith.fptosi %div3A_1613 : vector<16xf32> to vector<16xi32>
      %max3A_1615 = arith.constant 0 : i32
      %max3A_1616 = vector.broadcast %max3A_1615 : i32 to vector<16xi32>
      %max3A_1617 = arith.maxsi %convert_element_type3A_1614, %max3A_1616 : vector<16xi32>
      %min3A_1618 = arith.constant 139 : i32
      %min3A_1619 = vector.broadcast %min3A_1618 : i32 to vector<16xi32>
      %min3A_1620 = arith.minsi %max3A_1617, %min3A_1619 : vector<16xi32>
      %swap3A_1621 = arith.constant 1488 : index
      %swap3A_1622 = tpu.vector_load %arg6[%swap3A_1621] {strides = array<i32>} : memref<2048xi32, #tpu.memory_space<vmem>>, vector<16xi32>,
      tpu.vector_store %arg6[%swap3A_1621], %min3A_1620 {strides = array<i32>} : memref<2048xi32, #tpu.memory_space<vmem>>, vector<16xi32>,
      %get3A_1623 = arith.constant 1504 : index
      %get3A_1624 = tpu.vector_load %arg4[%get3A_1623] {strides = array<i32>} : memref<2048xf32, #tpu.memory_space<vmem>>, vector<16xf32>,
      %sub3A_1625 = arith.constant 8.000000e+00 : f32
      %sub3A_1626 = vector.broadcast %sub3A_1625 : f32 to vector<16xf32>
      %sub3A_1627 = arith.subf %get3A_1624, %sub3A_1626 : vector<16xf32>
      %div3A_1628 = arith.constant 1.000000e-01 : f32
      %div3A_1629 = vector.broadcast %div3A_1628 : f32 to vector<16xf32>
      %div3A_1630 = arith.divf %sub3A_1627, %div3A_1629 : vector<16xf32>
      %convert_element_type3A_1631 = arith.fptosi %div3A_1630 : vector<16xf32> to vector<16xi32>
      %max3A_1632 = arith.constant 0 : i32
      %max3A_1633 = vector.broadcast %max3A_1632 : i32 to vector<16xi32>
      %max3A_1634 = arith.maxsi %convert_element_type3A_1631, %max3A_1633 : vector<16xi32>
      %min3A_1635 = arith.constant 139 : i32
      %min3A_1636 = vector.broadcast %min3A_1635 : i32 to vector<16xi32>
      %min3A_1637 = arith.minsi %max3A_1634, %min3A_1636 : vector<16xi32>
      %swap3A_1638 = arith.constant 1504 : index
      %swap3A_1639 = tpu.vector_load %arg6[%swap3A_1638] {strides = array<i32>} : memref<2048xi32, #tpu.memory_space<vmem>>, vector<16xi32>,
      tpu.vector_store %arg6[%swap3A_1638], %min3A_1637 {strides = array<i32>} : memref<2048xi32, #tpu.memory_space<vmem>>, vector<16xi32>,
      %get3A_1640 = arith.constant 1520 : index
      %get3A_1641 = tpu.vector_load %arg4[%get3A_1640] {strides = array<i32>} : memref<2048xf32, #tpu.memory_space<vmem>>, vector<16xf32>,
      %sub3A_1642 = arith.constant 8.000000e+00 : f32
      %sub3A_1643 = vector.broadcast %sub3A_1642 : f32 to vector<16xf32>
      %sub3A_1644 = arith.subf %get3A_1641, %sub3A_1643 : vector<16xf32>
      %div3A_1645 = arith.constant 1.000000e-01 : f32
      %div3A_1646 = vector.broadcast %div3A_1645 : f32 to vector<16xf32>
      %div3A_1647 = arith.divf %sub3A_1644, %div3A_1646 : vector<16xf32>
      %convert_element_type3A_1648 = arith.fptosi %div3A_1647 : vector<16xf32> to vector<16xi32>
      %max3A_1649 = arith.constant 0 : i32
      %max3A_1650 = vector.broadcast %max3A_1649 : i32 to vector<16xi32>
      %max3A_1651 = arith.maxsi %convert_element_type3A_1648, %max3A_1650 : vector<16xi32>
      %min3A_1652 = arith.constant 139 : i32
      %min3A_1653 = vector.broadcast %min3A_1652 : i32 to vector<16xi32>
      %min3A_1654 = arith.minsi %max3A_1651, %min3A_1653 : vector<16xi32>
      %swap3A_1655 = arith.constant 1520 : index
      %swap3A_1656 = tpu.vector_load %arg6[%swap3A_1655] {strides = array<i32>} : memref<2048xi32, #tpu.memory_space<vmem>>, vector<16xi32>,
      tpu.vector_store %arg6[%swap3A_1655], %min3A_1654 {strides = array<i32>} : memref<2048xi32, #tpu.memory_space<vmem>>, vector<16xi32>,
      %get3A_1657 = arith.constant 1536 : index
      %get3A_1658 = tpu.vector_load %arg4[%get3A_1657] {strides = array<i32>} : memref<2048xf32, #tpu.memory_space<vmem>>, vector<16xf32>,
      %sub3A_1659 = arith.constant 8.000000e+00 : f32
      %sub3A_1660 = vector.broadcast %sub3A_1659 : f32 to vector<16xf32>
      %sub3A_1661 = arith.subf %get3A_1658, %sub3A_1660 : vector<16xf32>
      %div3A_1662 = arith.constant 1.000000e-01 : f32
      %div3A_1663 = vector.broadcast %div3A_1662 : f32 to vector<16xf32>
      %div3A_1664 = arith.divf %sub3A_1661, %div3A_1663 : vector<16xf32>
      %convert_element_type3A_1665 = arith.fptosi %div3A_1664 : vector<16xf32> to vector<16xi32>
      %max3A_1666 = arith.constant 0 : i32
      %max3A_1667 = vector.broadcast %max3A_1666 : i32 to vector<16xi32>
      %max3A_1668 = arith.maxsi %convert_element_type3A_1665, %max3A_1667 : vector<16xi32>
      %min3A_1669 = arith.constant 139 : i32
      %min3A_1670 = vector.broadcast %min3A_1669 : i32 to vector<16xi32>
      %min3A_1671 = arith.minsi %max3A_1668, %min3A_1670 : vector<16xi32>
      %swap3A_1672 = arith.constant 1536 : index
      %swap3A_1673 = tpu.vector_load %arg6[%swap3A_1672] {strides = array<i32>} : memref<2048xi32, #tpu.memory_space<vmem>>, vector<16xi32>,
      tpu.vector_store %arg6[%swap3A_1672], %min3A_1671 {strides = array<i32>} : memref<2048xi32, #tpu.memory_space<vmem>>, vector<16xi32>,
      %get3A_1674 = arith.constant 1552 : index
      %get3A_1675 = tpu.vector_load %arg4[%get3A_1674] {strides = array<i32>} : memref<2048xf32, #tpu.memory_space<vmem>>, vector<16xf32>,
      %sub3A_1676 = arith.constant 8.000000e+00 : f32
      %sub3A_1677 = vector.broadcast %sub3A_1676 : f32 to vector<16xf32>
      %sub3A_1678 = arith.subf %get3A_1675, %sub3A_1677 : vector<16xf32>
      %div3A_1679 = arith.constant 1.000000e-01 : f32
      %div3A_1680 = vector.broadcast %div3A_1679 : f32 to vector<16xf32>
      %div3A_1681 = arith.divf %sub3A_1678, %div3A_1680 : vector<16xf32>
      %convert_element_type3A_1682 = arith.fptosi %div3A_1681 : vector<16xf32> to vector<16xi32>
      %max3A_1683 = arith.constant 0 : i32
      %max3A_1684 = vector.broadcast %max3A_1683 : i32 to vector<16xi32>
      %max3A_1685 = arith.maxsi %convert_element_type3A_1682, %max3A_1684 : vector<16xi32>
      %min3A_1686 = arith.constant 139 : i32
      %min3A_1687 = vector.broadcast %min3A_1686 : i32 to vector<16xi32>
      %min3A_1688 = arith.minsi %max3A_1685, %min3A_1687 : vector<16xi32>
      %swap3A_1689 = arith.constant 1552 : index
      %swap3A_1690 = tpu.vector_load %arg6[%swap3A_1689] {strides = array<i32>} : memref<2048xi32, #tpu.memory_space<vmem>>, vector<16xi32>,
      tpu.vector_store %arg6[%swap3A_1689], %min3A_1688 {strides = array<i32>} : memref<2048xi32, #tpu.memory_space<vmem>>, vector<16xi32>,
      %get3A_1691 = arith.constant 1568 : index
      %get3A_1692 = tpu.vector_load %arg4[%get3A_1691] {strides = array<i32>} : memref<2048xf32, #tpu.memory_space<vmem>>, vector<16xf32>,
      %sub3A_1693 = arith.constant 8.000000e+00 : f32
      %sub3A_1694 = vector.broadcast %sub3A_1693 : f32 to vector<16xf32>
      %sub3A_1695 = arith.subf %get3A_1692, %sub3A_1694 : vector<16xf32>
      %div3A_1696 = arith.constant 1.000000e-01 : f32
      %div3A_1697 = vector.broadcast %div3A_1696 : f32 to vector<16xf32>
      %div3A_1698 = arith.divf %sub3A_1695, %div3A_1697 : vector<16xf32>
      %convert_element_type3A_1699 = arith.fptosi %div3A_1698 : vector<16xf32> to vector<16xi32>
      %max3A_1700 = arith.constant 0 : i32
      %max3A_1701 = vector.broadcast %max3A_1700 : i32 to vector<16xi32>
      %max3A_1702 = arith.maxsi %convert_element_type3A_1699, %max3A_1701 : vector<16xi32>
      %min3A_1703 = arith.constant 139 : i32
      %min3A_1704 = vector.broadcast %min3A_1703 : i32 to vector<16xi32>
      %min3A_1705 = arith.minsi %max3A_1702, %min3A_1704 : vector<16xi32>
      %swap3A_1706 = arith.constant 1568 : index
      %swap3A_1707 = tpu.vector_load %arg6[%swap3A_1706] {strides = array<i32>} : memref<2048xi32, #tpu.memory_space<vmem>>, vector<16xi32>,
      tpu.vector_store %arg6[%swap3A_1706], %min3A_1705 {strides = array<i32>} : memref<2048xi32, #tpu.memory_space<vmem>>, vector<16xi32>,
      %get3A_1708 = arith.constant 1584 : index
      %get3A_1709 = tpu.vector_load %arg4[%get3A_1708] {strides = array<i32>} : memref<2048xf32, #tpu.memory_space<vmem>>, vector<16xf32>,
      %sub3A_1710 = arith.constant 8.000000e+00 : f32
      %sub3A_1711 = vector.broadcast %sub3A_1710 : f32 to vector<16xf32>
      %sub3A_1712 = arith.subf %get3A_1709, %sub3A_1711 : vector<16xf32>
      %div3A_1713 = arith.constant 1.000000e-01 : f32
      %div3A_1714 = vector.broadcast %div3A_1713 : f32 to vector<16xf32>
      %div3A_1715 = arith.divf %sub3A_1712, %div3A_1714 : vector<16xf32>
      %convert_element_type3A_1716 = arith.fptosi %div3A_1715 : vector<16xf32> to vector<16xi32>
      %max3A_1717 = arith.constant 0 : i32
      %max3A_1718 = vector.broadcast %max3A_1717 : i32 to vector<16xi32>
      %max3A_1719 = arith.maxsi %convert_element_type3A_1716, %max3A_1718 : vector<16xi32>
      %min3A_1720 = arith.constant 139 : i32
      %min3A_1721 = vector.broadcast %min3A_1720 : i32 to vector<16xi32>
      %min3A_1722 = arith.minsi %max3A_1719, %min3A_1721 : vector<16xi32>
      %swap3A_1723 = arith.constant 1584 : index
      %swap3A_1724 = tpu.vector_load %arg6[%swap3A_1723] {strides = array<i32>} : memref<2048xi32, #tpu.memory_space<vmem>>, vector<16xi32>,
      tpu.vector_store %arg6[%swap3A_1723], %min3A_1722 {strides = array<i32>} : memref<2048xi32, #tpu.memory_space<vmem>>, vector<16xi32>,
      %get3A_1725 = arith.constant 1600 : index
      %get3A_1726 = tpu.vector_load %arg4[%get3A_1725] {strides = array<i32>} : memref<2048xf32, #tpu.memory_space<vmem>>, vector<16xf32>,
      %sub3A_1727 = arith.constant 8.000000e+00 : f32
      %sub3A_1728 = vector.broadcast %sub3A_1727 : f32 to vector<16xf32>
      %sub3A_1729 = arith.subf %get3A_1726, %sub3A_1728 : vector<16xf32>
      %div3A_1730 = arith.constant 1.000000e-01 : f32
      %div3A_1731 = vector.broadcast %div3A_1730 : f32 to vector<16xf32>
      %div3A_1732 = arith.divf %sub3A_1729, %div3A_1731 : vector<16xf32>
      %convert_element_type3A_1733 = arith.fptosi %div3A_1732 : vector<16xf32> to vector<16xi32>
      %max3A_1734 = arith.constant 0 : i32
      %max3A_1735 = vector.broadcast %max3A_1734 : i32 to vector<16xi32>
      %max3A_1736 = arith.maxsi %convert_element_type3A_1733, %max3A_1735 : vector<16xi32>
      %min3A_1737 = arith.constant 139 : i32
      %min3A_1738 = vector.broadcast %min3A_1737 : i32 to vector<16xi32>
      %min3A_1739 = arith.minsi %max3A_1736, %min3A_1738 : vector<16xi32>
      %swap3A_1740 = arith.constant 1600 : index
      %swap3A_1741 = tpu.vector_load %arg6[%swap3A_1740] {strides = array<i32>} : memref<2048xi32, #tpu.memory_space<vmem>>, vector<16xi32>,
      tpu.vector_store %arg6[%swap3A_1740], %min3A_1739 {strides = array<i32>} : memref<2048xi32, #tpu.memory_space<vmem>>, vector<16xi32>,
      %get3A_1742 = arith.constant 1616 : index
      %get3A_1743 = tpu.vector_load %arg4[%get3A_1742] {strides = array<i32>} : memref<2048xf32, #tpu.memory_space<vmem>>, vector<16xf32>,
      %sub3A_1744 = arith.constant 8.000000e+00 : f32
      %sub3A_1745 = vector.broadcast %sub3A_1744 : f32 to vector<16xf32>
      %sub3A_1746 = arith.subf %get3A_1743, %sub3A_1745 : vector<16xf32>
      %div3A_1747 = arith.constant 1.000000e-01 : f32
      %div3A_1748 = vector.broadcast %div3A_1747 : f32 to vector<16xf32>
      %div3A_1749 = arith.divf %sub3A_1746, %div3A_1748 : vector<16xf32>
      %convert_element_type3A_1750 = arith.fptosi %div3A_1749 : vector<16xf32> to vector<16xi32>
      %max3A_1751 = arith.constant 0 : i32
      %max3A_1752 = vector.broadcast %max3A_1751 : i32 to vector<16xi32>
      %max3A_1753 = arith.maxsi %convert_element_type3A_1750, %max3A_1752 : vector<16xi32>
      %min3A_1754 = arith.constant 139 : i32
      %min3A_1755 = vector.broadcast %min3A_1754 : i32 to vector<16xi32>
      %min3A_1756 = arith.minsi %max3A_1753, %min3A_1755 : vector<16xi32>
      %swap3A_1757 = arith.constant 1616 : index
      %swap3A_1758 = tpu.vector_load %arg6[%swap3A_1757] {strides = array<i32>} : memref<2048xi32, #tpu.memory_space<vmem>>, vector<16xi32>,
      tpu.vector_store %arg6[%swap3A_1757], %min3A_1756 {strides = array<i32>} : memref<2048xi32, #tpu.memory_space<vmem>>, vector<16xi32>,
      %get3A_1759 = arith.constant 1632 : index
      %get3A_1760 = tpu.vector_load %arg4[%get3A_1759] {strides = array<i32>} : memref<2048xf32, #tpu.memory_space<vmem>>, vector<16xf32>,
      %sub3A_1761 = arith.constant 8.000000e+00 : f32
      %sub3A_1762 = vector.broadcast %sub3A_1761 : f32 to vector<16xf32>
      %sub3A_1763 = arith.subf %get3A_1760, %sub3A_1762 : vector<16xf32>
      %div3A_1764 = arith.constant 1.000000e-01 : f32
      %div3A_1765 = vector.broadcast %div3A_1764 : f32 to vector<16xf32>
      %div3A_1766 = arith.divf %sub3A_1763, %div3A_1765 : vector<16xf32>
      %convert_element_type3A_1767 = arith.fptosi %div3A_1766 : vector<16xf32> to vector<16xi32>
      %max3A_1768 = arith.constant 0 : i32
      %max3A_1769 = vector.broadcast %max3A_1768 : i32 to vector<16xi32>
      %max3A_1770 = arith.maxsi %convert_element_type3A_1767, %max3A_1769 : vector<16xi32>
      %min3A_1771 = arith.constant 139 : i32
      %min3A_1772 = vector.broadcast %min3A_1771 : i32 to vector<16xi32>
      %min3A_1773 = arith.minsi %max3A_1770, %min3A_1772 : vector<16xi32>
      %swap3A_1774 = arith.constant 1632 : index
      %swap3A_1775 = tpu.vector_load %arg6[%swap3A_1774] {strides = array<i32>} : memref<2048xi32, #tpu.memory_space<vmem>>, vector<16xi32>,
      tpu.vector_store %arg6[%swap3A_1774], %min3A_1773 {strides = array<i32>} : memref<2048xi32, #tpu.memory_space<vmem>>, vector<16xi32>,
      %get3A_1776 = arith.constant 1648 : index
      %get3A_1777 = tpu.vector_load %arg4[%get3A_1776] {strides = array<i32>} : memref<2048xf32, #tpu.memory_space<vmem>>, vector<16xf32>,
      %sub3A_1778 = arith.constant 8.000000e+00 : f32
      %sub3A_1779 = vector.broadcast %sub3A_1778 : f32 to vector<16xf32>
      %sub3A_1780 = arith.subf %get3A_1777, %sub3A_1779 : vector<16xf32>
      %div3A_1781 = arith.constant 1.000000e-01 : f32
      %div3A_1782 = vector.broadcast %div3A_1781 : f32 to vector<16xf32>
      %div3A_1783 = arith.divf %sub3A_1780, %div3A_1782 : vector<16xf32>
      %convert_element_type3A_1784 = arith.fptosi %div3A_1783 : vector<16xf32> to vector<16xi32>
      %max3A_1785 = arith.constant 0 : i32
      %max3A_1786 = vector.broadcast %max3A_1785 : i32 to vector<16xi32>
      %max3A_1787 = arith.maxsi %convert_element_type3A_1784, %max3A_1786 : vector<16xi32>
      %min3A_1788 = arith.constant 139 : i32
      %min3A_1789 = vector.broadcast %min3A_1788 : i32 to vector<16xi32>
      %min3A_1790 = arith.minsi %max3A_1787, %min3A_1789 : vector<16xi32>
      %swap3A_1791 = arith.constant 1648 : index
      %swap3A_1792 = tpu.vector_load %arg6[%swap3A_1791] {strides = array<i32>} : memref<2048xi32, #tpu.memory_space<vmem>>, vector<16xi32>,
      tpu.vector_store %arg6[%swap3A_1791], %min3A_1790 {strides = array<i32>} : memref<2048xi32, #tpu.memory_space<vmem>>, vector<16xi32>,
      %get3A_1793 = arith.constant 1664 : index
      %get3A_1794 = tpu.vector_load %arg4[%get3A_1793] {strides = array<i32>} : memref<2048xf32, #tpu.memory_space<vmem>>, vector<16xf32>,
      %sub3A_1795 = arith.constant 8.000000e+00 : f32
      %sub3A_1796 = vector.broadcast %sub3A_1795 : f32 to vector<16xf32>
      %sub3A_1797 = arith.subf %get3A_1794, %sub3A_1796 : vector<16xf32>
      %div3A_1798 = arith.constant 1.000000e-01 : f32
      %div3A_1799 = vector.broadcast %div3A_1798 : f32 to vector<16xf32>
      %div3A_1800 = arith.divf %sub3A_1797, %div3A_1799 : vector<16xf32>
      %convert_element_type3A_1801 = arith.fptosi %div3A_1800 : vector<16xf32> to vector<16xi32>
      %max3A_1802 = arith.constant 0 : i32
      %max3A_1803 = vector.broadcast %max3A_1802 : i32 to vector<16xi32>
      %max3A_1804 = arith.maxsi %convert_element_type3A_1801, %max3A_1803 : vector<16xi32>
      %min3A_1805 = arith.constant 139 : i32
      %min3A_1806 = vector.broadcast %min3A_1805 : i32 to vector<16xi32>
      %min3A_1807 = arith.minsi %max3A_1804, %min3A_1806 : vector<16xi32>
      %swap3A_1808 = arith.constant 1664 : index
      %swap3A_1809 = tpu.vector_load %arg6[%swap3A_1808] {strides = array<i32>} : memref<2048xi32, #tpu.memory_space<vmem>>, vector<16xi32>,
      tpu.vector_store %arg6[%swap3A_1808], %min3A_1807 {strides = array<i32>} : memref<2048xi32, #tpu.memory_space<vmem>>, vector<16xi32>,
      %get3A_1810 = arith.constant 1680 : index
      %get3A_1811 = tpu.vector_load %arg4[%get3A_1810] {strides = array<i32>} : memref<2048xf32, #tpu.memory_space<vmem>>, vector<16xf32>,
      %sub3A_1812 = arith.constant 8.000000e+00 : f32
      %sub3A_1813 = vector.broadcast %sub3A_1812 : f32 to vector<16xf32>
      %sub3A_1814 = arith.subf %get3A_1811, %sub3A_1813 : vector<16xf32>
      %div3A_1815 = arith.constant 1.000000e-01 : f32
      %div3A_1816 = vector.broadcast %div3A_1815 : f32 to vector<16xf32>
      %div3A_1817 = arith.divf %sub3A_1814, %div3A_1816 : vector<16xf32>
      %convert_element_type3A_1818 = arith.fptosi %div3A_1817 : vector<16xf32> to vector<16xi32>
      %max3A_1819 = arith.constant 0 : i32
      %max3A_1820 = vector.broadcast %max3A_1819 : i32 to vector<16xi32>
      %max3A_1821 = arith.maxsi %convert_element_type3A_1818, %max3A_1820 : vector<16xi32>
      %min3A_1822 = arith.constant 139 : i32
      %min3A_1823 = vector.broadcast %min3A_1822 : i32 to vector<16xi32>
      %min3A_1824 = arith.minsi %max3A_1821, %min3A_1823 : vector<16xi32>
      %swap3A_1825 = arith.constant 1680 : index
      %swap3A_1826 = tpu.vector_load %arg6[%swap3A_1825] {strides = array<i32>} : memref<2048xi32, #tpu.memory_space<vmem>>, vector<16xi32>,
      tpu.vector_store %arg6[%swap3A_1825], %min3A_1824 {strides = array<i32>} : memref<2048xi32, #tpu.memory_space<vmem>>, vector<16xi32>,
      %get3A_1827 = arith.constant 1696 : index
      %get3A_1828 = tpu.vector_load %arg4[%get3A_1827] {strides = array<i32>} : memref<2048xf32, #tpu.memory_space<vmem>>, vector<16xf32>,
      %sub3A_1829 = arith.constant 8.000000e+00 : f32
      %sub3A_1830 = vector.broadcast %sub3A_1829 : f32 to vector<16xf32>
      %sub3A_1831 = arith.subf %get3A_1828, %sub3A_1830 : vector<16xf32>
      %div3A_1832 = arith.constant 1.000000e-01 : f32
      %div3A_1833 = vector.broadcast %div3A_1832 : f32 to vector<16xf32>
      %div3A_1834 = arith.divf %sub3A_1831, %div3A_1833 : vector<16xf32>
      %convert_element_type3A_1835 = arith.fptosi %div3A_1834 : vector<16xf32> to vector<16xi32>
      %max3A_1836 = arith.constant 0 : i32
      %max3A_1837 = vector.broadcast %max3A_1836 : i32 to vector<16xi32>
      %max3A_1838 = arith.maxsi %convert_element_type3A_1835, %max3A_1837 : vector<16xi32>
      %min3A_1839 = arith.constant 139 : i32
      %min3A_1840 = vector.broadcast %min3A_1839 : i32 to vector<16xi32>
      %min3A_1841 = arith.minsi %max3A_1838, %min3A_1840 : vector<16xi32>
      %swap3A_1842 = arith.constant 1696 : index
      %swap3A_1843 = tpu.vector_load %arg6[%swap3A_1842] {strides = array<i32>} : memref<2048xi32, #tpu.memory_space<vmem>>, vector<16xi32>,
      tpu.vector_store %arg6[%swap3A_1842], %min3A_1841 {strides = array<i32>} : memref<2048xi32, #tpu.memory_space<vmem>>, vector<16xi32>,
      %get3A_1844 = arith.constant 1712 : index
      %get3A_1845 = tpu.vector_load %arg4[%get3A_1844] {strides = array<i32>} : memref<2048xf32, #tpu.memory_space<vmem>>, vector<16xf32>,
      %sub3A_1846 = arith.constant 8.000000e+00 : f32
      %sub3A_1847 = vector.broadcast %sub3A_1846 : f32 to vector<16xf32>
      %sub3A_1848 = arith.subf %get3A_1845, %sub3A_1847 : vector<16xf32>
      %div3A_1849 = arith.constant 1.000000e-01 : f32
      %div3A_1850 = vector.broadcast %div3A_1849 : f32 to vector<16xf32>
      %div3A_1851 = arith.divf %sub3A_1848, %div3A_1850 : vector<16xf32>
      %convert_element_type3A_1852 = arith.fptosi %div3A_1851 : vector<16xf32> to vector<16xi32>
      %max3A_1853 = arith.constant 0 : i32
      %max3A_1854 = vector.broadcast %max3A_1853 : i32 to vector<16xi32>
      %max3A_1855 = arith.maxsi %convert_element_type3A_1852, %max3A_1854 : vector<16xi32>
      %min3A_1856 = arith.constant 139 : i32
      %min3A_1857 = vector.broadcast %min3A_1856 : i32 to vector<16xi32>
      %min3A_1858 = arith.minsi %max3A_1855, %min3A_1857 : vector<16xi32>
      %swap3A_1859 = arith.constant 1712 : index
      %swap3A_1860 = tpu.vector_load %arg6[%swap3A_1859] {strides = array<i32>} : memref<2048xi32, #tpu.memory_space<vmem>>, vector<16xi32>,
      tpu.vector_store %arg6[%swap3A_1859], %min3A_1858 {strides = array<i32>} : memref<2048xi32, #tpu.memory_space<vmem>>, vector<16xi32>,
      %get3A_1861 = arith.constant 1728 : index
      %get3A_1862 = tpu.vector_load %arg4[%get3A_1861] {strides = array<i32>} : memref<2048xf32, #tpu.memory_space<vmem>>, vector<16xf32>,
      %sub3A_1863 = arith.constant 8.000000e+00 : f32
      %sub3A_1864 = vector.broadcast %sub3A_1863 : f32 to vector<16xf32>
      %sub3A_1865 = arith.subf %get3A_1862, %sub3A_1864 : vector<16xf32>
      %div3A_1866 = arith.constant 1.000000e-01 : f32
      %div3A_1867 = vector.broadcast %div3A_1866 : f32 to vector<16xf32>
      %div3A_1868 = arith.divf %sub3A_1865, %div3A_1867 : vector<16xf32>
      %convert_element_type3A_1869 = arith.fptosi %div3A_1868 : vector<16xf32> to vector<16xi32>
      %max3A_1870 = arith.constant 0 : i32
      %max3A_1871 = vector.broadcast %max3A_1870 : i32 to vector<16xi32>
      %max3A_1872 = arith.maxsi %convert_element_type3A_1869, %max3A_1871 : vector<16xi32>
      %min3A_1873 = arith.constant 139 : i32
      %min3A_1874 = vector.broadcast %min3A_1873 : i32 to vector<16xi32>
      %min3A_1875 = arith.minsi %max3A_1872, %min3A_1874 : vector<16xi32>
      %swap3A_1876 = arith.constant 1728 : index
      %swap3A_1877 = tpu.vector_load %arg6[%swap3A_1876] {strides = array<i32>} : memref<2048xi32, #tpu.memory_space<vmem>>, vector<16xi32>,
      tpu.vector_store %arg6[%swap3A_1876], %min3A_1875 {strides = array<i32>} : memref<2048xi32, #tpu.memory_space<vmem>>, vector<16xi32>,
      %get3A_1878 = arith.constant 1744 : index
      %get3A_1879 = tpu.vector_load %arg4[%get3A_1878] {strides = array<i32>} : memref<2048xf32, #tpu.memory_space<vmem>>, vector<16xf32>,
      %sub3A_1880 = arith.constant 8.000000e+00 : f32
      %sub3A_1881 = vector.broadcast %sub3A_1880 : f32 to vector<16xf32>
      %sub3A_1882 = arith.subf %get3A_1879, %sub3A_1881 : vector<16xf32>
      %div3A_1883 = arith.constant 1.000000e-01 : f32
      %div3A_1884 = vector.broadcast %div3A_1883 : f32 to vector<16xf32>
      %div3A_1885 = arith.divf %sub3A_1882, %div3A_1884 : vector<16xf32>
      %convert_element_type3A_1886 = arith.fptosi %div3A_1885 : vector<16xf32> to vector<16xi32>
      %max3A_1887 = arith.constant 0 : i32
      %max3A_1888 = vector.broadcast %max3A_1887 : i32 to vector<16xi32>
      %max3A_1889 = arith.maxsi %convert_element_type3A_1886, %max3A_1888 : vector<16xi32>
      %min3A_1890 = arith.constant 139 : i32
      %min3A_1891 = vector.broadcast %min3A_1890 : i32 to vector<16xi32>
      %min3A_1892 = arith.minsi %max3A_1889, %min3A_1891 : vector<16xi32>
      %swap3A_1893 = arith.constant 1744 : index
      %swap3A_1894 = tpu.vector_load %arg6[%swap3A_1893] {strides = array<i32>} : memref<2048xi32, #tpu.memory_space<vmem>>, vector<16xi32>,
      tpu.vector_store %arg6[%swap3A_1893], %min3A_1892 {strides = array<i32>} : memref<2048xi32, #tpu.memory_space<vmem>>, vector<16xi32>,
      %get3A_1895 = arith.constant 1760 : index
      %get3A_1896 = tpu.vector_load %arg4[%get3A_1895] {strides = array<i32>} : memref<2048xf32, #tpu.memory_space<vmem>>, vector<16xf32>,
      %sub3A_1897 = arith.constant 8.000000e+00 : f32
      %sub3A_1898 = vector.broadcast %sub3A_1897 : f32 to vector<16xf32>
      %sub3A_1899 = arith.subf %get3A_1896, %sub3A_1898 : vector<16xf32>
      %div3A_1900 = arith.constant 1.000000e-01 : f32
      %div3A_1901 = vector.broadcast %div3A_1900 : f32 to vector<16xf32>
      %div3A_1902 = arith.divf %sub3A_1899, %div3A_1901 : vector<16xf32>
      %convert_element_type3A_1903 = arith.fptosi %div3A_1902 : vector<16xf32> to vector<16xi32>
      %max3A_1904 = arith.constant 0 : i32
      %max3A_1905 = vector.broadcast %max3A_1904 : i32 to vector<16xi32>
      %max3A_1906 = arith.maxsi %convert_element_type3A_1903, %max3A_1905 : vector<16xi32>
      %min3A_1907 = arith.constant 139 : i32
      %min3A_1908 = vector.broadcast %min3A_1907 : i32 to vector<16xi32>
      %min3A_1909 = arith.minsi %max3A_1906, %min3A_1908 : vector<16xi32>
      %swap3A_1910 = arith.constant 1760 : index
      %swap3A_1911 = tpu.vector_load %arg6[%swap3A_1910] {strides = array<i32>} : memref<2048xi32, #tpu.memory_space<vmem>>, vector<16xi32>,
      tpu.vector_store %arg6[%swap3A_1910], %min3A_1909 {strides = array<i32>} : memref<2048xi32, #tpu.memory_space<vmem>>, vector<16xi32>,
      %get3A_1912 = arith.constant 1776 : index
      %get3A_1913 = tpu.vector_load %arg4[%get3A_1912] {strides = array<i32>} : memref<2048xf32, #tpu.memory_space<vmem>>, vector<16xf32>,
      %sub3A_1914 = arith.constant 8.000000e+00 : f32
      %sub3A_1915 = vector.broadcast %sub3A_1914 : f32 to vector<16xf32>
      %sub3A_1916 = arith.subf %get3A_1913, %sub3A_1915 : vector<16xf32>
      %div3A_1917 = arith.constant 1.000000e-01 : f32
      %div3A_1918 = vector.broadcast %div3A_1917 : f32 to vector<16xf32>
      %div3A_1919 = arith.divf %sub3A_1916, %div3A_1918 : vector<16xf32>
      %convert_element_type3A_1920 = arith.fptosi %div3A_1919 : vector<16xf32> to vector<16xi32>
      %max3A_1921 = arith.constant 0 : i32
      %max3A_1922 = vector.broadcast %max3A_1921 : i32 to vector<16xi32>
      %max3A_1923 = arith.maxsi %convert_element_type3A_1920, %max3A_1922 : vector<16xi32>
      %min3A_1924 = arith.constant 139 : i32
      %min3A_1925 = vector.broadcast %min3A_1924 : i32 to vector<16xi32>
      %min3A_1926 = arith.minsi %max3A_1923, %min3A_1925 : vector<16xi32>
      %swap3A_1927 = arith.constant 1776 : index
      %swap3A_1928 = tpu.vector_load %arg6[%swap3A_1927] {strides = array<i32>} : memref<2048xi32, #tpu.memory_space<vmem>>, vector<16xi32>,
      tpu.vector_store %arg6[%swap3A_1927], %min3A_1926 {strides = array<i32>} : memref<2048xi32, #tpu.memory_space<vmem>>, vector<16xi32>,
      %get3A_1929 = arith.constant 1792 : index
      %get3A_1930 = tpu.vector_load %arg4[%get3A_1929] {strides = array<i32>} : memref<2048xf32, #tpu.memory_space<vmem>>, vector<16xf32>,
      %sub3A_1931 = arith.constant 8.000000e+00 : f32
      %sub3A_1932 = vector.broadcast %sub3A_1931 : f32 to vector<16xf32>
      %sub3A_1933 = arith.subf %get3A_1930, %sub3A_1932 : vector<16xf32>
      %div3A_1934 = arith.constant 1.000000e-01 : f32
      %div3A_1935 = vector.broadcast %div3A_1934 : f32 to vector<16xf32>
      %div3A_1936 = arith.divf %sub3A_1933, %div3A_1935 : vector<16xf32>
      %convert_element_type3A_1937 = arith.fptosi %div3A_1936 : vector<16xf32> to vector<16xi32>
      %max3A_1938 = arith.constant 0 : i32
      %max3A_1939 = vector.broadcast %max3A_1938 : i32 to vector<16xi32>
      %max3A_1940 = arith.maxsi %convert_element_type3A_1937, %max3A_1939 : vector<16xi32>
      %min3A_1941 = arith.constant 139 : i32
      %min3A_1942 = vector.broadcast %min3A_1941 : i32 to vector<16xi32>
      %min3A_1943 = arith.minsi %max3A_1940, %min3A_1942 : vector<16xi32>
      %swap3A_1944 = arith.constant 1792 : index
      %swap3A_1945 = tpu.vector_load %arg6[%swap3A_1944] {strides = array<i32>} : memref<2048xi32, #tpu.memory_space<vmem>>, vector<16xi32>,
      tpu.vector_store %arg6[%swap3A_1944], %min3A_1943 {strides = array<i32>} : memref<2048xi32, #tpu.memory_space<vmem>>, vector<16xi32>,
      %get3A_1946 = arith.constant 1808 : index
      %get3A_1947 = tpu.vector_load %arg4[%get3A_1946] {strides = array<i32>} : memref<2048xf32, #tpu.memory_space<vmem>>, vector<16xf32>,
      %sub3A_1948 = arith.constant 8.000000e+00 : f32
      %sub3A_1949 = vector.broadcast %sub3A_1948 : f32 to vector<16xf32>
      %sub3A_1950 = arith.subf %get3A_1947, %sub3A_1949 : vector<16xf32>
      %div3A_1951 = arith.constant 1.000000e-01 : f32
      %div3A_1952 = vector.broadcast %div3A_1951 : f32 to vector<16xf32>
      %div3A_1953 = arith.divf %sub3A_1950, %div3A_1952 : vector<16xf32>
      %convert_element_type3A_1954 = arith.fptosi %div3A_1953 : vector<16xf32> to vector<16xi32>
      %max3A_1955 = arith.constant 0 : i32
      %max3A_1956 = vector.broadcast %max3A_1955 : i32 to vector<16xi32>
      %max3A_1957 = arith.maxsi %convert_element_type3A_1954, %max3A_1956 : vector<16xi32>
      %min3A_1958 = arith.constant 139 : i32
      %min3A_1959 = vector.broadcast %min3A_1958 : i32 to vector<16xi32>
      %min3A_1960 = arith.minsi %max3A_1957, %min3A_1959 : vector<16xi32>
      %swap3A_1961 = arith.constant 1808 : index
      %swap3A_1962 = tpu.vector_load %arg6[%swap3A_1961] {strides = array<i32>} : memref<2048xi32, #tpu.memory_space<vmem>>, vector<16xi32>,
      tpu.vector_store %arg6[%swap3A_1961], %min3A_1960 {strides = array<i32>} : memref<2048xi32, #tpu.memory_space<vmem>>, vector<16xi32>,
      %get3A_1963 = arith.constant 1824 : index
      %get3A_1964 = tpu.vector_load %arg4[%get3A_1963] {strides = array<i32>} : memref<2048xf32, #tpu.memory_space<vmem>>, vector<16xf32>,
      %sub3A_1965 = arith.constant 8.000000e+00 : f32
      %sub3A_1966 = vector.broadcast %sub3A_1965 : f32 to vector<16xf32>
      %sub3A_1967 = arith.subf %get3A_1964, %sub3A_1966 : vector<16xf32>
      %div3A_1968 = arith.constant 1.000000e-01 : f32
      %div3A_1969 = vector.broadcast %div3A_1968 : f32 to vector<16xf32>
      %div3A_1970 = arith.divf %sub3A_1967, %div3A_1969 : vector<16xf32>
      %convert_element_type3A_1971 = arith.fptosi %div3A_1970 : vector<16xf32> to vector<16xi32>
      %max3A_1972 = arith.constant 0 : i32
      %max3A_1973 = vector.broadcast %max3A_1972 : i32 to vector<16xi32>
      %max3A_1974 = arith.maxsi %convert_element_type3A_1971, %max3A_1973 : vector<16xi32>
      %min3A_1975 = arith.constant 139 : i32
      %min3A_1976 = vector.broadcast %min3A_1975 : i32 to vector<16xi32>
      %min3A_1977 = arith.minsi %max3A_1974, %min3A_1976 : vector<16xi32>
      %swap3A_1978 = arith.constant 1824 : index
      %swap3A_1979 = tpu.vector_load %arg6[%swap3A_1978] {strides = array<i32>} : memref<2048xi32, #tpu.memory_space<vmem>>, vector<16xi32>,
      tpu.vector_store %arg6[%swap3A_1978], %min3A_1977 {strides = array<i32>} : memref<2048xi32, #tpu.memory_space<vmem>>, vector<16xi32>,
      %get3A_1980 = arith.constant 1840 : index
      %get3A_1981 = tpu.vector_load %arg4[%get3A_1980] {strides = array<i32>} : memref<2048xf32, #tpu.memory_space<vmem>>, vector<16xf32>,
      %sub3A_1982 = arith.constant 8.000000e+00 : f32
      %sub3A_1983 = vector.broadcast %sub3A_1982 : f32 to vector<16xf32>
      %sub3A_1984 = arith.subf %get3A_1981, %sub3A_1983 : vector<16xf32>
      %div3A_1985 = arith.constant 1.000000e-01 : f32
      %div3A_1986 = vector.broadcast %div3A_1985 : f32 to vector<16xf32>
      %div3A_1987 = arith.divf %sub3A_1984, %div3A_1986 : vector<16xf32>
      %convert_element_type3A_1988 = arith.fptosi %div3A_1987 : vector<16xf32> to vector<16xi32>
      %max3A_1989 = arith.constant 0 : i32
      %max3A_1990 = vector.broadcast %max3A_1989 : i32 to vector<16xi32>
      %max3A_1991 = arith.maxsi %convert_element_type3A_1988, %max3A_1990 : vector<16xi32>
      %min3A_1992 = arith.constant 139 : i32
      %min3A_1993 = vector.broadcast %min3A_1992 : i32 to vector<16xi32>
      %min3A_1994 = arith.minsi %max3A_1991, %min3A_1993 : vector<16xi32>
      %swap3A_1995 = arith.constant 1840 : index
      %swap3A_1996 = tpu.vector_load %arg6[%swap3A_1995] {strides = array<i32>} : memref<2048xi32, #tpu.memory_space<vmem>>, vector<16xi32>,
      tpu.vector_store %arg6[%swap3A_1995], %min3A_1994 {strides = array<i32>} : memref<2048xi32, #tpu.memory_space<vmem>>, vector<16xi32>,
      %get3A_1997 = arith.constant 1856 : index
      %get3A_1998 = tpu.vector_load %arg4[%get3A_1997] {strides = array<i32>} : memref<2048xf32, #tpu.memory_space<vmem>>, vector<16xf32>,
      %sub3A_1999 = arith.constant 8.000000e+00 : f32
      %sub3A_2000 = vector.broadcast %sub3A_1999 : f32 to vector<16xf32>
      %sub3A_2001 = arith.subf %get3A_1998, %sub3A_2000 : vector<16xf32>
      %div3A_2002 = arith.constant 1.000000e-01 : f32
      %div3A_2003 = vector.broadcast %div3A_2002 : f32 to vector<16xf32>
      %div3A_2004 = arith.divf %sub3A_2001, %div3A_2003 : vector<16xf32>
      %convert_element_type3A_2005 = arith.fptosi %div3A_2004 : vector<16xf32> to vector<16xi32>
      %max3A_2006 = arith.constant 0 : i32
      %max3A_2007 = vector.broadcast %max3A_2006 : i32 to vector<16xi32>
      %max3A_2008 = arith.maxsi %convert_element_type3A_2005, %max3A_2007 : vector<16xi32>
      %min3A_2009 = arith.constant 139 : i32
      %min3A_2010 = vector.broadcast %min3A_2009 : i32 to vector<16xi32>
      %min3A_2011 = arith.minsi %max3A_2008, %min3A_2010 : vector<16xi32>
      %swap3A_2012 = arith.constant 1856 : index
      %swap3A_2013 = tpu.vector_load %arg6[%swap3A_2012] {strides = array<i32>} : memref<2048xi32, #tpu.memory_space<vmem>>, vector<16xi32>,
      tpu.vector_store %arg6[%swap3A_2012], %min3A_2011 {strides = array<i32>} : memref<2048xi32, #tpu.memory_space<vmem>>, vector<16xi32>,
      %get3A_2014 = arith.constant 1872 : index
      %get3A_2015 = tpu.vector_load %arg4[%get3A_2014] {strides = array<i32>} : memref<2048xf32, #tpu.memory_space<vmem>>, vector<16xf32>,
      %sub3A_2016 = arith.constant 8.000000e+00 : f32
      %sub3A_2017 = vector.broadcast %sub3A_2016 : f32 to vector<16xf32>
      %sub3A_2018 = arith.subf %get3A_2015, %sub3A_2017 : vector<16xf32>
      %div3A_2019 = arith.constant 1.000000e-01 : f32
      %div3A_2020 = vector.broadcast %div3A_2019 : f32 to vector<16xf32>
      %div3A_2021 = arith.divf %sub3A_2018, %div3A_2020 : vector<16xf32>
      %convert_element_type3A_2022 = arith.fptosi %div3A_2021 : vector<16xf32> to vector<16xi32>
      %max3A_2023 = arith.constant 0 : i32
      %max3A_2024 = vector.broadcast %max3A_2023 : i32 to vector<16xi32>
      %max3A_2025 = arith.maxsi %convert_element_type3A_2022, %max3A_2024 : vector<16xi32>
      %min3A_2026 = arith.constant 139 : i32
      %min3A_2027 = vector.broadcast %min3A_2026 : i32 to vector<16xi32>
      %min3A_2028 = arith.minsi %max3A_2025, %min3A_2027 : vector<16xi32>
      %swap3A_2029 = arith.constant 1872 : index
      %swap3A_2030 = tpu.vector_load %arg6[%swap3A_2029] {strides = array<i32>} : memref<2048xi32, #tpu.memory_space<vmem>>, vector<16xi32>,
      tpu.vector_store %arg6[%swap3A_2029], %min3A_2028 {strides = array<i32>} : memref<2048xi32, #tpu.memory_space<vmem>>, vector<16xi32>,
      %get3A_2031 = arith.constant 1888 : index
      %get3A_2032 = tpu.vector_load %arg4[%get3A_2031] {strides = array<i32>} : memref<2048xf32, #tpu.memory_space<vmem>>, vector<16xf32>,
      %sub3A_2033 = arith.constant 8.000000e+00 : f32
      %sub3A_2034 = vector.broadcast %sub3A_2033 : f32 to vector<16xf32>
      %sub3A_2035 = arith.subf %get3A_2032, %sub3A_2034 : vector<16xf32>
      %div3A_2036 = arith.constant 1.000000e-01 : f32
      %div3A_2037 = vector.broadcast %div3A_2036 : f32 to vector<16xf32>
      %div3A_2038 = arith.divf %sub3A_2035, %div3A_2037 : vector<16xf32>
      %convert_element_type3A_2039 = arith.fptosi %div3A_2038 : vector<16xf32> to vector<16xi32>
      %max3A_2040 = arith.constant 0 : i32
      %max3A_2041 = vector.broadcast %max3A_2040 : i32 to vector<16xi32>
      %max3A_2042 = arith.maxsi %convert_element_type3A_2039, %max3A_2041 : vector<16xi32>
      %min3A_2043 = arith.constant 139 : i32
      %min3A_2044 = vector.broadcast %min3A_2043 : i32 to vector<16xi32>
      %min3A_2045 = arith.minsi %max3A_2042, %min3A_2044 : vector<16xi32>
      %swap3A_2046 = arith.constant 1888 : index
      %swap3A_2047 = tpu.vector_load %arg6[%swap3A_2046] {strides = array<i32>} : memref<2048xi32, #tpu.memory_space<vmem>>, vector<16xi32>,
      tpu.vector_store %arg6[%swap3A_2046], %min3A_2045 {strides = array<i32>} : memref<2048xi32, #tpu.memory_space<vmem>>, vector<16xi32>,
      %get3A_2048 = arith.constant 1904 : index
      %get3A_2049 = tpu.vector_load %arg4[%get3A_2048] {strides = array<i32>} : memref<2048xf32, #tpu.memory_space<vmem>>, vector<16xf32>,
      %sub3A_2050 = arith.constant 8.000000e+00 : f32
      %sub3A_2051 = vector.broadcast %sub3A_2050 : f32 to vector<16xf32>
      %sub3A_2052 = arith.subf %get3A_2049, %sub3A_2051 : vector<16xf32>
      %div3A_2053 = arith.constant 1.000000e-01 : f32
      %div3A_2054 = vector.broadcast %div3A_2053 : f32 to vector<16xf32>
      %div3A_2055 = arith.divf %sub3A_2052, %div3A_2054 : vector<16xf32>
      %convert_element_type3A_2056 = arith.fptosi %div3A_2055 : vector<16xf32> to vector<16xi32>
      %max3A_2057 = arith.constant 0 : i32
      %max3A_2058 = vector.broadcast %max3A_2057 : i32 to vector<16xi32>
      %max3A_2059 = arith.maxsi %convert_element_type3A_2056, %max3A_2058 : vector<16xi32>
      %min3A_2060 = arith.constant 139 : i32
      %min3A_2061 = vector.broadcast %min3A_2060 : i32 to vector<16xi32>
      %min3A_2062 = arith.minsi %max3A_2059, %min3A_2061 : vector<16xi32>
      %swap3A_2063 = arith.constant 1904 : index
      %swap3A_2064 = tpu.vector_load %arg6[%swap3A_2063] {strides = array<i32>} : memref<2048xi32, #tpu.memory_space<vmem>>, vector<16xi32>,
      tpu.vector_store %arg6[%swap3A_2063], %min3A_2062 {strides = array<i32>} : memref<2048xi32, #tpu.memory_space<vmem>>, vector<16xi32>,
      %get3A_2065 = arith.constant 1920 : index
      %get3A_2066 = tpu.vector_load %arg4[%get3A_2065] {strides = array<i32>} : memref<2048xf32, #tpu.memory_space<vmem>>, vector<16xf32>,
      %sub3A_2067 = arith.constant 8.000000e+00 : f32
      %sub3A_2068 = vector.broadcast %sub3A_2067 : f32 to vector<16xf32>
      %sub3A_2069 = arith.subf %get3A_2066, %sub3A_2068 : vector<16xf32>
      %div3A_2070 = arith.constant 1.000000e-01 : f32
      %div3A_2071 = vector.broadcast %div3A_2070 : f32 to vector<16xf32>
      %div3A_2072 = arith.divf %sub3A_2069, %div3A_2071 : vector<16xf32>
      %convert_element_type3A_2073 = arith.fptosi %div3A_2072 : vector<16xf32> to vector<16xi32>
      %max3A_2074 = arith.constant 0 : i32
      %max3A_2075 = vector.broadcast %max3A_2074 : i32 to vector<16xi32>
      %max3A_2076 = arith.maxsi %convert_element_type3A_2073, %max3A_2075 : vector<16xi32>
      %min3A_2077 = arith.constant 139 : i32
      %min3A_2078 = vector.broadcast %min3A_2077 : i32 to vector<16xi32>
      %min3A_2079 = arith.minsi %max3A_2076, %min3A_2078 : vector<16xi32>
      %swap3A_2080 = arith.constant 1920 : index
      %swap3A_2081 = tpu.vector_load %arg6[%swap3A_2080] {strides = array<i32>} : memref<2048xi32, #tpu.memory_space<vmem>>, vector<16xi32>,
      tpu.vector_store %arg6[%swap3A_2080], %min3A_2079 {strides = array<i32>} : memref<2048xi32, #tpu.memory_space<vmem>>, vector<16xi32>,
      %get3A_2082 = arith.constant 1936 : index
      %get3A_2083 = tpu.vector_load %arg4[%get3A_2082] {strides = array<i32>} : memref<2048xf32, #tpu.memory_space<vmem>>, vector<16xf32>,
      %sub3A_2084 = arith.constant 8.000000e+00 : f32
      %sub3A_2085 = vector.broadcast %sub3A_2084 : f32 to vector<16xf32>
      %sub3A_2086 = arith.subf %get3A_2083, %sub3A_2085 : vector<16xf32>
      %div3A_2087 = arith.constant 1.000000e-01 : f32
      %div3A_2088 = vector.broadcast %div3A_2087 : f32 to vector<16xf32>
      %div3A_2089 = arith.divf %sub3A_2086, %div3A_2088 : vector<16xf32>
      %convert_element_type3A_2090 = arith.fptosi %div3A_2089 : vector<16xf32> to vector<16xi32>
      %max3A_2091 = arith.constant 0 : i32
      %max3A_2092 = vector.broadcast %max3A_2091 : i32 to vector<16xi32>
      %max3A_2093 = arith.maxsi %convert_element_type3A_2090, %max3A_2092 : vector<16xi32>
      %min3A_2094 = arith.constant 139 : i32
      %min3A_2095 = vector.broadcast %min3A_2094 : i32 to vector<16xi32>
      %min3A_2096 = arith.minsi %max3A_2093, %min3A_2095 : vector<16xi32>
      %swap3A_2097 = arith.constant 1936 : index
      %swap3A_2098 = tpu.vector_load %arg6[%swap3A_2097] {strides = array<i32>} : memref<2048xi32, #tpu.memory_space<vmem>>, vector<16xi32>,
      tpu.vector_store %arg6[%swap3A_2097], %min3A_2096 {strides = array<i32>} : memref<2048xi32, #tpu.memory_space<vmem>>, vector<16xi32>,
      %get3A_2099 = arith.constant 1952 : index
      %get3A_2100 = tpu.vector_load %arg4[%get3A_2099] {strides = array<i32>} : memref<2048xf32, #tpu.memory_space<vmem>>, vector<16xf32>,
      %sub3A_2101 = arith.constant 8.000000e+00 : f32
      %sub3A_2102 = vector.broadcast %sub3A_2101 : f32 to vector<16xf32>
      %sub3A_2103 = arith.subf %get3A_2100, %sub3A_2102 : vector<16xf32>
      %div3A_2104 = arith.constant 1.000000e-01 : f32
      %div3A_2105 = vector.broadcast %div3A_2104 : f32 to vector<16xf32>
      %div3A_2106 = arith.divf %sub3A_2103, %div3A_2105 : vector<16xf32>
      %convert_element_type3A_2107 = arith.fptosi %div3A_2106 : vector<16xf32> to vector<16xi32>
      %max3A_2108 = arith.constant 0 : i32
      %max3A_2109 = vector.broadcast %max3A_2108 : i32 to vector<16xi32>
      %max3A_2110 = arith.maxsi %convert_element_type3A_2107, %max3A_2109 : vector<16xi32>
      %min3A_2111 = arith.constant 139 : i32
      %min3A_2112 = vector.broadcast %min3A_2111 : i32 to vector<16xi32>
      %min3A_2113 = arith.minsi %max3A_2110, %min3A_2112 : vector<16xi32>
      %swap3A_2114 = arith.constant 1952 : index
      %swap3A_2115 = tpu.vector_load %arg6[%swap3A_2114] {strides = array<i32>} : memref<2048xi32, #tpu.memory_space<vmem>>, vector<16xi32>,
      tpu.vector_store %arg6[%swap3A_2114], %min3A_2113 {strides = array<i32>} : memref<2048xi32, #tpu.memory_space<vmem>>, vector<16xi32>,
      %get3A_2116 = arith.constant 1968 : index
      %get3A_2117 = tpu.vector_load %arg4[%get3A_2116] {strides = array<i32>} : memref<2048xf32, #tpu.memory_space<vmem>>, vector<16xf32>,
      %sub3A_2118 = arith.constant 8.000000e+00 : f32
      %sub3A_2119 = vector.broadcast %sub3A_2118 : f32 to vector<16xf32>
      %sub3A_2120 = arith.subf %get3A_2117, %sub3A_2119 : vector<16xf32>
      %div3A_2121 = arith.constant 1.000000e-01 : f32
      %div3A_2122 = vector.broadcast %div3A_2121 : f32 to vector<16xf32>
      %div3A_2123 = arith.divf %sub3A_2120, %div3A_2122 : vector<16xf32>
      %convert_element_type3A_2124 = arith.fptosi %div3A_2123 : vector<16xf32> to vector<16xi32>
      %max3A_2125 = arith.constant 0 : i32
      %max3A_2126 = vector.broadcast %max3A_2125 : i32 to vector<16xi32>
      %max3A_2127 = arith.maxsi %convert_element_type3A_2124, %max3A_2126 : vector<16xi32>
      %min3A_2128 = arith.constant 139 : i32
      %min3A_2129 = vector.broadcast %min3A_2128 : i32 to vector<16xi32>
      %min3A_2130 = arith.minsi %max3A_2127, %min3A_2129 : vector<16xi32>
      %swap3A_2131 = arith.constant 1968 : index
      %swap3A_2132 = tpu.vector_load %arg6[%swap3A_2131] {strides = array<i32>} : memref<2048xi32, #tpu.memory_space<vmem>>, vector<16xi32>,
      tpu.vector_store %arg6[%swap3A_2131], %min3A_2130 {strides = array<i32>} : memref<2048xi32, #tpu.memory_space<vmem>>, vector<16xi32>,
      %get3A_2133 = arith.constant 1984 : index
      %get3A_2134 = tpu.vector_load %arg4[%get3A_2133] {strides = array<i32>} : memref<2048xf32, #tpu.memory_space<vmem>>, vector<16xf32>,
      %sub3A_2135 = arith.constant 8.000000e+00 : f32
      %sub3A_2136 = vector.broadcast %sub3A_2135 : f32 to vector<16xf32>
      %sub3A_2137 = arith.subf %get3A_2134, %sub3A_2136 : vector<16xf32>
      %div3A_2138 = arith.constant 1.000000e-01 : f32
      %div3A_2139 = vector.broadcast %div3A_2138 : f32 to vector<16xf32>
      %div3A_2140 = arith.divf %sub3A_2137, %div3A_2139 : vector<16xf32>
      %convert_element_type3A_2141 = arith.fptosi %div3A_2140 : vector<16xf32> to vector<16xi32>
      %max3A_2142 = arith.constant 0 : i32
      %max3A_2143 = vector.broadcast %max3A_2142 : i32 to vector<16xi32>
      %max3A_2144 = arith.maxsi %convert_element_type3A_2141, %max3A_2143 : vector<16xi32>
      %min3A_2145 = arith.constant 139 : i32
      %min3A_2146 = vector.broadcast %min3A_2145 : i32 to vector<16xi32>
      %min3A_2147 = arith.minsi %max3A_2144, %min3A_2146 : vector<16xi32>
      %swap3A_2148 = arith.constant 1984 : index
      %swap3A_2149 = tpu.vector_load %arg6[%swap3A_2148] {strides = array<i32>} : memref<2048xi32, #tpu.memory_space<vmem>>, vector<16xi32>,
      tpu.vector_store %arg6[%swap3A_2148], %min3A_2147 {strides = array<i32>} : memref<2048xi32, #tpu.memory_space<vmem>>, vector<16xi32>,
      %get3A_2150 = arith.constant 2000 : index
      %get3A_2151 = tpu.vector_load %arg4[%get3A_2150] {strides = array<i32>} : memref<2048xf32, #tpu.memory_space<vmem>>, vector<16xf32>,
      %sub3A_2152 = arith.constant 8.000000e+00 : f32
      %sub3A_2153 = vector.broadcast %sub3A_2152 : f32 to vector<16xf32>
      %sub3A_2154 = arith.subf %get3A_2151, %sub3A_2153 : vector<16xf32>
      %div3A_2155 = arith.constant 1.000000e-01 : f32
      %div3A_2156 = vector.broadcast %div3A_2155 : f32 to vector<16xf32>
      %div3A_2157 = arith.divf %sub3A_2154, %div3A_2156 : vector<16xf32>
      %convert_element_type3A_2158 = arith.fptosi %div3A_2157 : vector<16xf32> to vector<16xi32>
      %max3A_2159 = arith.constant 0 : i32
      %max3A_2160 = vector.broadcast %max3A_2159 : i32 to vector<16xi32>
      %max3A_2161 = arith.maxsi %convert_element_type3A_2158, %max3A_2160 : vector<16xi32>
      %min3A_2162 = arith.constant 139 : i32
      %min3A_2163 = vector.broadcast %min3A_2162 : i32 to vector<16xi32>
      %min3A_2164 = arith.minsi %max3A_2161, %min3A_2163 : vector<16xi32>
      %swap3A_2165 = arith.constant 2000 : index
      %swap3A_2166 = tpu.vector_load %arg6[%swap3A_2165] {strides = array<i32>} : memref<2048xi32, #tpu.memory_space<vmem>>, vector<16xi32>,
      tpu.vector_store %arg6[%swap3A_2165], %min3A_2164 {strides = array<i32>} : memref<2048xi32, #tpu.memory_space<vmem>>, vector<16xi32>,
      %get3A_2167 = arith.constant 2016 : index
      %get3A_2168 = tpu.vector_load %arg4[%get3A_2167] {strides = array<i32>} : memref<2048xf32, #tpu.memory_space<vmem>>, vector<16xf32>,
      %sub3A_2169 = arith.constant 8.000000e+00 : f32
      %sub3A_2170 = vector.broadcast %sub3A_2169 : f32 to vector<16xf32>
      %sub3A_2171 = arith.subf %get3A_2168, %sub3A_2170 : vector<16xf32>
      %div3A_2172 = arith.constant 1.000000e-01 : f32
      %div3A_2173 = vector.broadcast %div3A_2172 : f32 to vector<16xf32>
      %div3A_2174 = arith.divf %sub3A_2171, %div3A_2173 : vector<16xf32>
      %convert_element_type3A_2175 = arith.fptosi %div3A_2174 : vector<16xf32> to vector<16xi32>
      %max3A_2176 = arith.constant 0 : i32
      %max3A_2177 = vector.broadcast %max3A_2176 : i32 to vector<16xi32>
      %max3A_2178 = arith.maxsi %convert_element_type3A_2175, %max3A_2177 : vector<16xi32>
      %min3A_2179 = arith.constant 139 : i32
      %min3A_2180 = vector.broadcast %min3A_2179 : i32 to vector<16xi32>
      %min3A_2181 = arith.minsi %max3A_2178, %min3A_2180 : vector<16xi32>
      %swap3A_2182 = arith.constant 2016 : index
      %swap3A_2183 = tpu.vector_load %arg6[%swap3A_2182] {strides = array<i32>} : memref<2048xi32, #tpu.memory_space<vmem>>, vector<16xi32>,
      tpu.vector_store %arg6[%swap3A_2182], %min3A_2181 {strides = array<i32>} : memref<2048xi32, #tpu.memory_space<vmem>>, vector<16xi32>,
      %get3A_2184 = arith.constant 2032 : index
      %get3A_2185 = tpu.vector_load %arg4[%get3A_2184] {strides = array<i32>} : memref<2048xf32, #tpu.memory_space<vmem>>, vector<16xf32>,
      %sub3A_2186 = arith.constant 8.000000e+00 : f32
      %sub3A_2187 = vector.broadcast %sub3A_2186 : f32 to vector<16xf32>
      %sub3A_2188 = arith.subf %get3A_2185, %sub3A_2187 : vector<16xf32>
      %div3A_2189 = arith.constant 1.000000e-01 : f32
      %div3A_2190 = vector.broadcast %div3A_2189 : f32 to vector<16xf32>
      %div3A_2191 = arith.divf %sub3A_2188, %div3A_2190 : vector<16xf32>
      %convert_element_type3A_2192 = arith.fptosi %div3A_2191 : vector<16xf32> to vector<16xi32>
      %max3A_2193 = arith.constant 0 : i32
      %max3A_2194 = vector.broadcast %max3A_2193 : i32 to vector<16xi32>
      %max3A_2195 = arith.maxsi %convert_element_type3A_2192, %max3A_2194 : vector<16xi32>
      %min3A_2196 = arith.constant 139 : i32
      %min3A_2197 = vector.broadcast %min3A_2196 : i32 to vector<16xi32>
      %min3A_2198 = arith.minsi %max3A_2195, %min3A_2197 : vector<16xi32>
      %swap3A_2199 = arith.constant 2032 : index
      %swap3A_2200 = tpu.vector_load %arg6[%swap3A_2199] {strides = array<i32>} : memref<2048xi32, #tpu.memory_space<vmem>>, vector<16xi32>,
      tpu.vector_store %arg6[%swap3A_2199], %min3A_2198 {strides = array<i32>} : memref<2048xi32, #tpu.memory_space<vmem>>, vector<16xi32>,
      %mul3A_2201 = arith.constant 2048 : i32
      %mul3A_2202 = arith.muli %add3A_24, %mul3A_2201 : i32
      %add3A_2203 = arith.addi %mul3A_2, %mul3A_2202 : i32
      %dma_start3A_2204 = tpu.memref_slice %arg3[%add3A_2203] : memref<524288xi32, #tpu.memory_space<hbm>> -> memref<2048xi32, #tpu.memory_space<hbm>>
      %dma_start3A_2205 = tpu.memref_slice %arg3[%add3A_2203] : memref<524288xi32, #tpu.memory_space<hbm>> -> memref<2048xi32, #tpu.memory_space<hbm>>
      tpu.enqueue_dma source(%arg6 : memref<2048xi32, #tpu.memory_space<vmem>>) target(%dma_start3A_2205 : memref<2048xi32, #tpu.memory_space<hbm>>) target_semaphore(%arg10 : memref<!tpu.dma_semaphore, #tpu.memory_space<semaphore_mem>>)
      %add3A_2206 = arith.constant 2 : i32
      %add3A_2207 = arith.addi %add3A_24, %add3A_2206 : i32
      %lt3A = arith.constant 8 : i32
      %lt3A_2208 = arith.cmpi slt, %add3A_2207, %lt3A : i32
      %convert_element_type3A_2209 = arith.extui %lt3A_2208 : i1 to i32
      %cond3A_2210 = arith.constant 0 : i32
      %cond3A_2211 = arith.cmpi ne, %convert_element_type3A_2209, %cond3A_2210 : i32
      scf.if %cond3A_2211 {
        %add3A_4413 = arith.constant 2 : i32
        %add3A_4414 = arith.addi %add3A_24, %add3A_4413 : i32
        %mul3A_4415 = arith.constant 2048 : i32
        %mul3A_4416 = arith.muli %add3A_4414, %mul3A_4415 : i32
        %add3A_4417 = arith.addi %mul3A_2, %mul3A_4416 : i32
        %dma_start3A_4418 = tpu.memref_slice %arg2[%add3A_4417] : memref<524288xf32, #tpu.memory_space<hbm>> -> memref<2048xf32, #tpu.memory_space<hbm>>
        %dma_start3A_4419 = tpu.memref_slice %arg2[%add3A_4417] : memref<524288xf32, #tpu.memory_space<hbm>> -> memref<2048xf32, #tpu.memory_space<hbm>>
        tpu.enqueue_dma source(%dma_start3A_4419 : memref<2048xf32, #tpu.memory_space<hbm>>) target(%arg4 : memref<2048xf32, #tpu.memory_space<vmem>>) target_semaphore(%arg8 : memref<!tpu.dma_semaphore, #tpu.memory_space<semaphore_mem>>)
      } else {
      }
      %mul3A_2212 = arith.constant 2 : i32
      %mul3A_2213 = arith.muli %scan3A_20, %mul3A_2212 : i32
      %add3A_2214 = arith.constant 1 : i32
      %add3A_2215 = arith.addi %mul3A_2213, %add3A_2214 : i32
      %ge3A_2216 = arith.constant 2 : i32
      %ge3A_2217 = arith.cmpi sge, %add3A_2215, %ge3A_2216 : i32
      %convert_element_type3A_2218 = arith.extui %ge3A_2217 : i1 to i32
      %cond3A_2219 = arith.constant 0 : i32
      %cond3A_2220 = arith.cmpi ne, %convert_element_type3A_2218, %cond3A_2219 : i32
      scf.if %cond3A_2220 {
        %dma_wait3A_4413 = arith.constant 0 : i32
        %dma_wait3A_4414 = tpu.memref_slice %arg3[%dma_wait3A_4413] : memref<524288xi32, #tpu.memory_space<hbm>> -> memref<2048xi32, #tpu.memory_space<hbm>>
        %dma_wait3A_4415 = arith.constant 0 : i32
        %dma_wait3A_4416 = tpu.memref_slice %arg3[%dma_wait3A_4415] : memref<524288xi32, #tpu.memory_space<hbm>> -> memref<2048xi32, #tpu.memory_space<hbm>>
        tpu.wait_dma2 semaphore(%arg11 : memref<!tpu.dma_semaphore, #tpu.memory_space<semaphore_mem>>) src(%arg7 : memref<2048xi32, #tpu.memory_space<vmem>>) dst(%dma_wait3A_4416 : memref<2048xi32, #tpu.memory_space<hbm>>)
      } else {
      }
      %dma_wait3A_2221 = arith.constant 0 : i32
      %dma_wait3A_2222 = tpu.memref_slice %arg2[%dma_wait3A_2221] : memref<524288xf32, #tpu.memory_space<hbm>> -> memref<2048xf32, #tpu.memory_space<hbm>>
      %dma_wait3A_2223 = arith.constant 0 : i32
      %dma_wait3A_2224 = tpu.memref_slice %arg2[%dma_wait3A_2223] : memref<524288xf32, #tpu.memory_space<hbm>> -> memref<2048xf32, #tpu.memory_space<hbm>>
      tpu.wait_dma2 semaphore(%arg9 : memref<!tpu.dma_semaphore, #tpu.memory_space<semaphore_mem>>) src(%dma_wait3A_2224 : memref<2048xf32, #tpu.memory_space<hbm>>) dst(%arg5 : memref<2048xf32, #tpu.memory_space<vmem>>)
      %get3A_2225 = arith.constant 0 : index
      %get3A_2226 = tpu.vector_load %arg5[%get3A_2225] {strides = array<i32>} : memref<2048xf32, #tpu.memory_space<vmem>>, vector<16xf32>,
      %sub3A_2227 = arith.constant 8.000000e+00 : f32
      %sub3A_2228 = vector.broadcast %sub3A_2227 : f32 to vector<16xf32>
      %sub3A_2229 = arith.subf %get3A_2226, %sub3A_2228 : vector<16xf32>
      %div3A_2230 = arith.constant 1.000000e-01 : f32
      %div3A_2231 = vector.broadcast %div3A_2230 : f32 to vector<16xf32>
      %div3A_2232 = arith.divf %sub3A_2229, %div3A_2231 : vector<16xf32>
      %convert_element_type3A_2233 = arith.fptosi %div3A_2232 : vector<16xf32> to vector<16xi32>
      %max3A_2234 = arith.constant 0 : i32
      %max3A_2235 = vector.broadcast %max3A_2234 : i32 to vector<16xi32>
      %max3A_2236 = arith.maxsi %convert_element_type3A_2233, %max3A_2235 : vector<16xi32>
      %min3A_2237 = arith.constant 139 : i32
      %min3A_2238 = vector.broadcast %min3A_2237 : i32 to vector<16xi32>
      %min3A_2239 = arith.minsi %max3A_2236, %min3A_2238 : vector<16xi32>
      %swap3A_2240 = arith.constant 0 : index
      %swap3A_2241 = tpu.vector_load %arg7[%swap3A_2240] {strides = array<i32>} : memref<2048xi32, #tpu.memory_space<vmem>>, vector<16xi32>,
      tpu.vector_store %arg7[%swap3A_2240], %min3A_2239 {strides = array<i32>} : memref<2048xi32, #tpu.memory_space<vmem>>, vector<16xi32>,
      %get3A_2242 = arith.constant 16 : index
      %get3A_2243 = tpu.vector_load %arg5[%get3A_2242] {strides = array<i32>} : memref<2048xf32, #tpu.memory_space<vmem>>, vector<16xf32>,
      %sub3A_2244 = arith.constant 8.000000e+00 : f32
      %sub3A_2245 = vector.broadcast %sub3A_2244 : f32 to vector<16xf32>
      %sub3A_2246 = arith.subf %get3A_2243, %sub3A_2245 : vector<16xf32>
      %div3A_2247 = arith.constant 1.000000e-01 : f32
      %div3A_2248 = vector.broadcast %div3A_2247 : f32 to vector<16xf32>
      %div3A_2249 = arith.divf %sub3A_2246, %div3A_2248 : vector<16xf32>
      %convert_element_type3A_2250 = arith.fptosi %div3A_2249 : vector<16xf32> to vector<16xi32>
      %max3A_2251 = arith.constant 0 : i32
      %max3A_2252 = vector.broadcast %max3A_2251 : i32 to vector<16xi32>
      %max3A_2253 = arith.maxsi %convert_element_type3A_2250, %max3A_2252 : vector<16xi32>
      %min3A_2254 = arith.constant 139 : i32
      %min3A_2255 = vector.broadcast %min3A_2254 : i32 to vector<16xi32>
      %min3A_2256 = arith.minsi %max3A_2253, %min3A_2255 : vector<16xi32>
      %swap3A_2257 = arith.constant 16 : index
      %swap3A_2258 = tpu.vector_load %arg7[%swap3A_2257] {strides = array<i32>} : memref<2048xi32, #tpu.memory_space<vmem>>, vector<16xi32>,
      tpu.vector_store %arg7[%swap3A_2257], %min3A_2256 {strides = array<i32>} : memref<2048xi32, #tpu.memory_space<vmem>>, vector<16xi32>,
      %get3A_2259 = arith.constant 32 : index
      %get3A_2260 = tpu.vector_load %arg5[%get3A_2259] {strides = array<i32>} : memref<2048xf32, #tpu.memory_space<vmem>>, vector<16xf32>,
      %sub3A_2261 = arith.constant 8.000000e+00 : f32
      %sub3A_2262 = vector.broadcast %sub3A_2261 : f32 to vector<16xf32>
      %sub3A_2263 = arith.subf %get3A_2260, %sub3A_2262 : vector<16xf32>
      %div3A_2264 = arith.constant 1.000000e-01 : f32
      %div3A_2265 = vector.broadcast %div3A_2264 : f32 to vector<16xf32>
      %div3A_2266 = arith.divf %sub3A_2263, %div3A_2265 : vector<16xf32>
      %convert_element_type3A_2267 = arith.fptosi %div3A_2266 : vector<16xf32> to vector<16xi32>
      %max3A_2268 = arith.constant 0 : i32
      %max3A_2269 = vector.broadcast %max3A_2268 : i32 to vector<16xi32>
      %max3A_2270 = arith.maxsi %convert_element_type3A_2267, %max3A_2269 : vector<16xi32>
      %min3A_2271 = arith.constant 139 : i32
      %min3A_2272 = vector.broadcast %min3A_2271 : i32 to vector<16xi32>
      %min3A_2273 = arith.minsi %max3A_2270, %min3A_2272 : vector<16xi32>
      %swap3A_2274 = arith.constant 32 : index
      %swap3A_2275 = tpu.vector_load %arg7[%swap3A_2274] {strides = array<i32>} : memref<2048xi32, #tpu.memory_space<vmem>>, vector<16xi32>,
      tpu.vector_store %arg7[%swap3A_2274], %min3A_2273 {strides = array<i32>} : memref<2048xi32, #tpu.memory_space<vmem>>, vector<16xi32>,
      %get3A_2276 = arith.constant 48 : index
      %get3A_2277 = tpu.vector_load %arg5[%get3A_2276] {strides = array<i32>} : memref<2048xf32, #tpu.memory_space<vmem>>, vector<16xf32>,
      %sub3A_2278 = arith.constant 8.000000e+00 : f32
      %sub3A_2279 = vector.broadcast %sub3A_2278 : f32 to vector<16xf32>
      %sub3A_2280 = arith.subf %get3A_2277, %sub3A_2279 : vector<16xf32>
      %div3A_2281 = arith.constant 1.000000e-01 : f32
      %div3A_2282 = vector.broadcast %div3A_2281 : f32 to vector<16xf32>
      %div3A_2283 = arith.divf %sub3A_2280, %div3A_2282 : vector<16xf32>
      %convert_element_type3A_2284 = arith.fptosi %div3A_2283 : vector<16xf32> to vector<16xi32>
      %max3A_2285 = arith.constant 0 : i32
      %max3A_2286 = vector.broadcast %max3A_2285 : i32 to vector<16xi32>
      %max3A_2287 = arith.maxsi %convert_element_type3A_2284, %max3A_2286 : vector<16xi32>
      %min3A_2288 = arith.constant 139 : i32
      %min3A_2289 = vector.broadcast %min3A_2288 : i32 to vector<16xi32>
      %min3A_2290 = arith.minsi %max3A_2287, %min3A_2289 : vector<16xi32>
      %swap3A_2291 = arith.constant 48 : index
      %swap3A_2292 = tpu.vector_load %arg7[%swap3A_2291] {strides = array<i32>} : memref<2048xi32, #tpu.memory_space<vmem>>, vector<16xi32>,
      tpu.vector_store %arg7[%swap3A_2291], %min3A_2290 {strides = array<i32>} : memref<2048xi32, #tpu.memory_space<vmem>>, vector<16xi32>,
      %get3A_2293 = arith.constant 64 : index
      %get3A_2294 = tpu.vector_load %arg5[%get3A_2293] {strides = array<i32>} : memref<2048xf32, #tpu.memory_space<vmem>>, vector<16xf32>,
      %sub3A_2295 = arith.constant 8.000000e+00 : f32
      %sub3A_2296 = vector.broadcast %sub3A_2295 : f32 to vector<16xf32>
      %sub3A_2297 = arith.subf %get3A_2294, %sub3A_2296 : vector<16xf32>
      %div3A_2298 = arith.constant 1.000000e-01 : f32
      %div3A_2299 = vector.broadcast %div3A_2298 : f32 to vector<16xf32>
      %div3A_2300 = arith.divf %sub3A_2297, %div3A_2299 : vector<16xf32>
      %convert_element_type3A_2301 = arith.fptosi %div3A_2300 : vector<16xf32> to vector<16xi32>
      %max3A_2302 = arith.constant 0 : i32
      %max3A_2303 = vector.broadcast %max3A_2302 : i32 to vector<16xi32>
      %max3A_2304 = arith.maxsi %convert_element_type3A_2301, %max3A_2303 : vector<16xi32>
      %min3A_2305 = arith.constant 139 : i32
      %min3A_2306 = vector.broadcast %min3A_2305 : i32 to vector<16xi32>
      %min3A_2307 = arith.minsi %max3A_2304, %min3A_2306 : vector<16xi32>
      %swap3A_2308 = arith.constant 64 : index
      %swap3A_2309 = tpu.vector_load %arg7[%swap3A_2308] {strides = array<i32>} : memref<2048xi32, #tpu.memory_space<vmem>>, vector<16xi32>,
      tpu.vector_store %arg7[%swap3A_2308], %min3A_2307 {strides = array<i32>} : memref<2048xi32, #tpu.memory_space<vmem>>, vector<16xi32>,
      %get3A_2310 = arith.constant 80 : index
      %get3A_2311 = tpu.vector_load %arg5[%get3A_2310] {strides = array<i32>} : memref<2048xf32, #tpu.memory_space<vmem>>, vector<16xf32>,
      %sub3A_2312 = arith.constant 8.000000e+00 : f32
      %sub3A_2313 = vector.broadcast %sub3A_2312 : f32 to vector<16xf32>
      %sub3A_2314 = arith.subf %get3A_2311, %sub3A_2313 : vector<16xf32>
      %div3A_2315 = arith.constant 1.000000e-01 : f32
      %div3A_2316 = vector.broadcast %div3A_2315 : f32 to vector<16xf32>
      %div3A_2317 = arith.divf %sub3A_2314, %div3A_2316 : vector<16xf32>
      %convert_element_type3A_2318 = arith.fptosi %div3A_2317 : vector<16xf32> to vector<16xi32>
      %max3A_2319 = arith.constant 0 : i32
      %max3A_2320 = vector.broadcast %max3A_2319 : i32 to vector<16xi32>
      %max3A_2321 = arith.maxsi %convert_element_type3A_2318, %max3A_2320 : vector<16xi32>
      %min3A_2322 = arith.constant 139 : i32
      %min3A_2323 = vector.broadcast %min3A_2322 : i32 to vector<16xi32>
      %min3A_2324 = arith.minsi %max3A_2321, %min3A_2323 : vector<16xi32>
      %swap3A_2325 = arith.constant 80 : index
      %swap3A_2326 = tpu.vector_load %arg7[%swap3A_2325] {strides = array<i32>} : memref<2048xi32, #tpu.memory_space<vmem>>, vector<16xi32>,
      tpu.vector_store %arg7[%swap3A_2325], %min3A_2324 {strides = array<i32>} : memref<2048xi32, #tpu.memory_space<vmem>>, vector<16xi32>,
      %get3A_2327 = arith.constant 96 : index
      %get3A_2328 = tpu.vector_load %arg5[%get3A_2327] {strides = array<i32>} : memref<2048xf32, #tpu.memory_space<vmem>>, vector<16xf32>,
      %sub3A_2329 = arith.constant 8.000000e+00 : f32
      %sub3A_2330 = vector.broadcast %sub3A_2329 : f32 to vector<16xf32>
      %sub3A_2331 = arith.subf %get3A_2328, %sub3A_2330 : vector<16xf32>
      %div3A_2332 = arith.constant 1.000000e-01 : f32
      %div3A_2333 = vector.broadcast %div3A_2332 : f32 to vector<16xf32>
      %div3A_2334 = arith.divf %sub3A_2331, %div3A_2333 : vector<16xf32>
      %convert_element_type3A_2335 = arith.fptosi %div3A_2334 : vector<16xf32> to vector<16xi32>
      %max3A_2336 = arith.constant 0 : i32
      %max3A_2337 = vector.broadcast %max3A_2336 : i32 to vector<16xi32>
      %max3A_2338 = arith.maxsi %convert_element_type3A_2335, %max3A_2337 : vector<16xi32>
      %min3A_2339 = arith.constant 139 : i32
      %min3A_2340 = vector.broadcast %min3A_2339 : i32 to vector<16xi32>
      %min3A_2341 = arith.minsi %max3A_2338, %min3A_2340 : vector<16xi32>
      %swap3A_2342 = arith.constant 96 : index
      %swap3A_2343 = tpu.vector_load %arg7[%swap3A_2342] {strides = array<i32>} : memref<2048xi32, #tpu.memory_space<vmem>>, vector<16xi32>,
      tpu.vector_store %arg7[%swap3A_2342], %min3A_2341 {strides = array<i32>} : memref<2048xi32, #tpu.memory_space<vmem>>, vector<16xi32>,
      %get3A_2344 = arith.constant 112 : index
      %get3A_2345 = tpu.vector_load %arg5[%get3A_2344] {strides = array<i32>} : memref<2048xf32, #tpu.memory_space<vmem>>, vector<16xf32>,
      %sub3A_2346 = arith.constant 8.000000e+00 : f32
      %sub3A_2347 = vector.broadcast %sub3A_2346 : f32 to vector<16xf32>
      %sub3A_2348 = arith.subf %get3A_2345, %sub3A_2347 : vector<16xf32>
      %div3A_2349 = arith.constant 1.000000e-01 : f32
      %div3A_2350 = vector.broadcast %div3A_2349 : f32 to vector<16xf32>
      %div3A_2351 = arith.divf %sub3A_2348, %div3A_2350 : vector<16xf32>
      %convert_element_type3A_2352 = arith.fptosi %div3A_2351 : vector<16xf32> to vector<16xi32>
      %max3A_2353 = arith.constant 0 : i32
      %max3A_2354 = vector.broadcast %max3A_2353 : i32 to vector<16xi32>
      %max3A_2355 = arith.maxsi %convert_element_type3A_2352, %max3A_2354 : vector<16xi32>
      %min3A_2356 = arith.constant 139 : i32
      %min3A_2357 = vector.broadcast %min3A_2356 : i32 to vector<16xi32>
      %min3A_2358 = arith.minsi %max3A_2355, %min3A_2357 : vector<16xi32>
      %swap3A_2359 = arith.constant 112 : index
      %swap3A_2360 = tpu.vector_load %arg7[%swap3A_2359] {strides = array<i32>} : memref<2048xi32, #tpu.memory_space<vmem>>, vector<16xi32>,
      tpu.vector_store %arg7[%swap3A_2359], %min3A_2358 {strides = array<i32>} : memref<2048xi32, #tpu.memory_space<vmem>>, vector<16xi32>,
      %get3A_2361 = arith.constant 128 : index
      %get3A_2362 = tpu.vector_load %arg5[%get3A_2361] {strides = array<i32>} : memref<2048xf32, #tpu.memory_space<vmem>>, vector<16xf32>,
      %sub3A_2363 = arith.constant 8.000000e+00 : f32
      %sub3A_2364 = vector.broadcast %sub3A_2363 : f32 to vector<16xf32>
      %sub3A_2365 = arith.subf %get3A_2362, %sub3A_2364 : vector<16xf32>
      %div3A_2366 = arith.constant 1.000000e-01 : f32
      %div3A_2367 = vector.broadcast %div3A_2366 : f32 to vector<16xf32>
      %div3A_2368 = arith.divf %sub3A_2365, %div3A_2367 : vector<16xf32>
      %convert_element_type3A_2369 = arith.fptosi %div3A_2368 : vector<16xf32> to vector<16xi32>
      %max3A_2370 = arith.constant 0 : i32
      %max3A_2371 = vector.broadcast %max3A_2370 : i32 to vector<16xi32>
      %max3A_2372 = arith.maxsi %convert_element_type3A_2369, %max3A_2371 : vector<16xi32>
      %min3A_2373 = arith.constant 139 : i32
      %min3A_2374 = vector.broadcast %min3A_2373 : i32 to vector<16xi32>
      %min3A_2375 = arith.minsi %max3A_2372, %min3A_2374 : vector<16xi32>
      %swap3A_2376 = arith.constant 128 : index
      %swap3A_2377 = tpu.vector_load %arg7[%swap3A_2376] {strides = array<i32>} : memref<2048xi32, #tpu.memory_space<vmem>>, vector<16xi32>,
      tpu.vector_store %arg7[%swap3A_2376], %min3A_2375 {strides = array<i32>} : memref<2048xi32, #tpu.memory_space<vmem>>, vector<16xi32>,
      %get3A_2378 = arith.constant 144 : index
      %get3A_2379 = tpu.vector_load %arg5[%get3A_2378] {strides = array<i32>} : memref<2048xf32, #tpu.memory_space<vmem>>, vector<16xf32>,
      %sub3A_2380 = arith.constant 8.000000e+00 : f32
      %sub3A_2381 = vector.broadcast %sub3A_2380 : f32 to vector<16xf32>
      %sub3A_2382 = arith.subf %get3A_2379, %sub3A_2381 : vector<16xf32>
      %div3A_2383 = arith.constant 1.000000e-01 : f32
      %div3A_2384 = vector.broadcast %div3A_2383 : f32 to vector<16xf32>
      %div3A_2385 = arith.divf %sub3A_2382, %div3A_2384 : vector<16xf32>
      %convert_element_type3A_2386 = arith.fptosi %div3A_2385 : vector<16xf32> to vector<16xi32>
      %max3A_2387 = arith.constant 0 : i32
      %max3A_2388 = vector.broadcast %max3A_2387 : i32 to vector<16xi32>
      %max3A_2389 = arith.maxsi %convert_element_type3A_2386, %max3A_2388 : vector<16xi32>
      %min3A_2390 = arith.constant 139 : i32
      %min3A_2391 = vector.broadcast %min3A_2390 : i32 to vector<16xi32>
      %min3A_2392 = arith.minsi %max3A_2389, %min3A_2391 : vector<16xi32>
      %swap3A_2393 = arith.constant 144 : index
      %swap3A_2394 = tpu.vector_load %arg7[%swap3A_2393] {strides = array<i32>} : memref<2048xi32, #tpu.memory_space<vmem>>, vector<16xi32>,
      tpu.vector_store %arg7[%swap3A_2393], %min3A_2392 {strides = array<i32>} : memref<2048xi32, #tpu.memory_space<vmem>>, vector<16xi32>,
      %get3A_2395 = arith.constant 160 : index
      %get3A_2396 = tpu.vector_load %arg5[%get3A_2395] {strides = array<i32>} : memref<2048xf32, #tpu.memory_space<vmem>>, vector<16xf32>,
      %sub3A_2397 = arith.constant 8.000000e+00 : f32
      %sub3A_2398 = vector.broadcast %sub3A_2397 : f32 to vector<16xf32>
      %sub3A_2399 = arith.subf %get3A_2396, %sub3A_2398 : vector<16xf32>
      %div3A_2400 = arith.constant 1.000000e-01 : f32
      %div3A_2401 = vector.broadcast %div3A_2400 : f32 to vector<16xf32>
      %div3A_2402 = arith.divf %sub3A_2399, %div3A_2401 : vector<16xf32>
      %convert_element_type3A_2403 = arith.fptosi %div3A_2402 : vector<16xf32> to vector<16xi32>
      %max3A_2404 = arith.constant 0 : i32
      %max3A_2405 = vector.broadcast %max3A_2404 : i32 to vector<16xi32>
      %max3A_2406 = arith.maxsi %convert_element_type3A_2403, %max3A_2405 : vector<16xi32>
      %min3A_2407 = arith.constant 139 : i32
      %min3A_2408 = vector.broadcast %min3A_2407 : i32 to vector<16xi32>
      %min3A_2409 = arith.minsi %max3A_2406, %min3A_2408 : vector<16xi32>
      %swap3A_2410 = arith.constant 160 : index
      %swap3A_2411 = tpu.vector_load %arg7[%swap3A_2410] {strides = array<i32>} : memref<2048xi32, #tpu.memory_space<vmem>>, vector<16xi32>,
      tpu.vector_store %arg7[%swap3A_2410], %min3A_2409 {strides = array<i32>} : memref<2048xi32, #tpu.memory_space<vmem>>, vector<16xi32>,
      %get3A_2412 = arith.constant 176 : index
      %get3A_2413 = tpu.vector_load %arg5[%get3A_2412] {strides = array<i32>} : memref<2048xf32, #tpu.memory_space<vmem>>, vector<16xf32>,
      %sub3A_2414 = arith.constant 8.000000e+00 : f32
      %sub3A_2415 = vector.broadcast %sub3A_2414 : f32 to vector<16xf32>
      %sub3A_2416 = arith.subf %get3A_2413, %sub3A_2415 : vector<16xf32>
      %div3A_2417 = arith.constant 1.000000e-01 : f32
      %div3A_2418 = vector.broadcast %div3A_2417 : f32 to vector<16xf32>
      %div3A_2419 = arith.divf %sub3A_2416, %div3A_2418 : vector<16xf32>
      %convert_element_type3A_2420 = arith.fptosi %div3A_2419 : vector<16xf32> to vector<16xi32>
      %max3A_2421 = arith.constant 0 : i32
      %max3A_2422 = vector.broadcast %max3A_2421 : i32 to vector<16xi32>
      %max3A_2423 = arith.maxsi %convert_element_type3A_2420, %max3A_2422 : vector<16xi32>
      %min3A_2424 = arith.constant 139 : i32
      %min3A_2425 = vector.broadcast %min3A_2424 : i32 to vector<16xi32>
      %min3A_2426 = arith.minsi %max3A_2423, %min3A_2425 : vector<16xi32>
      %swap3A_2427 = arith.constant 176 : index
      %swap3A_2428 = tpu.vector_load %arg7[%swap3A_2427] {strides = array<i32>} : memref<2048xi32, #tpu.memory_space<vmem>>, vector<16xi32>,
      tpu.vector_store %arg7[%swap3A_2427], %min3A_2426 {strides = array<i32>} : memref<2048xi32, #tpu.memory_space<vmem>>, vector<16xi32>,
      %get3A_2429 = arith.constant 192 : index
      %get3A_2430 = tpu.vector_load %arg5[%get3A_2429] {strides = array<i32>} : memref<2048xf32, #tpu.memory_space<vmem>>, vector<16xf32>,
      %sub3A_2431 = arith.constant 8.000000e+00 : f32
      %sub3A_2432 = vector.broadcast %sub3A_2431 : f32 to vector<16xf32>
      %sub3A_2433 = arith.subf %get3A_2430, %sub3A_2432 : vector<16xf32>
      %div3A_2434 = arith.constant 1.000000e-01 : f32
      %div3A_2435 = vector.broadcast %div3A_2434 : f32 to vector<16xf32>
      %div3A_2436 = arith.divf %sub3A_2433, %div3A_2435 : vector<16xf32>
      %convert_element_type3A_2437 = arith.fptosi %div3A_2436 : vector<16xf32> to vector<16xi32>
      %max3A_2438 = arith.constant 0 : i32
      %max3A_2439 = vector.broadcast %max3A_2438 : i32 to vector<16xi32>
      %max3A_2440 = arith.maxsi %convert_element_type3A_2437, %max3A_2439 : vector<16xi32>
      %min3A_2441 = arith.constant 139 : i32
      %min3A_2442 = vector.broadcast %min3A_2441 : i32 to vector<16xi32>
      %min3A_2443 = arith.minsi %max3A_2440, %min3A_2442 : vector<16xi32>
      %swap3A_2444 = arith.constant 192 : index
      %swap3A_2445 = tpu.vector_load %arg7[%swap3A_2444] {strides = array<i32>} : memref<2048xi32, #tpu.memory_space<vmem>>, vector<16xi32>,
      tpu.vector_store %arg7[%swap3A_2444], %min3A_2443 {strides = array<i32>} : memref<2048xi32, #tpu.memory_space<vmem>>, vector<16xi32>,
      %get3A_2446 = arith.constant 208 : index
      %get3A_2447 = tpu.vector_load %arg5[%get3A_2446] {strides = array<i32>} : memref<2048xf32, #tpu.memory_space<vmem>>, vector<16xf32>,
      %sub3A_2448 = arith.constant 8.000000e+00 : f32
      %sub3A_2449 = vector.broadcast %sub3A_2448 : f32 to vector<16xf32>
      %sub3A_2450 = arith.subf %get3A_2447, %sub3A_2449 : vector<16xf32>
      %div3A_2451 = arith.constant 1.000000e-01 : f32
      %div3A_2452 = vector.broadcast %div3A_2451 : f32 to vector<16xf32>
      %div3A_2453 = arith.divf %sub3A_2450, %div3A_2452 : vector<16xf32>
      %convert_element_type3A_2454 = arith.fptosi %div3A_2453 : vector<16xf32> to vector<16xi32>
      %max3A_2455 = arith.constant 0 : i32
      %max3A_2456 = vector.broadcast %max3A_2455 : i32 to vector<16xi32>
      %max3A_2457 = arith.maxsi %convert_element_type3A_2454, %max3A_2456 : vector<16xi32>
      %min3A_2458 = arith.constant 139 : i32
      %min3A_2459 = vector.broadcast %min3A_2458 : i32 to vector<16xi32>
      %min3A_2460 = arith.minsi %max3A_2457, %min3A_2459 : vector<16xi32>
      %swap3A_2461 = arith.constant 208 : index
      %swap3A_2462 = tpu.vector_load %arg7[%swap3A_2461] {strides = array<i32>} : memref<2048xi32, #tpu.memory_space<vmem>>, vector<16xi32>,
      tpu.vector_store %arg7[%swap3A_2461], %min3A_2460 {strides = array<i32>} : memref<2048xi32, #tpu.memory_space<vmem>>, vector<16xi32>,
      %get3A_2463 = arith.constant 224 : index
      %get3A_2464 = tpu.vector_load %arg5[%get3A_2463] {strides = array<i32>} : memref<2048xf32, #tpu.memory_space<vmem>>, vector<16xf32>,
      %sub3A_2465 = arith.constant 8.000000e+00 : f32
      %sub3A_2466 = vector.broadcast %sub3A_2465 : f32 to vector<16xf32>
      %sub3A_2467 = arith.subf %get3A_2464, %sub3A_2466 : vector<16xf32>
      %div3A_2468 = arith.constant 1.000000e-01 : f32
      %div3A_2469 = vector.broadcast %div3A_2468 : f32 to vector<16xf32>
      %div3A_2470 = arith.divf %sub3A_2467, %div3A_2469 : vector<16xf32>
      %convert_element_type3A_2471 = arith.fptosi %div3A_2470 : vector<16xf32> to vector<16xi32>
      %max3A_2472 = arith.constant 0 : i32
      %max3A_2473 = vector.broadcast %max3A_2472 : i32 to vector<16xi32>
      %max3A_2474 = arith.maxsi %convert_element_type3A_2471, %max3A_2473 : vector<16xi32>
      %min3A_2475 = arith.constant 139 : i32
      %min3A_2476 = vector.broadcast %min3A_2475 : i32 to vector<16xi32>
      %min3A_2477 = arith.minsi %max3A_2474, %min3A_2476 : vector<16xi32>
      %swap3A_2478 = arith.constant 224 : index
      %swap3A_2479 = tpu.vector_load %arg7[%swap3A_2478] {strides = array<i32>} : memref<2048xi32, #tpu.memory_space<vmem>>, vector<16xi32>,
      tpu.vector_store %arg7[%swap3A_2478], %min3A_2477 {strides = array<i32>} : memref<2048xi32, #tpu.memory_space<vmem>>, vector<16xi32>,
      %get3A_2480 = arith.constant 240 : index
      %get3A_2481 = tpu.vector_load %arg5[%get3A_2480] {strides = array<i32>} : memref<2048xf32, #tpu.memory_space<vmem>>, vector<16xf32>,
      %sub3A_2482 = arith.constant 8.000000e+00 : f32
      %sub3A_2483 = vector.broadcast %sub3A_2482 : f32 to vector<16xf32>
      %sub3A_2484 = arith.subf %get3A_2481, %sub3A_2483 : vector<16xf32>
      %div3A_2485 = arith.constant 1.000000e-01 : f32
      %div3A_2486 = vector.broadcast %div3A_2485 : f32 to vector<16xf32>
      %div3A_2487 = arith.divf %sub3A_2484, %div3A_2486 : vector<16xf32>
      %convert_element_type3A_2488 = arith.fptosi %div3A_2487 : vector<16xf32> to vector<16xi32>
      %max3A_2489 = arith.constant 0 : i32
      %max3A_2490 = vector.broadcast %max3A_2489 : i32 to vector<16xi32>
      %max3A_2491 = arith.maxsi %convert_element_type3A_2488, %max3A_2490 : vector<16xi32>
      %min3A_2492 = arith.constant 139 : i32
      %min3A_2493 = vector.broadcast %min3A_2492 : i32 to vector<16xi32>
      %min3A_2494 = arith.minsi %max3A_2491, %min3A_2493 : vector<16xi32>
      %swap3A_2495 = arith.constant 240 : index
      %swap3A_2496 = tpu.vector_load %arg7[%swap3A_2495] {strides = array<i32>} : memref<2048xi32, #tpu.memory_space<vmem>>, vector<16xi32>,
      tpu.vector_store %arg7[%swap3A_2495], %min3A_2494 {strides = array<i32>} : memref<2048xi32, #tpu.memory_space<vmem>>, vector<16xi32>,
      %get3A_2497 = arith.constant 256 : index
      %get3A_2498 = tpu.vector_load %arg5[%get3A_2497] {strides = array<i32>} : memref<2048xf32, #tpu.memory_space<vmem>>, vector<16xf32>,
      %sub3A_2499 = arith.constant 8.000000e+00 : f32
      %sub3A_2500 = vector.broadcast %sub3A_2499 : f32 to vector<16xf32>
      %sub3A_2501 = arith.subf %get3A_2498, %sub3A_2500 : vector<16xf32>
      %div3A_2502 = arith.constant 1.000000e-01 : f32
      %div3A_2503 = vector.broadcast %div3A_2502 : f32 to vector<16xf32>
      %div3A_2504 = arith.divf %sub3A_2501, %div3A_2503 : vector<16xf32>
      %convert_element_type3A_2505 = arith.fptosi %div3A_2504 : vector<16xf32> to vector<16xi32>
      %max3A_2506 = arith.constant 0 : i32
      %max3A_2507 = vector.broadcast %max3A_2506 : i32 to vector<16xi32>
      %max3A_2508 = arith.maxsi %convert_element_type3A_2505, %max3A_2507 : vector<16xi32>
      %min3A_2509 = arith.constant 139 : i32
      %min3A_2510 = vector.broadcast %min3A_2509 : i32 to vector<16xi32>
      %min3A_2511 = arith.minsi %max3A_2508, %min3A_2510 : vector<16xi32>
      %swap3A_2512 = arith.constant 256 : index
      %swap3A_2513 = tpu.vector_load %arg7[%swap3A_2512] {strides = array<i32>} : memref<2048xi32, #tpu.memory_space<vmem>>, vector<16xi32>,
      tpu.vector_store %arg7[%swap3A_2512], %min3A_2511 {strides = array<i32>} : memref<2048xi32, #tpu.memory_space<vmem>>, vector<16xi32>,
      %get3A_2514 = arith.constant 272 : index
      %get3A_2515 = tpu.vector_load %arg5[%get3A_2514] {strides = array<i32>} : memref<2048xf32, #tpu.memory_space<vmem>>, vector<16xf32>,
      %sub3A_2516 = arith.constant 8.000000e+00 : f32
      %sub3A_2517 = vector.broadcast %sub3A_2516 : f32 to vector<16xf32>
      %sub3A_2518 = arith.subf %get3A_2515, %sub3A_2517 : vector<16xf32>
      %div3A_2519 = arith.constant 1.000000e-01 : f32
      %div3A_2520 = vector.broadcast %div3A_2519 : f32 to vector<16xf32>
      %div3A_2521 = arith.divf %sub3A_2518, %div3A_2520 : vector<16xf32>
      %convert_element_type3A_2522 = arith.fptosi %div3A_2521 : vector<16xf32> to vector<16xi32>
      %max3A_2523 = arith.constant 0 : i32
      %max3A_2524 = vector.broadcast %max3A_2523 : i32 to vector<16xi32>
      %max3A_2525 = arith.maxsi %convert_element_type3A_2522, %max3A_2524 : vector<16xi32>
      %min3A_2526 = arith.constant 139 : i32
      %min3A_2527 = vector.broadcast %min3A_2526 : i32 to vector<16xi32>
      %min3A_2528 = arith.minsi %max3A_2525, %min3A_2527 : vector<16xi32>
      %swap3A_2529 = arith.constant 272 : index
      %swap3A_2530 = tpu.vector_load %arg7[%swap3A_2529] {strides = array<i32>} : memref<2048xi32, #tpu.memory_space<vmem>>, vector<16xi32>,
      tpu.vector_store %arg7[%swap3A_2529], %min3A_2528 {strides = array<i32>} : memref<2048xi32, #tpu.memory_space<vmem>>, vector<16xi32>,
      %get3A_2531 = arith.constant 288 : index
      %get3A_2532 = tpu.vector_load %arg5[%get3A_2531] {strides = array<i32>} : memref<2048xf32, #tpu.memory_space<vmem>>, vector<16xf32>,
      %sub3A_2533 = arith.constant 8.000000e+00 : f32
      %sub3A_2534 = vector.broadcast %sub3A_2533 : f32 to vector<16xf32>
      %sub3A_2535 = arith.subf %get3A_2532, %sub3A_2534 : vector<16xf32>
      %div3A_2536 = arith.constant 1.000000e-01 : f32
      %div3A_2537 = vector.broadcast %div3A_2536 : f32 to vector<16xf32>
      %div3A_2538 = arith.divf %sub3A_2535, %div3A_2537 : vector<16xf32>
      %convert_element_type3A_2539 = arith.fptosi %div3A_2538 : vector<16xf32> to vector<16xi32>
      %max3A_2540 = arith.constant 0 : i32
      %max3A_2541 = vector.broadcast %max3A_2540 : i32 to vector<16xi32>
      %max3A_2542 = arith.maxsi %convert_element_type3A_2539, %max3A_2541 : vector<16xi32>
      %min3A_2543 = arith.constant 139 : i32
      %min3A_2544 = vector.broadcast %min3A_2543 : i32 to vector<16xi32>
      %min3A_2545 = arith.minsi %max3A_2542, %min3A_2544 : vector<16xi32>
      %swap3A_2546 = arith.constant 288 : index
      %swap3A_2547 = tpu.vector_load %arg7[%swap3A_2546] {strides = array<i32>} : memref<2048xi32, #tpu.memory_space<vmem>>, vector<16xi32>,
      tpu.vector_store %arg7[%swap3A_2546], %min3A_2545 {strides = array<i32>} : memref<2048xi32, #tpu.memory_space<vmem>>, vector<16xi32>,
      %get3A_2548 = arith.constant 304 : index
      %get3A_2549 = tpu.vector_load %arg5[%get3A_2548] {strides = array<i32>} : memref<2048xf32, #tpu.memory_space<vmem>>, vector<16xf32>,
      %sub3A_2550 = arith.constant 8.000000e+00 : f32
      %sub3A_2551 = vector.broadcast %sub3A_2550 : f32 to vector<16xf32>
      %sub3A_2552 = arith.subf %get3A_2549, %sub3A_2551 : vector<16xf32>
      %div3A_2553 = arith.constant 1.000000e-01 : f32
      %div3A_2554 = vector.broadcast %div3A_2553 : f32 to vector<16xf32>
      %div3A_2555 = arith.divf %sub3A_2552, %div3A_2554 : vector<16xf32>
      %convert_element_type3A_2556 = arith.fptosi %div3A_2555 : vector<16xf32> to vector<16xi32>
      %max3A_2557 = arith.constant 0 : i32
      %max3A_2558 = vector.broadcast %max3A_2557 : i32 to vector<16xi32>
      %max3A_2559 = arith.maxsi %convert_element_type3A_2556, %max3A_2558 : vector<16xi32>
      %min3A_2560 = arith.constant 139 : i32
      %min3A_2561 = vector.broadcast %min3A_2560 : i32 to vector<16xi32>
      %min3A_2562 = arith.minsi %max3A_2559, %min3A_2561 : vector<16xi32>
      %swap3A_2563 = arith.constant 304 : index
      %swap3A_2564 = tpu.vector_load %arg7[%swap3A_2563] {strides = array<i32>} : memref<2048xi32, #tpu.memory_space<vmem>>, vector<16xi32>,
      tpu.vector_store %arg7[%swap3A_2563], %min3A_2562 {strides = array<i32>} : memref<2048xi32, #tpu.memory_space<vmem>>, vector<16xi32>,
      %get3A_2565 = arith.constant 320 : index
      %get3A_2566 = tpu.vector_load %arg5[%get3A_2565] {strides = array<i32>} : memref<2048xf32, #tpu.memory_space<vmem>>, vector<16xf32>,
      %sub3A_2567 = arith.constant 8.000000e+00 : f32
      %sub3A_2568 = vector.broadcast %sub3A_2567 : f32 to vector<16xf32>
      %sub3A_2569 = arith.subf %get3A_2566, %sub3A_2568 : vector<16xf32>
      %div3A_2570 = arith.constant 1.000000e-01 : f32
      %div3A_2571 = vector.broadcast %div3A_2570 : f32 to vector<16xf32>
      %div3A_2572 = arith.divf %sub3A_2569, %div3A_2571 : vector<16xf32>
      %convert_element_type3A_2573 = arith.fptosi %div3A_2572 : vector<16xf32> to vector<16xi32>
      %max3A_2574 = arith.constant 0 : i32
      %max3A_2575 = vector.broadcast %max3A_2574 : i32 to vector<16xi32>
      %max3A_2576 = arith.maxsi %convert_element_type3A_2573, %max3A_2575 : vector<16xi32>
      %min3A_2577 = arith.constant 139 : i32
      %min3A_2578 = vector.broadcast %min3A_2577 : i32 to vector<16xi32>
      %min3A_2579 = arith.minsi %max3A_2576, %min3A_2578 : vector<16xi32>
      %swap3A_2580 = arith.constant 320 : index
      %swap3A_2581 = tpu.vector_load %arg7[%swap3A_2580] {strides = array<i32>} : memref<2048xi32, #tpu.memory_space<vmem>>, vector<16xi32>,
      tpu.vector_store %arg7[%swap3A_2580], %min3A_2579 {strides = array<i32>} : memref<2048xi32, #tpu.memory_space<vmem>>, vector<16xi32>,
      %get3A_2582 = arith.constant 336 : index
      %get3A_2583 = tpu.vector_load %arg5[%get3A_2582] {strides = array<i32>} : memref<2048xf32, #tpu.memory_space<vmem>>, vector<16xf32>,
      %sub3A_2584 = arith.constant 8.000000e+00 : f32
      %sub3A_2585 = vector.broadcast %sub3A_2584 : f32 to vector<16xf32>
      %sub3A_2586 = arith.subf %get3A_2583, %sub3A_2585 : vector<16xf32>
      %div3A_2587 = arith.constant 1.000000e-01 : f32
      %div3A_2588 = vector.broadcast %div3A_2587 : f32 to vector<16xf32>
      %div3A_2589 = arith.divf %sub3A_2586, %div3A_2588 : vector<16xf32>
      %convert_element_type3A_2590 = arith.fptosi %div3A_2589 : vector<16xf32> to vector<16xi32>
      %max3A_2591 = arith.constant 0 : i32
      %max3A_2592 = vector.broadcast %max3A_2591 : i32 to vector<16xi32>
      %max3A_2593 = arith.maxsi %convert_element_type3A_2590, %max3A_2592 : vector<16xi32>
      %min3A_2594 = arith.constant 139 : i32
      %min3A_2595 = vector.broadcast %min3A_2594 : i32 to vector<16xi32>
      %min3A_2596 = arith.minsi %max3A_2593, %min3A_2595 : vector<16xi32>
      %swap3A_2597 = arith.constant 336 : index
      %swap3A_2598 = tpu.vector_load %arg7[%swap3A_2597] {strides = array<i32>} : memref<2048xi32, #tpu.memory_space<vmem>>, vector<16xi32>,
      tpu.vector_store %arg7[%swap3A_2597], %min3A_2596 {strides = array<i32>} : memref<2048xi32, #tpu.memory_space<vmem>>, vector<16xi32>,
      %get3A_2599 = arith.constant 352 : index
      %get3A_2600 = tpu.vector_load %arg5[%get3A_2599] {strides = array<i32>} : memref<2048xf32, #tpu.memory_space<vmem>>, vector<16xf32>,
      %sub3A_2601 = arith.constant 8.000000e+00 : f32
      %sub3A_2602 = vector.broadcast %sub3A_2601 : f32 to vector<16xf32>
      %sub3A_2603 = arith.subf %get3A_2600, %sub3A_2602 : vector<16xf32>
      %div3A_2604 = arith.constant 1.000000e-01 : f32
      %div3A_2605 = vector.broadcast %div3A_2604 : f32 to vector<16xf32>
      %div3A_2606 = arith.divf %sub3A_2603, %div3A_2605 : vector<16xf32>
      %convert_element_type3A_2607 = arith.fptosi %div3A_2606 : vector<16xf32> to vector<16xi32>
      %max3A_2608 = arith.constant 0 : i32
      %max3A_2609 = vector.broadcast %max3A_2608 : i32 to vector<16xi32>
      %max3A_2610 = arith.maxsi %convert_element_type3A_2607, %max3A_2609 : vector<16xi32>
      %min3A_2611 = arith.constant 139 : i32
      %min3A_2612 = vector.broadcast %min3A_2611 : i32 to vector<16xi32>
      %min3A_2613 = arith.minsi %max3A_2610, %min3A_2612 : vector<16xi32>
      %swap3A_2614 = arith.constant 352 : index
      %swap3A_2615 = tpu.vector_load %arg7[%swap3A_2614] {strides = array<i32>} : memref<2048xi32, #tpu.memory_space<vmem>>, vector<16xi32>,
      tpu.vector_store %arg7[%swap3A_2614], %min3A_2613 {strides = array<i32>} : memref<2048xi32, #tpu.memory_space<vmem>>, vector<16xi32>,
      %get3A_2616 = arith.constant 368 : index
      %get3A_2617 = tpu.vector_load %arg5[%get3A_2616] {strides = array<i32>} : memref<2048xf32, #tpu.memory_space<vmem>>, vector<16xf32>,
      %sub3A_2618 = arith.constant 8.000000e+00 : f32
      %sub3A_2619 = vector.broadcast %sub3A_2618 : f32 to vector<16xf32>
      %sub3A_2620 = arith.subf %get3A_2617, %sub3A_2619 : vector<16xf32>
      %div3A_2621 = arith.constant 1.000000e-01 : f32
      %div3A_2622 = vector.broadcast %div3A_2621 : f32 to vector<16xf32>
      %div3A_2623 = arith.divf %sub3A_2620, %div3A_2622 : vector<16xf32>
      %convert_element_type3A_2624 = arith.fptosi %div3A_2623 : vector<16xf32> to vector<16xi32>
      %max3A_2625 = arith.constant 0 : i32
      %max3A_2626 = vector.broadcast %max3A_2625 : i32 to vector<16xi32>
      %max3A_2627 = arith.maxsi %convert_element_type3A_2624, %max3A_2626 : vector<16xi32>
      %min3A_2628 = arith.constant 139 : i32
      %min3A_2629 = vector.broadcast %min3A_2628 : i32 to vector<16xi32>
      %min3A_2630 = arith.minsi %max3A_2627, %min3A_2629 : vector<16xi32>
      %swap3A_2631 = arith.constant 368 : index
      %swap3A_2632 = tpu.vector_load %arg7[%swap3A_2631] {strides = array<i32>} : memref<2048xi32, #tpu.memory_space<vmem>>, vector<16xi32>,
      tpu.vector_store %arg7[%swap3A_2631], %min3A_2630 {strides = array<i32>} : memref<2048xi32, #tpu.memory_space<vmem>>, vector<16xi32>,
      %get3A_2633 = arith.constant 384 : index
      %get3A_2634 = tpu.vector_load %arg5[%get3A_2633] {strides = array<i32>} : memref<2048xf32, #tpu.memory_space<vmem>>, vector<16xf32>,
      %sub3A_2635 = arith.constant 8.000000e+00 : f32
      %sub3A_2636 = vector.broadcast %sub3A_2635 : f32 to vector<16xf32>
      %sub3A_2637 = arith.subf %get3A_2634, %sub3A_2636 : vector<16xf32>
      %div3A_2638 = arith.constant 1.000000e-01 : f32
      %div3A_2639 = vector.broadcast %div3A_2638 : f32 to vector<16xf32>
      %div3A_2640 = arith.divf %sub3A_2637, %div3A_2639 : vector<16xf32>
      %convert_element_type3A_2641 = arith.fptosi %div3A_2640 : vector<16xf32> to vector<16xi32>
      %max3A_2642 = arith.constant 0 : i32
      %max3A_2643 = vector.broadcast %max3A_2642 : i32 to vector<16xi32>
      %max3A_2644 = arith.maxsi %convert_element_type3A_2641, %max3A_2643 : vector<16xi32>
      %min3A_2645 = arith.constant 139 : i32
      %min3A_2646 = vector.broadcast %min3A_2645 : i32 to vector<16xi32>
      %min3A_2647 = arith.minsi %max3A_2644, %min3A_2646 : vector<16xi32>
      %swap3A_2648 = arith.constant 384 : index
      %swap3A_2649 = tpu.vector_load %arg7[%swap3A_2648] {strides = array<i32>} : memref<2048xi32, #tpu.memory_space<vmem>>, vector<16xi32>,
      tpu.vector_store %arg7[%swap3A_2648], %min3A_2647 {strides = array<i32>} : memref<2048xi32, #tpu.memory_space<vmem>>, vector<16xi32>,
      %get3A_2650 = arith.constant 400 : index
      %get3A_2651 = tpu.vector_load %arg5[%get3A_2650] {strides = array<i32>} : memref<2048xf32, #tpu.memory_space<vmem>>, vector<16xf32>,
      %sub3A_2652 = arith.constant 8.000000e+00 : f32
      %sub3A_2653 = vector.broadcast %sub3A_2652 : f32 to vector<16xf32>
      %sub3A_2654 = arith.subf %get3A_2651, %sub3A_2653 : vector<16xf32>
      %div3A_2655 = arith.constant 1.000000e-01 : f32
      %div3A_2656 = vector.broadcast %div3A_2655 : f32 to vector<16xf32>
      %div3A_2657 = arith.divf %sub3A_2654, %div3A_2656 : vector<16xf32>
      %convert_element_type3A_2658 = arith.fptosi %div3A_2657 : vector<16xf32> to vector<16xi32>
      %max3A_2659 = arith.constant 0 : i32
      %max3A_2660 = vector.broadcast %max3A_2659 : i32 to vector<16xi32>
      %max3A_2661 = arith.maxsi %convert_element_type3A_2658, %max3A_2660 : vector<16xi32>
      %min3A_2662 = arith.constant 139 : i32
      %min3A_2663 = vector.broadcast %min3A_2662 : i32 to vector<16xi32>
      %min3A_2664 = arith.minsi %max3A_2661, %min3A_2663 : vector<16xi32>
      %swap3A_2665 = arith.constant 400 : index
      %swap3A_2666 = tpu.vector_load %arg7[%swap3A_2665] {strides = array<i32>} : memref<2048xi32, #tpu.memory_space<vmem>>, vector<16xi32>,
      tpu.vector_store %arg7[%swap3A_2665], %min3A_2664 {strides = array<i32>} : memref<2048xi32, #tpu.memory_space<vmem>>, vector<16xi32>,
      %get3A_2667 = arith.constant 416 : index
      %get3A_2668 = tpu.vector_load %arg5[%get3A_2667] {strides = array<i32>} : memref<2048xf32, #tpu.memory_space<vmem>>, vector<16xf32>,
      %sub3A_2669 = arith.constant 8.000000e+00 : f32
      %sub3A_2670 = vector.broadcast %sub3A_2669 : f32 to vector<16xf32>
      %sub3A_2671 = arith.subf %get3A_2668, %sub3A_2670 : vector<16xf32>
      %div3A_2672 = arith.constant 1.000000e-01 : f32
      %div3A_2673 = vector.broadcast %div3A_2672 : f32 to vector<16xf32>
      %div3A_2674 = arith.divf %sub3A_2671, %div3A_2673 : vector<16xf32>
      %convert_element_type3A_2675 = arith.fptosi %div3A_2674 : vector<16xf32> to vector<16xi32>
      %max3A_2676 = arith.constant 0 : i32
      %max3A_2677 = vector.broadcast %max3A_2676 : i32 to vector<16xi32>
      %max3A_2678 = arith.maxsi %convert_element_type3A_2675, %max3A_2677 : vector<16xi32>
      %min3A_2679 = arith.constant 139 : i32
      %min3A_2680 = vector.broadcast %min3A_2679 : i32 to vector<16xi32>
      %min3A_2681 = arith.minsi %max3A_2678, %min3A_2680 : vector<16xi32>
      %swap3A_2682 = arith.constant 416 : index
      %swap3A_2683 = tpu.vector_load %arg7[%swap3A_2682] {strides = array<i32>} : memref<2048xi32, #tpu.memory_space<vmem>>, vector<16xi32>,
      tpu.vector_store %arg7[%swap3A_2682], %min3A_2681 {strides = array<i32>} : memref<2048xi32, #tpu.memory_space<vmem>>, vector<16xi32>,
      %get3A_2684 = arith.constant 432 : index
      %get3A_2685 = tpu.vector_load %arg5[%get3A_2684] {strides = array<i32>} : memref<2048xf32, #tpu.memory_space<vmem>>, vector<16xf32>,
      %sub3A_2686 = arith.constant 8.000000e+00 : f32
      %sub3A_2687 = vector.broadcast %sub3A_2686 : f32 to vector<16xf32>
      %sub3A_2688 = arith.subf %get3A_2685, %sub3A_2687 : vector<16xf32>
      %div3A_2689 = arith.constant 1.000000e-01 : f32
      %div3A_2690 = vector.broadcast %div3A_2689 : f32 to vector<16xf32>
      %div3A_2691 = arith.divf %sub3A_2688, %div3A_2690 : vector<16xf32>
      %convert_element_type3A_2692 = arith.fptosi %div3A_2691 : vector<16xf32> to vector<16xi32>
      %max3A_2693 = arith.constant 0 : i32
      %max3A_2694 = vector.broadcast %max3A_2693 : i32 to vector<16xi32>
      %max3A_2695 = arith.maxsi %convert_element_type3A_2692, %max3A_2694 : vector<16xi32>
      %min3A_2696 = arith.constant 139 : i32
      %min3A_2697 = vector.broadcast %min3A_2696 : i32 to vector<16xi32>
      %min3A_2698 = arith.minsi %max3A_2695, %min3A_2697 : vector<16xi32>
      %swap3A_2699 = arith.constant 432 : index
      %swap3A_2700 = tpu.vector_load %arg7[%swap3A_2699] {strides = array<i32>} : memref<2048xi32, #tpu.memory_space<vmem>>, vector<16xi32>,
      tpu.vector_store %arg7[%swap3A_2699], %min3A_2698 {strides = array<i32>} : memref<2048xi32, #tpu.memory_space<vmem>>, vector<16xi32>,
      %get3A_2701 = arith.constant 448 : index
      %get3A_2702 = tpu.vector_load %arg5[%get3A_2701] {strides = array<i32>} : memref<2048xf32, #tpu.memory_space<vmem>>, vector<16xf32>,
      %sub3A_2703 = arith.constant 8.000000e+00 : f32
      %sub3A_2704 = vector.broadcast %sub3A_2703 : f32 to vector<16xf32>
      %sub3A_2705 = arith.subf %get3A_2702, %sub3A_2704 : vector<16xf32>
      %div3A_2706 = arith.constant 1.000000e-01 : f32
      %div3A_2707 = vector.broadcast %div3A_2706 : f32 to vector<16xf32>
      %div3A_2708 = arith.divf %sub3A_2705, %div3A_2707 : vector<16xf32>
      %convert_element_type3A_2709 = arith.fptosi %div3A_2708 : vector<16xf32> to vector<16xi32>
      %max3A_2710 = arith.constant 0 : i32
      %max3A_2711 = vector.broadcast %max3A_2710 : i32 to vector<16xi32>
      %max3A_2712 = arith.maxsi %convert_element_type3A_2709, %max3A_2711 : vector<16xi32>
      %min3A_2713 = arith.constant 139 : i32
      %min3A_2714 = vector.broadcast %min3A_2713 : i32 to vector<16xi32>
      %min3A_2715 = arith.minsi %max3A_2712, %min3A_2714 : vector<16xi32>
      %swap3A_2716 = arith.constant 448 : index
      %swap3A_2717 = tpu.vector_load %arg7[%swap3A_2716] {strides = array<i32>} : memref<2048xi32, #tpu.memory_space<vmem>>, vector<16xi32>,
      tpu.vector_store %arg7[%swap3A_2716], %min3A_2715 {strides = array<i32>} : memref<2048xi32, #tpu.memory_space<vmem>>, vector<16xi32>,
      %get3A_2718 = arith.constant 464 : index
      %get3A_2719 = tpu.vector_load %arg5[%get3A_2718] {strides = array<i32>} : memref<2048xf32, #tpu.memory_space<vmem>>, vector<16xf32>,
      %sub3A_2720 = arith.constant 8.000000e+00 : f32
      %sub3A_2721 = vector.broadcast %sub3A_2720 : f32 to vector<16xf32>
      %sub3A_2722 = arith.subf %get3A_2719, %sub3A_2721 : vector<16xf32>
      %div3A_2723 = arith.constant 1.000000e-01 : f32
      %div3A_2724 = vector.broadcast %div3A_2723 : f32 to vector<16xf32>
      %div3A_2725 = arith.divf %sub3A_2722, %div3A_2724 : vector<16xf32>
      %convert_element_type3A_2726 = arith.fptosi %div3A_2725 : vector<16xf32> to vector<16xi32>
      %max3A_2727 = arith.constant 0 : i32
      %max3A_2728 = vector.broadcast %max3A_2727 : i32 to vector<16xi32>
      %max3A_2729 = arith.maxsi %convert_element_type3A_2726, %max3A_2728 : vector<16xi32>
      %min3A_2730 = arith.constant 139 : i32
      %min3A_2731 = vector.broadcast %min3A_2730 : i32 to vector<16xi32>
      %min3A_2732 = arith.minsi %max3A_2729, %min3A_2731 : vector<16xi32>
      %swap3A_2733 = arith.constant 464 : index
      %swap3A_2734 = tpu.vector_load %arg7[%swap3A_2733] {strides = array<i32>} : memref<2048xi32, #tpu.memory_space<vmem>>, vector<16xi32>,
      tpu.vector_store %arg7[%swap3A_2733], %min3A_2732 {strides = array<i32>} : memref<2048xi32, #tpu.memory_space<vmem>>, vector<16xi32>,
      %get3A_2735 = arith.constant 480 : index
      %get3A_2736 = tpu.vector_load %arg5[%get3A_2735] {strides = array<i32>} : memref<2048xf32, #tpu.memory_space<vmem>>, vector<16xf32>,
      %sub3A_2737 = arith.constant 8.000000e+00 : f32
      %sub3A_2738 = vector.broadcast %sub3A_2737 : f32 to vector<16xf32>
      %sub3A_2739 = arith.subf %get3A_2736, %sub3A_2738 : vector<16xf32>
      %div3A_2740 = arith.constant 1.000000e-01 : f32
      %div3A_2741 = vector.broadcast %div3A_2740 : f32 to vector<16xf32>
      %div3A_2742 = arith.divf %sub3A_2739, %div3A_2741 : vector<16xf32>
      %convert_element_type3A_2743 = arith.fptosi %div3A_2742 : vector<16xf32> to vector<16xi32>
      %max3A_2744 = arith.constant 0 : i32
      %max3A_2745 = vector.broadcast %max3A_2744 : i32 to vector<16xi32>
      %max3A_2746 = arith.maxsi %convert_element_type3A_2743, %max3A_2745 : vector<16xi32>
      %min3A_2747 = arith.constant 139 : i32
      %min3A_2748 = vector.broadcast %min3A_2747 : i32 to vector<16xi32>
      %min3A_2749 = arith.minsi %max3A_2746, %min3A_2748 : vector<16xi32>
      %swap3A_2750 = arith.constant 480 : index
      %swap3A_2751 = tpu.vector_load %arg7[%swap3A_2750] {strides = array<i32>} : memref<2048xi32, #tpu.memory_space<vmem>>, vector<16xi32>,
      tpu.vector_store %arg7[%swap3A_2750], %min3A_2749 {strides = array<i32>} : memref<2048xi32, #tpu.memory_space<vmem>>, vector<16xi32>,
      %get3A_2752 = arith.constant 496 : index
      %get3A_2753 = tpu.vector_load %arg5[%get3A_2752] {strides = array<i32>} : memref<2048xf32, #tpu.memory_space<vmem>>, vector<16xf32>,
      %sub3A_2754 = arith.constant 8.000000e+00 : f32
      %sub3A_2755 = vector.broadcast %sub3A_2754 : f32 to vector<16xf32>
      %sub3A_2756 = arith.subf %get3A_2753, %sub3A_2755 : vector<16xf32>
      %div3A_2757 = arith.constant 1.000000e-01 : f32
      %div3A_2758 = vector.broadcast %div3A_2757 : f32 to vector<16xf32>
      %div3A_2759 = arith.divf %sub3A_2756, %div3A_2758 : vector<16xf32>
      %convert_element_type3A_2760 = arith.fptosi %div3A_2759 : vector<16xf32> to vector<16xi32>
      %max3A_2761 = arith.constant 0 : i32
      %max3A_2762 = vector.broadcast %max3A_2761 : i32 to vector<16xi32>
      %max3A_2763 = arith.maxsi %convert_element_type3A_2760, %max3A_2762 : vector<16xi32>
      %min3A_2764 = arith.constant 139 : i32
      %min3A_2765 = vector.broadcast %min3A_2764 : i32 to vector<16xi32>
      %min3A_2766 = arith.minsi %max3A_2763, %min3A_2765 : vector<16xi32>
      %swap3A_2767 = arith.constant 496 : index
      %swap3A_2768 = tpu.vector_load %arg7[%swap3A_2767] {strides = array<i32>} : memref<2048xi32, #tpu.memory_space<vmem>>, vector<16xi32>,
      tpu.vector_store %arg7[%swap3A_2767], %min3A_2766 {strides = array<i32>} : memref<2048xi32, #tpu.memory_space<vmem>>, vector<16xi32>,
      %get3A_2769 = arith.constant 512 : index
      %get3A_2770 = tpu.vector_load %arg5[%get3A_2769] {strides = array<i32>} : memref<2048xf32, #tpu.memory_space<vmem>>, vector<16xf32>,
      %sub3A_2771 = arith.constant 8.000000e+00 : f32
      %sub3A_2772 = vector.broadcast %sub3A_2771 : f32 to vector<16xf32>
      %sub3A_2773 = arith.subf %get3A_2770, %sub3A_2772 : vector<16xf32>
      %div3A_2774 = arith.constant 1.000000e-01 : f32
      %div3A_2775 = vector.broadcast %div3A_2774 : f32 to vector<16xf32>
      %div3A_2776 = arith.divf %sub3A_2773, %div3A_2775 : vector<16xf32>
      %convert_element_type3A_2777 = arith.fptosi %div3A_2776 : vector<16xf32> to vector<16xi32>
      %max3A_2778 = arith.constant 0 : i32
      %max3A_2779 = vector.broadcast %max3A_2778 : i32 to vector<16xi32>
      %max3A_2780 = arith.maxsi %convert_element_type3A_2777, %max3A_2779 : vector<16xi32>
      %min3A_2781 = arith.constant 139 : i32
      %min3A_2782 = vector.broadcast %min3A_2781 : i32 to vector<16xi32>
      %min3A_2783 = arith.minsi %max3A_2780, %min3A_2782 : vector<16xi32>
      %swap3A_2784 = arith.constant 512 : index
      %swap3A_2785 = tpu.vector_load %arg7[%swap3A_2784] {strides = array<i32>} : memref<2048xi32, #tpu.memory_space<vmem>>, vector<16xi32>,
      tpu.vector_store %arg7[%swap3A_2784], %min3A_2783 {strides = array<i32>} : memref<2048xi32, #tpu.memory_space<vmem>>, vector<16xi32>,
      %get3A_2786 = arith.constant 528 : index
      %get3A_2787 = tpu.vector_load %arg5[%get3A_2786] {strides = array<i32>} : memref<2048xf32, #tpu.memory_space<vmem>>, vector<16xf32>,
      %sub3A_2788 = arith.constant 8.000000e+00 : f32
      %sub3A_2789 = vector.broadcast %sub3A_2788 : f32 to vector<16xf32>
      %sub3A_2790 = arith.subf %get3A_2787, %sub3A_2789 : vector<16xf32>
      %div3A_2791 = arith.constant 1.000000e-01 : f32
      %div3A_2792 = vector.broadcast %div3A_2791 : f32 to vector<16xf32>
      %div3A_2793 = arith.divf %sub3A_2790, %div3A_2792 : vector<16xf32>
      %convert_element_type3A_2794 = arith.fptosi %div3A_2793 : vector<16xf32> to vector<16xi32>
      %max3A_2795 = arith.constant 0 : i32
      %max3A_2796 = vector.broadcast %max3A_2795 : i32 to vector<16xi32>
      %max3A_2797 = arith.maxsi %convert_element_type3A_2794, %max3A_2796 : vector<16xi32>
      %min3A_2798 = arith.constant 139 : i32
      %min3A_2799 = vector.broadcast %min3A_2798 : i32 to vector<16xi32>
      %min3A_2800 = arith.minsi %max3A_2797, %min3A_2799 : vector<16xi32>
      %swap3A_2801 = arith.constant 528 : index
      %swap3A_2802 = tpu.vector_load %arg7[%swap3A_2801] {strides = array<i32>} : memref<2048xi32, #tpu.memory_space<vmem>>, vector<16xi32>,
      tpu.vector_store %arg7[%swap3A_2801], %min3A_2800 {strides = array<i32>} : memref<2048xi32, #tpu.memory_space<vmem>>, vector<16xi32>,
      %get3A_2803 = arith.constant 544 : index
      %get3A_2804 = tpu.vector_load %arg5[%get3A_2803] {strides = array<i32>} : memref<2048xf32, #tpu.memory_space<vmem>>, vector<16xf32>,
      %sub3A_2805 = arith.constant 8.000000e+00 : f32
      %sub3A_2806 = vector.broadcast %sub3A_2805 : f32 to vector<16xf32>
      %sub3A_2807 = arith.subf %get3A_2804, %sub3A_2806 : vector<16xf32>
      %div3A_2808 = arith.constant 1.000000e-01 : f32
      %div3A_2809 = vector.broadcast %div3A_2808 : f32 to vector<16xf32>
      %div3A_2810 = arith.divf %sub3A_2807, %div3A_2809 : vector<16xf32>
      %convert_element_type3A_2811 = arith.fptosi %div3A_2810 : vector<16xf32> to vector<16xi32>
      %max3A_2812 = arith.constant 0 : i32
      %max3A_2813 = vector.broadcast %max3A_2812 : i32 to vector<16xi32>
      %max3A_2814 = arith.maxsi %convert_element_type3A_2811, %max3A_2813 : vector<16xi32>
      %min3A_2815 = arith.constant 139 : i32
      %min3A_2816 = vector.broadcast %min3A_2815 : i32 to vector<16xi32>
      %min3A_2817 = arith.minsi %max3A_2814, %min3A_2816 : vector<16xi32>
      %swap3A_2818 = arith.constant 544 : index
      %swap3A_2819 = tpu.vector_load %arg7[%swap3A_2818] {strides = array<i32>} : memref<2048xi32, #tpu.memory_space<vmem>>, vector<16xi32>,
      tpu.vector_store %arg7[%swap3A_2818], %min3A_2817 {strides = array<i32>} : memref<2048xi32, #tpu.memory_space<vmem>>, vector<16xi32>,
      %get3A_2820 = arith.constant 560 : index
      %get3A_2821 = tpu.vector_load %arg5[%get3A_2820] {strides = array<i32>} : memref<2048xf32, #tpu.memory_space<vmem>>, vector<16xf32>,
      %sub3A_2822 = arith.constant 8.000000e+00 : f32
      %sub3A_2823 = vector.broadcast %sub3A_2822 : f32 to vector<16xf32>
      %sub3A_2824 = arith.subf %get3A_2821, %sub3A_2823 : vector<16xf32>
      %div3A_2825 = arith.constant 1.000000e-01 : f32
      %div3A_2826 = vector.broadcast %div3A_2825 : f32 to vector<16xf32>
      %div3A_2827 = arith.divf %sub3A_2824, %div3A_2826 : vector<16xf32>
      %convert_element_type3A_2828 = arith.fptosi %div3A_2827 : vector<16xf32> to vector<16xi32>
      %max3A_2829 = arith.constant 0 : i32
      %max3A_2830 = vector.broadcast %max3A_2829 : i32 to vector<16xi32>
      %max3A_2831 = arith.maxsi %convert_element_type3A_2828, %max3A_2830 : vector<16xi32>
      %min3A_2832 = arith.constant 139 : i32
      %min3A_2833 = vector.broadcast %min3A_2832 : i32 to vector<16xi32>
      %min3A_2834 = arith.minsi %max3A_2831, %min3A_2833 : vector<16xi32>
      %swap3A_2835 = arith.constant 560 : index
      %swap3A_2836 = tpu.vector_load %arg7[%swap3A_2835] {strides = array<i32>} : memref<2048xi32, #tpu.memory_space<vmem>>, vector<16xi32>,
      tpu.vector_store %arg7[%swap3A_2835], %min3A_2834 {strides = array<i32>} : memref<2048xi32, #tpu.memory_space<vmem>>, vector<16xi32>,
      %get3A_2837 = arith.constant 576 : index
      %get3A_2838 = tpu.vector_load %arg5[%get3A_2837] {strides = array<i32>} : memref<2048xf32, #tpu.memory_space<vmem>>, vector<16xf32>,
      %sub3A_2839 = arith.constant 8.000000e+00 : f32
      %sub3A_2840 = vector.broadcast %sub3A_2839 : f32 to vector<16xf32>
      %sub3A_2841 = arith.subf %get3A_2838, %sub3A_2840 : vector<16xf32>
      %div3A_2842 = arith.constant 1.000000e-01 : f32
      %div3A_2843 = vector.broadcast %div3A_2842 : f32 to vector<16xf32>
      %div3A_2844 = arith.divf %sub3A_2841, %div3A_2843 : vector<16xf32>
      %convert_element_type3A_2845 = arith.fptosi %div3A_2844 : vector<16xf32> to vector<16xi32>
      %max3A_2846 = arith.constant 0 : i32
      %max3A_2847 = vector.broadcast %max3A_2846 : i32 to vector<16xi32>
      %max3A_2848 = arith.maxsi %convert_element_type3A_2845, %max3A_2847 : vector<16xi32>
      %min3A_2849 = arith.constant 139 : i32
      %min3A_2850 = vector.broadcast %min3A_2849 : i32 to vector<16xi32>
      %min3A_2851 = arith.minsi %max3A_2848, %min3A_2850 : vector<16xi32>
      %swap3A_2852 = arith.constant 576 : index
      %swap3A_2853 = tpu.vector_load %arg7[%swap3A_2852] {strides = array<i32>} : memref<2048xi32, #tpu.memory_space<vmem>>, vector<16xi32>,
      tpu.vector_store %arg7[%swap3A_2852], %min3A_2851 {strides = array<i32>} : memref<2048xi32, #tpu.memory_space<vmem>>, vector<16xi32>,
      %get3A_2854 = arith.constant 592 : index
      %get3A_2855 = tpu.vector_load %arg5[%get3A_2854] {strides = array<i32>} : memref<2048xf32, #tpu.memory_space<vmem>>, vector<16xf32>,
      %sub3A_2856 = arith.constant 8.000000e+00 : f32
      %sub3A_2857 = vector.broadcast %sub3A_2856 : f32 to vector<16xf32>
      %sub3A_2858 = arith.subf %get3A_2855, %sub3A_2857 : vector<16xf32>
      %div3A_2859 = arith.constant 1.000000e-01 : f32
      %div3A_2860 = vector.broadcast %div3A_2859 : f32 to vector<16xf32>
      %div3A_2861 = arith.divf %sub3A_2858, %div3A_2860 : vector<16xf32>
      %convert_element_type3A_2862 = arith.fptosi %div3A_2861 : vector<16xf32> to vector<16xi32>
      %max3A_2863 = arith.constant 0 : i32
      %max3A_2864 = vector.broadcast %max3A_2863 : i32 to vector<16xi32>
      %max3A_2865 = arith.maxsi %convert_element_type3A_2862, %max3A_2864 : vector<16xi32>
      %min3A_2866 = arith.constant 139 : i32
      %min3A_2867 = vector.broadcast %min3A_2866 : i32 to vector<16xi32>
      %min3A_2868 = arith.minsi %max3A_2865, %min3A_2867 : vector<16xi32>
      %swap3A_2869 = arith.constant 592 : index
      %swap3A_2870 = tpu.vector_load %arg7[%swap3A_2869] {strides = array<i32>} : memref<2048xi32, #tpu.memory_space<vmem>>, vector<16xi32>,
      tpu.vector_store %arg7[%swap3A_2869], %min3A_2868 {strides = array<i32>} : memref<2048xi32, #tpu.memory_space<vmem>>, vector<16xi32>,
      %get3A_2871 = arith.constant 608 : index
      %get3A_2872 = tpu.vector_load %arg5[%get3A_2871] {strides = array<i32>} : memref<2048xf32, #tpu.memory_space<vmem>>, vector<16xf32>,
      %sub3A_2873 = arith.constant 8.000000e+00 : f32
      %sub3A_2874 = vector.broadcast %sub3A_2873 : f32 to vector<16xf32>
      %sub3A_2875 = arith.subf %get3A_2872, %sub3A_2874 : vector<16xf32>
      %div3A_2876 = arith.constant 1.000000e-01 : f32
      %div3A_2877 = vector.broadcast %div3A_2876 : f32 to vector<16xf32>
      %div3A_2878 = arith.divf %sub3A_2875, %div3A_2877 : vector<16xf32>
      %convert_element_type3A_2879 = arith.fptosi %div3A_2878 : vector<16xf32> to vector<16xi32>
      %max3A_2880 = arith.constant 0 : i32
      %max3A_2881 = vector.broadcast %max3A_2880 : i32 to vector<16xi32>
      %max3A_2882 = arith.maxsi %convert_element_type3A_2879, %max3A_2881 : vector<16xi32>
      %min3A_2883 = arith.constant 139 : i32
      %min3A_2884 = vector.broadcast %min3A_2883 : i32 to vector<16xi32>
      %min3A_2885 = arith.minsi %max3A_2882, %min3A_2884 : vector<16xi32>
      %swap3A_2886 = arith.constant 608 : index
      %swap3A_2887 = tpu.vector_load %arg7[%swap3A_2886] {strides = array<i32>} : memref<2048xi32, #tpu.memory_space<vmem>>, vector<16xi32>,
      tpu.vector_store %arg7[%swap3A_2886], %min3A_2885 {strides = array<i32>} : memref<2048xi32, #tpu.memory_space<vmem>>, vector<16xi32>,
      %get3A_2888 = arith.constant 624 : index
      %get3A_2889 = tpu.vector_load %arg5[%get3A_2888] {strides = array<i32>} : memref<2048xf32, #tpu.memory_space<vmem>>, vector<16xf32>,
      %sub3A_2890 = arith.constant 8.000000e+00 : f32
      %sub3A_2891 = vector.broadcast %sub3A_2890 : f32 to vector<16xf32>
      %sub3A_2892 = arith.subf %get3A_2889, %sub3A_2891 : vector<16xf32>
      %div3A_2893 = arith.constant 1.000000e-01 : f32
      %div3A_2894 = vector.broadcast %div3A_2893 : f32 to vector<16xf32>
      %div3A_2895 = arith.divf %sub3A_2892, %div3A_2894 : vector<16xf32>
      %convert_element_type3A_2896 = arith.fptosi %div3A_2895 : vector<16xf32> to vector<16xi32>
      %max3A_2897 = arith.constant 0 : i32
      %max3A_2898 = vector.broadcast %max3A_2897 : i32 to vector<16xi32>
      %max3A_2899 = arith.maxsi %convert_element_type3A_2896, %max3A_2898 : vector<16xi32>
      %min3A_2900 = arith.constant 139 : i32
      %min3A_2901 = vector.broadcast %min3A_2900 : i32 to vector<16xi32>
      %min3A_2902 = arith.minsi %max3A_2899, %min3A_2901 : vector<16xi32>
      %swap3A_2903 = arith.constant 624 : index
      %swap3A_2904 = tpu.vector_load %arg7[%swap3A_2903] {strides = array<i32>} : memref<2048xi32, #tpu.memory_space<vmem>>, vector<16xi32>,
      tpu.vector_store %arg7[%swap3A_2903], %min3A_2902 {strides = array<i32>} : memref<2048xi32, #tpu.memory_space<vmem>>, vector<16xi32>,
      %get3A_2905 = arith.constant 640 : index
      %get3A_2906 = tpu.vector_load %arg5[%get3A_2905] {strides = array<i32>} : memref<2048xf32, #tpu.memory_space<vmem>>, vector<16xf32>,
      %sub3A_2907 = arith.constant 8.000000e+00 : f32
      %sub3A_2908 = vector.broadcast %sub3A_2907 : f32 to vector<16xf32>
      %sub3A_2909 = arith.subf %get3A_2906, %sub3A_2908 : vector<16xf32>
      %div3A_2910 = arith.constant 1.000000e-01 : f32
      %div3A_2911 = vector.broadcast %div3A_2910 : f32 to vector<16xf32>
      %div3A_2912 = arith.divf %sub3A_2909, %div3A_2911 : vector<16xf32>
      %convert_element_type3A_2913 = arith.fptosi %div3A_2912 : vector<16xf32> to vector<16xi32>
      %max3A_2914 = arith.constant 0 : i32
      %max3A_2915 = vector.broadcast %max3A_2914 : i32 to vector<16xi32>
      %max3A_2916 = arith.maxsi %convert_element_type3A_2913, %max3A_2915 : vector<16xi32>
      %min3A_2917 = arith.constant 139 : i32
      %min3A_2918 = vector.broadcast %min3A_2917 : i32 to vector<16xi32>
      %min3A_2919 = arith.minsi %max3A_2916, %min3A_2918 : vector<16xi32>
      %swap3A_2920 = arith.constant 640 : index
      %swap3A_2921 = tpu.vector_load %arg7[%swap3A_2920] {strides = array<i32>} : memref<2048xi32, #tpu.memory_space<vmem>>, vector<16xi32>,
      tpu.vector_store %arg7[%swap3A_2920], %min3A_2919 {strides = array<i32>} : memref<2048xi32, #tpu.memory_space<vmem>>, vector<16xi32>,
      %get3A_2922 = arith.constant 656 : index
      %get3A_2923 = tpu.vector_load %arg5[%get3A_2922] {strides = array<i32>} : memref<2048xf32, #tpu.memory_space<vmem>>, vector<16xf32>,
      %sub3A_2924 = arith.constant 8.000000e+00 : f32
      %sub3A_2925 = vector.broadcast %sub3A_2924 : f32 to vector<16xf32>
      %sub3A_2926 = arith.subf %get3A_2923, %sub3A_2925 : vector<16xf32>
      %div3A_2927 = arith.constant 1.000000e-01 : f32
      %div3A_2928 = vector.broadcast %div3A_2927 : f32 to vector<16xf32>
      %div3A_2929 = arith.divf %sub3A_2926, %div3A_2928 : vector<16xf32>
      %convert_element_type3A_2930 = arith.fptosi %div3A_2929 : vector<16xf32> to vector<16xi32>
      %max3A_2931 = arith.constant 0 : i32
      %max3A_2932 = vector.broadcast %max3A_2931 : i32 to vector<16xi32>
      %max3A_2933 = arith.maxsi %convert_element_type3A_2930, %max3A_2932 : vector<16xi32>
      %min3A_2934 = arith.constant 139 : i32
      %min3A_2935 = vector.broadcast %min3A_2934 : i32 to vector<16xi32>
      %min3A_2936 = arith.minsi %max3A_2933, %min3A_2935 : vector<16xi32>
      %swap3A_2937 = arith.constant 656 : index
      %swap3A_2938 = tpu.vector_load %arg7[%swap3A_2937] {strides = array<i32>} : memref<2048xi32, #tpu.memory_space<vmem>>, vector<16xi32>,
      tpu.vector_store %arg7[%swap3A_2937], %min3A_2936 {strides = array<i32>} : memref<2048xi32, #tpu.memory_space<vmem>>, vector<16xi32>,
      %get3A_2939 = arith.constant 672 : index
      %get3A_2940 = tpu.vector_load %arg5[%get3A_2939] {strides = array<i32>} : memref<2048xf32, #tpu.memory_space<vmem>>, vector<16xf32>,
      %sub3A_2941 = arith.constant 8.000000e+00 : f32
      %sub3A_2942 = vector.broadcast %sub3A_2941 : f32 to vector<16xf32>
      %sub3A_2943 = arith.subf %get3A_2940, %sub3A_2942 : vector<16xf32>
      %div3A_2944 = arith.constant 1.000000e-01 : f32
      %div3A_2945 = vector.broadcast %div3A_2944 : f32 to vector<16xf32>
      %div3A_2946 = arith.divf %sub3A_2943, %div3A_2945 : vector<16xf32>
      %convert_element_type3A_2947 = arith.fptosi %div3A_2946 : vector<16xf32> to vector<16xi32>
      %max3A_2948 = arith.constant 0 : i32
      %max3A_2949 = vector.broadcast %max3A_2948 : i32 to vector<16xi32>
      %max3A_2950 = arith.maxsi %convert_element_type3A_2947, %max3A_2949 : vector<16xi32>
      %min3A_2951 = arith.constant 139 : i32
      %min3A_2952 = vector.broadcast %min3A_2951 : i32 to vector<16xi32>
      %min3A_2953 = arith.minsi %max3A_2950, %min3A_2952 : vector<16xi32>
      %swap3A_2954 = arith.constant 672 : index
      %swap3A_2955 = tpu.vector_load %arg7[%swap3A_2954] {strides = array<i32>} : memref<2048xi32, #tpu.memory_space<vmem>>, vector<16xi32>,
      tpu.vector_store %arg7[%swap3A_2954], %min3A_2953 {strides = array<i32>} : memref<2048xi32, #tpu.memory_space<vmem>>, vector<16xi32>,
      %get3A_2956 = arith.constant 688 : index
      %get3A_2957 = tpu.vector_load %arg5[%get3A_2956] {strides = array<i32>} : memref<2048xf32, #tpu.memory_space<vmem>>, vector<16xf32>,
      %sub3A_2958 = arith.constant 8.000000e+00 : f32
      %sub3A_2959 = vector.broadcast %sub3A_2958 : f32 to vector<16xf32>
      %sub3A_2960 = arith.subf %get3A_2957, %sub3A_2959 : vector<16xf32>
      %div3A_2961 = arith.constant 1.000000e-01 : f32
      %div3A_2962 = vector.broadcast %div3A_2961 : f32 to vector<16xf32>
      %div3A_2963 = arith.divf %sub3A_2960, %div3A_2962 : vector<16xf32>
      %convert_element_type3A_2964 = arith.fptosi %div3A_2963 : vector<16xf32> to vector<16xi32>
      %max3A_2965 = arith.constant 0 : i32
      %max3A_2966 = vector.broadcast %max3A_2965 : i32 to vector<16xi32>
      %max3A_2967 = arith.maxsi %convert_element_type3A_2964, %max3A_2966 : vector<16xi32>
      %min3A_2968 = arith.constant 139 : i32
      %min3A_2969 = vector.broadcast %min3A_2968 : i32 to vector<16xi32>
      %min3A_2970 = arith.minsi %max3A_2967, %min3A_2969 : vector<16xi32>
      %swap3A_2971 = arith.constant 688 : index
      %swap3A_2972 = tpu.vector_load %arg7[%swap3A_2971] {strides = array<i32>} : memref<2048xi32, #tpu.memory_space<vmem>>, vector<16xi32>,
      tpu.vector_store %arg7[%swap3A_2971], %min3A_2970 {strides = array<i32>} : memref<2048xi32, #tpu.memory_space<vmem>>, vector<16xi32>,
      %get3A_2973 = arith.constant 704 : index
      %get3A_2974 = tpu.vector_load %arg5[%get3A_2973] {strides = array<i32>} : memref<2048xf32, #tpu.memory_space<vmem>>, vector<16xf32>,
      %sub3A_2975 = arith.constant 8.000000e+00 : f32
      %sub3A_2976 = vector.broadcast %sub3A_2975 : f32 to vector<16xf32>
      %sub3A_2977 = arith.subf %get3A_2974, %sub3A_2976 : vector<16xf32>
      %div3A_2978 = arith.constant 1.000000e-01 : f32
      %div3A_2979 = vector.broadcast %div3A_2978 : f32 to vector<16xf32>
      %div3A_2980 = arith.divf %sub3A_2977, %div3A_2979 : vector<16xf32>
      %convert_element_type3A_2981 = arith.fptosi %div3A_2980 : vector<16xf32> to vector<16xi32>
      %max3A_2982 = arith.constant 0 : i32
      %max3A_2983 = vector.broadcast %max3A_2982 : i32 to vector<16xi32>
      %max3A_2984 = arith.maxsi %convert_element_type3A_2981, %max3A_2983 : vector<16xi32>
      %min3A_2985 = arith.constant 139 : i32
      %min3A_2986 = vector.broadcast %min3A_2985 : i32 to vector<16xi32>
      %min3A_2987 = arith.minsi %max3A_2984, %min3A_2986 : vector<16xi32>
      %swap3A_2988 = arith.constant 704 : index
      %swap3A_2989 = tpu.vector_load %arg7[%swap3A_2988] {strides = array<i32>} : memref<2048xi32, #tpu.memory_space<vmem>>, vector<16xi32>,
      tpu.vector_store %arg7[%swap3A_2988], %min3A_2987 {strides = array<i32>} : memref<2048xi32, #tpu.memory_space<vmem>>, vector<16xi32>,
      %get3A_2990 = arith.constant 720 : index
      %get3A_2991 = tpu.vector_load %arg5[%get3A_2990] {strides = array<i32>} : memref<2048xf32, #tpu.memory_space<vmem>>, vector<16xf32>,
      %sub3A_2992 = arith.constant 8.000000e+00 : f32
      %sub3A_2993 = vector.broadcast %sub3A_2992 : f32 to vector<16xf32>
      %sub3A_2994 = arith.subf %get3A_2991, %sub3A_2993 : vector<16xf32>
      %div3A_2995 = arith.constant 1.000000e-01 : f32
      %div3A_2996 = vector.broadcast %div3A_2995 : f32 to vector<16xf32>
      %div3A_2997 = arith.divf %sub3A_2994, %div3A_2996 : vector<16xf32>
      %convert_element_type3A_2998 = arith.fptosi %div3A_2997 : vector<16xf32> to vector<16xi32>
      %max3A_2999 = arith.constant 0 : i32
      %max3A_3000 = vector.broadcast %max3A_2999 : i32 to vector<16xi32>
      %max3A_3001 = arith.maxsi %convert_element_type3A_2998, %max3A_3000 : vector<16xi32>
      %min3A_3002 = arith.constant 139 : i32
      %min3A_3003 = vector.broadcast %min3A_3002 : i32 to vector<16xi32>
      %min3A_3004 = arith.minsi %max3A_3001, %min3A_3003 : vector<16xi32>
      %swap3A_3005 = arith.constant 720 : index
      %swap3A_3006 = tpu.vector_load %arg7[%swap3A_3005] {strides = array<i32>} : memref<2048xi32, #tpu.memory_space<vmem>>, vector<16xi32>,
      tpu.vector_store %arg7[%swap3A_3005], %min3A_3004 {strides = array<i32>} : memref<2048xi32, #tpu.memory_space<vmem>>, vector<16xi32>,
      %get3A_3007 = arith.constant 736 : index
      %get3A_3008 = tpu.vector_load %arg5[%get3A_3007] {strides = array<i32>} : memref<2048xf32, #tpu.memory_space<vmem>>, vector<16xf32>,
      %sub3A_3009 = arith.constant 8.000000e+00 : f32
      %sub3A_3010 = vector.broadcast %sub3A_3009 : f32 to vector<16xf32>
      %sub3A_3011 = arith.subf %get3A_3008, %sub3A_3010 : vector<16xf32>
      %div3A_3012 = arith.constant 1.000000e-01 : f32
      %div3A_3013 = vector.broadcast %div3A_3012 : f32 to vector<16xf32>
      %div3A_3014 = arith.divf %sub3A_3011, %div3A_3013 : vector<16xf32>
      %convert_element_type3A_3015 = arith.fptosi %div3A_3014 : vector<16xf32> to vector<16xi32>
      %max3A_3016 = arith.constant 0 : i32
      %max3A_3017 = vector.broadcast %max3A_3016 : i32 to vector<16xi32>
      %max3A_3018 = arith.maxsi %convert_element_type3A_3015, %max3A_3017 : vector<16xi32>
      %min3A_3019 = arith.constant 139 : i32
      %min3A_3020 = vector.broadcast %min3A_3019 : i32 to vector<16xi32>
      %min3A_3021 = arith.minsi %max3A_3018, %min3A_3020 : vector<16xi32>
      %swap3A_3022 = arith.constant 736 : index
      %swap3A_3023 = tpu.vector_load %arg7[%swap3A_3022] {strides = array<i32>} : memref<2048xi32, #tpu.memory_space<vmem>>, vector<16xi32>,
      tpu.vector_store %arg7[%swap3A_3022], %min3A_3021 {strides = array<i32>} : memref<2048xi32, #tpu.memory_space<vmem>>, vector<16xi32>,
      %get3A_3024 = arith.constant 752 : index
      %get3A_3025 = tpu.vector_load %arg5[%get3A_3024] {strides = array<i32>} : memref<2048xf32, #tpu.memory_space<vmem>>, vector<16xf32>,
      %sub3A_3026 = arith.constant 8.000000e+00 : f32
      %sub3A_3027 = vector.broadcast %sub3A_3026 : f32 to vector<16xf32>
      %sub3A_3028 = arith.subf %get3A_3025, %sub3A_3027 : vector<16xf32>
      %div3A_3029 = arith.constant 1.000000e-01 : f32
      %div3A_3030 = vector.broadcast %div3A_3029 : f32 to vector<16xf32>
      %div3A_3031 = arith.divf %sub3A_3028, %div3A_3030 : vector<16xf32>
      %convert_element_type3A_3032 = arith.fptosi %div3A_3031 : vector<16xf32> to vector<16xi32>
      %max3A_3033 = arith.constant 0 : i32
      %max3A_3034 = vector.broadcast %max3A_3033 : i32 to vector<16xi32>
      %max3A_3035 = arith.maxsi %convert_element_type3A_3032, %max3A_3034 : vector<16xi32>
      %min3A_3036 = arith.constant 139 : i32
      %min3A_3037 = vector.broadcast %min3A_3036 : i32 to vector<16xi32>
      %min3A_3038 = arith.minsi %max3A_3035, %min3A_3037 : vector<16xi32>
      %swap3A_3039 = arith.constant 752 : index
      %swap3A_3040 = tpu.vector_load %arg7[%swap3A_3039] {strides = array<i32>} : memref<2048xi32, #tpu.memory_space<vmem>>, vector<16xi32>,
      tpu.vector_store %arg7[%swap3A_3039], %min3A_3038 {strides = array<i32>} : memref<2048xi32, #tpu.memory_space<vmem>>, vector<16xi32>,
      %get3A_3041 = arith.constant 768 : index
      %get3A_3042 = tpu.vector_load %arg5[%get3A_3041] {strides = array<i32>} : memref<2048xf32, #tpu.memory_space<vmem>>, vector<16xf32>,
      %sub3A_3043 = arith.constant 8.000000e+00 : f32
      %sub3A_3044 = vector.broadcast %sub3A_3043 : f32 to vector<16xf32>
      %sub3A_3045 = arith.subf %get3A_3042, %sub3A_3044 : vector<16xf32>
      %div3A_3046 = arith.constant 1.000000e-01 : f32
      %div3A_3047 = vector.broadcast %div3A_3046 : f32 to vector<16xf32>
      %div3A_3048 = arith.divf %sub3A_3045, %div3A_3047 : vector<16xf32>
      %convert_element_type3A_3049 = arith.fptosi %div3A_3048 : vector<16xf32> to vector<16xi32>
      %max3A_3050 = arith.constant 0 : i32
      %max3A_3051 = vector.broadcast %max3A_3050 : i32 to vector<16xi32>
      %max3A_3052 = arith.maxsi %convert_element_type3A_3049, %max3A_3051 : vector<16xi32>
      %min3A_3053 = arith.constant 139 : i32
      %min3A_3054 = vector.broadcast %min3A_3053 : i32 to vector<16xi32>
      %min3A_3055 = arith.minsi %max3A_3052, %min3A_3054 : vector<16xi32>
      %swap3A_3056 = arith.constant 768 : index
      %swap3A_3057 = tpu.vector_load %arg7[%swap3A_3056] {strides = array<i32>} : memref<2048xi32, #tpu.memory_space<vmem>>, vector<16xi32>,
      tpu.vector_store %arg7[%swap3A_3056], %min3A_3055 {strides = array<i32>} : memref<2048xi32, #tpu.memory_space<vmem>>, vector<16xi32>,
      %get3A_3058 = arith.constant 784 : index
      %get3A_3059 = tpu.vector_load %arg5[%get3A_3058] {strides = array<i32>} : memref<2048xf32, #tpu.memory_space<vmem>>, vector<16xf32>,
      %sub3A_3060 = arith.constant 8.000000e+00 : f32
      %sub3A_3061 = vector.broadcast %sub3A_3060 : f32 to vector<16xf32>
      %sub3A_3062 = arith.subf %get3A_3059, %sub3A_3061 : vector<16xf32>
      %div3A_3063 = arith.constant 1.000000e-01 : f32
      %div3A_3064 = vector.broadcast %div3A_3063 : f32 to vector<16xf32>
      %div3A_3065 = arith.divf %sub3A_3062, %div3A_3064 : vector<16xf32>
      %convert_element_type3A_3066 = arith.fptosi %div3A_3065 : vector<16xf32> to vector<16xi32>
      %max3A_3067 = arith.constant 0 : i32
      %max3A_3068 = vector.broadcast %max3A_3067 : i32 to vector<16xi32>
      %max3A_3069 = arith.maxsi %convert_element_type3A_3066, %max3A_3068 : vector<16xi32>
      %min3A_3070 = arith.constant 139 : i32
      %min3A_3071 = vector.broadcast %min3A_3070 : i32 to vector<16xi32>
      %min3A_3072 = arith.minsi %max3A_3069, %min3A_3071 : vector<16xi32>
      %swap3A_3073 = arith.constant 784 : index
      %swap3A_3074 = tpu.vector_load %arg7[%swap3A_3073] {strides = array<i32>} : memref<2048xi32, #tpu.memory_space<vmem>>, vector<16xi32>,
      tpu.vector_store %arg7[%swap3A_3073], %min3A_3072 {strides = array<i32>} : memref<2048xi32, #tpu.memory_space<vmem>>, vector<16xi32>,
      %get3A_3075 = arith.constant 800 : index
      %get3A_3076 = tpu.vector_load %arg5[%get3A_3075] {strides = array<i32>} : memref<2048xf32, #tpu.memory_space<vmem>>, vector<16xf32>,
      %sub3A_3077 = arith.constant 8.000000e+00 : f32
      %sub3A_3078 = vector.broadcast %sub3A_3077 : f32 to vector<16xf32>
      %sub3A_3079 = arith.subf %get3A_3076, %sub3A_3078 : vector<16xf32>
      %div3A_3080 = arith.constant 1.000000e-01 : f32
      %div3A_3081 = vector.broadcast %div3A_3080 : f32 to vector<16xf32>
      %div3A_3082 = arith.divf %sub3A_3079, %div3A_3081 : vector<16xf32>
      %convert_element_type3A_3083 = arith.fptosi %div3A_3082 : vector<16xf32> to vector<16xi32>
      %max3A_3084 = arith.constant 0 : i32
      %max3A_3085 = vector.broadcast %max3A_3084 : i32 to vector<16xi32>
      %max3A_3086 = arith.maxsi %convert_element_type3A_3083, %max3A_3085 : vector<16xi32>
      %min3A_3087 = arith.constant 139 : i32
      %min3A_3088 = vector.broadcast %min3A_3087 : i32 to vector<16xi32>
      %min3A_3089 = arith.minsi %max3A_3086, %min3A_3088 : vector<16xi32>
      %swap3A_3090 = arith.constant 800 : index
      %swap3A_3091 = tpu.vector_load %arg7[%swap3A_3090] {strides = array<i32>} : memref<2048xi32, #tpu.memory_space<vmem>>, vector<16xi32>,
      tpu.vector_store %arg7[%swap3A_3090], %min3A_3089 {strides = array<i32>} : memref<2048xi32, #tpu.memory_space<vmem>>, vector<16xi32>,
      %get3A_3092 = arith.constant 816 : index
      %get3A_3093 = tpu.vector_load %arg5[%get3A_3092] {strides = array<i32>} : memref<2048xf32, #tpu.memory_space<vmem>>, vector<16xf32>,
      %sub3A_3094 = arith.constant 8.000000e+00 : f32
      %sub3A_3095 = vector.broadcast %sub3A_3094 : f32 to vector<16xf32>
      %sub3A_3096 = arith.subf %get3A_3093, %sub3A_3095 : vector<16xf32>
      %div3A_3097 = arith.constant 1.000000e-01 : f32
      %div3A_3098 = vector.broadcast %div3A_3097 : f32 to vector<16xf32>
      %div3A_3099 = arith.divf %sub3A_3096, %div3A_3098 : vector<16xf32>
      %convert_element_type3A_3100 = arith.fptosi %div3A_3099 : vector<16xf32> to vector<16xi32>
      %max3A_3101 = arith.constant 0 : i32
      %max3A_3102 = vector.broadcast %max3A_3101 : i32 to vector<16xi32>
      %max3A_3103 = arith.maxsi %convert_element_type3A_3100, %max3A_3102 : vector<16xi32>
      %min3A_3104 = arith.constant 139 : i32
      %min3A_3105 = vector.broadcast %min3A_3104 : i32 to vector<16xi32>
      %min3A_3106 = arith.minsi %max3A_3103, %min3A_3105 : vector<16xi32>
      %swap3A_3107 = arith.constant 816 : index
      %swap3A_3108 = tpu.vector_load %arg7[%swap3A_3107] {strides = array<i32>} : memref<2048xi32, #tpu.memory_space<vmem>>, vector<16xi32>,
      tpu.vector_store %arg7[%swap3A_3107], %min3A_3106 {strides = array<i32>} : memref<2048xi32, #tpu.memory_space<vmem>>, vector<16xi32>,
      %get3A_3109 = arith.constant 832 : index
      %get3A_3110 = tpu.vector_load %arg5[%get3A_3109] {strides = array<i32>} : memref<2048xf32, #tpu.memory_space<vmem>>, vector<16xf32>,
      %sub3A_3111 = arith.constant 8.000000e+00 : f32
      %sub3A_3112 = vector.broadcast %sub3A_3111 : f32 to vector<16xf32>
      %sub3A_3113 = arith.subf %get3A_3110, %sub3A_3112 : vector<16xf32>
      %div3A_3114 = arith.constant 1.000000e-01 : f32
      %div3A_3115 = vector.broadcast %div3A_3114 : f32 to vector<16xf32>
      %div3A_3116 = arith.divf %sub3A_3113, %div3A_3115 : vector<16xf32>
      %convert_element_type3A_3117 = arith.fptosi %div3A_3116 : vector<16xf32> to vector<16xi32>
      %max3A_3118 = arith.constant 0 : i32
      %max3A_3119 = vector.broadcast %max3A_3118 : i32 to vector<16xi32>
      %max3A_3120 = arith.maxsi %convert_element_type3A_3117, %max3A_3119 : vector<16xi32>
      %min3A_3121 = arith.constant 139 : i32
      %min3A_3122 = vector.broadcast %min3A_3121 : i32 to vector<16xi32>
      %min3A_3123 = arith.minsi %max3A_3120, %min3A_3122 : vector<16xi32>
      %swap3A_3124 = arith.constant 832 : index
      %swap3A_3125 = tpu.vector_load %arg7[%swap3A_3124] {strides = array<i32>} : memref<2048xi32, #tpu.memory_space<vmem>>, vector<16xi32>,
      tpu.vector_store %arg7[%swap3A_3124], %min3A_3123 {strides = array<i32>} : memref<2048xi32, #tpu.memory_space<vmem>>, vector<16xi32>,
      %get3A_3126 = arith.constant 848 : index
      %get3A_3127 = tpu.vector_load %arg5[%get3A_3126] {strides = array<i32>} : memref<2048xf32, #tpu.memory_space<vmem>>, vector<16xf32>,
      %sub3A_3128 = arith.constant 8.000000e+00 : f32
      %sub3A_3129 = vector.broadcast %sub3A_3128 : f32 to vector<16xf32>
      %sub3A_3130 = arith.subf %get3A_3127, %sub3A_3129 : vector<16xf32>
      %div3A_3131 = arith.constant 1.000000e-01 : f32
      %div3A_3132 = vector.broadcast %div3A_3131 : f32 to vector<16xf32>
      %div3A_3133 = arith.divf %sub3A_3130, %div3A_3132 : vector<16xf32>
      %convert_element_type3A_3134 = arith.fptosi %div3A_3133 : vector<16xf32> to vector<16xi32>
      %max3A_3135 = arith.constant 0 : i32
      %max3A_3136 = vector.broadcast %max3A_3135 : i32 to vector<16xi32>
      %max3A_3137 = arith.maxsi %convert_element_type3A_3134, %max3A_3136 : vector<16xi32>
      %min3A_3138 = arith.constant 139 : i32
      %min3A_3139 = vector.broadcast %min3A_3138 : i32 to vector<16xi32>
      %min3A_3140 = arith.minsi %max3A_3137, %min3A_3139 : vector<16xi32>
      %swap3A_3141 = arith.constant 848 : index
      %swap3A_3142 = tpu.vector_load %arg7[%swap3A_3141] {strides = array<i32>} : memref<2048xi32, #tpu.memory_space<vmem>>, vector<16xi32>,
      tpu.vector_store %arg7[%swap3A_3141], %min3A_3140 {strides = array<i32>} : memref<2048xi32, #tpu.memory_space<vmem>>, vector<16xi32>,
      %get3A_3143 = arith.constant 864 : index
      %get3A_3144 = tpu.vector_load %arg5[%get3A_3143] {strides = array<i32>} : memref<2048xf32, #tpu.memory_space<vmem>>, vector<16xf32>,
      %sub3A_3145 = arith.constant 8.000000e+00 : f32
      %sub3A_3146 = vector.broadcast %sub3A_3145 : f32 to vector<16xf32>
      %sub3A_3147 = arith.subf %get3A_3144, %sub3A_3146 : vector<16xf32>
      %div3A_3148 = arith.constant 1.000000e-01 : f32
      %div3A_3149 = vector.broadcast %div3A_3148 : f32 to vector<16xf32>
      %div3A_3150 = arith.divf %sub3A_3147, %div3A_3149 : vector<16xf32>
      %convert_element_type3A_3151 = arith.fptosi %div3A_3150 : vector<16xf32> to vector<16xi32>
      %max3A_3152 = arith.constant 0 : i32
      %max3A_3153 = vector.broadcast %max3A_3152 : i32 to vector<16xi32>
      %max3A_3154 = arith.maxsi %convert_element_type3A_3151, %max3A_3153 : vector<16xi32>
      %min3A_3155 = arith.constant 139 : i32
      %min3A_3156 = vector.broadcast %min3A_3155 : i32 to vector<16xi32>
      %min3A_3157 = arith.minsi %max3A_3154, %min3A_3156 : vector<16xi32>
      %swap3A_3158 = arith.constant 864 : index
      %swap3A_3159 = tpu.vector_load %arg7[%swap3A_3158] {strides = array<i32>} : memref<2048xi32, #tpu.memory_space<vmem>>, vector<16xi32>,
      tpu.vector_store %arg7[%swap3A_3158], %min3A_3157 {strides = array<i32>} : memref<2048xi32, #tpu.memory_space<vmem>>, vector<16xi32>,
      %get3A_3160 = arith.constant 880 : index
      %get3A_3161 = tpu.vector_load %arg5[%get3A_3160] {strides = array<i32>} : memref<2048xf32, #tpu.memory_space<vmem>>, vector<16xf32>,
      %sub3A_3162 = arith.constant 8.000000e+00 : f32
      %sub3A_3163 = vector.broadcast %sub3A_3162 : f32 to vector<16xf32>
      %sub3A_3164 = arith.subf %get3A_3161, %sub3A_3163 : vector<16xf32>
      %div3A_3165 = arith.constant 1.000000e-01 : f32
      %div3A_3166 = vector.broadcast %div3A_3165 : f32 to vector<16xf32>
      %div3A_3167 = arith.divf %sub3A_3164, %div3A_3166 : vector<16xf32>
      %convert_element_type3A_3168 = arith.fptosi %div3A_3167 : vector<16xf32> to vector<16xi32>
      %max3A_3169 = arith.constant 0 : i32
      %max3A_3170 = vector.broadcast %max3A_3169 : i32 to vector<16xi32>
      %max3A_3171 = arith.maxsi %convert_element_type3A_3168, %max3A_3170 : vector<16xi32>
      %min3A_3172 = arith.constant 139 : i32
      %min3A_3173 = vector.broadcast %min3A_3172 : i32 to vector<16xi32>
      %min3A_3174 = arith.minsi %max3A_3171, %min3A_3173 : vector<16xi32>
      %swap3A_3175 = arith.constant 880 : index
      %swap3A_3176 = tpu.vector_load %arg7[%swap3A_3175] {strides = array<i32>} : memref<2048xi32, #tpu.memory_space<vmem>>, vector<16xi32>,
      tpu.vector_store %arg7[%swap3A_3175], %min3A_3174 {strides = array<i32>} : memref<2048xi32, #tpu.memory_space<vmem>>, vector<16xi32>,
      %get3A_3177 = arith.constant 896 : index
      %get3A_3178 = tpu.vector_load %arg5[%get3A_3177] {strides = array<i32>} : memref<2048xf32, #tpu.memory_space<vmem>>, vector<16xf32>,
      %sub3A_3179 = arith.constant 8.000000e+00 : f32
      %sub3A_3180 = vector.broadcast %sub3A_3179 : f32 to vector<16xf32>
      %sub3A_3181 = arith.subf %get3A_3178, %sub3A_3180 : vector<16xf32>
      %div3A_3182 = arith.constant 1.000000e-01 : f32
      %div3A_3183 = vector.broadcast %div3A_3182 : f32 to vector<16xf32>
      %div3A_3184 = arith.divf %sub3A_3181, %div3A_3183 : vector<16xf32>
      %convert_element_type3A_3185 = arith.fptosi %div3A_3184 : vector<16xf32> to vector<16xi32>
      %max3A_3186 = arith.constant 0 : i32
      %max3A_3187 = vector.broadcast %max3A_3186 : i32 to vector<16xi32>
      %max3A_3188 = arith.maxsi %convert_element_type3A_3185, %max3A_3187 : vector<16xi32>
      %min3A_3189 = arith.constant 139 : i32
      %min3A_3190 = vector.broadcast %min3A_3189 : i32 to vector<16xi32>
      %min3A_3191 = arith.minsi %max3A_3188, %min3A_3190 : vector<16xi32>
      %swap3A_3192 = arith.constant 896 : index
      %swap3A_3193 = tpu.vector_load %arg7[%swap3A_3192] {strides = array<i32>} : memref<2048xi32, #tpu.memory_space<vmem>>, vector<16xi32>,
      tpu.vector_store %arg7[%swap3A_3192], %min3A_3191 {strides = array<i32>} : memref<2048xi32, #tpu.memory_space<vmem>>, vector<16xi32>,
      %get3A_3194 = arith.constant 912 : index
      %get3A_3195 = tpu.vector_load %arg5[%get3A_3194] {strides = array<i32>} : memref<2048xf32, #tpu.memory_space<vmem>>, vector<16xf32>,
      %sub3A_3196 = arith.constant 8.000000e+00 : f32
      %sub3A_3197 = vector.broadcast %sub3A_3196 : f32 to vector<16xf32>
      %sub3A_3198 = arith.subf %get3A_3195, %sub3A_3197 : vector<16xf32>
      %div3A_3199 = arith.constant 1.000000e-01 : f32
      %div3A_3200 = vector.broadcast %div3A_3199 : f32 to vector<16xf32>
      %div3A_3201 = arith.divf %sub3A_3198, %div3A_3200 : vector<16xf32>
      %convert_element_type3A_3202 = arith.fptosi %div3A_3201 : vector<16xf32> to vector<16xi32>
      %max3A_3203 = arith.constant 0 : i32
      %max3A_3204 = vector.broadcast %max3A_3203 : i32 to vector<16xi32>
      %max3A_3205 = arith.maxsi %convert_element_type3A_3202, %max3A_3204 : vector<16xi32>
      %min3A_3206 = arith.constant 139 : i32
      %min3A_3207 = vector.broadcast %min3A_3206 : i32 to vector<16xi32>
      %min3A_3208 = arith.minsi %max3A_3205, %min3A_3207 : vector<16xi32>
      %swap3A_3209 = arith.constant 912 : index
      %swap3A_3210 = tpu.vector_load %arg7[%swap3A_3209] {strides = array<i32>} : memref<2048xi32, #tpu.memory_space<vmem>>, vector<16xi32>,
      tpu.vector_store %arg7[%swap3A_3209], %min3A_3208 {strides = array<i32>} : memref<2048xi32, #tpu.memory_space<vmem>>, vector<16xi32>,
      %get3A_3211 = arith.constant 928 : index
      %get3A_3212 = tpu.vector_load %arg5[%get3A_3211] {strides = array<i32>} : memref<2048xf32, #tpu.memory_space<vmem>>, vector<16xf32>,
      %sub3A_3213 = arith.constant 8.000000e+00 : f32
      %sub3A_3214 = vector.broadcast %sub3A_3213 : f32 to vector<16xf32>
      %sub3A_3215 = arith.subf %get3A_3212, %sub3A_3214 : vector<16xf32>
      %div3A_3216 = arith.constant 1.000000e-01 : f32
      %div3A_3217 = vector.broadcast %div3A_3216 : f32 to vector<16xf32>
      %div3A_3218 = arith.divf %sub3A_3215, %div3A_3217 : vector<16xf32>
      %convert_element_type3A_3219 = arith.fptosi %div3A_3218 : vector<16xf32> to vector<16xi32>
      %max3A_3220 = arith.constant 0 : i32
      %max3A_3221 = vector.broadcast %max3A_3220 : i32 to vector<16xi32>
      %max3A_3222 = arith.maxsi %convert_element_type3A_3219, %max3A_3221 : vector<16xi32>
      %min3A_3223 = arith.constant 139 : i32
      %min3A_3224 = vector.broadcast %min3A_3223 : i32 to vector<16xi32>
      %min3A_3225 = arith.minsi %max3A_3222, %min3A_3224 : vector<16xi32>
      %swap3A_3226 = arith.constant 928 : index
      %swap3A_3227 = tpu.vector_load %arg7[%swap3A_3226] {strides = array<i32>} : memref<2048xi32, #tpu.memory_space<vmem>>, vector<16xi32>,
      tpu.vector_store %arg7[%swap3A_3226], %min3A_3225 {strides = array<i32>} : memref<2048xi32, #tpu.memory_space<vmem>>, vector<16xi32>,
      %get3A_3228 = arith.constant 944 : index
      %get3A_3229 = tpu.vector_load %arg5[%get3A_3228] {strides = array<i32>} : memref<2048xf32, #tpu.memory_space<vmem>>, vector<16xf32>,
      %sub3A_3230 = arith.constant 8.000000e+00 : f32
      %sub3A_3231 = vector.broadcast %sub3A_3230 : f32 to vector<16xf32>
      %sub3A_3232 = arith.subf %get3A_3229, %sub3A_3231 : vector<16xf32>
      %div3A_3233 = arith.constant 1.000000e-01 : f32
      %div3A_3234 = vector.broadcast %div3A_3233 : f32 to vector<16xf32>
      %div3A_3235 = arith.divf %sub3A_3232, %div3A_3234 : vector<16xf32>
      %convert_element_type3A_3236 = arith.fptosi %div3A_3235 : vector<16xf32> to vector<16xi32>
      %max3A_3237 = arith.constant 0 : i32
      %max3A_3238 = vector.broadcast %max3A_3237 : i32 to vector<16xi32>
      %max3A_3239 = arith.maxsi %convert_element_type3A_3236, %max3A_3238 : vector<16xi32>
      %min3A_3240 = arith.constant 139 : i32
      %min3A_3241 = vector.broadcast %min3A_3240 : i32 to vector<16xi32>
      %min3A_3242 = arith.minsi %max3A_3239, %min3A_3241 : vector<16xi32>
      %swap3A_3243 = arith.constant 944 : index
      %swap3A_3244 = tpu.vector_load %arg7[%swap3A_3243] {strides = array<i32>} : memref<2048xi32, #tpu.memory_space<vmem>>, vector<16xi32>,
      tpu.vector_store %arg7[%swap3A_3243], %min3A_3242 {strides = array<i32>} : memref<2048xi32, #tpu.memory_space<vmem>>, vector<16xi32>,
      %get3A_3245 = arith.constant 960 : index
      %get3A_3246 = tpu.vector_load %arg5[%get3A_3245] {strides = array<i32>} : memref<2048xf32, #tpu.memory_space<vmem>>, vector<16xf32>,
      %sub3A_3247 = arith.constant 8.000000e+00 : f32
      %sub3A_3248 = vector.broadcast %sub3A_3247 : f32 to vector<16xf32>
      %sub3A_3249 = arith.subf %get3A_3246, %sub3A_3248 : vector<16xf32>
      %div3A_3250 = arith.constant 1.000000e-01 : f32
      %div3A_3251 = vector.broadcast %div3A_3250 : f32 to vector<16xf32>
      %div3A_3252 = arith.divf %sub3A_3249, %div3A_3251 : vector<16xf32>
      %convert_element_type3A_3253 = arith.fptosi %div3A_3252 : vector<16xf32> to vector<16xi32>
      %max3A_3254 = arith.constant 0 : i32
      %max3A_3255 = vector.broadcast %max3A_3254 : i32 to vector<16xi32>
      %max3A_3256 = arith.maxsi %convert_element_type3A_3253, %max3A_3255 : vector<16xi32>
      %min3A_3257 = arith.constant 139 : i32
      %min3A_3258 = vector.broadcast %min3A_3257 : i32 to vector<16xi32>
      %min3A_3259 = arith.minsi %max3A_3256, %min3A_3258 : vector<16xi32>
      %swap3A_3260 = arith.constant 960 : index
      %swap3A_3261 = tpu.vector_load %arg7[%swap3A_3260] {strides = array<i32>} : memref<2048xi32, #tpu.memory_space<vmem>>, vector<16xi32>,
      tpu.vector_store %arg7[%swap3A_3260], %min3A_3259 {strides = array<i32>} : memref<2048xi32, #tpu.memory_space<vmem>>, vector<16xi32>,
      %get3A_3262 = arith.constant 976 : index
      %get3A_3263 = tpu.vector_load %arg5[%get3A_3262] {strides = array<i32>} : memref<2048xf32, #tpu.memory_space<vmem>>, vector<16xf32>,
      %sub3A_3264 = arith.constant 8.000000e+00 : f32
      %sub3A_3265 = vector.broadcast %sub3A_3264 : f32 to vector<16xf32>
      %sub3A_3266 = arith.subf %get3A_3263, %sub3A_3265 : vector<16xf32>
      %div3A_3267 = arith.constant 1.000000e-01 : f32
      %div3A_3268 = vector.broadcast %div3A_3267 : f32 to vector<16xf32>
      %div3A_3269 = arith.divf %sub3A_3266, %div3A_3268 : vector<16xf32>
      %convert_element_type3A_3270 = arith.fptosi %div3A_3269 : vector<16xf32> to vector<16xi32>
      %max3A_3271 = arith.constant 0 : i32
      %max3A_3272 = vector.broadcast %max3A_3271 : i32 to vector<16xi32>
      %max3A_3273 = arith.maxsi %convert_element_type3A_3270, %max3A_3272 : vector<16xi32>
      %min3A_3274 = arith.constant 139 : i32
      %min3A_3275 = vector.broadcast %min3A_3274 : i32 to vector<16xi32>
      %min3A_3276 = arith.minsi %max3A_3273, %min3A_3275 : vector<16xi32>
      %swap3A_3277 = arith.constant 976 : index
      %swap3A_3278 = tpu.vector_load %arg7[%swap3A_3277] {strides = array<i32>} : memref<2048xi32, #tpu.memory_space<vmem>>, vector<16xi32>,
      tpu.vector_store %arg7[%swap3A_3277], %min3A_3276 {strides = array<i32>} : memref<2048xi32, #tpu.memory_space<vmem>>, vector<16xi32>,
      %get3A_3279 = arith.constant 992 : index
      %get3A_3280 = tpu.vector_load %arg5[%get3A_3279] {strides = array<i32>} : memref<2048xf32, #tpu.memory_space<vmem>>, vector<16xf32>,
      %sub3A_3281 = arith.constant 8.000000e+00 : f32
      %sub3A_3282 = vector.broadcast %sub3A_3281 : f32 to vector<16xf32>
      %sub3A_3283 = arith.subf %get3A_3280, %sub3A_3282 : vector<16xf32>
      %div3A_3284 = arith.constant 1.000000e-01 : f32
      %div3A_3285 = vector.broadcast %div3A_3284 : f32 to vector<16xf32>
      %div3A_3286 = arith.divf %sub3A_3283, %div3A_3285 : vector<16xf32>
      %convert_element_type3A_3287 = arith.fptosi %div3A_3286 : vector<16xf32> to vector<16xi32>
      %max3A_3288 = arith.constant 0 : i32
      %max3A_3289 = vector.broadcast %max3A_3288 : i32 to vector<16xi32>
      %max3A_3290 = arith.maxsi %convert_element_type3A_3287, %max3A_3289 : vector<16xi32>
      %min3A_3291 = arith.constant 139 : i32
      %min3A_3292 = vector.broadcast %min3A_3291 : i32 to vector<16xi32>
      %min3A_3293 = arith.minsi %max3A_3290, %min3A_3292 : vector<16xi32>
      %swap3A_3294 = arith.constant 992 : index
      %swap3A_3295 = tpu.vector_load %arg7[%swap3A_3294] {strides = array<i32>} : memref<2048xi32, #tpu.memory_space<vmem>>, vector<16xi32>,
      tpu.vector_store %arg7[%swap3A_3294], %min3A_3293 {strides = array<i32>} : memref<2048xi32, #tpu.memory_space<vmem>>, vector<16xi32>,
      %get3A_3296 = arith.constant 1008 : index
      %get3A_3297 = tpu.vector_load %arg5[%get3A_3296] {strides = array<i32>} : memref<2048xf32, #tpu.memory_space<vmem>>, vector<16xf32>,
      %sub3A_3298 = arith.constant 8.000000e+00 : f32
      %sub3A_3299 = vector.broadcast %sub3A_3298 : f32 to vector<16xf32>
      %sub3A_3300 = arith.subf %get3A_3297, %sub3A_3299 : vector<16xf32>
      %div3A_3301 = arith.constant 1.000000e-01 : f32
      %div3A_3302 = vector.broadcast %div3A_3301 : f32 to vector<16xf32>
      %div3A_3303 = arith.divf %sub3A_3300, %div3A_3302 : vector<16xf32>
      %convert_element_type3A_3304 = arith.fptosi %div3A_3303 : vector<16xf32> to vector<16xi32>
      %max3A_3305 = arith.constant 0 : i32
      %max3A_3306 = vector.broadcast %max3A_3305 : i32 to vector<16xi32>
      %max3A_3307 = arith.maxsi %convert_element_type3A_3304, %max3A_3306 : vector<16xi32>
      %min3A_3308 = arith.constant 139 : i32
      %min3A_3309 = vector.broadcast %min3A_3308 : i32 to vector<16xi32>
      %min3A_3310 = arith.minsi %max3A_3307, %min3A_3309 : vector<16xi32>
      %swap3A_3311 = arith.constant 1008 : index
      %swap3A_3312 = tpu.vector_load %arg7[%swap3A_3311] {strides = array<i32>} : memref<2048xi32, #tpu.memory_space<vmem>>, vector<16xi32>,
      tpu.vector_store %arg7[%swap3A_3311], %min3A_3310 {strides = array<i32>} : memref<2048xi32, #tpu.memory_space<vmem>>, vector<16xi32>,
      %get3A_3313 = arith.constant 1024 : index
      %get3A_3314 = tpu.vector_load %arg5[%get3A_3313] {strides = array<i32>} : memref<2048xf32, #tpu.memory_space<vmem>>, vector<16xf32>,
      %sub3A_3315 = arith.constant 8.000000e+00 : f32
      %sub3A_3316 = vector.broadcast %sub3A_3315 : f32 to vector<16xf32>
      %sub3A_3317 = arith.subf %get3A_3314, %sub3A_3316 : vector<16xf32>
      %div3A_3318 = arith.constant 1.000000e-01 : f32
      %div3A_3319 = vector.broadcast %div3A_3318 : f32 to vector<16xf32>
      %div3A_3320 = arith.divf %sub3A_3317, %div3A_3319 : vector<16xf32>
      %convert_element_type3A_3321 = arith.fptosi %div3A_3320 : vector<16xf32> to vector<16xi32>
      %max3A_3322 = arith.constant 0 : i32
      %max3A_3323 = vector.broadcast %max3A_3322 : i32 to vector<16xi32>
      %max3A_3324 = arith.maxsi %convert_element_type3A_3321, %max3A_3323 : vector<16xi32>
      %min3A_3325 = arith.constant 139 : i32
      %min3A_3326 = vector.broadcast %min3A_3325 : i32 to vector<16xi32>
      %min3A_3327 = arith.minsi %max3A_3324, %min3A_3326 : vector<16xi32>
      %swap3A_3328 = arith.constant 1024 : index
      %swap3A_3329 = tpu.vector_load %arg7[%swap3A_3328] {strides = array<i32>} : memref<2048xi32, #tpu.memory_space<vmem>>, vector<16xi32>,
      tpu.vector_store %arg7[%swap3A_3328], %min3A_3327 {strides = array<i32>} : memref<2048xi32, #tpu.memory_space<vmem>>, vector<16xi32>,
      %get3A_3330 = arith.constant 1040 : index
      %get3A_3331 = tpu.vector_load %arg5[%get3A_3330] {strides = array<i32>} : memref<2048xf32, #tpu.memory_space<vmem>>, vector<16xf32>,
      %sub3A_3332 = arith.constant 8.000000e+00 : f32
      %sub3A_3333 = vector.broadcast %sub3A_3332 : f32 to vector<16xf32>
      %sub3A_3334 = arith.subf %get3A_3331, %sub3A_3333 : vector<16xf32>
      %div3A_3335 = arith.constant 1.000000e-01 : f32
      %div3A_3336 = vector.broadcast %div3A_3335 : f32 to vector<16xf32>
      %div3A_3337 = arith.divf %sub3A_3334, %div3A_3336 : vector<16xf32>
      %convert_element_type3A_3338 = arith.fptosi %div3A_3337 : vector<16xf32> to vector<16xi32>
      %max3A_3339 = arith.constant 0 : i32
      %max3A_3340 = vector.broadcast %max3A_3339 : i32 to vector<16xi32>
      %max3A_3341 = arith.maxsi %convert_element_type3A_3338, %max3A_3340 : vector<16xi32>
      %min3A_3342 = arith.constant 139 : i32
      %min3A_3343 = vector.broadcast %min3A_3342 : i32 to vector<16xi32>
      %min3A_3344 = arith.minsi %max3A_3341, %min3A_3343 : vector<16xi32>
      %swap3A_3345 = arith.constant 1040 : index
      %swap3A_3346 = tpu.vector_load %arg7[%swap3A_3345] {strides = array<i32>} : memref<2048xi32, #tpu.memory_space<vmem>>, vector<16xi32>,
      tpu.vector_store %arg7[%swap3A_3345], %min3A_3344 {strides = array<i32>} : memref<2048xi32, #tpu.memory_space<vmem>>, vector<16xi32>,
      %get3A_3347 = arith.constant 1056 : index
      %get3A_3348 = tpu.vector_load %arg5[%get3A_3347] {strides = array<i32>} : memref<2048xf32, #tpu.memory_space<vmem>>, vector<16xf32>,
      %sub3A_3349 = arith.constant 8.000000e+00 : f32
      %sub3A_3350 = vector.broadcast %sub3A_3349 : f32 to vector<16xf32>
      %sub3A_3351 = arith.subf %get3A_3348, %sub3A_3350 : vector<16xf32>
      %div3A_3352 = arith.constant 1.000000e-01 : f32
      %div3A_3353 = vector.broadcast %div3A_3352 : f32 to vector<16xf32>
      %div3A_3354 = arith.divf %sub3A_3351, %div3A_3353 : vector<16xf32>
      %convert_element_type3A_3355 = arith.fptosi %div3A_3354 : vector<16xf32> to vector<16xi32>
      %max3A_3356 = arith.constant 0 : i32
      %max3A_3357 = vector.broadcast %max3A_3356 : i32 to vector<16xi32>
      %max3A_3358 = arith.maxsi %convert_element_type3A_3355, %max3A_3357 : vector<16xi32>
      %min3A_3359 = arith.constant 139 : i32
      %min3A_3360 = vector.broadcast %min3A_3359 : i32 to vector<16xi32>
      %min3A_3361 = arith.minsi %max3A_3358, %min3A_3360 : vector<16xi32>
      %swap3A_3362 = arith.constant 1056 : index
      %swap3A_3363 = tpu.vector_load %arg7[%swap3A_3362] {strides = array<i32>} : memref<2048xi32, #tpu.memory_space<vmem>>, vector<16xi32>,
      tpu.vector_store %arg7[%swap3A_3362], %min3A_3361 {strides = array<i32>} : memref<2048xi32, #tpu.memory_space<vmem>>, vector<16xi32>,
      %get3A_3364 = arith.constant 1072 : index
      %get3A_3365 = tpu.vector_load %arg5[%get3A_3364] {strides = array<i32>} : memref<2048xf32, #tpu.memory_space<vmem>>, vector<16xf32>,
      %sub3A_3366 = arith.constant 8.000000e+00 : f32
      %sub3A_3367 = vector.broadcast %sub3A_3366 : f32 to vector<16xf32>
      %sub3A_3368 = arith.subf %get3A_3365, %sub3A_3367 : vector<16xf32>
      %div3A_3369 = arith.constant 1.000000e-01 : f32
      %div3A_3370 = vector.broadcast %div3A_3369 : f32 to vector<16xf32>
      %div3A_3371 = arith.divf %sub3A_3368, %div3A_3370 : vector<16xf32>
      %convert_element_type3A_3372 = arith.fptosi %div3A_3371 : vector<16xf32> to vector<16xi32>
      %max3A_3373 = arith.constant 0 : i32
      %max3A_3374 = vector.broadcast %max3A_3373 : i32 to vector<16xi32>
      %max3A_3375 = arith.maxsi %convert_element_type3A_3372, %max3A_3374 : vector<16xi32>
      %min3A_3376 = arith.constant 139 : i32
      %min3A_3377 = vector.broadcast %min3A_3376 : i32 to vector<16xi32>
      %min3A_3378 = arith.minsi %max3A_3375, %min3A_3377 : vector<16xi32>
      %swap3A_3379 = arith.constant 1072 : index
      %swap3A_3380 = tpu.vector_load %arg7[%swap3A_3379] {strides = array<i32>} : memref<2048xi32, #tpu.memory_space<vmem>>, vector<16xi32>,
      tpu.vector_store %arg7[%swap3A_3379], %min3A_3378 {strides = array<i32>} : memref<2048xi32, #tpu.memory_space<vmem>>, vector<16xi32>,
      %get3A_3381 = arith.constant 1088 : index
      %get3A_3382 = tpu.vector_load %arg5[%get3A_3381] {strides = array<i32>} : memref<2048xf32, #tpu.memory_space<vmem>>, vector<16xf32>,
      %sub3A_3383 = arith.constant 8.000000e+00 : f32
      %sub3A_3384 = vector.broadcast %sub3A_3383 : f32 to vector<16xf32>
      %sub3A_3385 = arith.subf %get3A_3382, %sub3A_3384 : vector<16xf32>
      %div3A_3386 = arith.constant 1.000000e-01 : f32
      %div3A_3387 = vector.broadcast %div3A_3386 : f32 to vector<16xf32>
      %div3A_3388 = arith.divf %sub3A_3385, %div3A_3387 : vector<16xf32>
      %convert_element_type3A_3389 = arith.fptosi %div3A_3388 : vector<16xf32> to vector<16xi32>
      %max3A_3390 = arith.constant 0 : i32
      %max3A_3391 = vector.broadcast %max3A_3390 : i32 to vector<16xi32>
      %max3A_3392 = arith.maxsi %convert_element_type3A_3389, %max3A_3391 : vector<16xi32>
      %min3A_3393 = arith.constant 139 : i32
      %min3A_3394 = vector.broadcast %min3A_3393 : i32 to vector<16xi32>
      %min3A_3395 = arith.minsi %max3A_3392, %min3A_3394 : vector<16xi32>
      %swap3A_3396 = arith.constant 1088 : index
      %swap3A_3397 = tpu.vector_load %arg7[%swap3A_3396] {strides = array<i32>} : memref<2048xi32, #tpu.memory_space<vmem>>, vector<16xi32>,
      tpu.vector_store %arg7[%swap3A_3396], %min3A_3395 {strides = array<i32>} : memref<2048xi32, #tpu.memory_space<vmem>>, vector<16xi32>,
      %get3A_3398 = arith.constant 1104 : index
      %get3A_3399 = tpu.vector_load %arg5[%get3A_3398] {strides = array<i32>} : memref<2048xf32, #tpu.memory_space<vmem>>, vector<16xf32>,
      %sub3A_3400 = arith.constant 8.000000e+00 : f32
      %sub3A_3401 = vector.broadcast %sub3A_3400 : f32 to vector<16xf32>
      %sub3A_3402 = arith.subf %get3A_3399, %sub3A_3401 : vector<16xf32>
      %div3A_3403 = arith.constant 1.000000e-01 : f32
      %div3A_3404 = vector.broadcast %div3A_3403 : f32 to vector<16xf32>
      %div3A_3405 = arith.divf %sub3A_3402, %div3A_3404 : vector<16xf32>
      %convert_element_type3A_3406 = arith.fptosi %div3A_3405 : vector<16xf32> to vector<16xi32>
      %max3A_3407 = arith.constant 0 : i32
      %max3A_3408 = vector.broadcast %max3A_3407 : i32 to vector<16xi32>
      %max3A_3409 = arith.maxsi %convert_element_type3A_3406, %max3A_3408 : vector<16xi32>
      %min3A_3410 = arith.constant 139 : i32
      %min3A_3411 = vector.broadcast %min3A_3410 : i32 to vector<16xi32>
      %min3A_3412 = arith.minsi %max3A_3409, %min3A_3411 : vector<16xi32>
      %swap3A_3413 = arith.constant 1104 : index
      %swap3A_3414 = tpu.vector_load %arg7[%swap3A_3413] {strides = array<i32>} : memref<2048xi32, #tpu.memory_space<vmem>>, vector<16xi32>,
      tpu.vector_store %arg7[%swap3A_3413], %min3A_3412 {strides = array<i32>} : memref<2048xi32, #tpu.memory_space<vmem>>, vector<16xi32>,
      %get3A_3415 = arith.constant 1120 : index
      %get3A_3416 = tpu.vector_load %arg5[%get3A_3415] {strides = array<i32>} : memref<2048xf32, #tpu.memory_space<vmem>>, vector<16xf32>,
      %sub3A_3417 = arith.constant 8.000000e+00 : f32
      %sub3A_3418 = vector.broadcast %sub3A_3417 : f32 to vector<16xf32>
      %sub3A_3419 = arith.subf %get3A_3416, %sub3A_3418 : vector<16xf32>
      %div3A_3420 = arith.constant 1.000000e-01 : f32
      %div3A_3421 = vector.broadcast %div3A_3420 : f32 to vector<16xf32>
      %div3A_3422 = arith.divf %sub3A_3419, %div3A_3421 : vector<16xf32>
      %convert_element_type3A_3423 = arith.fptosi %div3A_3422 : vector<16xf32> to vector<16xi32>
      %max3A_3424 = arith.constant 0 : i32
      %max3A_3425 = vector.broadcast %max3A_3424 : i32 to vector<16xi32>
      %max3A_3426 = arith.maxsi %convert_element_type3A_3423, %max3A_3425 : vector<16xi32>
      %min3A_3427 = arith.constant 139 : i32
      %min3A_3428 = vector.broadcast %min3A_3427 : i32 to vector<16xi32>
      %min3A_3429 = arith.minsi %max3A_3426, %min3A_3428 : vector<16xi32>
      %swap3A_3430 = arith.constant 1120 : index
      %swap3A_3431 = tpu.vector_load %arg7[%swap3A_3430] {strides = array<i32>} : memref<2048xi32, #tpu.memory_space<vmem>>, vector<16xi32>,
      tpu.vector_store %arg7[%swap3A_3430], %min3A_3429 {strides = array<i32>} : memref<2048xi32, #tpu.memory_space<vmem>>, vector<16xi32>,
      %get3A_3432 = arith.constant 1136 : index
      %get3A_3433 = tpu.vector_load %arg5[%get3A_3432] {strides = array<i32>} : memref<2048xf32, #tpu.memory_space<vmem>>, vector<16xf32>,
      %sub3A_3434 = arith.constant 8.000000e+00 : f32
      %sub3A_3435 = vector.broadcast %sub3A_3434 : f32 to vector<16xf32>
      %sub3A_3436 = arith.subf %get3A_3433, %sub3A_3435 : vector<16xf32>
      %div3A_3437 = arith.constant 1.000000e-01 : f32
      %div3A_3438 = vector.broadcast %div3A_3437 : f32 to vector<16xf32>
      %div3A_3439 = arith.divf %sub3A_3436, %div3A_3438 : vector<16xf32>
      %convert_element_type3A_3440 = arith.fptosi %div3A_3439 : vector<16xf32> to vector<16xi32>
      %max3A_3441 = arith.constant 0 : i32
      %max3A_3442 = vector.broadcast %max3A_3441 : i32 to vector<16xi32>
      %max3A_3443 = arith.maxsi %convert_element_type3A_3440, %max3A_3442 : vector<16xi32>
      %min3A_3444 = arith.constant 139 : i32
      %min3A_3445 = vector.broadcast %min3A_3444 : i32 to vector<16xi32>
      %min3A_3446 = arith.minsi %max3A_3443, %min3A_3445 : vector<16xi32>
      %swap3A_3447 = arith.constant 1136 : index
      %swap3A_3448 = tpu.vector_load %arg7[%swap3A_3447] {strides = array<i32>} : memref<2048xi32, #tpu.memory_space<vmem>>, vector<16xi32>,
      tpu.vector_store %arg7[%swap3A_3447], %min3A_3446 {strides = array<i32>} : memref<2048xi32, #tpu.memory_space<vmem>>, vector<16xi32>,
      %get3A_3449 = arith.constant 1152 : index
      %get3A_3450 = tpu.vector_load %arg5[%get3A_3449] {strides = array<i32>} : memref<2048xf32, #tpu.memory_space<vmem>>, vector<16xf32>,
      %sub3A_3451 = arith.constant 8.000000e+00 : f32
      %sub3A_3452 = vector.broadcast %sub3A_3451 : f32 to vector<16xf32>
      %sub3A_3453 = arith.subf %get3A_3450, %sub3A_3452 : vector<16xf32>
      %div3A_3454 = arith.constant 1.000000e-01 : f32
      %div3A_3455 = vector.broadcast %div3A_3454 : f32 to vector<16xf32>
      %div3A_3456 = arith.divf %sub3A_3453, %div3A_3455 : vector<16xf32>
      %convert_element_type3A_3457 = arith.fptosi %div3A_3456 : vector<16xf32> to vector<16xi32>
      %max3A_3458 = arith.constant 0 : i32
      %max3A_3459 = vector.broadcast %max3A_3458 : i32 to vector<16xi32>
      %max3A_3460 = arith.maxsi %convert_element_type3A_3457, %max3A_3459 : vector<16xi32>
      %min3A_3461 = arith.constant 139 : i32
      %min3A_3462 = vector.broadcast %min3A_3461 : i32 to vector<16xi32>
      %min3A_3463 = arith.minsi %max3A_3460, %min3A_3462 : vector<16xi32>
      %swap3A_3464 = arith.constant 1152 : index
      %swap3A_3465 = tpu.vector_load %arg7[%swap3A_3464] {strides = array<i32>} : memref<2048xi32, #tpu.memory_space<vmem>>, vector<16xi32>,
      tpu.vector_store %arg7[%swap3A_3464], %min3A_3463 {strides = array<i32>} : memref<2048xi32, #tpu.memory_space<vmem>>, vector<16xi32>,
      %get3A_3466 = arith.constant 1168 : index
      %get3A_3467 = tpu.vector_load %arg5[%get3A_3466] {strides = array<i32>} : memref<2048xf32, #tpu.memory_space<vmem>>, vector<16xf32>,
      %sub3A_3468 = arith.constant 8.000000e+00 : f32
      %sub3A_3469 = vector.broadcast %sub3A_3468 : f32 to vector<16xf32>
      %sub3A_3470 = arith.subf %get3A_3467, %sub3A_3469 : vector<16xf32>
      %div3A_3471 = arith.constant 1.000000e-01 : f32
      %div3A_3472 = vector.broadcast %div3A_3471 : f32 to vector<16xf32>
      %div3A_3473 = arith.divf %sub3A_3470, %div3A_3472 : vector<16xf32>
      %convert_element_type3A_3474 = arith.fptosi %div3A_3473 : vector<16xf32> to vector<16xi32>
      %max3A_3475 = arith.constant 0 : i32
      %max3A_3476 = vector.broadcast %max3A_3475 : i32 to vector<16xi32>
      %max3A_3477 = arith.maxsi %convert_element_type3A_3474, %max3A_3476 : vector<16xi32>
      %min3A_3478 = arith.constant 139 : i32
      %min3A_3479 = vector.broadcast %min3A_3478 : i32 to vector<16xi32>
      %min3A_3480 = arith.minsi %max3A_3477, %min3A_3479 : vector<16xi32>
      %swap3A_3481 = arith.constant 1168 : index
      %swap3A_3482 = tpu.vector_load %arg7[%swap3A_3481] {strides = array<i32>} : memref<2048xi32, #tpu.memory_space<vmem>>, vector<16xi32>,
      tpu.vector_store %arg7[%swap3A_3481], %min3A_3480 {strides = array<i32>} : memref<2048xi32, #tpu.memory_space<vmem>>, vector<16xi32>,
      %get3A_3483 = arith.constant 1184 : index
      %get3A_3484 = tpu.vector_load %arg5[%get3A_3483] {strides = array<i32>} : memref<2048xf32, #tpu.memory_space<vmem>>, vector<16xf32>,
      %sub3A_3485 = arith.constant 8.000000e+00 : f32
      %sub3A_3486 = vector.broadcast %sub3A_3485 : f32 to vector<16xf32>
      %sub3A_3487 = arith.subf %get3A_3484, %sub3A_3486 : vector<16xf32>
      %div3A_3488 = arith.constant 1.000000e-01 : f32
      %div3A_3489 = vector.broadcast %div3A_3488 : f32 to vector<16xf32>
      %div3A_3490 = arith.divf %sub3A_3487, %div3A_3489 : vector<16xf32>
      %convert_element_type3A_3491 = arith.fptosi %div3A_3490 : vector<16xf32> to vector<16xi32>
      %max3A_3492 = arith.constant 0 : i32
      %max3A_3493 = vector.broadcast %max3A_3492 : i32 to vector<16xi32>
      %max3A_3494 = arith.maxsi %convert_element_type3A_3491, %max3A_3493 : vector<16xi32>
      %min3A_3495 = arith.constant 139 : i32
      %min3A_3496 = vector.broadcast %min3A_3495 : i32 to vector<16xi32>
      %min3A_3497 = arith.minsi %max3A_3494, %min3A_3496 : vector<16xi32>
      %swap3A_3498 = arith.constant 1184 : index
      %swap3A_3499 = tpu.vector_load %arg7[%swap3A_3498] {strides = array<i32>} : memref<2048xi32, #tpu.memory_space<vmem>>, vector<16xi32>,
      tpu.vector_store %arg7[%swap3A_3498], %min3A_3497 {strides = array<i32>} : memref<2048xi32, #tpu.memory_space<vmem>>, vector<16xi32>,
      %get3A_3500 = arith.constant 1200 : index
      %get3A_3501 = tpu.vector_load %arg5[%get3A_3500] {strides = array<i32>} : memref<2048xf32, #tpu.memory_space<vmem>>, vector<16xf32>,
      %sub3A_3502 = arith.constant 8.000000e+00 : f32
      %sub3A_3503 = vector.broadcast %sub3A_3502 : f32 to vector<16xf32>
      %sub3A_3504 = arith.subf %get3A_3501, %sub3A_3503 : vector<16xf32>
      %div3A_3505 = arith.constant 1.000000e-01 : f32
      %div3A_3506 = vector.broadcast %div3A_3505 : f32 to vector<16xf32>
      %div3A_3507 = arith.divf %sub3A_3504, %div3A_3506 : vector<16xf32>
      %convert_element_type3A_3508 = arith.fptosi %div3A_3507 : vector<16xf32> to vector<16xi32>
      %max3A_3509 = arith.constant 0 : i32
      %max3A_3510 = vector.broadcast %max3A_3509 : i32 to vector<16xi32>
      %max3A_3511 = arith.maxsi %convert_element_type3A_3508, %max3A_3510 : vector<16xi32>
      %min3A_3512 = arith.constant 139 : i32
      %min3A_3513 = vector.broadcast %min3A_3512 : i32 to vector<16xi32>
      %min3A_3514 = arith.minsi %max3A_3511, %min3A_3513 : vector<16xi32>
      %swap3A_3515 = arith.constant 1200 : index
      %swap3A_3516 = tpu.vector_load %arg7[%swap3A_3515] {strides = array<i32>} : memref<2048xi32, #tpu.memory_space<vmem>>, vector<16xi32>,
      tpu.vector_store %arg7[%swap3A_3515], %min3A_3514 {strides = array<i32>} : memref<2048xi32, #tpu.memory_space<vmem>>, vector<16xi32>,
      %get3A_3517 = arith.constant 1216 : index
      %get3A_3518 = tpu.vector_load %arg5[%get3A_3517] {strides = array<i32>} : memref<2048xf32, #tpu.memory_space<vmem>>, vector<16xf32>,
      %sub3A_3519 = arith.constant 8.000000e+00 : f32
      %sub3A_3520 = vector.broadcast %sub3A_3519 : f32 to vector<16xf32>
      %sub3A_3521 = arith.subf %get3A_3518, %sub3A_3520 : vector<16xf32>
      %div3A_3522 = arith.constant 1.000000e-01 : f32
      %div3A_3523 = vector.broadcast %div3A_3522 : f32 to vector<16xf32>
      %div3A_3524 = arith.divf %sub3A_3521, %div3A_3523 : vector<16xf32>
      %convert_element_type3A_3525 = arith.fptosi %div3A_3524 : vector<16xf32> to vector<16xi32>
      %max3A_3526 = arith.constant 0 : i32
      %max3A_3527 = vector.broadcast %max3A_3526 : i32 to vector<16xi32>
      %max3A_3528 = arith.maxsi %convert_element_type3A_3525, %max3A_3527 : vector<16xi32>
      %min3A_3529 = arith.constant 139 : i32
      %min3A_3530 = vector.broadcast %min3A_3529 : i32 to vector<16xi32>
      %min3A_3531 = arith.minsi %max3A_3528, %min3A_3530 : vector<16xi32>
      %swap3A_3532 = arith.constant 1216 : index
      %swap3A_3533 = tpu.vector_load %arg7[%swap3A_3532] {strides = array<i32>} : memref<2048xi32, #tpu.memory_space<vmem>>, vector<16xi32>,
      tpu.vector_store %arg7[%swap3A_3532], %min3A_3531 {strides = array<i32>} : memref<2048xi32, #tpu.memory_space<vmem>>, vector<16xi32>,
      %get3A_3534 = arith.constant 1232 : index
      %get3A_3535 = tpu.vector_load %arg5[%get3A_3534] {strides = array<i32>} : memref<2048xf32, #tpu.memory_space<vmem>>, vector<16xf32>,
      %sub3A_3536 = arith.constant 8.000000e+00 : f32
      %sub3A_3537 = vector.broadcast %sub3A_3536 : f32 to vector<16xf32>
      %sub3A_3538 = arith.subf %get3A_3535, %sub3A_3537 : vector<16xf32>
      %div3A_3539 = arith.constant 1.000000e-01 : f32
      %div3A_3540 = vector.broadcast %div3A_3539 : f32 to vector<16xf32>
      %div3A_3541 = arith.divf %sub3A_3538, %div3A_3540 : vector<16xf32>
      %convert_element_type3A_3542 = arith.fptosi %div3A_3541 : vector<16xf32> to vector<16xi32>
      %max3A_3543 = arith.constant 0 : i32
      %max3A_3544 = vector.broadcast %max3A_3543 : i32 to vector<16xi32>
      %max3A_3545 = arith.maxsi %convert_element_type3A_3542, %max3A_3544 : vector<16xi32>
      %min3A_3546 = arith.constant 139 : i32
      %min3A_3547 = vector.broadcast %min3A_3546 : i32 to vector<16xi32>
      %min3A_3548 = arith.minsi %max3A_3545, %min3A_3547 : vector<16xi32>
      %swap3A_3549 = arith.constant 1232 : index
      %swap3A_3550 = tpu.vector_load %arg7[%swap3A_3549] {strides = array<i32>} : memref<2048xi32, #tpu.memory_space<vmem>>, vector<16xi32>,
      tpu.vector_store %arg7[%swap3A_3549], %min3A_3548 {strides = array<i32>} : memref<2048xi32, #tpu.memory_space<vmem>>, vector<16xi32>,
      %get3A_3551 = arith.constant 1248 : index
      %get3A_3552 = tpu.vector_load %arg5[%get3A_3551] {strides = array<i32>} : memref<2048xf32, #tpu.memory_space<vmem>>, vector<16xf32>,
      %sub3A_3553 = arith.constant 8.000000e+00 : f32
      %sub3A_3554 = vector.broadcast %sub3A_3553 : f32 to vector<16xf32>
      %sub3A_3555 = arith.subf %get3A_3552, %sub3A_3554 : vector<16xf32>
      %div3A_3556 = arith.constant 1.000000e-01 : f32
      %div3A_3557 = vector.broadcast %div3A_3556 : f32 to vector<16xf32>
      %div3A_3558 = arith.divf %sub3A_3555, %div3A_3557 : vector<16xf32>
      %convert_element_type3A_3559 = arith.fptosi %div3A_3558 : vector<16xf32> to vector<16xi32>
      %max3A_3560 = arith.constant 0 : i32
      %max3A_3561 = vector.broadcast %max3A_3560 : i32 to vector<16xi32>
      %max3A_3562 = arith.maxsi %convert_element_type3A_3559, %max3A_3561 : vector<16xi32>
      %min3A_3563 = arith.constant 139 : i32
      %min3A_3564 = vector.broadcast %min3A_3563 : i32 to vector<16xi32>
      %min3A_3565 = arith.minsi %max3A_3562, %min3A_3564 : vector<16xi32>
      %swap3A_3566 = arith.constant 1248 : index
      %swap3A_3567 = tpu.vector_load %arg7[%swap3A_3566] {strides = array<i32>} : memref<2048xi32, #tpu.memory_space<vmem>>, vector<16xi32>,
      tpu.vector_store %arg7[%swap3A_3566], %min3A_3565 {strides = array<i32>} : memref<2048xi32, #tpu.memory_space<vmem>>, vector<16xi32>,
      %get3A_3568 = arith.constant 1264 : index
      %get3A_3569 = tpu.vector_load %arg5[%get3A_3568] {strides = array<i32>} : memref<2048xf32, #tpu.memory_space<vmem>>, vector<16xf32>,
      %sub3A_3570 = arith.constant 8.000000e+00 : f32
      %sub3A_3571 = vector.broadcast %sub3A_3570 : f32 to vector<16xf32>
      %sub3A_3572 = arith.subf %get3A_3569, %sub3A_3571 : vector<16xf32>
      %div3A_3573 = arith.constant 1.000000e-01 : f32
      %div3A_3574 = vector.broadcast %div3A_3573 : f32 to vector<16xf32>
      %div3A_3575 = arith.divf %sub3A_3572, %div3A_3574 : vector<16xf32>
      %convert_element_type3A_3576 = arith.fptosi %div3A_3575 : vector<16xf32> to vector<16xi32>
      %max3A_3577 = arith.constant 0 : i32
      %max3A_3578 = vector.broadcast %max3A_3577 : i32 to vector<16xi32>
      %max3A_3579 = arith.maxsi %convert_element_type3A_3576, %max3A_3578 : vector<16xi32>
      %min3A_3580 = arith.constant 139 : i32
      %min3A_3581 = vector.broadcast %min3A_3580 : i32 to vector<16xi32>
      %min3A_3582 = arith.minsi %max3A_3579, %min3A_3581 : vector<16xi32>
      %swap3A_3583 = arith.constant 1264 : index
      %swap3A_3584 = tpu.vector_load %arg7[%swap3A_3583] {strides = array<i32>} : memref<2048xi32, #tpu.memory_space<vmem>>, vector<16xi32>,
      tpu.vector_store %arg7[%swap3A_3583], %min3A_3582 {strides = array<i32>} : memref<2048xi32, #tpu.memory_space<vmem>>, vector<16xi32>,
      %get3A_3585 = arith.constant 1280 : index
      %get3A_3586 = tpu.vector_load %arg5[%get3A_3585] {strides = array<i32>} : memref<2048xf32, #tpu.memory_space<vmem>>, vector<16xf32>,
      %sub3A_3587 = arith.constant 8.000000e+00 : f32
      %sub3A_3588 = vector.broadcast %sub3A_3587 : f32 to vector<16xf32>
      %sub3A_3589 = arith.subf %get3A_3586, %sub3A_3588 : vector<16xf32>
      %div3A_3590 = arith.constant 1.000000e-01 : f32
      %div3A_3591 = vector.broadcast %div3A_3590 : f32 to vector<16xf32>
      %div3A_3592 = arith.divf %sub3A_3589, %div3A_3591 : vector<16xf32>
      %convert_element_type3A_3593 = arith.fptosi %div3A_3592 : vector<16xf32> to vector<16xi32>
      %max3A_3594 = arith.constant 0 : i32
      %max3A_3595 = vector.broadcast %max3A_3594 : i32 to vector<16xi32>
      %max3A_3596 = arith.maxsi %convert_element_type3A_3593, %max3A_3595 : vector<16xi32>
      %min3A_3597 = arith.constant 139 : i32
      %min3A_3598 = vector.broadcast %min3A_3597 : i32 to vector<16xi32>
      %min3A_3599 = arith.minsi %max3A_3596, %min3A_3598 : vector<16xi32>
      %swap3A_3600 = arith.constant 1280 : index
      %swap3A_3601 = tpu.vector_load %arg7[%swap3A_3600] {strides = array<i32>} : memref<2048xi32, #tpu.memory_space<vmem>>, vector<16xi32>,
      tpu.vector_store %arg7[%swap3A_3600], %min3A_3599 {strides = array<i32>} : memref<2048xi32, #tpu.memory_space<vmem>>, vector<16xi32>,
      %get3A_3602 = arith.constant 1296 : index
      %get3A_3603 = tpu.vector_load %arg5[%get3A_3602] {strides = array<i32>} : memref<2048xf32, #tpu.memory_space<vmem>>, vector<16xf32>,
      %sub3A_3604 = arith.constant 8.000000e+00 : f32
      %sub3A_3605 = vector.broadcast %sub3A_3604 : f32 to vector<16xf32>
      %sub3A_3606 = arith.subf %get3A_3603, %sub3A_3605 : vector<16xf32>
      %div3A_3607 = arith.constant 1.000000e-01 : f32
      %div3A_3608 = vector.broadcast %div3A_3607 : f32 to vector<16xf32>
      %div3A_3609 = arith.divf %sub3A_3606, %div3A_3608 : vector<16xf32>
      %convert_element_type3A_3610 = arith.fptosi %div3A_3609 : vector<16xf32> to vector<16xi32>
      %max3A_3611 = arith.constant 0 : i32
      %max3A_3612 = vector.broadcast %max3A_3611 : i32 to vector<16xi32>
      %max3A_3613 = arith.maxsi %convert_element_type3A_3610, %max3A_3612 : vector<16xi32>
      %min3A_3614 = arith.constant 139 : i32
      %min3A_3615 = vector.broadcast %min3A_3614 : i32 to vector<16xi32>
      %min3A_3616 = arith.minsi %max3A_3613, %min3A_3615 : vector<16xi32>
      %swap3A_3617 = arith.constant 1296 : index
      %swap3A_3618 = tpu.vector_load %arg7[%swap3A_3617] {strides = array<i32>} : memref<2048xi32, #tpu.memory_space<vmem>>, vector<16xi32>,
      tpu.vector_store %arg7[%swap3A_3617], %min3A_3616 {strides = array<i32>} : memref<2048xi32, #tpu.memory_space<vmem>>, vector<16xi32>,
      %get3A_3619 = arith.constant 1312 : index
      %get3A_3620 = tpu.vector_load %arg5[%get3A_3619] {strides = array<i32>} : memref<2048xf32, #tpu.memory_space<vmem>>, vector<16xf32>,
      %sub3A_3621 = arith.constant 8.000000e+00 : f32
      %sub3A_3622 = vector.broadcast %sub3A_3621 : f32 to vector<16xf32>
      %sub3A_3623 = arith.subf %get3A_3620, %sub3A_3622 : vector<16xf32>
      %div3A_3624 = arith.constant 1.000000e-01 : f32
      %div3A_3625 = vector.broadcast %div3A_3624 : f32 to vector<16xf32>
      %div3A_3626 = arith.divf %sub3A_3623, %div3A_3625 : vector<16xf32>
      %convert_element_type3A_3627 = arith.fptosi %div3A_3626 : vector<16xf32> to vector<16xi32>
      %max3A_3628 = arith.constant 0 : i32
      %max3A_3629 = vector.broadcast %max3A_3628 : i32 to vector<16xi32>
      %max3A_3630 = arith.maxsi %convert_element_type3A_3627, %max3A_3629 : vector<16xi32>
      %min3A_3631 = arith.constant 139 : i32
      %min3A_3632 = vector.broadcast %min3A_3631 : i32 to vector<16xi32>
      %min3A_3633 = arith.minsi %max3A_3630, %min3A_3632 : vector<16xi32>
      %swap3A_3634 = arith.constant 1312 : index
      %swap3A_3635 = tpu.vector_load %arg7[%swap3A_3634] {strides = array<i32>} : memref<2048xi32, #tpu.memory_space<vmem>>, vector<16xi32>,
      tpu.vector_store %arg7[%swap3A_3634], %min3A_3633 {strides = array<i32>} : memref<2048xi32, #tpu.memory_space<vmem>>, vector<16xi32>,
      %get3A_3636 = arith.constant 1328 : index
      %get3A_3637 = tpu.vector_load %arg5[%get3A_3636] {strides = array<i32>} : memref<2048xf32, #tpu.memory_space<vmem>>, vector<16xf32>,
      %sub3A_3638 = arith.constant 8.000000e+00 : f32
      %sub3A_3639 = vector.broadcast %sub3A_3638 : f32 to vector<16xf32>
      %sub3A_3640 = arith.subf %get3A_3637, %sub3A_3639 : vector<16xf32>
      %div3A_3641 = arith.constant 1.000000e-01 : f32
      %div3A_3642 = vector.broadcast %div3A_3641 : f32 to vector<16xf32>
      %div3A_3643 = arith.divf %sub3A_3640, %div3A_3642 : vector<16xf32>
      %convert_element_type3A_3644 = arith.fptosi %div3A_3643 : vector<16xf32> to vector<16xi32>
      %max3A_3645 = arith.constant 0 : i32
      %max3A_3646 = vector.broadcast %max3A_3645 : i32 to vector<16xi32>
      %max3A_3647 = arith.maxsi %convert_element_type3A_3644, %max3A_3646 : vector<16xi32>
      %min3A_3648 = arith.constant 139 : i32
      %min3A_3649 = vector.broadcast %min3A_3648 : i32 to vector<16xi32>
      %min3A_3650 = arith.minsi %max3A_3647, %min3A_3649 : vector<16xi32>
      %swap3A_3651 = arith.constant 1328 : index
      %swap3A_3652 = tpu.vector_load %arg7[%swap3A_3651] {strides = array<i32>} : memref<2048xi32, #tpu.memory_space<vmem>>, vector<16xi32>,
      tpu.vector_store %arg7[%swap3A_3651], %min3A_3650 {strides = array<i32>} : memref<2048xi32, #tpu.memory_space<vmem>>, vector<16xi32>,
      %get3A_3653 = arith.constant 1344 : index
      %get3A_3654 = tpu.vector_load %arg5[%get3A_3653] {strides = array<i32>} : memref<2048xf32, #tpu.memory_space<vmem>>, vector<16xf32>,
      %sub3A_3655 = arith.constant 8.000000e+00 : f32
      %sub3A_3656 = vector.broadcast %sub3A_3655 : f32 to vector<16xf32>
      %sub3A_3657 = arith.subf %get3A_3654, %sub3A_3656 : vector<16xf32>
      %div3A_3658 = arith.constant 1.000000e-01 : f32
      %div3A_3659 = vector.broadcast %div3A_3658 : f32 to vector<16xf32>
      %div3A_3660 = arith.divf %sub3A_3657, %div3A_3659 : vector<16xf32>
      %convert_element_type3A_3661 = arith.fptosi %div3A_3660 : vector<16xf32> to vector<16xi32>
      %max3A_3662 = arith.constant 0 : i32
      %max3A_3663 = vector.broadcast %max3A_3662 : i32 to vector<16xi32>
      %max3A_3664 = arith.maxsi %convert_element_type3A_3661, %max3A_3663 : vector<16xi32>
      %min3A_3665 = arith.constant 139 : i32
      %min3A_3666 = vector.broadcast %min3A_3665 : i32 to vector<16xi32>
      %min3A_3667 = arith.minsi %max3A_3664, %min3A_3666 : vector<16xi32>
      %swap3A_3668 = arith.constant 1344 : index
      %swap3A_3669 = tpu.vector_load %arg7[%swap3A_3668] {strides = array<i32>} : memref<2048xi32, #tpu.memory_space<vmem>>, vector<16xi32>,
      tpu.vector_store %arg7[%swap3A_3668], %min3A_3667 {strides = array<i32>} : memref<2048xi32, #tpu.memory_space<vmem>>, vector<16xi32>,
      %get3A_3670 = arith.constant 1360 : index
      %get3A_3671 = tpu.vector_load %arg5[%get3A_3670] {strides = array<i32>} : memref<2048xf32, #tpu.memory_space<vmem>>, vector<16xf32>,
      %sub3A_3672 = arith.constant 8.000000e+00 : f32
      %sub3A_3673 = vector.broadcast %sub3A_3672 : f32 to vector<16xf32>
      %sub3A_3674 = arith.subf %get3A_3671, %sub3A_3673 : vector<16xf32>
      %div3A_3675 = arith.constant 1.000000e-01 : f32
      %div3A_3676 = vector.broadcast %div3A_3675 : f32 to vector<16xf32>
      %div3A_3677 = arith.divf %sub3A_3674, %div3A_3676 : vector<16xf32>
      %convert_element_type3A_3678 = arith.fptosi %div3A_3677 : vector<16xf32> to vector<16xi32>
      %max3A_3679 = arith.constant 0 : i32
      %max3A_3680 = vector.broadcast %max3A_3679 : i32 to vector<16xi32>
      %max3A_3681 = arith.maxsi %convert_element_type3A_3678, %max3A_3680 : vector<16xi32>
      %min3A_3682 = arith.constant 139 : i32
      %min3A_3683 = vector.broadcast %min3A_3682 : i32 to vector<16xi32>
      %min3A_3684 = arith.minsi %max3A_3681, %min3A_3683 : vector<16xi32>
      %swap3A_3685 = arith.constant 1360 : index
      %swap3A_3686 = tpu.vector_load %arg7[%swap3A_3685] {strides = array<i32>} : memref<2048xi32, #tpu.memory_space<vmem>>, vector<16xi32>,
      tpu.vector_store %arg7[%swap3A_3685], %min3A_3684 {strides = array<i32>} : memref<2048xi32, #tpu.memory_space<vmem>>, vector<16xi32>,
      %get3A_3687 = arith.constant 1376 : index
      %get3A_3688 = tpu.vector_load %arg5[%get3A_3687] {strides = array<i32>} : memref<2048xf32, #tpu.memory_space<vmem>>, vector<16xf32>,
      %sub3A_3689 = arith.constant 8.000000e+00 : f32
      %sub3A_3690 = vector.broadcast %sub3A_3689 : f32 to vector<16xf32>
      %sub3A_3691 = arith.subf %get3A_3688, %sub3A_3690 : vector<16xf32>
      %div3A_3692 = arith.constant 1.000000e-01 : f32
      %div3A_3693 = vector.broadcast %div3A_3692 : f32 to vector<16xf32>
      %div3A_3694 = arith.divf %sub3A_3691, %div3A_3693 : vector<16xf32>
      %convert_element_type3A_3695 = arith.fptosi %div3A_3694 : vector<16xf32> to vector<16xi32>
      %max3A_3696 = arith.constant 0 : i32
      %max3A_3697 = vector.broadcast %max3A_3696 : i32 to vector<16xi32>
      %max3A_3698 = arith.maxsi %convert_element_type3A_3695, %max3A_3697 : vector<16xi32>
      %min3A_3699 = arith.constant 139 : i32
      %min3A_3700 = vector.broadcast %min3A_3699 : i32 to vector<16xi32>
      %min3A_3701 = arith.minsi %max3A_3698, %min3A_3700 : vector<16xi32>
      %swap3A_3702 = arith.constant 1376 : index
      %swap3A_3703 = tpu.vector_load %arg7[%swap3A_3702] {strides = array<i32>} : memref<2048xi32, #tpu.memory_space<vmem>>, vector<16xi32>,
      tpu.vector_store %arg7[%swap3A_3702], %min3A_3701 {strides = array<i32>} : memref<2048xi32, #tpu.memory_space<vmem>>, vector<16xi32>,
      %get3A_3704 = arith.constant 1392 : index
      %get3A_3705 = tpu.vector_load %arg5[%get3A_3704] {strides = array<i32>} : memref<2048xf32, #tpu.memory_space<vmem>>, vector<16xf32>,
      %sub3A_3706 = arith.constant 8.000000e+00 : f32
      %sub3A_3707 = vector.broadcast %sub3A_3706 : f32 to vector<16xf32>
      %sub3A_3708 = arith.subf %get3A_3705, %sub3A_3707 : vector<16xf32>
      %div3A_3709 = arith.constant 1.000000e-01 : f32
      %div3A_3710 = vector.broadcast %div3A_3709 : f32 to vector<16xf32>
      %div3A_3711 = arith.divf %sub3A_3708, %div3A_3710 : vector<16xf32>
      %convert_element_type3A_3712 = arith.fptosi %div3A_3711 : vector<16xf32> to vector<16xi32>
      %max3A_3713 = arith.constant 0 : i32
      %max3A_3714 = vector.broadcast %max3A_3713 : i32 to vector<16xi32>
      %max3A_3715 = arith.maxsi %convert_element_type3A_3712, %max3A_3714 : vector<16xi32>
      %min3A_3716 = arith.constant 139 : i32
      %min3A_3717 = vector.broadcast %min3A_3716 : i32 to vector<16xi32>
      %min3A_3718 = arith.minsi %max3A_3715, %min3A_3717 : vector<16xi32>
      %swap3A_3719 = arith.constant 1392 : index
      %swap3A_3720 = tpu.vector_load %arg7[%swap3A_3719] {strides = array<i32>} : memref<2048xi32, #tpu.memory_space<vmem>>, vector<16xi32>,
      tpu.vector_store %arg7[%swap3A_3719], %min3A_3718 {strides = array<i32>} : memref<2048xi32, #tpu.memory_space<vmem>>, vector<16xi32>,
      %get3A_3721 = arith.constant 1408 : index
      %get3A_3722 = tpu.vector_load %arg5[%get3A_3721] {strides = array<i32>} : memref<2048xf32, #tpu.memory_space<vmem>>, vector<16xf32>,
      %sub3A_3723 = arith.constant 8.000000e+00 : f32
      %sub3A_3724 = vector.broadcast %sub3A_3723 : f32 to vector<16xf32>
      %sub3A_3725 = arith.subf %get3A_3722, %sub3A_3724 : vector<16xf32>
      %div3A_3726 = arith.constant 1.000000e-01 : f32
      %div3A_3727 = vector.broadcast %div3A_3726 : f32 to vector<16xf32>
      %div3A_3728 = arith.divf %sub3A_3725, %div3A_3727 : vector<16xf32>
      %convert_element_type3A_3729 = arith.fptosi %div3A_3728 : vector<16xf32> to vector<16xi32>
      %max3A_3730 = arith.constant 0 : i32
      %max3A_3731 = vector.broadcast %max3A_3730 : i32 to vector<16xi32>
      %max3A_3732 = arith.maxsi %convert_element_type3A_3729, %max3A_3731 : vector<16xi32>
      %min3A_3733 = arith.constant 139 : i32
      %min3A_3734 = vector.broadcast %min3A_3733 : i32 to vector<16xi32>
      %min3A_3735 = arith.minsi %max3A_3732, %min3A_3734 : vector<16xi32>
      %swap3A_3736 = arith.constant 1408 : index
      %swap3A_3737 = tpu.vector_load %arg7[%swap3A_3736] {strides = array<i32>} : memref<2048xi32, #tpu.memory_space<vmem>>, vector<16xi32>,
      tpu.vector_store %arg7[%swap3A_3736], %min3A_3735 {strides = array<i32>} : memref<2048xi32, #tpu.memory_space<vmem>>, vector<16xi32>,
      %get3A_3738 = arith.constant 1424 : index
      %get3A_3739 = tpu.vector_load %arg5[%get3A_3738] {strides = array<i32>} : memref<2048xf32, #tpu.memory_space<vmem>>, vector<16xf32>,
      %sub3A_3740 = arith.constant 8.000000e+00 : f32
      %sub3A_3741 = vector.broadcast %sub3A_3740 : f32 to vector<16xf32>
      %sub3A_3742 = arith.subf %get3A_3739, %sub3A_3741 : vector<16xf32>
      %div3A_3743 = arith.constant 1.000000e-01 : f32
      %div3A_3744 = vector.broadcast %div3A_3743 : f32 to vector<16xf32>
      %div3A_3745 = arith.divf %sub3A_3742, %div3A_3744 : vector<16xf32>
      %convert_element_type3A_3746 = arith.fptosi %div3A_3745 : vector<16xf32> to vector<16xi32>
      %max3A_3747 = arith.constant 0 : i32
      %max3A_3748 = vector.broadcast %max3A_3747 : i32 to vector<16xi32>
      %max3A_3749 = arith.maxsi %convert_element_type3A_3746, %max3A_3748 : vector<16xi32>
      %min3A_3750 = arith.constant 139 : i32
      %min3A_3751 = vector.broadcast %min3A_3750 : i32 to vector<16xi32>
      %min3A_3752 = arith.minsi %max3A_3749, %min3A_3751 : vector<16xi32>
      %swap3A_3753 = arith.constant 1424 : index
      %swap3A_3754 = tpu.vector_load %arg7[%swap3A_3753] {strides = array<i32>} : memref<2048xi32, #tpu.memory_space<vmem>>, vector<16xi32>,
      tpu.vector_store %arg7[%swap3A_3753], %min3A_3752 {strides = array<i32>} : memref<2048xi32, #tpu.memory_space<vmem>>, vector<16xi32>,
      %get3A_3755 = arith.constant 1440 : index
      %get3A_3756 = tpu.vector_load %arg5[%get3A_3755] {strides = array<i32>} : memref<2048xf32, #tpu.memory_space<vmem>>, vector<16xf32>,
      %sub3A_3757 = arith.constant 8.000000e+00 : f32
      %sub3A_3758 = vector.broadcast %sub3A_3757 : f32 to vector<16xf32>
      %sub3A_3759 = arith.subf %get3A_3756, %sub3A_3758 : vector<16xf32>
      %div3A_3760 = arith.constant 1.000000e-01 : f32
      %div3A_3761 = vector.broadcast %div3A_3760 : f32 to vector<16xf32>
      %div3A_3762 = arith.divf %sub3A_3759, %div3A_3761 : vector<16xf32>
      %convert_element_type3A_3763 = arith.fptosi %div3A_3762 : vector<16xf32> to vector<16xi32>
      %max3A_3764 = arith.constant 0 : i32
      %max3A_3765 = vector.broadcast %max3A_3764 : i32 to vector<16xi32>
      %max3A_3766 = arith.maxsi %convert_element_type3A_3763, %max3A_3765 : vector<16xi32>
      %min3A_3767 = arith.constant 139 : i32
      %min3A_3768 = vector.broadcast %min3A_3767 : i32 to vector<16xi32>
      %min3A_3769 = arith.minsi %max3A_3766, %min3A_3768 : vector<16xi32>
      %swap3A_3770 = arith.constant 1440 : index
      %swap3A_3771 = tpu.vector_load %arg7[%swap3A_3770] {strides = array<i32>} : memref<2048xi32, #tpu.memory_space<vmem>>, vector<16xi32>,
      tpu.vector_store %arg7[%swap3A_3770], %min3A_3769 {strides = array<i32>} : memref<2048xi32, #tpu.memory_space<vmem>>, vector<16xi32>,
      %get3A_3772 = arith.constant 1456 : index
      %get3A_3773 = tpu.vector_load %arg5[%get3A_3772] {strides = array<i32>} : memref<2048xf32, #tpu.memory_space<vmem>>, vector<16xf32>,
      %sub3A_3774 = arith.constant 8.000000e+00 : f32
      %sub3A_3775 = vector.broadcast %sub3A_3774 : f32 to vector<16xf32>
      %sub3A_3776 = arith.subf %get3A_3773, %sub3A_3775 : vector<16xf32>
      %div3A_3777 = arith.constant 1.000000e-01 : f32
      %div3A_3778 = vector.broadcast %div3A_3777 : f32 to vector<16xf32>
      %div3A_3779 = arith.divf %sub3A_3776, %div3A_3778 : vector<16xf32>
      %convert_element_type3A_3780 = arith.fptosi %div3A_3779 : vector<16xf32> to vector<16xi32>
      %max3A_3781 = arith.constant 0 : i32
      %max3A_3782 = vector.broadcast %max3A_3781 : i32 to vector<16xi32>
      %max3A_3783 = arith.maxsi %convert_element_type3A_3780, %max3A_3782 : vector<16xi32>
      %min3A_3784 = arith.constant 139 : i32
      %min3A_3785 = vector.broadcast %min3A_3784 : i32 to vector<16xi32>
      %min3A_3786 = arith.minsi %max3A_3783, %min3A_3785 : vector<16xi32>
      %swap3A_3787 = arith.constant 1456 : index
      %swap3A_3788 = tpu.vector_load %arg7[%swap3A_3787] {strides = array<i32>} : memref<2048xi32, #tpu.memory_space<vmem>>, vector<16xi32>,
      tpu.vector_store %arg7[%swap3A_3787], %min3A_3786 {strides = array<i32>} : memref<2048xi32, #tpu.memory_space<vmem>>, vector<16xi32>,
      %get3A_3789 = arith.constant 1472 : index
      %get3A_3790 = tpu.vector_load %arg5[%get3A_3789] {strides = array<i32>} : memref<2048xf32, #tpu.memory_space<vmem>>, vector<16xf32>,
      %sub3A_3791 = arith.constant 8.000000e+00 : f32
      %sub3A_3792 = vector.broadcast %sub3A_3791 : f32 to vector<16xf32>
      %sub3A_3793 = arith.subf %get3A_3790, %sub3A_3792 : vector<16xf32>
      %div3A_3794 = arith.constant 1.000000e-01 : f32
      %div3A_3795 = vector.broadcast %div3A_3794 : f32 to vector<16xf32>
      %div3A_3796 = arith.divf %sub3A_3793, %div3A_3795 : vector<16xf32>
      %convert_element_type3A_3797 = arith.fptosi %div3A_3796 : vector<16xf32> to vector<16xi32>
      %max3A_3798 = arith.constant 0 : i32
      %max3A_3799 = vector.broadcast %max3A_3798 : i32 to vector<16xi32>
      %max3A_3800 = arith.maxsi %convert_element_type3A_3797, %max3A_3799 : vector<16xi32>
      %min3A_3801 = arith.constant 139 : i32
      %min3A_3802 = vector.broadcast %min3A_3801 : i32 to vector<16xi32>
      %min3A_3803 = arith.minsi %max3A_3800, %min3A_3802 : vector<16xi32>
      %swap3A_3804 = arith.constant 1472 : index
      %swap3A_3805 = tpu.vector_load %arg7[%swap3A_3804] {strides = array<i32>} : memref<2048xi32, #tpu.memory_space<vmem>>, vector<16xi32>,
      tpu.vector_store %arg7[%swap3A_3804], %min3A_3803 {strides = array<i32>} : memref<2048xi32, #tpu.memory_space<vmem>>, vector<16xi32>,
      %get3A_3806 = arith.constant 1488 : index
      %get3A_3807 = tpu.vector_load %arg5[%get3A_3806] {strides = array<i32>} : memref<2048xf32, #tpu.memory_space<vmem>>, vector<16xf32>,
      %sub3A_3808 = arith.constant 8.000000e+00 : f32
      %sub3A_3809 = vector.broadcast %sub3A_3808 : f32 to vector<16xf32>
      %sub3A_3810 = arith.subf %get3A_3807, %sub3A_3809 : vector<16xf32>
      %div3A_3811 = arith.constant 1.000000e-01 : f32
      %div3A_3812 = vector.broadcast %div3A_3811 : f32 to vector<16xf32>
      %div3A_3813 = arith.divf %sub3A_3810, %div3A_3812 : vector<16xf32>
      %convert_element_type3A_3814 = arith.fptosi %div3A_3813 : vector<16xf32> to vector<16xi32>
      %max3A_3815 = arith.constant 0 : i32
      %max3A_3816 = vector.broadcast %max3A_3815 : i32 to vector<16xi32>
      %max3A_3817 = arith.maxsi %convert_element_type3A_3814, %max3A_3816 : vector<16xi32>
      %min3A_3818 = arith.constant 139 : i32
      %min3A_3819 = vector.broadcast %min3A_3818 : i32 to vector<16xi32>
      %min3A_3820 = arith.minsi %max3A_3817, %min3A_3819 : vector<16xi32>
      %swap3A_3821 = arith.constant 1488 : index
      %swap3A_3822 = tpu.vector_load %arg7[%swap3A_3821] {strides = array<i32>} : memref<2048xi32, #tpu.memory_space<vmem>>, vector<16xi32>,
      tpu.vector_store %arg7[%swap3A_3821], %min3A_3820 {strides = array<i32>} : memref<2048xi32, #tpu.memory_space<vmem>>, vector<16xi32>,
      %get3A_3823 = arith.constant 1504 : index
      %get3A_3824 = tpu.vector_load %arg5[%get3A_3823] {strides = array<i32>} : memref<2048xf32, #tpu.memory_space<vmem>>, vector<16xf32>,
      %sub3A_3825 = arith.constant 8.000000e+00 : f32
      %sub3A_3826 = vector.broadcast %sub3A_3825 : f32 to vector<16xf32>
      %sub3A_3827 = arith.subf %get3A_3824, %sub3A_3826 : vector<16xf32>
      %div3A_3828 = arith.constant 1.000000e-01 : f32
      %div3A_3829 = vector.broadcast %div3A_3828 : f32 to vector<16xf32>
      %div3A_3830 = arith.divf %sub3A_3827, %div3A_3829 : vector<16xf32>
      %convert_element_type3A_3831 = arith.fptosi %div3A_3830 : vector<16xf32> to vector<16xi32>
      %max3A_3832 = arith.constant 0 : i32
      %max3A_3833 = vector.broadcast %max3A_3832 : i32 to vector<16xi32>
      %max3A_3834 = arith.maxsi %convert_element_type3A_3831, %max3A_3833 : vector<16xi32>
      %min3A_3835 = arith.constant 139 : i32
      %min3A_3836 = vector.broadcast %min3A_3835 : i32 to vector<16xi32>
      %min3A_3837 = arith.minsi %max3A_3834, %min3A_3836 : vector<16xi32>
      %swap3A_3838 = arith.constant 1504 : index
      %swap3A_3839 = tpu.vector_load %arg7[%swap3A_3838] {strides = array<i32>} : memref<2048xi32, #tpu.memory_space<vmem>>, vector<16xi32>,
      tpu.vector_store %arg7[%swap3A_3838], %min3A_3837 {strides = array<i32>} : memref<2048xi32, #tpu.memory_space<vmem>>, vector<16xi32>,
      %get3A_3840 = arith.constant 1520 : index
      %get3A_3841 = tpu.vector_load %arg5[%get3A_3840] {strides = array<i32>} : memref<2048xf32, #tpu.memory_space<vmem>>, vector<16xf32>,
      %sub3A_3842 = arith.constant 8.000000e+00 : f32
      %sub3A_3843 = vector.broadcast %sub3A_3842 : f32 to vector<16xf32>
      %sub3A_3844 = arith.subf %get3A_3841, %sub3A_3843 : vector<16xf32>
      %div3A_3845 = arith.constant 1.000000e-01 : f32
      %div3A_3846 = vector.broadcast %div3A_3845 : f32 to vector<16xf32>
      %div3A_3847 = arith.divf %sub3A_3844, %div3A_3846 : vector<16xf32>
      %convert_element_type3A_3848 = arith.fptosi %div3A_3847 : vector<16xf32> to vector<16xi32>
      %max3A_3849 = arith.constant 0 : i32
      %max3A_3850 = vector.broadcast %max3A_3849 : i32 to vector<16xi32>
      %max3A_3851 = arith.maxsi %convert_element_type3A_3848, %max3A_3850 : vector<16xi32>
      %min3A_3852 = arith.constant 139 : i32
      %min3A_3853 = vector.broadcast %min3A_3852 : i32 to vector<16xi32>
      %min3A_3854 = arith.minsi %max3A_3851, %min3A_3853 : vector<16xi32>
      %swap3A_3855 = arith.constant 1520 : index
      %swap3A_3856 = tpu.vector_load %arg7[%swap3A_3855] {strides = array<i32>} : memref<2048xi32, #tpu.memory_space<vmem>>, vector<16xi32>,
      tpu.vector_store %arg7[%swap3A_3855], %min3A_3854 {strides = array<i32>} : memref<2048xi32, #tpu.memory_space<vmem>>, vector<16xi32>,
      %get3A_3857 = arith.constant 1536 : index
      %get3A_3858 = tpu.vector_load %arg5[%get3A_3857] {strides = array<i32>} : memref<2048xf32, #tpu.memory_space<vmem>>, vector<16xf32>,
      %sub3A_3859 = arith.constant 8.000000e+00 : f32
      %sub3A_3860 = vector.broadcast %sub3A_3859 : f32 to vector<16xf32>
      %sub3A_3861 = arith.subf %get3A_3858, %sub3A_3860 : vector<16xf32>
      %div3A_3862 = arith.constant 1.000000e-01 : f32
      %div3A_3863 = vector.broadcast %div3A_3862 : f32 to vector<16xf32>
      %div3A_3864 = arith.divf %sub3A_3861, %div3A_3863 : vector<16xf32>
      %convert_element_type3A_3865 = arith.fptosi %div3A_3864 : vector<16xf32> to vector<16xi32>
      %max3A_3866 = arith.constant 0 : i32
      %max3A_3867 = vector.broadcast %max3A_3866 : i32 to vector<16xi32>
      %max3A_3868 = arith.maxsi %convert_element_type3A_3865, %max3A_3867 : vector<16xi32>
      %min3A_3869 = arith.constant 139 : i32
      %min3A_3870 = vector.broadcast %min3A_3869 : i32 to vector<16xi32>
      %min3A_3871 = arith.minsi %max3A_3868, %min3A_3870 : vector<16xi32>
      %swap3A_3872 = arith.constant 1536 : index
      %swap3A_3873 = tpu.vector_load %arg7[%swap3A_3872] {strides = array<i32>} : memref<2048xi32, #tpu.memory_space<vmem>>, vector<16xi32>,
      tpu.vector_store %arg7[%swap3A_3872], %min3A_3871 {strides = array<i32>} : memref<2048xi32, #tpu.memory_space<vmem>>, vector<16xi32>,
      %get3A_3874 = arith.constant 1552 : index
      %get3A_3875 = tpu.vector_load %arg5[%get3A_3874] {strides = array<i32>} : memref<2048xf32, #tpu.memory_space<vmem>>, vector<16xf32>,
      %sub3A_3876 = arith.constant 8.000000e+00 : f32
      %sub3A_3877 = vector.broadcast %sub3A_3876 : f32 to vector<16xf32>
      %sub3A_3878 = arith.subf %get3A_3875, %sub3A_3877 : vector<16xf32>
      %div3A_3879 = arith.constant 1.000000e-01 : f32
      %div3A_3880 = vector.broadcast %div3A_3879 : f32 to vector<16xf32>
      %div3A_3881 = arith.divf %sub3A_3878, %div3A_3880 : vector<16xf32>
      %convert_element_type3A_3882 = arith.fptosi %div3A_3881 : vector<16xf32> to vector<16xi32>
      %max3A_3883 = arith.constant 0 : i32
      %max3A_3884 = vector.broadcast %max3A_3883 : i32 to vector<16xi32>
      %max3A_3885 = arith.maxsi %convert_element_type3A_3882, %max3A_3884 : vector<16xi32>
      %min3A_3886 = arith.constant 139 : i32
      %min3A_3887 = vector.broadcast %min3A_3886 : i32 to vector<16xi32>
      %min3A_3888 = arith.minsi %max3A_3885, %min3A_3887 : vector<16xi32>
      %swap3A_3889 = arith.constant 1552 : index
      %swap3A_3890 = tpu.vector_load %arg7[%swap3A_3889] {strides = array<i32>} : memref<2048xi32, #tpu.memory_space<vmem>>, vector<16xi32>,
      tpu.vector_store %arg7[%swap3A_3889], %min3A_3888 {strides = array<i32>} : memref<2048xi32, #tpu.memory_space<vmem>>, vector<16xi32>,
      %get3A_3891 = arith.constant 1568 : index
      %get3A_3892 = tpu.vector_load %arg5[%get3A_3891] {strides = array<i32>} : memref<2048xf32, #tpu.memory_space<vmem>>, vector<16xf32>,
      %sub3A_3893 = arith.constant 8.000000e+00 : f32
      %sub3A_3894 = vector.broadcast %sub3A_3893 : f32 to vector<16xf32>
      %sub3A_3895 = arith.subf %get3A_3892, %sub3A_3894 : vector<16xf32>
      %div3A_3896 = arith.constant 1.000000e-01 : f32
      %div3A_3897 = vector.broadcast %div3A_3896 : f32 to vector<16xf32>
      %div3A_3898 = arith.divf %sub3A_3895, %div3A_3897 : vector<16xf32>
      %convert_element_type3A_3899 = arith.fptosi %div3A_3898 : vector<16xf32> to vector<16xi32>
      %max3A_3900 = arith.constant 0 : i32
      %max3A_3901 = vector.broadcast %max3A_3900 : i32 to vector<16xi32>
      %max3A_3902 = arith.maxsi %convert_element_type3A_3899, %max3A_3901 : vector<16xi32>
      %min3A_3903 = arith.constant 139 : i32
      %min3A_3904 = vector.broadcast %min3A_3903 : i32 to vector<16xi32>
      %min3A_3905 = arith.minsi %max3A_3902, %min3A_3904 : vector<16xi32>
      %swap3A_3906 = arith.constant 1568 : index
      %swap3A_3907 = tpu.vector_load %arg7[%swap3A_3906] {strides = array<i32>} : memref<2048xi32, #tpu.memory_space<vmem>>, vector<16xi32>,
      tpu.vector_store %arg7[%swap3A_3906], %min3A_3905 {strides = array<i32>} : memref<2048xi32, #tpu.memory_space<vmem>>, vector<16xi32>,
      %get3A_3908 = arith.constant 1584 : index
      %get3A_3909 = tpu.vector_load %arg5[%get3A_3908] {strides = array<i32>} : memref<2048xf32, #tpu.memory_space<vmem>>, vector<16xf32>,
      %sub3A_3910 = arith.constant 8.000000e+00 : f32
      %sub3A_3911 = vector.broadcast %sub3A_3910 : f32 to vector<16xf32>
      %sub3A_3912 = arith.subf %get3A_3909, %sub3A_3911 : vector<16xf32>
      %div3A_3913 = arith.constant 1.000000e-01 : f32
      %div3A_3914 = vector.broadcast %div3A_3913 : f32 to vector<16xf32>
      %div3A_3915 = arith.divf %sub3A_3912, %div3A_3914 : vector<16xf32>
      %convert_element_type3A_3916 = arith.fptosi %div3A_3915 : vector<16xf32> to vector<16xi32>
      %max3A_3917 = arith.constant 0 : i32
      %max3A_3918 = vector.broadcast %max3A_3917 : i32 to vector<16xi32>
      %max3A_3919 = arith.maxsi %convert_element_type3A_3916, %max3A_3918 : vector<16xi32>
      %min3A_3920 = arith.constant 139 : i32
      %min3A_3921 = vector.broadcast %min3A_3920 : i32 to vector<16xi32>
      %min3A_3922 = arith.minsi %max3A_3919, %min3A_3921 : vector<16xi32>
      %swap3A_3923 = arith.constant 1584 : index
      %swap3A_3924 = tpu.vector_load %arg7[%swap3A_3923] {strides = array<i32>} : memref<2048xi32, #tpu.memory_space<vmem>>, vector<16xi32>,
      tpu.vector_store %arg7[%swap3A_3923], %min3A_3922 {strides = array<i32>} : memref<2048xi32, #tpu.memory_space<vmem>>, vector<16xi32>,
      %get3A_3925 = arith.constant 1600 : index
      %get3A_3926 = tpu.vector_load %arg5[%get3A_3925] {strides = array<i32>} : memref<2048xf32, #tpu.memory_space<vmem>>, vector<16xf32>,
      %sub3A_3927 = arith.constant 8.000000e+00 : f32
      %sub3A_3928 = vector.broadcast %sub3A_3927 : f32 to vector<16xf32>
      %sub3A_3929 = arith.subf %get3A_3926, %sub3A_3928 : vector<16xf32>
      %div3A_3930 = arith.constant 1.000000e-01 : f32
      %div3A_3931 = vector.broadcast %div3A_3930 : f32 to vector<16xf32>
      %div3A_3932 = arith.divf %sub3A_3929, %div3A_3931 : vector<16xf32>
      %convert_element_type3A_3933 = arith.fptosi %div3A_3932 : vector<16xf32> to vector<16xi32>
      %max3A_3934 = arith.constant 0 : i32
      %max3A_3935 = vector.broadcast %max3A_3934 : i32 to vector<16xi32>
      %max3A_3936 = arith.maxsi %convert_element_type3A_3933, %max3A_3935 : vector<16xi32>
      %min3A_3937 = arith.constant 139 : i32
      %min3A_3938 = vector.broadcast %min3A_3937 : i32 to vector<16xi32>
      %min3A_3939 = arith.minsi %max3A_3936, %min3A_3938 : vector<16xi32>
      %swap3A_3940 = arith.constant 1600 : index
      %swap3A_3941 = tpu.vector_load %arg7[%swap3A_3940] {strides = array<i32>} : memref<2048xi32, #tpu.memory_space<vmem>>, vector<16xi32>,
      tpu.vector_store %arg7[%swap3A_3940], %min3A_3939 {strides = array<i32>} : memref<2048xi32, #tpu.memory_space<vmem>>, vector<16xi32>,
      %get3A_3942 = arith.constant 1616 : index
      %get3A_3943 = tpu.vector_load %arg5[%get3A_3942] {strides = array<i32>} : memref<2048xf32, #tpu.memory_space<vmem>>, vector<16xf32>,
      %sub3A_3944 = arith.constant 8.000000e+00 : f32
      %sub3A_3945 = vector.broadcast %sub3A_3944 : f32 to vector<16xf32>
      %sub3A_3946 = arith.subf %get3A_3943, %sub3A_3945 : vector<16xf32>
      %div3A_3947 = arith.constant 1.000000e-01 : f32
      %div3A_3948 = vector.broadcast %div3A_3947 : f32 to vector<16xf32>
      %div3A_3949 = arith.divf %sub3A_3946, %div3A_3948 : vector<16xf32>
      %convert_element_type3A_3950 = arith.fptosi %div3A_3949 : vector<16xf32> to vector<16xi32>
      %max3A_3951 = arith.constant 0 : i32
      %max3A_3952 = vector.broadcast %max3A_3951 : i32 to vector<16xi32>
      %max3A_3953 = arith.maxsi %convert_element_type3A_3950, %max3A_3952 : vector<16xi32>
      %min3A_3954 = arith.constant 139 : i32
      %min3A_3955 = vector.broadcast %min3A_3954 : i32 to vector<16xi32>
      %min3A_3956 = arith.minsi %max3A_3953, %min3A_3955 : vector<16xi32>
      %swap3A_3957 = arith.constant 1616 : index
      %swap3A_3958 = tpu.vector_load %arg7[%swap3A_3957] {strides = array<i32>} : memref<2048xi32, #tpu.memory_space<vmem>>, vector<16xi32>,
      tpu.vector_store %arg7[%swap3A_3957], %min3A_3956 {strides = array<i32>} : memref<2048xi32, #tpu.memory_space<vmem>>, vector<16xi32>,
      %get3A_3959 = arith.constant 1632 : index
      %get3A_3960 = tpu.vector_load %arg5[%get3A_3959] {strides = array<i32>} : memref<2048xf32, #tpu.memory_space<vmem>>, vector<16xf32>,
      %sub3A_3961 = arith.constant 8.000000e+00 : f32
      %sub3A_3962 = vector.broadcast %sub3A_3961 : f32 to vector<16xf32>
      %sub3A_3963 = arith.subf %get3A_3960, %sub3A_3962 : vector<16xf32>
      %div3A_3964 = arith.constant 1.000000e-01 : f32
      %div3A_3965 = vector.broadcast %div3A_3964 : f32 to vector<16xf32>
      %div3A_3966 = arith.divf %sub3A_3963, %div3A_3965 : vector<16xf32>
      %convert_element_type3A_3967 = arith.fptosi %div3A_3966 : vector<16xf32> to vector<16xi32>
      %max3A_3968 = arith.constant 0 : i32
      %max3A_3969 = vector.broadcast %max3A_3968 : i32 to vector<16xi32>
      %max3A_3970 = arith.maxsi %convert_element_type3A_3967, %max3A_3969 : vector<16xi32>
      %min3A_3971 = arith.constant 139 : i32
      %min3A_3972 = vector.broadcast %min3A_3971 : i32 to vector<16xi32>
      %min3A_3973 = arith.minsi %max3A_3970, %min3A_3972 : vector<16xi32>
      %swap3A_3974 = arith.constant 1632 : index
      %swap3A_3975 = tpu.vector_load %arg7[%swap3A_3974] {strides = array<i32>} : memref<2048xi32, #tpu.memory_space<vmem>>, vector<16xi32>,
      tpu.vector_store %arg7[%swap3A_3974], %min3A_3973 {strides = array<i32>} : memref<2048xi32, #tpu.memory_space<vmem>>, vector<16xi32>,
      %get3A_3976 = arith.constant 1648 : index
      %get3A_3977 = tpu.vector_load %arg5[%get3A_3976] {strides = array<i32>} : memref<2048xf32, #tpu.memory_space<vmem>>, vector<16xf32>,
      %sub3A_3978 = arith.constant 8.000000e+00 : f32
      %sub3A_3979 = vector.broadcast %sub3A_3978 : f32 to vector<16xf32>
      %sub3A_3980 = arith.subf %get3A_3977, %sub3A_3979 : vector<16xf32>
      %div3A_3981 = arith.constant 1.000000e-01 : f32
      %div3A_3982 = vector.broadcast %div3A_3981 : f32 to vector<16xf32>
      %div3A_3983 = arith.divf %sub3A_3980, %div3A_3982 : vector<16xf32>
      %convert_element_type3A_3984 = arith.fptosi %div3A_3983 : vector<16xf32> to vector<16xi32>
      %max3A_3985 = arith.constant 0 : i32
      %max3A_3986 = vector.broadcast %max3A_3985 : i32 to vector<16xi32>
      %max3A_3987 = arith.maxsi %convert_element_type3A_3984, %max3A_3986 : vector<16xi32>
      %min3A_3988 = arith.constant 139 : i32
      %min3A_3989 = vector.broadcast %min3A_3988 : i32 to vector<16xi32>
      %min3A_3990 = arith.minsi %max3A_3987, %min3A_3989 : vector<16xi32>
      %swap3A_3991 = arith.constant 1648 : index
      %swap3A_3992 = tpu.vector_load %arg7[%swap3A_3991] {strides = array<i32>} : memref<2048xi32, #tpu.memory_space<vmem>>, vector<16xi32>,
      tpu.vector_store %arg7[%swap3A_3991], %min3A_3990 {strides = array<i32>} : memref<2048xi32, #tpu.memory_space<vmem>>, vector<16xi32>,
      %get3A_3993 = arith.constant 1664 : index
      %get3A_3994 = tpu.vector_load %arg5[%get3A_3993] {strides = array<i32>} : memref<2048xf32, #tpu.memory_space<vmem>>, vector<16xf32>,
      %sub3A_3995 = arith.constant 8.000000e+00 : f32
      %sub3A_3996 = vector.broadcast %sub3A_3995 : f32 to vector<16xf32>
      %sub3A_3997 = arith.subf %get3A_3994, %sub3A_3996 : vector<16xf32>
      %div3A_3998 = arith.constant 1.000000e-01 : f32
      %div3A_3999 = vector.broadcast %div3A_3998 : f32 to vector<16xf32>
      %div3A_4000 = arith.divf %sub3A_3997, %div3A_3999 : vector<16xf32>
      %convert_element_type3A_4001 = arith.fptosi %div3A_4000 : vector<16xf32> to vector<16xi32>
      %max3A_4002 = arith.constant 0 : i32
      %max3A_4003 = vector.broadcast %max3A_4002 : i32 to vector<16xi32>
      %max3A_4004 = arith.maxsi %convert_element_type3A_4001, %max3A_4003 : vector<16xi32>
      %min3A_4005 = arith.constant 139 : i32
      %min3A_4006 = vector.broadcast %min3A_4005 : i32 to vector<16xi32>
      %min3A_4007 = arith.minsi %max3A_4004, %min3A_4006 : vector<16xi32>
      %swap3A_4008 = arith.constant 1664 : index
      %swap3A_4009 = tpu.vector_load %arg7[%swap3A_4008] {strides = array<i32>} : memref<2048xi32, #tpu.memory_space<vmem>>, vector<16xi32>,
      tpu.vector_store %arg7[%swap3A_4008], %min3A_4007 {strides = array<i32>} : memref<2048xi32, #tpu.memory_space<vmem>>, vector<16xi32>,
      %get3A_4010 = arith.constant 1680 : index
      %get3A_4011 = tpu.vector_load %arg5[%get3A_4010] {strides = array<i32>} : memref<2048xf32, #tpu.memory_space<vmem>>, vector<16xf32>,
      %sub3A_4012 = arith.constant 8.000000e+00 : f32
      %sub3A_4013 = vector.broadcast %sub3A_4012 : f32 to vector<16xf32>
      %sub3A_4014 = arith.subf %get3A_4011, %sub3A_4013 : vector<16xf32>
      %div3A_4015 = arith.constant 1.000000e-01 : f32
      %div3A_4016 = vector.broadcast %div3A_4015 : f32 to vector<16xf32>
      %div3A_4017 = arith.divf %sub3A_4014, %div3A_4016 : vector<16xf32>
      %convert_element_type3A_4018 = arith.fptosi %div3A_4017 : vector<16xf32> to vector<16xi32>
      %max3A_4019 = arith.constant 0 : i32
      %max3A_4020 = vector.broadcast %max3A_4019 : i32 to vector<16xi32>
      %max3A_4021 = arith.maxsi %convert_element_type3A_4018, %max3A_4020 : vector<16xi32>
      %min3A_4022 = arith.constant 139 : i32
      %min3A_4023 = vector.broadcast %min3A_4022 : i32 to vector<16xi32>
      %min3A_4024 = arith.minsi %max3A_4021, %min3A_4023 : vector<16xi32>
      %swap3A_4025 = arith.constant 1680 : index
      %swap3A_4026 = tpu.vector_load %arg7[%swap3A_4025] {strides = array<i32>} : memref<2048xi32, #tpu.memory_space<vmem>>, vector<16xi32>,
      tpu.vector_store %arg7[%swap3A_4025], %min3A_4024 {strides = array<i32>} : memref<2048xi32, #tpu.memory_space<vmem>>, vector<16xi32>,
      %get3A_4027 = arith.constant 1696 : index
      %get3A_4028 = tpu.vector_load %arg5[%get3A_4027] {strides = array<i32>} : memref<2048xf32, #tpu.memory_space<vmem>>, vector<16xf32>,
      %sub3A_4029 = arith.constant 8.000000e+00 : f32
      %sub3A_4030 = vector.broadcast %sub3A_4029 : f32 to vector<16xf32>
      %sub3A_4031 = arith.subf %get3A_4028, %sub3A_4030 : vector<16xf32>
      %div3A_4032 = arith.constant 1.000000e-01 : f32
      %div3A_4033 = vector.broadcast %div3A_4032 : f32 to vector<16xf32>
      %div3A_4034 = arith.divf %sub3A_4031, %div3A_4033 : vector<16xf32>
      %convert_element_type3A_4035 = arith.fptosi %div3A_4034 : vector<16xf32> to vector<16xi32>
      %max3A_4036 = arith.constant 0 : i32
      %max3A_4037 = vector.broadcast %max3A_4036 : i32 to vector<16xi32>
      %max3A_4038 = arith.maxsi %convert_element_type3A_4035, %max3A_4037 : vector<16xi32>
      %min3A_4039 = arith.constant 139 : i32
      %min3A_4040 = vector.broadcast %min3A_4039 : i32 to vector<16xi32>
      %min3A_4041 = arith.minsi %max3A_4038, %min3A_4040 : vector<16xi32>
      %swap3A_4042 = arith.constant 1696 : index
      %swap3A_4043 = tpu.vector_load %arg7[%swap3A_4042] {strides = array<i32>} : memref<2048xi32, #tpu.memory_space<vmem>>, vector<16xi32>,
      tpu.vector_store %arg7[%swap3A_4042], %min3A_4041 {strides = array<i32>} : memref<2048xi32, #tpu.memory_space<vmem>>, vector<16xi32>,
      %get3A_4044 = arith.constant 1712 : index
      %get3A_4045 = tpu.vector_load %arg5[%get3A_4044] {strides = array<i32>} : memref<2048xf32, #tpu.memory_space<vmem>>, vector<16xf32>,
      %sub3A_4046 = arith.constant 8.000000e+00 : f32
      %sub3A_4047 = vector.broadcast %sub3A_4046 : f32 to vector<16xf32>
      %sub3A_4048 = arith.subf %get3A_4045, %sub3A_4047 : vector<16xf32>
      %div3A_4049 = arith.constant 1.000000e-01 : f32
      %div3A_4050 = vector.broadcast %div3A_4049 : f32 to vector<16xf32>
      %div3A_4051 = arith.divf %sub3A_4048, %div3A_4050 : vector<16xf32>
      %convert_element_type3A_4052 = arith.fptosi %div3A_4051 : vector<16xf32> to vector<16xi32>
      %max3A_4053 = arith.constant 0 : i32
      %max3A_4054 = vector.broadcast %max3A_4053 : i32 to vector<16xi32>
      %max3A_4055 = arith.maxsi %convert_element_type3A_4052, %max3A_4054 : vector<16xi32>
      %min3A_4056 = arith.constant 139 : i32
      %min3A_4057 = vector.broadcast %min3A_4056 : i32 to vector<16xi32>
      %min3A_4058 = arith.minsi %max3A_4055, %min3A_4057 : vector<16xi32>
      %swap3A_4059 = arith.constant 1712 : index
      %swap3A_4060 = tpu.vector_load %arg7[%swap3A_4059] {strides = array<i32>} : memref<2048xi32, #tpu.memory_space<vmem>>, vector<16xi32>,
      tpu.vector_store %arg7[%swap3A_4059], %min3A_4058 {strides = array<i32>} : memref<2048xi32, #tpu.memory_space<vmem>>, vector<16xi32>,
      %get3A_4061 = arith.constant 1728 : index
      %get3A_4062 = tpu.vector_load %arg5[%get3A_4061] {strides = array<i32>} : memref<2048xf32, #tpu.memory_space<vmem>>, vector<16xf32>,
      %sub3A_4063 = arith.constant 8.000000e+00 : f32
      %sub3A_4064 = vector.broadcast %sub3A_4063 : f32 to vector<16xf32>
      %sub3A_4065 = arith.subf %get3A_4062, %sub3A_4064 : vector<16xf32>
      %div3A_4066 = arith.constant 1.000000e-01 : f32
      %div3A_4067 = vector.broadcast %div3A_4066 : f32 to vector<16xf32>
      %div3A_4068 = arith.divf %sub3A_4065, %div3A_4067 : vector<16xf32>
      %convert_element_type3A_4069 = arith.fptosi %div3A_4068 : vector<16xf32> to vector<16xi32>
      %max3A_4070 = arith.constant 0 : i32
      %max3A_4071 = vector.broadcast %max3A_4070 : i32 to vector<16xi32>
      %max3A_4072 = arith.maxsi %convert_element_type3A_4069, %max3A_4071 : vector<16xi32>
      %min3A_4073 = arith.constant 139 : i32
      %min3A_4074 = vector.broadcast %min3A_4073 : i32 to vector<16xi32>
      %min3A_4075 = arith.minsi %max3A_4072, %min3A_4074 : vector<16xi32>
      %swap3A_4076 = arith.constant 1728 : index
      %swap3A_4077 = tpu.vector_load %arg7[%swap3A_4076] {strides = array<i32>} : memref<2048xi32, #tpu.memory_space<vmem>>, vector<16xi32>,
      tpu.vector_store %arg7[%swap3A_4076], %min3A_4075 {strides = array<i32>} : memref<2048xi32, #tpu.memory_space<vmem>>, vector<16xi32>,
      %get3A_4078 = arith.constant 1744 : index
      %get3A_4079 = tpu.vector_load %arg5[%get3A_4078] {strides = array<i32>} : memref<2048xf32, #tpu.memory_space<vmem>>, vector<16xf32>,
      %sub3A_4080 = arith.constant 8.000000e+00 : f32
      %sub3A_4081 = vector.broadcast %sub3A_4080 : f32 to vector<16xf32>
      %sub3A_4082 = arith.subf %get3A_4079, %sub3A_4081 : vector<16xf32>
      %div3A_4083 = arith.constant 1.000000e-01 : f32
      %div3A_4084 = vector.broadcast %div3A_4083 : f32 to vector<16xf32>
      %div3A_4085 = arith.divf %sub3A_4082, %div3A_4084 : vector<16xf32>
      %convert_element_type3A_4086 = arith.fptosi %div3A_4085 : vector<16xf32> to vector<16xi32>
      %max3A_4087 = arith.constant 0 : i32
      %max3A_4088 = vector.broadcast %max3A_4087 : i32 to vector<16xi32>
      %max3A_4089 = arith.maxsi %convert_element_type3A_4086, %max3A_4088 : vector<16xi32>
      %min3A_4090 = arith.constant 139 : i32
      %min3A_4091 = vector.broadcast %min3A_4090 : i32 to vector<16xi32>
      %min3A_4092 = arith.minsi %max3A_4089, %min3A_4091 : vector<16xi32>
      %swap3A_4093 = arith.constant 1744 : index
      %swap3A_4094 = tpu.vector_load %arg7[%swap3A_4093] {strides = array<i32>} : memref<2048xi32, #tpu.memory_space<vmem>>, vector<16xi32>,
      tpu.vector_store %arg7[%swap3A_4093], %min3A_4092 {strides = array<i32>} : memref<2048xi32, #tpu.memory_space<vmem>>, vector<16xi32>,
      %get3A_4095 = arith.constant 1760 : index
      %get3A_4096 = tpu.vector_load %arg5[%get3A_4095] {strides = array<i32>} : memref<2048xf32, #tpu.memory_space<vmem>>, vector<16xf32>,
      %sub3A_4097 = arith.constant 8.000000e+00 : f32
      %sub3A_4098 = vector.broadcast %sub3A_4097 : f32 to vector<16xf32>
      %sub3A_4099 = arith.subf %get3A_4096, %sub3A_4098 : vector<16xf32>
      %div3A_4100 = arith.constant 1.000000e-01 : f32
      %div3A_4101 = vector.broadcast %div3A_4100 : f32 to vector<16xf32>
      %div3A_4102 = arith.divf %sub3A_4099, %div3A_4101 : vector<16xf32>
      %convert_element_type3A_4103 = arith.fptosi %div3A_4102 : vector<16xf32> to vector<16xi32>
      %max3A_4104 = arith.constant 0 : i32
      %max3A_4105 = vector.broadcast %max3A_4104 : i32 to vector<16xi32>
      %max3A_4106 = arith.maxsi %convert_element_type3A_4103, %max3A_4105 : vector<16xi32>
      %min3A_4107 = arith.constant 139 : i32
      %min3A_4108 = vector.broadcast %min3A_4107 : i32 to vector<16xi32>
      %min3A_4109 = arith.minsi %max3A_4106, %min3A_4108 : vector<16xi32>
      %swap3A_4110 = arith.constant 1760 : index
      %swap3A_4111 = tpu.vector_load %arg7[%swap3A_4110] {strides = array<i32>} : memref<2048xi32, #tpu.memory_space<vmem>>, vector<16xi32>,
      tpu.vector_store %arg7[%swap3A_4110], %min3A_4109 {strides = array<i32>} : memref<2048xi32, #tpu.memory_space<vmem>>, vector<16xi32>,
      %get3A_4112 = arith.constant 1776 : index
      %get3A_4113 = tpu.vector_load %arg5[%get3A_4112] {strides = array<i32>} : memref<2048xf32, #tpu.memory_space<vmem>>, vector<16xf32>,
      %sub3A_4114 = arith.constant 8.000000e+00 : f32
      %sub3A_4115 = vector.broadcast %sub3A_4114 : f32 to vector<16xf32>
      %sub3A_4116 = arith.subf %get3A_4113, %sub3A_4115 : vector<16xf32>
      %div3A_4117 = arith.constant 1.000000e-01 : f32
      %div3A_4118 = vector.broadcast %div3A_4117 : f32 to vector<16xf32>
      %div3A_4119 = arith.divf %sub3A_4116, %div3A_4118 : vector<16xf32>
      %convert_element_type3A_4120 = arith.fptosi %div3A_4119 : vector<16xf32> to vector<16xi32>
      %max3A_4121 = arith.constant 0 : i32
      %max3A_4122 = vector.broadcast %max3A_4121 : i32 to vector<16xi32>
      %max3A_4123 = arith.maxsi %convert_element_type3A_4120, %max3A_4122 : vector<16xi32>
      %min3A_4124 = arith.constant 139 : i32
      %min3A_4125 = vector.broadcast %min3A_4124 : i32 to vector<16xi32>
      %min3A_4126 = arith.minsi %max3A_4123, %min3A_4125 : vector<16xi32>
      %swap3A_4127 = arith.constant 1776 : index
      %swap3A_4128 = tpu.vector_load %arg7[%swap3A_4127] {strides = array<i32>} : memref<2048xi32, #tpu.memory_space<vmem>>, vector<16xi32>,
      tpu.vector_store %arg7[%swap3A_4127], %min3A_4126 {strides = array<i32>} : memref<2048xi32, #tpu.memory_space<vmem>>, vector<16xi32>,
      %get3A_4129 = arith.constant 1792 : index
      %get3A_4130 = tpu.vector_load %arg5[%get3A_4129] {strides = array<i32>} : memref<2048xf32, #tpu.memory_space<vmem>>, vector<16xf32>,
      %sub3A_4131 = arith.constant 8.000000e+00 : f32
      %sub3A_4132 = vector.broadcast %sub3A_4131 : f32 to vector<16xf32>
      %sub3A_4133 = arith.subf %get3A_4130, %sub3A_4132 : vector<16xf32>
      %div3A_4134 = arith.constant 1.000000e-01 : f32
      %div3A_4135 = vector.broadcast %div3A_4134 : f32 to vector<16xf32>
      %div3A_4136 = arith.divf %sub3A_4133, %div3A_4135 : vector<16xf32>
      %convert_element_type3A_4137 = arith.fptosi %div3A_4136 : vector<16xf32> to vector<16xi32>
      %max3A_4138 = arith.constant 0 : i32
      %max3A_4139 = vector.broadcast %max3A_4138 : i32 to vector<16xi32>
      %max3A_4140 = arith.maxsi %convert_element_type3A_4137, %max3A_4139 : vector<16xi32>
      %min3A_4141 = arith.constant 139 : i32
      %min3A_4142 = vector.broadcast %min3A_4141 : i32 to vector<16xi32>
      %min3A_4143 = arith.minsi %max3A_4140, %min3A_4142 : vector<16xi32>
      %swap3A_4144 = arith.constant 1792 : index
      %swap3A_4145 = tpu.vector_load %arg7[%swap3A_4144] {strides = array<i32>} : memref<2048xi32, #tpu.memory_space<vmem>>, vector<16xi32>,
      tpu.vector_store %arg7[%swap3A_4144], %min3A_4143 {strides = array<i32>} : memref<2048xi32, #tpu.memory_space<vmem>>, vector<16xi32>,
      %get3A_4146 = arith.constant 1808 : index
      %get3A_4147 = tpu.vector_load %arg5[%get3A_4146] {strides = array<i32>} : memref<2048xf32, #tpu.memory_space<vmem>>, vector<16xf32>,
      %sub3A_4148 = arith.constant 8.000000e+00 : f32
      %sub3A_4149 = vector.broadcast %sub3A_4148 : f32 to vector<16xf32>
      %sub3A_4150 = arith.subf %get3A_4147, %sub3A_4149 : vector<16xf32>
      %div3A_4151 = arith.constant 1.000000e-01 : f32
      %div3A_4152 = vector.broadcast %div3A_4151 : f32 to vector<16xf32>
      %div3A_4153 = arith.divf %sub3A_4150, %div3A_4152 : vector<16xf32>
      %convert_element_type3A_4154 = arith.fptosi %div3A_4153 : vector<16xf32> to vector<16xi32>
      %max3A_4155 = arith.constant 0 : i32
      %max3A_4156 = vector.broadcast %max3A_4155 : i32 to vector<16xi32>
      %max3A_4157 = arith.maxsi %convert_element_type3A_4154, %max3A_4156 : vector<16xi32>
      %min3A_4158 = arith.constant 139 : i32
      %min3A_4159 = vector.broadcast %min3A_4158 : i32 to vector<16xi32>
      %min3A_4160 = arith.minsi %max3A_4157, %min3A_4159 : vector<16xi32>
      %swap3A_4161 = arith.constant 1808 : index
      %swap3A_4162 = tpu.vector_load %arg7[%swap3A_4161] {strides = array<i32>} : memref<2048xi32, #tpu.memory_space<vmem>>, vector<16xi32>,
      tpu.vector_store %arg7[%swap3A_4161], %min3A_4160 {strides = array<i32>} : memref<2048xi32, #tpu.memory_space<vmem>>, vector<16xi32>,
      %get3A_4163 = arith.constant 1824 : index
      %get3A_4164 = tpu.vector_load %arg5[%get3A_4163] {strides = array<i32>} : memref<2048xf32, #tpu.memory_space<vmem>>, vector<16xf32>,
      %sub3A_4165 = arith.constant 8.000000e+00 : f32
      %sub3A_4166 = vector.broadcast %sub3A_4165 : f32 to vector<16xf32>
      %sub3A_4167 = arith.subf %get3A_4164, %sub3A_4166 : vector<16xf32>
      %div3A_4168 = arith.constant 1.000000e-01 : f32
      %div3A_4169 = vector.broadcast %div3A_4168 : f32 to vector<16xf32>
      %div3A_4170 = arith.divf %sub3A_4167, %div3A_4169 : vector<16xf32>
      %convert_element_type3A_4171 = arith.fptosi %div3A_4170 : vector<16xf32> to vector<16xi32>
      %max3A_4172 = arith.constant 0 : i32
      %max3A_4173 = vector.broadcast %max3A_4172 : i32 to vector<16xi32>
      %max3A_4174 = arith.maxsi %convert_element_type3A_4171, %max3A_4173 : vector<16xi32>
      %min3A_4175 = arith.constant 139 : i32
      %min3A_4176 = vector.broadcast %min3A_4175 : i32 to vector<16xi32>
      %min3A_4177 = arith.minsi %max3A_4174, %min3A_4176 : vector<16xi32>
      %swap3A_4178 = arith.constant 1824 : index
      %swap3A_4179 = tpu.vector_load %arg7[%swap3A_4178] {strides = array<i32>} : memref<2048xi32, #tpu.memory_space<vmem>>, vector<16xi32>,
      tpu.vector_store %arg7[%swap3A_4178], %min3A_4177 {strides = array<i32>} : memref<2048xi32, #tpu.memory_space<vmem>>, vector<16xi32>,
      %get3A_4180 = arith.constant 1840 : index
      %get3A_4181 = tpu.vector_load %arg5[%get3A_4180] {strides = array<i32>} : memref<2048xf32, #tpu.memory_space<vmem>>, vector<16xf32>,
      %sub3A_4182 = arith.constant 8.000000e+00 : f32
      %sub3A_4183 = vector.broadcast %sub3A_4182 : f32 to vector<16xf32>
      %sub3A_4184 = arith.subf %get3A_4181, %sub3A_4183 : vector<16xf32>
      %div3A_4185 = arith.constant 1.000000e-01 : f32
      %div3A_4186 = vector.broadcast %div3A_4185 : f32 to vector<16xf32>
      %div3A_4187 = arith.divf %sub3A_4184, %div3A_4186 : vector<16xf32>
      %convert_element_type3A_4188 = arith.fptosi %div3A_4187 : vector<16xf32> to vector<16xi32>
      %max3A_4189 = arith.constant 0 : i32
      %max3A_4190 = vector.broadcast %max3A_4189 : i32 to vector<16xi32>
      %max3A_4191 = arith.maxsi %convert_element_type3A_4188, %max3A_4190 : vector<16xi32>
      %min3A_4192 = arith.constant 139 : i32
      %min3A_4193 = vector.broadcast %min3A_4192 : i32 to vector<16xi32>
      %min3A_4194 = arith.minsi %max3A_4191, %min3A_4193 : vector<16xi32>
      %swap3A_4195 = arith.constant 1840 : index
      %swap3A_4196 = tpu.vector_load %arg7[%swap3A_4195] {strides = array<i32>} : memref<2048xi32, #tpu.memory_space<vmem>>, vector<16xi32>,
      tpu.vector_store %arg7[%swap3A_4195], %min3A_4194 {strides = array<i32>} : memref<2048xi32, #tpu.memory_space<vmem>>, vector<16xi32>,
      %get3A_4197 = arith.constant 1856 : index
      %get3A_4198 = tpu.vector_load %arg5[%get3A_4197] {strides = array<i32>} : memref<2048xf32, #tpu.memory_space<vmem>>, vector<16xf32>,
      %sub3A_4199 = arith.constant 8.000000e+00 : f32
      %sub3A_4200 = vector.broadcast %sub3A_4199 : f32 to vector<16xf32>
      %sub3A_4201 = arith.subf %get3A_4198, %sub3A_4200 : vector<16xf32>
      %div3A_4202 = arith.constant 1.000000e-01 : f32
      %div3A_4203 = vector.broadcast %div3A_4202 : f32 to vector<16xf32>
      %div3A_4204 = arith.divf %sub3A_4201, %div3A_4203 : vector<16xf32>
      %convert_element_type3A_4205 = arith.fptosi %div3A_4204 : vector<16xf32> to vector<16xi32>
      %max3A_4206 = arith.constant 0 : i32
      %max3A_4207 = vector.broadcast %max3A_4206 : i32 to vector<16xi32>
      %max3A_4208 = arith.maxsi %convert_element_type3A_4205, %max3A_4207 : vector<16xi32>
      %min3A_4209 = arith.constant 139 : i32
      %min3A_4210 = vector.broadcast %min3A_4209 : i32 to vector<16xi32>
      %min3A_4211 = arith.minsi %max3A_4208, %min3A_4210 : vector<16xi32>
      %swap3A_4212 = arith.constant 1856 : index
      %swap3A_4213 = tpu.vector_load %arg7[%swap3A_4212] {strides = array<i32>} : memref<2048xi32, #tpu.memory_space<vmem>>, vector<16xi32>,
      tpu.vector_store %arg7[%swap3A_4212], %min3A_4211 {strides = array<i32>} : memref<2048xi32, #tpu.memory_space<vmem>>, vector<16xi32>,
      %get3A_4214 = arith.constant 1872 : index
      %get3A_4215 = tpu.vector_load %arg5[%get3A_4214] {strides = array<i32>} : memref<2048xf32, #tpu.memory_space<vmem>>, vector<16xf32>,
      %sub3A_4216 = arith.constant 8.000000e+00 : f32
      %sub3A_4217 = vector.broadcast %sub3A_4216 : f32 to vector<16xf32>
      %sub3A_4218 = arith.subf %get3A_4215, %sub3A_4217 : vector<16xf32>
      %div3A_4219 = arith.constant 1.000000e-01 : f32
      %div3A_4220 = vector.broadcast %div3A_4219 : f32 to vector<16xf32>
      %div3A_4221 = arith.divf %sub3A_4218, %div3A_4220 : vector<16xf32>
      %convert_element_type3A_4222 = arith.fptosi %div3A_4221 : vector<16xf32> to vector<16xi32>
      %max3A_4223 = arith.constant 0 : i32
      %max3A_4224 = vector.broadcast %max3A_4223 : i32 to vector<16xi32>
      %max3A_4225 = arith.maxsi %convert_element_type3A_4222, %max3A_4224 : vector<16xi32>
      %min3A_4226 = arith.constant 139 : i32
      %min3A_4227 = vector.broadcast %min3A_4226 : i32 to vector<16xi32>
      %min3A_4228 = arith.minsi %max3A_4225, %min3A_4227 : vector<16xi32>
      %swap3A_4229 = arith.constant 1872 : index
      %swap3A_4230 = tpu.vector_load %arg7[%swap3A_4229] {strides = array<i32>} : memref<2048xi32, #tpu.memory_space<vmem>>, vector<16xi32>,
      tpu.vector_store %arg7[%swap3A_4229], %min3A_4228 {strides = array<i32>} : memref<2048xi32, #tpu.memory_space<vmem>>, vector<16xi32>,
      %get3A_4231 = arith.constant 1888 : index
      %get3A_4232 = tpu.vector_load %arg5[%get3A_4231] {strides = array<i32>} : memref<2048xf32, #tpu.memory_space<vmem>>, vector<16xf32>,
      %sub3A_4233 = arith.constant 8.000000e+00 : f32
      %sub3A_4234 = vector.broadcast %sub3A_4233 : f32 to vector<16xf32>
      %sub3A_4235 = arith.subf %get3A_4232, %sub3A_4234 : vector<16xf32>
      %div3A_4236 = arith.constant 1.000000e-01 : f32
      %div3A_4237 = vector.broadcast %div3A_4236 : f32 to vector<16xf32>
      %div3A_4238 = arith.divf %sub3A_4235, %div3A_4237 : vector<16xf32>
      %convert_element_type3A_4239 = arith.fptosi %div3A_4238 : vector<16xf32> to vector<16xi32>
      %max3A_4240 = arith.constant 0 : i32
      %max3A_4241 = vector.broadcast %max3A_4240 : i32 to vector<16xi32>
      %max3A_4242 = arith.maxsi %convert_element_type3A_4239, %max3A_4241 : vector<16xi32>
      %min3A_4243 = arith.constant 139 : i32
      %min3A_4244 = vector.broadcast %min3A_4243 : i32 to vector<16xi32>
      %min3A_4245 = arith.minsi %max3A_4242, %min3A_4244 : vector<16xi32>
      %swap3A_4246 = arith.constant 1888 : index
      %swap3A_4247 = tpu.vector_load %arg7[%swap3A_4246] {strides = array<i32>} : memref<2048xi32, #tpu.memory_space<vmem>>, vector<16xi32>,
      tpu.vector_store %arg7[%swap3A_4246], %min3A_4245 {strides = array<i32>} : memref<2048xi32, #tpu.memory_space<vmem>>, vector<16xi32>,
      %get3A_4248 = arith.constant 1904 : index
      %get3A_4249 = tpu.vector_load %arg5[%get3A_4248] {strides = array<i32>} : memref<2048xf32, #tpu.memory_space<vmem>>, vector<16xf32>,
      %sub3A_4250 = arith.constant 8.000000e+00 : f32
      %sub3A_4251 = vector.broadcast %sub3A_4250 : f32 to vector<16xf32>
      %sub3A_4252 = arith.subf %get3A_4249, %sub3A_4251 : vector<16xf32>
      %div3A_4253 = arith.constant 1.000000e-01 : f32
      %div3A_4254 = vector.broadcast %div3A_4253 : f32 to vector<16xf32>
      %div3A_4255 = arith.divf %sub3A_4252, %div3A_4254 : vector<16xf32>
      %convert_element_type3A_4256 = arith.fptosi %div3A_4255 : vector<16xf32> to vector<16xi32>
      %max3A_4257 = arith.constant 0 : i32
      %max3A_4258 = vector.broadcast %max3A_4257 : i32 to vector<16xi32>
      %max3A_4259 = arith.maxsi %convert_element_type3A_4256, %max3A_4258 : vector<16xi32>
      %min3A_4260 = arith.constant 139 : i32
      %min3A_4261 = vector.broadcast %min3A_4260 : i32 to vector<16xi32>
      %min3A_4262 = arith.minsi %max3A_4259, %min3A_4261 : vector<16xi32>
      %swap3A_4263 = arith.constant 1904 : index
      %swap3A_4264 = tpu.vector_load %arg7[%swap3A_4263] {strides = array<i32>} : memref<2048xi32, #tpu.memory_space<vmem>>, vector<16xi32>,
      tpu.vector_store %arg7[%swap3A_4263], %min3A_4262 {strides = array<i32>} : memref<2048xi32, #tpu.memory_space<vmem>>, vector<16xi32>,
      %get3A_4265 = arith.constant 1920 : index
      %get3A_4266 = tpu.vector_load %arg5[%get3A_4265] {strides = array<i32>} : memref<2048xf32, #tpu.memory_space<vmem>>, vector<16xf32>,
      %sub3A_4267 = arith.constant 8.000000e+00 : f32
      %sub3A_4268 = vector.broadcast %sub3A_4267 : f32 to vector<16xf32>
      %sub3A_4269 = arith.subf %get3A_4266, %sub3A_4268 : vector<16xf32>
      %div3A_4270 = arith.constant 1.000000e-01 : f32
      %div3A_4271 = vector.broadcast %div3A_4270 : f32 to vector<16xf32>
      %div3A_4272 = arith.divf %sub3A_4269, %div3A_4271 : vector<16xf32>
      %convert_element_type3A_4273 = arith.fptosi %div3A_4272 : vector<16xf32> to vector<16xi32>
      %max3A_4274 = arith.constant 0 : i32
      %max3A_4275 = vector.broadcast %max3A_4274 : i32 to vector<16xi32>
      %max3A_4276 = arith.maxsi %convert_element_type3A_4273, %max3A_4275 : vector<16xi32>
      %min3A_4277 = arith.constant 139 : i32
      %min3A_4278 = vector.broadcast %min3A_4277 : i32 to vector<16xi32>
      %min3A_4279 = arith.minsi %max3A_4276, %min3A_4278 : vector<16xi32>
      %swap3A_4280 = arith.constant 1920 : index
      %swap3A_4281 = tpu.vector_load %arg7[%swap3A_4280] {strides = array<i32>} : memref<2048xi32, #tpu.memory_space<vmem>>, vector<16xi32>,
      tpu.vector_store %arg7[%swap3A_4280], %min3A_4279 {strides = array<i32>} : memref<2048xi32, #tpu.memory_space<vmem>>, vector<16xi32>,
      %get3A_4282 = arith.constant 1936 : index
      %get3A_4283 = tpu.vector_load %arg5[%get3A_4282] {strides = array<i32>} : memref<2048xf32, #tpu.memory_space<vmem>>, vector<16xf32>,
      %sub3A_4284 = arith.constant 8.000000e+00 : f32
      %sub3A_4285 = vector.broadcast %sub3A_4284 : f32 to vector<16xf32>
      %sub3A_4286 = arith.subf %get3A_4283, %sub3A_4285 : vector<16xf32>
      %div3A_4287 = arith.constant 1.000000e-01 : f32
      %div3A_4288 = vector.broadcast %div3A_4287 : f32 to vector<16xf32>
      %div3A_4289 = arith.divf %sub3A_4286, %div3A_4288 : vector<16xf32>
      %convert_element_type3A_4290 = arith.fptosi %div3A_4289 : vector<16xf32> to vector<16xi32>
      %max3A_4291 = arith.constant 0 : i32
      %max3A_4292 = vector.broadcast %max3A_4291 : i32 to vector<16xi32>
      %max3A_4293 = arith.maxsi %convert_element_type3A_4290, %max3A_4292 : vector<16xi32>
      %min3A_4294 = arith.constant 139 : i32
      %min3A_4295 = vector.broadcast %min3A_4294 : i32 to vector<16xi32>
      %min3A_4296 = arith.minsi %max3A_4293, %min3A_4295 : vector<16xi32>
      %swap3A_4297 = arith.constant 1936 : index
      %swap3A_4298 = tpu.vector_load %arg7[%swap3A_4297] {strides = array<i32>} : memref<2048xi32, #tpu.memory_space<vmem>>, vector<16xi32>,
      tpu.vector_store %arg7[%swap3A_4297], %min3A_4296 {strides = array<i32>} : memref<2048xi32, #tpu.memory_space<vmem>>, vector<16xi32>,
      %get3A_4299 = arith.constant 1952 : index
      %get3A_4300 = tpu.vector_load %arg5[%get3A_4299] {strides = array<i32>} : memref<2048xf32, #tpu.memory_space<vmem>>, vector<16xf32>,
      %sub3A_4301 = arith.constant 8.000000e+00 : f32
      %sub3A_4302 = vector.broadcast %sub3A_4301 : f32 to vector<16xf32>
      %sub3A_4303 = arith.subf %get3A_4300, %sub3A_4302 : vector<16xf32>
      %div3A_4304 = arith.constant 1.000000e-01 : f32
      %div3A_4305 = vector.broadcast %div3A_4304 : f32 to vector<16xf32>
      %div3A_4306 = arith.divf %sub3A_4303, %div3A_4305 : vector<16xf32>
      %convert_element_type3A_4307 = arith.fptosi %div3A_4306 : vector<16xf32> to vector<16xi32>
      %max3A_4308 = arith.constant 0 : i32
      %max3A_4309 = vector.broadcast %max3A_4308 : i32 to vector<16xi32>
      %max3A_4310 = arith.maxsi %convert_element_type3A_4307, %max3A_4309 : vector<16xi32>
      %min3A_4311 = arith.constant 139 : i32
      %min3A_4312 = vector.broadcast %min3A_4311 : i32 to vector<16xi32>
      %min3A_4313 = arith.minsi %max3A_4310, %min3A_4312 : vector<16xi32>
      %swap3A_4314 = arith.constant 1952 : index
      %swap3A_4315 = tpu.vector_load %arg7[%swap3A_4314] {strides = array<i32>} : memref<2048xi32, #tpu.memory_space<vmem>>, vector<16xi32>,
      tpu.vector_store %arg7[%swap3A_4314], %min3A_4313 {strides = array<i32>} : memref<2048xi32, #tpu.memory_space<vmem>>, vector<16xi32>,
      %get3A_4316 = arith.constant 1968 : index
      %get3A_4317 = tpu.vector_load %arg5[%get3A_4316] {strides = array<i32>} : memref<2048xf32, #tpu.memory_space<vmem>>, vector<16xf32>,
      %sub3A_4318 = arith.constant 8.000000e+00 : f32
      %sub3A_4319 = vector.broadcast %sub3A_4318 : f32 to vector<16xf32>
      %sub3A_4320 = arith.subf %get3A_4317, %sub3A_4319 : vector<16xf32>
      %div3A_4321 = arith.constant 1.000000e-01 : f32
      %div3A_4322 = vector.broadcast %div3A_4321 : f32 to vector<16xf32>
      %div3A_4323 = arith.divf %sub3A_4320, %div3A_4322 : vector<16xf32>
      %convert_element_type3A_4324 = arith.fptosi %div3A_4323 : vector<16xf32> to vector<16xi32>
      %max3A_4325 = arith.constant 0 : i32
      %max3A_4326 = vector.broadcast %max3A_4325 : i32 to vector<16xi32>
      %max3A_4327 = arith.maxsi %convert_element_type3A_4324, %max3A_4326 : vector<16xi32>
      %min3A_4328 = arith.constant 139 : i32
      %min3A_4329 = vector.broadcast %min3A_4328 : i32 to vector<16xi32>
      %min3A_4330 = arith.minsi %max3A_4327, %min3A_4329 : vector<16xi32>
      %swap3A_4331 = arith.constant 1968 : index
      %swap3A_4332 = tpu.vector_load %arg7[%swap3A_4331] {strides = array<i32>} : memref<2048xi32, #tpu.memory_space<vmem>>, vector<16xi32>,
      tpu.vector_store %arg7[%swap3A_4331], %min3A_4330 {strides = array<i32>} : memref<2048xi32, #tpu.memory_space<vmem>>, vector<16xi32>,
      %get3A_4333 = arith.constant 1984 : index
      %get3A_4334 = tpu.vector_load %arg5[%get3A_4333] {strides = array<i32>} : memref<2048xf32, #tpu.memory_space<vmem>>, vector<16xf32>,
      %sub3A_4335 = arith.constant 8.000000e+00 : f32
      %sub3A_4336 = vector.broadcast %sub3A_4335 : f32 to vector<16xf32>
      %sub3A_4337 = arith.subf %get3A_4334, %sub3A_4336 : vector<16xf32>
      %div3A_4338 = arith.constant 1.000000e-01 : f32
      %div3A_4339 = vector.broadcast %div3A_4338 : f32 to vector<16xf32>
      %div3A_4340 = arith.divf %sub3A_4337, %div3A_4339 : vector<16xf32>
      %convert_element_type3A_4341 = arith.fptosi %div3A_4340 : vector<16xf32> to vector<16xi32>
      %max3A_4342 = arith.constant 0 : i32
      %max3A_4343 = vector.broadcast %max3A_4342 : i32 to vector<16xi32>
      %max3A_4344 = arith.maxsi %convert_element_type3A_4341, %max3A_4343 : vector<16xi32>
      %min3A_4345 = arith.constant 139 : i32
      %min3A_4346 = vector.broadcast %min3A_4345 : i32 to vector<16xi32>
      %min3A_4347 = arith.minsi %max3A_4344, %min3A_4346 : vector<16xi32>
      %swap3A_4348 = arith.constant 1984 : index
      %swap3A_4349 = tpu.vector_load %arg7[%swap3A_4348] {strides = array<i32>} : memref<2048xi32, #tpu.memory_space<vmem>>, vector<16xi32>,
      tpu.vector_store %arg7[%swap3A_4348], %min3A_4347 {strides = array<i32>} : memref<2048xi32, #tpu.memory_space<vmem>>, vector<16xi32>,
      %get3A_4350 = arith.constant 2000 : index
      %get3A_4351 = tpu.vector_load %arg5[%get3A_4350] {strides = array<i32>} : memref<2048xf32, #tpu.memory_space<vmem>>, vector<16xf32>,
      %sub3A_4352 = arith.constant 8.000000e+00 : f32
      %sub3A_4353 = vector.broadcast %sub3A_4352 : f32 to vector<16xf32>
      %sub3A_4354 = arith.subf %get3A_4351, %sub3A_4353 : vector<16xf32>
      %div3A_4355 = arith.constant 1.000000e-01 : f32
      %div3A_4356 = vector.broadcast %div3A_4355 : f32 to vector<16xf32>
      %div3A_4357 = arith.divf %sub3A_4354, %div3A_4356 : vector<16xf32>
      %convert_element_type3A_4358 = arith.fptosi %div3A_4357 : vector<16xf32> to vector<16xi32>
      %max3A_4359 = arith.constant 0 : i32
      %max3A_4360 = vector.broadcast %max3A_4359 : i32 to vector<16xi32>
      %max3A_4361 = arith.maxsi %convert_element_type3A_4358, %max3A_4360 : vector<16xi32>
      %min3A_4362 = arith.constant 139 : i32
      %min3A_4363 = vector.broadcast %min3A_4362 : i32 to vector<16xi32>
      %min3A_4364 = arith.minsi %max3A_4361, %min3A_4363 : vector<16xi32>
      %swap3A_4365 = arith.constant 2000 : index
      %swap3A_4366 = tpu.vector_load %arg7[%swap3A_4365] {strides = array<i32>} : memref<2048xi32, #tpu.memory_space<vmem>>, vector<16xi32>,
      tpu.vector_store %arg7[%swap3A_4365], %min3A_4364 {strides = array<i32>} : memref<2048xi32, #tpu.memory_space<vmem>>, vector<16xi32>,
      %get3A_4367 = arith.constant 2016 : index
      %get3A_4368 = tpu.vector_load %arg5[%get3A_4367] {strides = array<i32>} : memref<2048xf32, #tpu.memory_space<vmem>>, vector<16xf32>,
      %sub3A_4369 = arith.constant 8.000000e+00 : f32
      %sub3A_4370 = vector.broadcast %sub3A_4369 : f32 to vector<16xf32>
      %sub3A_4371 = arith.subf %get3A_4368, %sub3A_4370 : vector<16xf32>
      %div3A_4372 = arith.constant 1.000000e-01 : f32
      %div3A_4373 = vector.broadcast %div3A_4372 : f32 to vector<16xf32>
      %div3A_4374 = arith.divf %sub3A_4371, %div3A_4373 : vector<16xf32>
      %convert_element_type3A_4375 = arith.fptosi %div3A_4374 : vector<16xf32> to vector<16xi32>
      %max3A_4376 = arith.constant 0 : i32
      %max3A_4377 = vector.broadcast %max3A_4376 : i32 to vector<16xi32>
      %max3A_4378 = arith.maxsi %convert_element_type3A_4375, %max3A_4377 : vector<16xi32>
      %min3A_4379 = arith.constant 139 : i32
      %min3A_4380 = vector.broadcast %min3A_4379 : i32 to vector<16xi32>
      %min3A_4381 = arith.minsi %max3A_4378, %min3A_4380 : vector<16xi32>
      %swap3A_4382 = arith.constant 2016 : index
      %swap3A_4383 = tpu.vector_load %arg7[%swap3A_4382] {strides = array<i32>} : memref<2048xi32, #tpu.memory_space<vmem>>, vector<16xi32>,
      tpu.vector_store %arg7[%swap3A_4382], %min3A_4381 {strides = array<i32>} : memref<2048xi32, #tpu.memory_space<vmem>>, vector<16xi32>,
      %get3A_4384 = arith.constant 2032 : index
      %get3A_4385 = tpu.vector_load %arg5[%get3A_4384] {strides = array<i32>} : memref<2048xf32, #tpu.memory_space<vmem>>, vector<16xf32>,
      %sub3A_4386 = arith.constant 8.000000e+00 : f32
      %sub3A_4387 = vector.broadcast %sub3A_4386 : f32 to vector<16xf32>
      %sub3A_4388 = arith.subf %get3A_4385, %sub3A_4387 : vector<16xf32>
      %div3A_4389 = arith.constant 1.000000e-01 : f32
      %div3A_4390 = vector.broadcast %div3A_4389 : f32 to vector<16xf32>
      %div3A_4391 = arith.divf %sub3A_4388, %div3A_4390 : vector<16xf32>
      %convert_element_type3A_4392 = arith.fptosi %div3A_4391 : vector<16xf32> to vector<16xi32>
      %max3A_4393 = arith.constant 0 : i32
      %max3A_4394 = vector.broadcast %max3A_4393 : i32 to vector<16xi32>
      %max3A_4395 = arith.maxsi %convert_element_type3A_4392, %max3A_4394 : vector<16xi32>
      %min3A_4396 = arith.constant 139 : i32
      %min3A_4397 = vector.broadcast %min3A_4396 : i32 to vector<16xi32>
      %min3A_4398 = arith.minsi %max3A_4395, %min3A_4397 : vector<16xi32>
      %swap3A_4399 = arith.constant 2032 : index
      %swap3A_4400 = tpu.vector_load %arg7[%swap3A_4399] {strides = array<i32>} : memref<2048xi32, #tpu.memory_space<vmem>>, vector<16xi32>,
      tpu.vector_store %arg7[%swap3A_4399], %min3A_4398 {strides = array<i32>} : memref<2048xi32, #tpu.memory_space<vmem>>, vector<16xi32>,
      %mul3A_4401 = arith.constant 2048 : i32
      %mul3A_4402 = arith.muli %add3A_2215, %mul3A_4401 : i32
      %add3A_4403 = arith.addi %mul3A_2, %mul3A_4402 : i32
      %dma_start3A_4404 = tpu.memref_slice %arg3[%add3A_4403] : memref<524288xi32, #tpu.memory_space<hbm>> -> memref<2048xi32, #tpu.memory_space<hbm>>
      %dma_start3A_4405 = tpu.memref_slice %arg3[%add3A_4403] : memref<524288xi32, #tpu.memory_space<hbm>> -> memref<2048xi32, #tpu.memory_space<hbm>>
      tpu.enqueue_dma source(%arg7 : memref<2048xi32, #tpu.memory_space<vmem>>) target(%dma_start3A_4405 : memref<2048xi32, #tpu.memory_space<hbm>>) target_semaphore(%arg11 : memref<!tpu.dma_semaphore, #tpu.memory_space<semaphore_mem>>)
      %add3A_4406 = arith.constant 2 : i32
      %add3A_4407 = arith.addi %add3A_2215, %add3A_4406 : i32
      %lt3A_4408 = arith.constant 8 : i32
      %lt3A_4409 = arith.cmpi slt, %add3A_4407, %lt3A_4408 : i32
      %convert_element_type3A_4410 = arith.extui %lt3A_4409 : i1 to i32
      %cond3A_4411 = arith.constant 0 : i32
      %cond3A_4412 = arith.cmpi ne, %convert_element_type3A_4410, %cond3A_4411 : i32
      scf.if %cond3A_4412 {
        %add3A_4413 = arith.constant 2 : i32
        %add3A_4414 = arith.addi %add3A_2215, %add3A_4413 : i32
        %mul3A_4415 = arith.constant 2048 : i32
        %mul3A_4416 = arith.muli %add3A_4414, %mul3A_4415 : i32
        %add3A_4417 = arith.addi %mul3A_2, %mul3A_4416 : i32
        %dma_start3A_4418 = tpu.memref_slice %arg2[%add3A_4417] : memref<524288xf32, #tpu.memory_space<hbm>> -> memref<2048xf32, #tpu.memory_space<hbm>>
        %dma_start3A_4419 = tpu.memref_slice %arg2[%add3A_4417] : memref<524288xf32, #tpu.memory_space<hbm>> -> memref<2048xf32, #tpu.memory_space<hbm>>
        tpu.enqueue_dma source(%dma_start3A_4419 : memref<2048xf32, #tpu.memory_space<hbm>>) target(%arg5 : memref<2048xf32, #tpu.memory_space<vmem>>) target_semaphore(%arg9 : memref<!tpu.dma_semaphore, #tpu.memory_space<semaphore_mem>>)
      } else {
      }
    }
    %scan3A_12 = arith.constant 4 : i32
    %dma_wait3A = arith.constant 0 : i32
    %dma_wait3A_13 = tpu.memref_slice %arg3[%dma_wait3A] : memref<524288xi32, #tpu.memory_space<hbm>> -> memref<2048xi32, #tpu.memory_space<hbm>>
    %dma_wait3A_14 = arith.constant 0 : i32
    %dma_wait3A_15 = tpu.memref_slice %arg3[%dma_wait3A_14] : memref<524288xi32, #tpu.memory_space<hbm>> -> memref<2048xi32, #tpu.memory_space<hbm>>
    tpu.wait_dma2 semaphore(%arg10 : memref<!tpu.dma_semaphore, #tpu.memory_space<semaphore_mem>>) src(%arg6 : memref<2048xi32, #tpu.memory_space<vmem>>) dst(%dma_wait3A_15 : memref<2048xi32, #tpu.memory_space<hbm>>)
    %dma_wait3A_16 = arith.constant 0 : i32
    %dma_wait3A_17 = tpu.memref_slice %arg3[%dma_wait3A_16] : memref<524288xi32, #tpu.memory_space<hbm>> -> memref<2048xi32, #tpu.memory_space<hbm>>
    %dma_wait3A_18 = arith.constant 0 : i32
    %dma_wait3A_19 = tpu.memref_slice %arg3[%dma_wait3A_18] : memref<524288xi32, #tpu.memory_space<hbm>> -> memref<2048xi32, #tpu.memory_space<hbm>>
    tpu.wait_dma2 semaphore(%arg11 : memref<!tpu.dma_semaphore, #tpu.memory_space<semaphore_mem>>) src(%arg7 : memref<2048xi32, #tpu.memory_space<vmem>>) dst(%dma_wait3A_19 : memref<2048xi32, #tpu.memory_space<hbm>>)
    return
  }
}

module attributes {stable_mosaic.version = 14 : i64} {
  func.func @_tc_expand_body(%arg0: i32, %arg1: i32, %arg2: memref<1x256x256xi32, #tpu.memory_space<vmem>>, %arg3: memref<1x28x256x256xf32, #tpu.memory_space<vmem>>) attributes {dimension_semantics = [#tpu.dimension_semantics<arbitrary>, #tpu.dimension_semantics<arbitrary>], iteration_bounds = array<i64: 8, 5>, scalar_prefetch = 0 : i64, scratch_operands = 0 : i64, tpu.core_type = #tpu.core_type<tc>, window_params = [{transform_indices = @transform_0, window_bounds = array<i64: 1, 256, 256>}, {transform_indices = @transform_1, window_bounds = array<i64: 1, 28, 256, 256>}]} {
    %get3A = arith.constant 0 : index
    %get3A_0 = arith.constant 0 : index
    %get3A_1 = arith.constant 0 : index
    %get3A_2 = vector.load %arg2[%get3A, %get3A_0, %get3A_1] : memref<1x256x256xi32, #tpu.memory_space<vmem>>, vector<1x256x256xi32>
    %iota3A = tpu.iota {dimensions = array<i32: 1>} : vector<1x28x256x256xi32>
    %mul3A = arith.constant 28 : i32
    %mul3A_3 = arith.muli %arg1, %mul3A : i32
    %add3A = vector.broadcast %mul3A_3 : i32 to vector<1x28x256x256xi32>
    %add3A_4 = arith.addi %iota3A, %add3A : vector<1x28x256x256xi32>
    %broadcast_in_dim3A = vector.shape_cast %get3A_2 : vector<1x256x256xi32> to vector<1x1x256x256xi32>
    %eq3A = vector.broadcast %broadcast_in_dim3A : vector<1x1x256x256xi32> to vector<1x28x256x256xi32>
    %eq3A_5 = arith.cmpi eq, %eq3A, %add3A_4 : vector<1x28x256x256xi32>
    %convert_element_type3A = arith.extui %eq3A_5 : vector<1x28x256x256xi1> to vector<1x28x256x256xi32>
    %convert_element_type3A_6 = arith.sitofp %convert_element_type3A : vector<1x28x256x256xi32> to vector<1x28x256x256xf32>
    %swap3A = arith.constant 0 : index
    %swap3A_7 = arith.constant 0 : index
    %swap3A_8 = arith.constant 0 : index
    %swap3A_9 = arith.constant 0 : index
    %swap3A_10 = vector.load %arg3[%swap3A, %swap3A_7, %swap3A_8, %swap3A_9] : memref<1x28x256x256xf32, #tpu.memory_space<vmem>>, vector<1x28x256x256xf32>
    tpu.vector_store %arg3[%swap3A, %swap3A_7, %swap3A_8, %swap3A_9], %convert_element_type3A_6 {strides = array<i32>} : memref<1x28x256x256xf32, #tpu.memory_space<vmem>>, vector<1x28x256x256xf32>,
    return
  }
  func.func @transform_0(%arg0: i32, %arg1: i32) -> (i32, i32, i32) {
    %c0_i32 = arith.constant 0 : i32
    %c0_i32_0 = arith.constant 0 : i32
    %c0_i32_1 = arith.constant 0 : i32
    return %arg0, %c0_i32, %c0_i32_0 : i32, i32, i32
  }
  func.func @transform_1(%arg0: i32, %arg1: i32) -> (i32, i32, i32, i32) {
    %c0_i32 = arith.constant 0 : i32
    %c0_i32_0 = arith.constant 0 : i32
    %c0_i32_1 = arith.constant 0 : i32
    return %arg0, %arg1, %c0_i32, %c0_i32_0 : i32, i32, i32, i32
  }
}

</mosaic_0001>

<sc_bundles>
// kernel: kernel.4.cloned.1.call-start
scs
__scs_entry_jumppad:
0x0: {  	(pc) =	sbr.rel $0x88, $3  }
0x1: {  	(tag) =	ssettag $0x0;
	lr =	simm.s32 $0x1  }
0x2: {  	[smem:$0x3FA0] =	sst lr;
	_ =	strace $0xD0000000  }
0x3: {  	_ = 	snop  }
0x4: {  	_ = 	snop  }
0x5: {  	_ = 	snop  }
0x6: {  	_ = 	snop  }
0x7: {  	_ = 	snop  }
__scs_overlays_trampoline_lowered:
0x8: {  	[smem:$0x3FAF] =	sst s0  }
0x9: {  	[smem:$0x3FB0] =	sst s1  }
0xa: {  	[smem:$0x3FB1] =	sst s2  }
0xb: {  	[smem:$0x3FB2] =	sst s3  }
0xc: {  	[smem:$0x3FB3] =	sst s4  }
0xd: {  	[smem:$0x3FB4] =	sst s5  }
0xe: {  	[smem:$0x3FB5] =	sst s6  }
0xf: {  	[smem:$0x3FB6] =	sst s7  }
0x10: {  	[smem:$0x3FB7] =	sst s8  }
0x11: {  	[smem:$0x3FB8] =	sst s9;
	s0 =	simm.s32 @!p0 $0x0  }
0x12: {  	s1 =	sld [smem:$0x3F9E];
	s0 =	simm.s32 @p0 $0x1  }
0x13: {  	[smem:$0x3FB9] =	sst s0;
	s0 =	simm.s32 @!p1 $0x0  }
0x14: {  	s2 =	sld [smem:$0x3F9D];
	s0 =	simm.s32 @p1 $0x1  }
0x15: {  	[smem:$0x3FBA] =	sst s0;
	s0 =	simm.s32 @!p2 $0x0  }
0x16: {  	s3 =	sld [smem:$0x3FDB];
	s0 =	simm.s32 @p2 $0x1  }
0x17: {  	s4 =	simm.s32 $0x1BF5;
	[smem:$0x3FBC] =	sst s0  }
0x18: {  	s0 =	sld [smem:$0x3F9F];
	_ =	swait.ge [sflag:s4], $0x0  }
0x19: {  	s7 =	sld [smem:$0x3FA0]  }
0x1a: {  	s8 =	sadd.s32 $0xFFFFE003, lr  }
0x1b: {  	s9 =	sadd.s32 $0xFFFFFEF7, lr;
	s5 =	simm.s32 $0xFFFFFFFF;
	p2 =	slt.u32 s8, $0xFFFFF086  }
0x1c: {  	p1 =	slt.u32 s9, $0xF7A;
	s5 =	simm.s32 @!p2 $0x0  }
0x1d: {  	s5 =	simm.s32 @p1 $0x1;
	p0 =	seq.s32 s7, s2  }
0x1e: {  	s7 =	smul.u32 @!p0 $0xF7A, s2;
	p2 =	seq.s32 @!p0 s5, $0x0  }
0x1f: {  	s9 =	smul.u32 $0xF7A, s1;
	s8 =	simm.s32 @!p0 $0x1BF5;
	p2 =	por !p2, p0  }
0x20: {  	[sflag:s8] =	ssyncset.s32 @!p0 $0xFFFFF086;
	s6 =	sadd.s32 @!p0 s3, s7;
	s7 =	simm.s32 @!p0 $0x108  }
0x21: {  	s3 =	sadd.s32 s3, s9;
	s6 =	sadd.s32 @!p0 $0x88, s6;
	s7 =	simm.s32 @p2 $0x1082  }
0x22: {  	[simem:s7], [sflag:s8] =	dma.local @!p0 [hbm:s6], $0xF7A  }
0x23: {  	s9 =	sor.u32 $0xD0000000, s2;
	s6 =	simm.s32 $0x108;
	_ =	swait.ge @!p0 [sflag:s8], $0x0  }
0x24: {  	s3 =	sadd.s32 $0x88, s3;
	s6 =	simm.s32 @!p1 $0x1082;
	[sflag:s4] =	ssyncset.s32 $0xFFFFF086  }
0x25: {  	[simem:s6], [sflag:s4] =	dma.local [hbm:s3], $0xF7A  }
0x26: {  	[smem:$0x3FA0] =	sst s1;
	(tag) =	ssettag s2;
	_ =	strace s9  }
0x27: {  	s1 =	sld [smem:$0x3FB0]  }
0x28: {  	s2 =	sld [smem:$0x3FB1]  }
0x29: {  	s4 =	sld [smem:$0x3FB3]  }
0x2a: {  	p0 =	seq.s32 s5, $0x0;
	s5 =	sld [smem:$0x3FB4]  }
0x2b: {  	s6 =	sld [smem:$0x3FB5]  }
0x2c: {  	s7 =	sld [smem:$0x3FB6]  }
0x2d: {  	s3 =	simm.s32 $0x108;
	s8 =	sld [smem:$0x3FB7]  }
0x2e: {  	s3 =	simm.s32 @!p0 $0x1082;
	s9 =	sld [smem:$0x3FB8]  }
0x2f: {  	lr =	sadd.s32 s0, s3;
	s0 =	sld [smem:$0x3FAF]  }
0x30: {  	s3 =	sld [smem:$0x3FB2]  }
0x31: {  	[smem:$0x3FBB] =	sst s10  }
0x32: {  	s10 =	sld [smem:$0x3FB9];
	_ =	sdelay $0x3  }
0x33: {  	p0 =	seq.s32 s10, $0x1;
	s10 =	sld [smem:$0x3FBB];
	_ =	sdelay $0x3  }
0x34: {  	[smem:$0x3FBB] =	sst s10  }
0x35: {  	s10 =	sld [smem:$0x3FBA];
	_ =	sdelay $0x3  }
0x36: {  	p1 =	seq.s32 s10, $0x1;
	s10 =	sld [smem:$0x3FBB];
	_ =	sdelay $0x3  }
0x37: {  	[smem:$0x3FBB] =	sst s10  }
0x38: {  	s10 =	sld [smem:$0x3FBC]  }
0x39: {  	_ = 	snop;
	(pc) =	sbr.ind lr, $3  }
0x3a: {  	_ = 	snop  }
0x3b: {  	_ = 	snop  }
0x3c: {  	p2 =	seq.s32 s10, $0x1;
	s10 =	sld [smem:$0x3FBB]  }
0x3d: {  	_ =	shalt  }
0x3e: {  	_ =	shalt  }
0x3f: {  	_ =	shalt  }
0x40: {  	_ =	shalt  }
0x41: {  	_ =	shalt  }
0x42: {  	_ =	shalt  }
0x43: {  	_ =	shalt  }
0x44: {  	_ =	shalt  }
0x45: {  	_ =	shalt  }
0x46: {  	_ =	shalt  }
0x47: {  	_ =	shalt  }
0x48: {  	_ =	shalt  }
0x49: {  	_ =	shalt  }
0x4a: {  	_ =	shalt  }
0x4b: {  	_ =	shalt  }
0x4c: {  	_ =	shalt  }
0x4d: {  	_ =	shalt  }
0x4e: {  	_ =	shalt  }
0x4f: {  	_ =	shalt  }
0x50: {  	_ =	shalt  }
0x51: {  	_ =	shalt  }
0x52: {  	_ =	shalt  }
0x53: {  	_ =	shalt  }
0x54: {  	_ =	shalt  }
0x55: {  	_ =	shalt  }
0x56: {  	_ =	shalt  }
0x57: {  	_ =	shalt  }
0x58: {  	_ =	shalt  }
0x59: {  	_ =	shalt  }
0x5a: {  	_ =	shalt  }
0x5b: {  	_ =	shalt  }
0x5c: {  	_ =	shalt  }
0x5d: {  	_ =	shalt  }
0x5e: {  	_ =	shalt  }
0x5f: {  	_ =	shalt  }
0x60: {  	_ =	shalt  }
0x61: {  	_ =	shalt  }
0x62: {  	_ =	shalt  }
0x63: {  	_ =	shalt  }
0x64: {  	_ =	shalt  }
0x65: {  	_ =	shalt  }
0x66: {  	_ =	shalt  }
0x67: {  	_ =	shalt  }
0x68: {  	_ =	shalt  }
0x69: {  	_ =	shalt  }
0x6a: {  	_ =	shalt  }
0x6b: {  	_ =	shalt  }
0x6c: {  	_ =	shalt  }
0x6d: {  	_ =	shalt  }
0x6e: {  	_ =	shalt  }
0x6f: {  	_ =	shalt  }
0x70: {  	_ =	shalt  }
0x71: {  	_ =	shalt  }
0x72: {  	_ =	shalt  }
0x73: {  	_ =	shalt  }
0x74: {  	_ =	shalt  }
0x75: {  	_ =	shalt  }
0x76: {  	_ =	shalt  }
0x77: {  	_ =	shalt  }
0x78: {  	_ =	shalt  }
0x79: {  	_ =	shalt  }
0x7a: {  	_ =	shalt  }
0x7b: {  	_ =	shalt  }
0x7c: {  	_ =	shalt  }
0x7d: {  	_ =	shalt  }
0x7e: {  	_ =	shalt  }
0x7f: {  	_ =	shalt  }
0x80: {  	_ =	shalt  }
0x81: {  	_ =	shalt  }
0x82: {  	_ =	shalt  }
0x83: {  	_ =	shalt  }
0x84: {  	_ =	shalt  }
0x85: {  	_ =	shalt  }
0x86: {  	_ =	shalt  }
0x87: {  	_ =	shalt  }
.Lfunc_end0:
.L_simem_size_0:
called_computation_lowered:
.L_overlay_start_0:
0x88: {  	s2 =	sld [smem:$0x3FD9]  }
0x89: {  	s3 =	sld [smem:$0x3FFE];
	_ =	sdelay $0x1  }
0x8a: {  	s1 =	srdreg.scid  }
0x8b: {  	s0 =	sand.u32 $0x1, s1  }
0x8c: {  	s17 =	sshll.u32 s0, $0xA;
	s2 =	sadd.s32 s3, s2  }
0x8d: {  	s2 =	sadd.s32 s2, s17  }
0x8e: {  	[smem:$0x3FC7] =	sst s2  }
0x8f: {  	_ = 	snop  }
0x90: {  	s2 =	sld [smem:$0x3FD0];
	(tm) =	ssettm $0x1  }
0x91: {  	s18 =	sld [smem:$0x3FFB];
	_ =	sdelay $0x3  }
0x92: {  	_ =	strace s18  }
0x93: {  	s3 =	sld [smem:$0x3FFC];
	_ =	sdelay $0x3  }
0x94: {  	_ =	strace s3  }
0x95: {  	s3 =	sld [smem:$0x3FFD];
	_ =	sdelay $0x3  }
0x96: {  	_ =	strace s3  }
0x97: {  	_ =	strace $0x8FFFFFFF  }
0x98: {  	s19 =	sld [smem:$0x3FDB];
	_ =	sdelay $0x1  }
0x99: {  	s4 =	simm.s32 $_scs_section_size  }
0x9a: {  	s5 =	simm.s32 $_size__tile_overlayer_lowered;
	s6 =	simm.s32 $_tile_overlayer_lowered  }
0x9b: {  	s22 =	simm.s32 $0x1BFF;
	s21 =	sshll.u32 s6, $0x1;
	s3 =	sadd.s32 s4, s19  }
0x9c: {  	s7 =	simm.s32 $0x0;
	s20 =	sshll.u32 s5, $0x1;
	s5 =	sadd.s32 s21, s3  }
0x9d: {  	[timem:s7], [sflag:s22] =	dma.local [hbm:s5], s20  }
0x9e: {  	_ =	swait.ge [sflag:s22], s20  }
0x9f: {  	s4 =	ssub.s32 $0x0, s20;
	[sflag:s22] =	ssyncset.done $0x0  }
0xa0: {  	[sflag:s22] =	ssyncadd.s32 s4;
	_ =	sdelay $0x1  }
0xa1: {  	s23 =	simm.s32 $0x1B8B  }
0xa2: {  	_ =	swait.ge [sflag:s23], $0x1  }
0xa3: {  	[sflag:s23] =	ssyncset.done $0x0  }
0xa4: {  	s25 =	simm.s32 $0x1B8E;
	s24 =	sld [smem:$0x3FFE];
	[sflag:s23] =	ssyncadd.s32 $0xFFFFFFFF  }
0xa5: {  	s26 =	simm.s32 $execute0_lowered;
	[smem:$0x3FD2] =	sst s25  }
0xa6: {  	s5 =	sshll.u32 s26, $0x1;
	_ =	strace $0x80000046;
	[dreg:$0x1] =	wrdreg $0xFFFFFFFF  }
0xa7: {  	s28 =	simm.s32 $_size_execute0_lowered;
	s3 =	sadd.s32 s3, s5;
	[dreg:$0x0] =	wrdreg $0x0  }
0xa8: {  	s5 =	sshll.u32 s28, $0x1;
	[dreg:$0x2] =	wrdreg s3  }
0xa9: {  	[dreg:$0x3] =	wrdreg s5  }
0xaa: {  	[dreg:$0x4] =	wrdreg $0xC0  }
0xab: {  	_ =	task [dreg:s7], $0x5FFFF  }
0xac: {  	[dreg:$0x1] =	wrdreg $0xFFFFFFFF  }
0xad: {  	[dreg:$0x0] =	wrdreg $0x60  }
0xae: {  	[dreg:$0x2] =	wrdreg s2  }
0xaf: {  	[dreg:$0x3] =	wrdreg s24  }
0xb0: {  	[dreg:$0x4] =	wrdreg $0x9  }
0xb1: {  	_ =	task.clear_ibuf [dreg:s7], $0x5FFFF;
	_ =	strace $0x90000046  }
0xb2: {  	s29 =	simm.s32 $0x9;
	_ =	strace $0x80000048  }
0xb3: {  	_ =	swait.ge [sflag:s29], $0x1  }
0xb4: {  	[sflag:s29] =	ssyncadd.s32 $0xFFFFFFFF  }
0xb5: {  	_ =	strace $0x90000048  }
0xb6: {  	_ =	sfence  }
0xb7: {  	s30 =	sld [smem:$0x0];
	_ =	sdelay $0x2  }
0xb8: {  	s31 =	sshll.u32 s1, $0xD;
	s1 =	sshrl.u32 s1, $0x2  }
0xb9: {  	s3 =	sand.u32 $0x4000, s31;
	s1 =	sadd.s32 s1, s30  }
0xba: {  	s0 =	sor.u32 s3, s0;
	s1 =	sshll.u32 s1, $0x11  }
0xbb: {  	s0 =	sor.u32 s1, s0  }
0xbc: {  	s0 =	sadd.s32 $0x8F2B, s0  }
0xbd: {  	[sflag:s0] =	ssyncadd.remote.s32 $0x1  }
0xbe: {  	_ =	sfence.sel $0xFFFF  }
0xbf: {  	[dreg:$0x0] =	wrdreg $0xFFFFFFFF;
	(pc) =	sbr.abs _section_cstart, $3  }
0xc0: {  	[dreg:$0x1] =	wrdreg $0xFFFFFFFF  }
0xc1: {  	_ =	task.clear_ibuf [dreg:s7], $0x2FFFF;
	_ =	strace $0x9FFFFFFF  }
0xc2: {  	(tm) =	ssettm $0x7FFFFFFF  }
0xc3: {  	_ =	shalt  }
tec
execute0_lowered:
.L_overlay_start_1:
0x0: {  	(tag) =	ssettag $0x1  }
0x1: {  	s7 =	rddreg [dreg:$0x0]  }
0x2: {  	s3 =	rddreg [dreg:$0x1];
	s2 =	simm.s32 $0x0  }
0x3: {  	[smem:$0x7FF] =	sst s2  }
0x4: {  	s0 =	rddreg [dreg:$0x2];
	v0 =	vimm.f32 $1.000000010e-01;
	_ =	strace $0x80000047  }
0x5: {  	s4 =	srdreg.scid;
	s1 =	stileid.u32;
	s11 =	simm.s32 $0x1000;
	(erf) = vrcp.f32 v0  }
0x6: {  	s12 =	simm.s32 $0x2;
	s13 =	simm.s32 $0x1800;
	s4 =	sand.u32 $0x1, s4  }
0x7: {  	s14 =	simm.s32 $0x3;
	s5 =	sshll.u32 s1, $0xF;
	s6 =	sshll.u32 s4, $0xE  }
0x8: {  	s15 =	simm.s32 $0x4;
	s4 =	ssub.s32 $0x2, s4;
	s5 =	sor.u32 s6, s5  }
0x9: {  	s16 =	simm.s32 $0x0;
	s8 =	sshrl.u32 s4, $0x1;
	s6 =	sshrl.u32 s5, $0x3  }
.Ltmp0:
0xa: {  	s8 =	ssub.s32 s4, s8;
	s31 =	sor.u32 $0x1800, s5;
	(pc) =	sbr.rel .LBB2_1-.Ltmp0, $4  }
0xb: {  	s5 =	sor.u32 $0x1000, s5;
	s9 =	sadd.s32 s6, s3;
	s3 =	sadd.s32 s7, s6  }
0xc: {  	s6 =	sshrl.u32 s31, $0x3;
	s10 =	sshrl.u32 s5, $0x3;
	s5 =	smax.u32 s8, $0x1  }
0xd: {  	s4 =	sadd.s32 $0x100, s3;
	s6 =	sadd.s32 s6, s7;
	s7 =	sadd.s32 s10, s7  }
0xe: {  	s8 =	sadd.s32 $0x400, s9;
	s9 =	simm.s32 $0x800;
	s10 =	simm.s32 $0x1;
	v0 =	vpop (erf)  }
.LBB2_4:
0xf: {  	s16 =	sadd.s32 $0x1, s16  }
0x10: {  	_ =	swait.ge [sflag:s14], $0x800;
	p0 =	sne.s32 s16, s5  }
.Ltmp1:
0x11: {  	[sflag:s14] =	ssyncset.done $0x0;
	(pc) =	sbr.rel @!p0 .LBB2_5-.Ltmp1, $4  }
0x12: {  	[sflag:s14] =	ssyncadd.s32 $0xFFFFF800  }
0x13: {  	_ =	swait.ge [sflag:s15], $0x800  }
0x14: {  	[sflag:s15] =	ssyncset.done $0x0  }
0x15: {  	[sflag:s15] =	ssyncadd.s32 $0xFFFFF800  }
.LBB2_1:
0x16: {  	[tilespmem:s2], [sflag:$0x1] =	stream.linear.gather [hbm4b:s3+s2], $0x800, $0x38;
	[tilespmem:$0x2000] =	vst v63  }
0x17: {  	s17 =	simm.s32 $0x0  }
0x18: {  	[tilespmem:s9], [sflag:$0x2] =	stream.linear.gather [hbm4b:s4+s2], $0x800, $0x38;
	[tilespmem:$0x2000] =	vst v63  }
.LBB2_2:
0x19: {  	p0 =	seq.s32 s17, $0x0  }
0x1a: {  	s18 =	simm.s32 @!p0 $0x3  }
0x1b: {  	_ =	swait.ge @!p0 [sflag:s18], $0x800  }
0x1c: {  	[sflag:s18] =	ssyncset.done @!p0 $0x0  }
0x1d: {  	[sflag:s18] =	ssyncadd.s32 @!p0 $0xFFFFF800  }
0x1e: {  	_ =	swait.ge [sflag:s10], $0x800  }
0x1f: {  	[sflag:s10] =	ssyncset.done $0x0  }
0x20: {  	[sflag:s10] =	ssyncadd.s32 $0xFFFFF800  }
0x21: {  	v1 =	vld [tilespmem:$0x0]  }
0x22: {  	v2 =	vld [tilespmem:$0x10]  }
0x23: {  	v3 =	vld [tilespmem:$0x20]  }
0x24: {  	v4 =	vld [tilespmem:$0x30]  }
0x25: {  	v6 =	vld [tilespmem:$0x50]  }
0x26: {  	v7 =	vld [tilespmem:$0x60]  }
0x27: {  	v40 =	vld [tilespmem:$0xE0]  }
0x28: {  	v11 =	vld [tilespmem:$0xF0]  }
0x29: {  	v15 =	vld [tilespmem:$0x120]  }
0x2a: {  	v21 =	vld [tilespmem:$0x180];
	v1 =	vadd.f32 $-8.000000000e+00, v1;
	v2 =	vadd.f32 $-8.000000000e+00, v2  }
0x2b: {  	v24 =	vld [tilespmem:$0x1B0];
	v3 =	vadd.f32 $-8.000000000e+00, v3;
	v4 =	vadd.f32 $-8.000000000e+00, v4  }
0x2c: {  	v6 =	vadd.f32 $-8.000000000e+00, v6;
	v7 =	vadd.f32 $-8.000000000e+00, v7  }
0x2d: {  	v5 =	vld [tilespmem:$0x40];
	v12 =	vadd.f32 $-8.000000000e+00, v40;
	v11 =	vadd.f32 $-8.000000000e+00, v11;
	v1 =	vmul.f32 v1, v0  }
0x2e: {  	v9 =	vld [tilespmem:$0xC0];
	v16 =	vadd.f32 $-8.000000000e+00, v15;
	v2 =	vmul.f32 v2, v0;
	v3 =	vmul.f32 v3, v0  }
0x2f: {  	v19 =	vld [tilespmem:$0x150];
	v22 =	vadd.f32 $-8.000000000e+00, v21;
	v4 =	vmul.f32 v4, v0;
	v6 =	vmul.f32 v6, v0  }
0x30: {  	v28 =	vld [tilespmem:$0x1E0];
	v25 =	vadd.f32 $-8.000000000e+00, v24;
	v31 =	vmul.f32 v7, v0;
	v13 =	vmul.f32 v12, v0  }
0x31: {  	v32 =	vld [tilespmem:$0x90];
	v11 =	vmul.f32 v11, v0;
	v48 =	vmul.f32 v16, v0  }
0x32: {  	v37 =	vld [tilespmem:$0xB0];
	v5 =	vadd.f32 $-8.000000000e+00, v5;
	v56 =	vmul.f32 v22, v0;
	v60 =	vmul.f32 v25, v0  }
0x33: {  	v39 =	vadd.f32 $-8.000000000e+00, v9;
	v1 =	vtrunc.f32 v1;
	v2 =	vtrunc.f32 v2  }
0x34: {  	v50 =	vadd.f32 $-8.000000000e+00, v19;
	v3 =	vtrunc.f32 v3;
	v4 =	vtrunc.f32 v4  }
0x35: {  	v62 =	vadd.f32 $-8.000000000e+00, v28;
	v30 =	vtrunc.f32 v6;
	v33 =	vtrunc.f32 v31  }
0x36: {  	v7 =	vadd.f32 $-8.000000000e+00, v32;
	v44 =	vtrunc.f32 v13;
	v1 =	vcvt.f32.s32 v1  }
0x37: {  	v29 =	vld [tilespmem:$0x70];
	v6 =	vadd.f32 $-8.000000000e+00, v37;
	v45 =	vtrunc.f32 v11;
	v2 =	vcvt.f32.s32 v2  }
0x38: {  	v34 =	vld [tilespmem:$0xA0];
	v57 =	vtrunc.f32 v56;
	v3 =	vcvt.f32.s32 v3;
	vm0 =	vgt.s32 v1, $0x0  }
0x39: {  	v4 =	vcvt.f32.s32 v4;
	vm13 =	vgt.s32 v2, $0x0;
	v1 =	vnsel vm0, $0x0, v1  }
0x3a: {  	v47 =	vld [tilespmem:$0x140];
	vm14 =	vgt.s32 v3, $0x0;
	v2 =	vnsel vm13, $0x0, v2;
	v14 =	vmin.u32 v1, $0x8B  }
0x3b: {  	v1 =	vmul.f32 v5, v0;
	v35 =	vmin.u32 v2, $0x8B;
	v2 =	vnsel vm14, $0x0, v3;
	v3 =	vld [tilespmem:$0x80]  }
0x3c: {  	vm15 =	vgt.s32 v4, $0x0;
	v5 =	vadd.f32 $-8.000000000e+00, v29;
	v36 =	vmin.u32 v2, $0x8B  }
0x3d: {  	v2 =	vnsel vm15, $0x0, v4;
	v4 =	vadd.f32 $-8.000000000e+00, v34;
	v1 =	vtrunc.f32 v1  }
0x3e: {  	v2 =	vmin.u32 v2, $0x8B;
	v5 =	vmul.f32 v5, v0;
	v1 =	vcvt.f32.s32 v1  }
0x3f: {  	v11 =	vadd.f32 $-8.000000000e+00, v47;
	[tilespmem:$0x1FEB0] =	vst v2;
	v2 =	vcvt.f32.s32 v30;
	v4 =	vmul.f32 v4, v0  }
0x40: {  	v5 =	vtrunc.f32 v5;
	vm4 =	vgt.s32 v1, $0x0;
	v3 =	vadd.f32 $-8.000000000e+00, v3  }
0x41: {  	v30 =	vld [tilespmem:$0x210];
	vm5 =	vgt.s32 v2, $0x0;
	v4 =	vtrunc.f32 v4;
	v1 =	vnsel vm4, $0x0, v1  }
0x42: {  	v5 =	vcvt.f32.s32 v5;
	v4 =	vcvt.f32.s32 v4;
	v1 =	vmin.u32 v1, $0x8B  }
0x43: {  	v2 =	vnsel vm5, $0x0, v2;
	v3 =	vmul.f32 v3, v0;
	[tilespmem:$0x1FEC0] =	vst v1;
	v1 =	vcvt.f32.s32 v33  }
0x44: {  	v2 =	vmin.u32 v2, $0x8B;
	vm7 =	vgt.s32 v5, $0x0;
	vm10 =	vgt.s32 v4, $0x0  }
0x45: {  	v38 =	vld [tilespmem:$0xD0];
	[tilespmem:$0x1FED0] =	vst v2;
	v2 =	vtrunc.f32 v3;
	v3 =	vmul.f32 v7, v0;
	vm6 =	vgt.s32 v1, $0x0  }
0x46: {  	v31 =	vadd.f32 $-8.000000000e+00, v30;
	v2 =	vcvt.f32.s32 v2;
	v1 =	vnsel vm6, $0x0, v1  }
0x47: {  	v4 =	vnsel vm10, $0x0, v4;
	v3 =	vtrunc.f32 v3;
	v1 =	vmin.u32 v1, $0x8B  }
0x48: {  	v33 =	vld [tilespmem:$0x240];
	vm8 =	vgt.s32 v2, $0x0;
	v3 =	vcvt.f32.s32 v3;
	[tilespmem:$0x1FEE0] =	vst v1;
	v1 =	vnsel vm7, $0x0, v5  }
0x49: {  	v42 =	vld [tilespmem:$0x100];
	v25 =	vmul.f32 v31, v0;
	v2 =	vnsel vm8, $0x0, v2;
	v1 =	vmin.u32 v1, $0x8B  }
0x4a: {  	v43 =	vld [tilespmem:$0x110];
	v5 =	vadd.f32 $-8.000000000e+00, v38;
	vm9 =	vgt.s32 v3, $0x0;
	[tilespmem:$0x1FEF0] =	vst v1;
	v1 =	vmin.u32 v2, $0x8B  }
0x4b: {  	v37 =	vld [tilespmem:$0x270];
	v2 =	vmul.f32 v6, v0;
	v3 =	vnsel vm9, $0x0, v3;
	v6 =	vmul.f32 v39, v0  }
0x4c: {  	v26 =	vtrunc.f32 v25;
	[tilespmem:$0x1FF00] =	vst v1;
	v1 =	vmin.u32 v3, $0x8B;
	v3 =	vmul.f32 v5, v0  }
0x4d: {  	v34 =	vadd.f32 $-8.000000000e+00, v33;
	v2 =	vtrunc.f32 v2;
	v41 =	vtrunc.f32 v6  }
0x4e: {  	[tilespmem:$0x1FF10] =	vst v1;
	v1 =	vmin.u32 v4, $0x8B;
	v6 =	vadd.f32 $-8.000000000e+00, v42;
	v2 =	vcvt.f32.s32 v2  }
0x4f: {  	v4 =	vadd.f32 $-8.000000000e+00, v43;
	v5 =	vcvt.f32.s32 v41;
	v3 =	vtrunc.f32 v3  }
0x50: {  	v46 =	vld [tilespmem:$0x130];
	v43 =	vadd.f32 $-8.000000000e+00, v37;
	v3 =	vcvt.f32.s32 v3;
	v6 =	vmul.f32 v6, v0  }
0x51: {  	v41 =	vmul.f32 v34, v0;
	vm11 =	vgt.s32 v2, $0x0;
	vm12 =	vgt.s32 v5, $0x0  }
0x52: {  	v2 =	vnsel vm11, $0x0, v2;
	vm13 =	vgt.s32 v3, $0x0;
	v6 =	vtrunc.f32 v6  }
0x53: {  	[tilespmem:$0x1FF20] =	vst v1;
	v1 =	vmin.u32 v2, $0x8B;
	v2 =	vnsel vm12, $0x0, v5;
	v6 =	vcvt.f32.s32 v6  }
0x54: {  	[tilespmem:$0x1FF30] =	vst v1;
	v1 =	vmin.u32 v2, $0x8B;
	v2 =	vnsel vm13, $0x0, v3;
	v3 =	vcvt.f32.s32 v44  }
0x55: {  	v49 =	vld [tilespmem:$0x160];
	v5 =	vadd.f32 $-8.000000000e+00, v46;
	[tilespmem:$0x1FF40] =	vst v1;
	v1 =	vmin.u32 v2, $0x8B;
	v2 =	vcvt.f32.s32 v45  }
0x56: {  	v51 =	vld [tilespmem:$0x170];
	v4 =	vmul.f32 v4, v0;
	vm4 =	vgt.s32 v6, $0x0;
	vm14 =	vgt.s32 v3, $0x0  }
0x57: {  	v5 =	vmul.f32 v5, v0;
	v3 =	vnsel vm14, $0x0, v3;
	vm15 =	vgt.s32 v2, $0x0  }
0x58: {  	v53 =	vld [tilespmem:$0x190];
	[tilespmem:$0x1FF50] =	vst v1;
	v1 =	vmin.u32 v3, $0x8B;
	v2 =	vnsel vm15, $0x0, v2;
	v3 =	vtrunc.f32 v4  }
0x59: {  	v4 =	vtrunc.f32 v48;
	[tilespmem:$0x1FF60] =	vst v1;
	v3 =	vcvt.f32.s32 v3;
	v1 =	vmin.u32 v2, $0x8B  }
0x5a: {  	v2 =	vnsel vm4, $0x0, v6;
	v4 =	vcvt.f32.s32 v4;
	v6 =	vadd.f32 $-8.000000000e+00, v49  }
0x5b: {  	[tilespmem:$0x1FF70] =	vst v1;
	v1 =	vmin.u32 v2, $0x8B;
	v2 =	vmul.f32 v11, v0;
	v11 =	vadd.f32 $-8.000000000e+00, v51  }
0x5c: {  	v59 =	vld [tilespmem:$0x1D0];
	vm5 =	vgt.s32 v3, $0x0;
	vm6 =	vgt.s32 v4, $0x0;
	v52 =	vmul.f32 v6, v0  }
0x5d: {  	v6 =	vadd.f32 $-8.000000000e+00, v53;
	v3 =	vnsel vm5, $0x0, v3;
	v2 =	vtrunc.f32 v2  }
0x5e: {  	[tilespmem:$0x1FF80] =	vst v1;
	v11 =	vmul.f32 v11, v0;
	v1 =	vmin.u32 v3, $0x8B;
	v3 =	vtrunc.f32 v5  }
0x5f: {  	v4 =	vnsel vm6, $0x0, v4;
	v2 =	vcvt.f32.s32 v2;
	v5 =	vmul.f32 v50, v0  }
0x60: {  	v6 =	vmul.f32 v6, v0;
	[tilespmem:$0x1FF90] =	vst v1;
	v3 =	vcvt.f32.s32 v3;
	v1 =	vmin.u32 v4, $0x8B  }
0x61: {  	v54 =	vld [tilespmem:$0x1A0];
	v4 =	vtrunc.f32 v52;
	v55 =	vtrunc.f32 v11;
	v11 =	vadd.f32 $-8.000000000e+00, v59  }
0x62: {  	vm8 =	vgt.s32 v2, $0x0;
	v5 =	vtrunc.f32 v5;
	vm7 =	vgt.s32 v3, $0x0  }
0x63: {  	v58 =	vld [tilespmem:$0x1C0];
	v6 =	vtrunc.f32 v6;
	v5 =	vcvt.f32.s32 v5;
	v3 =	vnsel vm7, $0x0, v3  }
0x64: {  	[tilespmem:$0x1FFA0] =	vst v1;
	v2 =	vnsel vm8, $0x0, v2;
	v1 =	vmin.u32 v3, $0x8B;
	v3 =	vcvt.f32.s32 v4  }
0x65: {  	v6 =	vcvt.f32.s32 v6;
	v21 =	vmin.u32 v2, $0x8B;
	vm9 =	vgt.s32 v5, $0x0  }
0x66: {  	v4 =	vadd.f32 $-8.000000000e+00, v54;
	v2 =	vnsel vm9, $0x0, v5;
	vm10 =	vgt.s32 v3, $0x0  }
0x67: {  	v17 =	vmin.u32 v2, $0x8B;
	v2 =	vnsel vm10, $0x0, v3;
	v3 =	vcvt.f32.s32 v55  }
0x68: {  	v61 =	vld [tilespmem:$0x1F0];
	v5 =	vadd.f32 $-8.000000000e+00, v58;
	v20 =	vmin.u32 v2, $0x8B;
	v2 =	vcvt.f32.s32 v57  }
0x69: {  	v63 =	vld [tilespmem:$0x200];
	vm13 =	vgt.s32 v6, $0x0;
	v4 =	vmul.f32 v4, v0;
	vm11 =	vgt.s32 v3, $0x0  }
0x6a: {  	v5 =	vmul.f32 v5, v0;
	v3 =	vnsel vm11, $0x0, v3;
	vm12 =	vgt.s32 v2, $0x0  }
0x6b: {  	v22 =	vld [tilespmem:$0x220];
	v19 =	vmin.u32 v3, $0x8B;
	v2 =	vnsel vm12, $0x0, v2;
	v3 =	vtrunc.f32 v4  }
0x6c: {  	v4 =	vtrunc.f32 v60;
	v3 =	vcvt.f32.s32 v3;
	v18 =	vmin.u32 v2, $0x8B  }
0x6d: {  	v2 =	vnsel vm13, $0x0, v6;
	v4 =	vcvt.f32.s32 v4;
	v6 =	vadd.f32 $-8.000000000e+00, v61  }
0x6e: {  	v16 =	vmin.u32 v2, $0x8B;
	v2 =	vmul.f32 v11, v0;
	v11 =	vadd.f32 $-8.000000000e+00, v63  }
0x6f: {  	v40 =	vld [tilespmem:$0x260];
	vm14 =	vgt.s32 v3, $0x0;
	vm15 =	vgt.s32 v4, $0x0;
	v13 =	vmul.f32 v6, v0  }
0x70: {  	v39 =	vld [tilespmem:$0x2A0];
	v6 =	vadd.f32 $-8.000000000e+00, v22;
	v3 =	vnsel vm14, $0x0, v3;
	v2 =	vtrunc.f32 v2  }
0x71: {  	[tilespmem:$0x1FFB0] =	vst v1;
	v11 =	vmul.f32 v11, v0;
	v1 =	vmin.u32 v3, $0x8B;
	v3 =	vtrunc.f32 v5  }
0x72: {  	v4 =	vnsel vm15, $0x0, v4;
	v2 =	vcvt.f32.s32 v2;
	v5 =	vmul.f32 v62, v0  }
0x73: {  	v15 =	vmin.u32 v4, $0x8B;
	v4 =	vtrunc.f32 v13;
	v6 =	vmul.f32 v6, v0  }
0x74: {  	v23 =	vld [tilespmem:$0x230];
	v3 =	vcvt.f32.s32 v3;
	v24 =	vtrunc.f32 v11;
	v11 =	vadd.f32 $-8.000000000e+00, v40  }
0x75: {  	v40 =	vadd.f32 $-8.000000000e+00, v39;
	vm5 =	vgt.s32 v2, $0x0;
	v5 =	vtrunc.f32 v5  }
0x76: {  	v6 =	vtrunc.f32 v6;
	vm4 =	vgt.s32 v3, $0x0;
	v5 =	vcvt.f32.s32 v5  }
0x77: {  	v27 =	vld [tilespmem:$0x250];
	v2 =	vnsel vm5, $0x0, v2;
	v6 =	vcvt.f32.s32 v6;
	v3 =	vnsel vm4, $0x0, v3  }
0x78: {  	[tilespmem:$0x1FFC0] =	vst v1;
	v49 =	vmul.f32 v40, v0;
	v1 =	vmin.u32 v3, $0x8B;
	v3 =	vcvt.f32.s32 v4  }
0x79: {  	vm6 =	vgt.s32 v5, $0x0;
	v4 =	vadd.f32 $-8.000000000e+00, v23;
	vm10 =	vgt.s32 v6, $0x0  }
0x7a: {  	[tilespmem:$0x1FFD0] =	vst v1;
	v1 =	vmin.u32 v2, $0x8B;
	v2 =	vnsel vm6, $0x0, v5;
	vm7 =	vgt.s32 v3, $0x0  }
0x7b: {  	[tilespmem:$0x1FFE0] =	vst v1;
	v1 =	vmin.u32 v2, $0x8B;
	v2 =	vnsel vm7, $0x0, v3;
	v3 =	vcvt.f32.s32 v24  }
0x7c: {  	v42 =	vld [tilespmem:$0x280];
	v5 =	vadd.f32 $-8.000000000e+00, v27;
	v32 =	vmin.u32 v2, $0x8B;
	v2 =	vcvt.f32.s32 v26  }
0x7d: {  	v44 =	vld [tilespmem:$0x290];
	v50 =	vtrunc.f32 v49;
	v4 =	vmul.f32 v4, v0;
	vm8 =	vgt.s32 v3, $0x0  }
0x7e: {  	v5 =	vmul.f32 v5, v0;
	v3 =	vnsel vm8, $0x0, v3;
	vm9 =	vgt.s32 v2, $0x0  }
0x7f: {  	v46 =	vld [tilespmem:$0x2B0];
	v31 =	vmin.u32 v3, $0x8B;
	v2 =	vnsel vm9, $0x0, v2;
	v3 =	vtrunc.f32 v4  }
0x80: {  	v4 =	vtrunc.f32 v41;
	v3 =	vcvt.f32.s32 v3;
	v30 =	vmin.u32 v2, $0x8B  }
0x81: {  	v2 =	vnsel vm10, $0x0, v6;
	v4 =	vcvt.f32.s32 v4;
	v6 =	vadd.f32 $-8.000000000e+00, v42  }
0x82: {  	v22 =	vmin.u32 v2, $0x8B;
	v2 =	vmul.f32 v11, v0;
	v11 =	vadd.f32 $-8.000000000e+00, v44  }
0x83: {  	v42 =	vld [tilespmem:$0x2D0];
	vm11 =	vgt.s32 v3, $0x0;
	vm12 =	vgt.s32 v4, $0x0;
	v45 =	vmul.f32 v6, v0  }
0x84: {  	v52 =	vld [tilespmem:$0x2F0];
	v6 =	vadd.f32 $-8.000000000e+00, v46;
	v3 =	vnsel vm11, $0x0, v3;
	v2 =	vtrunc.f32 v2  }
0x85: {  	v11 =	vmul.f32 v11, v0;
	v27 =	vmin.u32 v3, $0x8B;
	v3 =	vtrunc.f32 v5  }
0x86: {  	v4 =	vnsel vm12, $0x0, v4;
	v2 =	vcvt.f32.s32 v2;
	v5 =	vmul.f32 v43, v0  }
0x87: {  	v26 =	vmin.u32 v4, $0x8B;
	v4 =	vtrunc.f32 v45;
	v6 =	vmul.f32 v6, v0  }
0x88: {  	v47 =	vld [tilespmem:$0x2C0];
	v3 =	vcvt.f32.s32 v3;
	v48 =	vtrunc.f32 v11;
	v43 =	vadd.f32 $-8.000000000e+00, v42  }
0x89: {  	v51 =	vld [tilespmem:$0x2E0];
	v11 =	vadd.f32 $-8.000000000e+00, v52;
	vm14 =	vgt.s32 v2, $0x0;
	v5 =	vtrunc.f32 v5  }
0x8a: {  	v6 =	vtrunc.f32 v6;
	vm13 =	vgt.s32 v3, $0x0;
	v5 =	vcvt.f32.s32 v5  }
0x8b: {  	v46 =	vld [tilespmem:$0x300];
	v2 =	vnsel vm14, $0x0, v2;
	v6 =	vcvt.f32.s32 v6;
	v3 =	vnsel vm13, $0x0, v3  }
0x8c: {  	v53 =	vmul.f32 v43, v0;
	v25 =	vmin.u32 v3, $0x8B;
	v3 =	vcvt.f32.s32 v4  }
0x8d: {  	v24 =	vmin.u32 v2, $0x8B;
	vm15 =	vgt.s32 v5, $0x0;
	v4 =	vadd.f32 $-8.000000000e+00, v47  }
0x8e: {  	v2 =	vnsel vm15, $0x0, v5;
	v5 =	vadd.f32 $-8.000000000e+00, v51;
	v51 =	vld [tilespmem:$0x360];
	vm4 =	vgt.s32 v3, $0x0  }
0x8f: {  	v23 =	vmin.u32 v2, $0x8B;
	v2 =	vnsel vm4, $0x0, v3;
	v3 =	vcvt.f32.s32 v48  }
0x90: {  	v54 =	vld [tilespmem:$0x310];
	v55 =	vadd.f32 $-8.000000000e+00, v46;
	v29 =	vmin.u32 v2, $0x8B;
	v2 =	vcvt.f32.s32 v50  }
0x91: {  	vm7 =	vgt.s32 v6, $0x0;
	v4 =	vmul.f32 v4, v0;
	v48 =	vld [tilespmem:$0x330];
	vm5 =	vgt.s32 v3, $0x0  }
0x92: {  	v56 =	vld [tilespmem:$0x320];
	v5 =	vmul.f32 v5, v0;
	v3 =	vnsel vm5, $0x0, v3;
	vm6 =	vgt.s32 v2, $0x0  }
0x93: {  	v52 =	vadd.f32 $-8.000000000e+00, v51;
	v28 =	vmin.u32 v3, $0x8B;
	v3 =	vtrunc.f32 v4  }
0x94: {  	v58 =	vld [tilespmem:$0x340];
	v2 =	vnsel vm6, $0x0, v2;
	v4 =	vtrunc.f32 v53;
	v3 =	vcvt.f32.s32 v3  }
0x95: {  	v43 =	vmin.u32 v2, $0x8B;
	v2 =	vnsel vm7, $0x0, v6;
	v4 =	vcvt.f32.s32 v4  }
0x96: {  	v6 =	vadd.f32 $-8.000000000e+00, v54;
	v49 =	vadd.f32 $-8.000000000e+00, v48;
	v13 =	vmul.f32 v52, v0  }
0x97: {  	v45 =	vmin.u32 v2, $0x8B;
	v2 =	vmul.f32 v11, v0;
	v11 =	vadd.f32 $-8.000000000e+00, v56  }
0x98: {  	[tilespmem:$0x1FFF0] =	vst v1;
	v1 =	vld [tilespmem:$0x420];
	vm8 =	vgt.s32 v3, $0x0;
	vm9 =	vgt.s32 v4, $0x0;
	v57 =	vmul.f32 v6, v0  }
0x99: {  	v12 =	vld [tilespmem:$0x380];
	v61 =	vmul.f32 v49, v0;
	v6 =	vadd.f32 $-8.000000000e+00, v58;
	v3 =	vnsel vm8, $0x0, v3  }
0x9a: {  	v2 =	vtrunc.f32 v2;
	v4 =	vnsel vm9, $0x0, v4;
	v11 =	vmul.f32 v11, v0  }
0x9b: {  	v44 =	vmin.u32 v3, $0x8B;
	v3 =	vtrunc.f32 v5;
	v2 =	vcvt.f32.s32 v2  }
0x9c: {  	v5 =	vmul.f32 v55, v0;
	v46 =	vmin.u32 v4, $0x8B;
	v4 =	vtrunc.f32 v57  }
0x9d: {  	v59 =	vld [tilespmem:$0x350];
	v1 =	vadd.f32 $-8.000000000e+00, v1;
	v62 =	vtrunc.f32 v61;
	v6 =	vmul.f32 v6, v0  }
0x9e: {  	v55 =	vld [tilespmem:$0x390];
	v3 =	vcvt.f32.s32 v3;
	v60 =	vtrunc.f32 v11;
	v11 =	vadd.f32 $-8.000000000e+00, v12  }
0x9f: {  	v57 =	vld [tilespmem:$0x3C0];
	vm11 =	vgt.s32 v2, $0x0;
	v5 =	vtrunc.f32 v5;
	v6 =	vtrunc.f32 v6  }
0xa0: {  	vm10 =	vgt.s32 v3, $0x0;
	v5 =	vcvt.f32.s32 v5;
	v2 =	vnsel vm11, $0x0, v2  }
0xa1: {  	v63 =	vld [tilespmem:$0x370];
	v6 =	vcvt.f32.s32 v6;
	v3 =	vnsel vm10, $0x0, v3;
	v48 =	vmin.u32 v2, $0x8B  }
0xa2: {  	v47 =	vmin.u32 v3, $0x8B;
	v3 =	vcvt.f32.s32 v4;
	vm12 =	vgt.s32 v5, $0x0  }
0xa3: {  	v4 =	vadd.f32 $-8.000000000e+00, v59;
	vm4 =	vgt.s32 v6, $0x0;
	v34 =	vadd.f32 $-8.000000000e+00, v55  }
0xa4: {  	v58 =	vadd.f32 $-8.000000000e+00, v57;
	v2 =	vnsel vm12, $0x0, v5;
	vm13 =	vgt.s32 v3, $0x0  }
0xa5: {  	v49 =	vmin.u32 v2, $0x8B;
	v2 =	vnsel vm13, $0x0, v3;
	v3 =	vcvt.f32.s32 v60  }
0xa6: {  	v33 =	vld [tilespmem:$0x3A0];
	v5 =	vadd.f32 $-8.000000000e+00, v63;
	v50 =	vmin.u32 v2, $0x8B;
	v2 =	vcvt.f32.s32 v62  }
0xa7: {  	v4 =	vmul.f32 v4, v0;
	v42 =	vmul.f32 v58, v0;
	v60 =	vld [tilespmem:$0x3F0];
	vm14 =	vgt.s32 v3, $0x0  }
0xa8: {  	v37 =	vld [tilespmem:$0x3B0];
	v5 =	vmul.f32 v5, v0;
	v3 =	vnsel vm14, $0x0, v3;
	vm15 =	vgt.s32 v2, $0x0  }
0xa9: {  	v39 =	vld [tilespmem:$0x3D0];
	v51 =	vmin.u32 v3, $0x8B;
	v2 =	vnsel vm15, $0x0, v2;
	v3 =	vtrunc.f32 v4  }
0xaa: {  	v4 =	vtrunc.f32 v13;
	v3 =	vcvt.f32.s32 v3;
	v52 =	vmin.u32 v2, $0x8B  }
0xab: {  	v2 =	vnsel vm4, $0x0, v6;
	v4 =	vcvt.f32.s32 v4;
	v6 =	vadd.f32 $-8.000000000e+00, v33  }
0xac: {  	v61 =	vadd.f32 $-8.000000000e+00, v60;
	v54 =	vmin.u32 v2, $0x8B;
	v2 =	vmul.f32 v11, v0  }
0xad: {  	v11 =	vadd.f32 $-8.000000000e+00, v37;
	vm5 =	vgt.s32 v3, $0x0;
	vm6 =	vgt.s32 v4, $0x0  }
0xae: {  	v38 =	vmul.f32 v6, v0;
	v6 =	vadd.f32 $-8.000000000e+00, v39;
	v3 =	vnsel vm5, $0x0, v3  }
0xaf: {  	v2 =	vtrunc.f32 v2;
	v53 =	vmin.u32 v3, $0x8B;
	v3 =	vtrunc.f32 v5  }
0xb0: {  	v4 =	vnsel vm6, $0x0, v4;
	v5 =	vmul.f32 v34, v0;
	v3 =	vcvt.f32.s32 v3  }
0xb1: {  	v11 =	vmul.f32 v11, v0;
	v2 =	vcvt.f32.s32 v2;
	v55 =	vmin.u32 v4, $0x8B  }
0xb2: {  	v4 =	vtrunc.f32 v38;
	v5 =	vtrunc.f32 v5;
	vm7 =	vgt.s32 v3, $0x0  }
0xb3: {  	v6 =	vmul.f32 v6, v0;
	v5 =	vcvt.f32.s32 v5;
	v3 =	vnsel vm7, $0x0, v3  }
0xb4: {  	vm8 =	vgt.s32 v2, $0x0;
	v56 =	vmin.u32 v3, $0x8B;
	v3 =	vcvt.f32.s32 v4  }
0xb5: {  	v41 =	vtrunc.f32 v11;
	v2 =	vnsel vm8, $0x0, v2;
	vm9 =	vgt.s32 v5, $0x0  }
0xb6: {  	v13 =	vld [tilespmem:$0x410];
	v57 =	vmin.u32 v2, $0x8B;
	v2 =	vnsel vm9, $0x0, v5;
	vm10 =	vgt.s32 v3, $0x0  }
0xb7: {  	v40 =	vld [tilespmem:$0x3E0];
	v11 =	vtrunc.f32 v42;
	v58 =	vmin.u32 v2, $0x8B;
	v2 =	vnsel vm10, $0x0, v3  }
0xb8: {  	v6 =	vtrunc.f32 v6;
	v59 =	vmin.u32 v2, $0x8B;
	v2 =	vcvt.f32.s32 v11  }
0xb9: {  	v6 =	vcvt.f32.s32 v6  }
0xba: {  	v1 =	vmul.f32 v1, v0;
	v33 =	vmul.f32 v61, v0;
	vm12 =	vgt.s32 v2, $0x0  }
0xbb: {  	vm13 =	vgt.s32 v6, $0x0;
	v11 =	vadd.f32 $-8.000000000e+00, v13;
	v2 =	vnsel vm12, $0x0, v2  }
0xbc: {  	v12 =	vld [tilespmem:$0x400];
	v4 =	vadd.f32 $-8.000000000e+00, v40;
	v61 =	vmin.u32 v2, $0x8B;
	v2 =	vnsel vm13, $0x0, v6  }
0xbd: {  	v3 =	vcvt.f32.s32 v41;
	v63 =	vmin.u32 v2, $0x8B;
	v2 =	vmul.f32 v11, v0  }
0xbe: {  	v1 =	vtrunc.f32 v1  }
0xbf: {  	v4 =	vmul.f32 v4, v0;
	v13 =	vld [tilespmem:$0x460];
	vm11 =	vgt.s32 v3, $0x0;
	v2 =	vtrunc.f32 v2  }
0xc0: {  	v1 =	vcvt.f32.s32 v1;
	v34 =	vld [tilespmem:$0x430];
	v3 =	vnsel vm11, $0x0, v3;
	v2 =	vcvt.f32.s32 v2  }
0xc1: {  	v5 =	vadd.f32 $-8.000000000e+00, v12;
	v60 =	vmin.u32 v3, $0x8B;
	v3 =	vtrunc.f32 v4  }
0xc2: {  	vm6 =	vgt.s32 v1, $0x0;
	v38 =	vld [tilespmem:$0x450];
	v3 =	vcvt.f32.s32 v3;
	vm5 =	vgt.s32 v2, $0x0  }
0xc3: {  	v5 =	vmul.f32 v5, v0;
	v4 =	vtrunc.f32 v33;
	v2 =	vnsel vm5, $0x0, v2  }
0xc4: {  	vm14 =	vgt.s32 v3, $0x0;
	v40 =	vmin.u32 v2, $0x8B;
	v2 =	vadd.f32 $-8.000000000e+00, v13  }
0xc5: {  	v4 =	vcvt.f32.s32 v4;
	v6 =	vadd.f32 $-8.000000000e+00, v34;
	v3 =	vnsel vm14, $0x0, v3  }
0xc6: {  	v62 =	vmin.u32 v3, $0x8B;
	v3 =	vtrunc.f32 v5;
	v2 =	vmul.f32 v2, v0  }
0xc7: {  	v37 =	vld [tilespmem:$0x440];
	v1 =	vnsel vm6, $0x0, v1;
	v7 =	vadd.f32 $-8.000000000e+00, v38;
	v3 =	vcvt.f32.s32 v3  }
0xc8: {  	vm15 =	vgt.s32 v4, $0x0;
	v12 =	vmul.f32 v6, v0;
	v2 =	vtrunc.f32 v2  }
0xc9: {  	v4 =	vnsel vm15, $0x0, v4;
	vm4 =	vgt.s32 v3, $0x0;
	v2 =	vcvt.f32.s32 v2  }
0xca: {  	v34 =	vld [tilespmem:$0x480];
	v42 =	vmin.u32 v4, $0x8B;
	v4 =	vtrunc.f32 v12;
	v3 =	vnsel vm4, $0x0, v3  }
0xcb: {  	v41 =	vmin.u32 v3, $0x8B;
	v3 =	vcvt.f32.s32 v4;
	vm10 =	vgt.s32 v2, $0x0  }
0xcc: {  	v7 =	vmul.f32 v7, v0;
	v5 =	vadd.f32 $-8.000000000e+00, v37;
	v13 =	vnsel vm10, $0x0, v2;
	v2 =	vld [tilespmem:$0x4D0]  }
0xcd: {  	v8 =	vld [tilespmem:$0x470];
	v39 =	vmin.u32 v1, $0x8B;
	vm7 =	vgt.s32 v3, $0x0  }
0xce: {  	v7 =	vtrunc.f32 v7;
	v37 =	vld [tilespmem:$0x4A0];
	v33 =	vmul.f32 v5, v0;
	v1 =	vnsel vm7, $0x0, v3  }
0xcf: {  	v5 =	vadd.f32 $-8.000000000e+00, v34;
	v34 =	vld [tilespmem:$0x4E0];
	v38 =	vmin.u32 v1, $0x8B;
	v1 =	vcvt.f32.s32 v7  }
0xd0: {  	[tilespmem:$0x1000] =	vst v14;
	v4 =	vtrunc.f32 v33;
	v33 =	vld [tilespmem:$0x4B0]  }
0xd1: {  	[tilespmem:$0x1010] =	vst v35;
	v3 =	vld [tilespmem:$0x490];
	vm9 =	vgt.s32 v1, $0x0;
	v2 =	vadd.f32 $-8.000000000e+00, v2  }
0xd2: {  	[tilespmem:$0x1020] =	vst v36;
	v12 =	vnsel vm9, $0x0, v1;
	v1 =	vld [tilespmem:$0x4C0]  }
0xd3: {  	v35 =	vld [tilespmem:$0x4F0];
	v2 =	vmul.f32 v2, v0  }
0xd4: {  	v14 =	vld [tilespmem:$0x1FEC0]  }
0xd5: {  	v2 =	vtrunc.f32 v2  }
0xd6: {  	v2 =	vcvt.f32.s32 v2;
	_ =	sdelay $0x1  }
0xd7: {  	vm5 =	vgt.s32 v2, $0x0  }
0xd8: {  	[tilespmem:$0x1040] =	vst v14;
	v14 =	vnsel vm5, $0x0, v2;
	v2 =	vld [tilespmem:$0x1FF10];
	_ =	sdelay $0x4  }
0xd9: {  	[tilespmem:$0x1090] =	vst v2;
	v2 =	vld [tilespmem:$0x1FF20];
	_ =	sdelay $0x4  }
0xda: {  	v8 =	vadd.f32 $-8.000000000e+00, v8;
	[tilespmem:$0x10A0] =	vst v2;
	v2 =	vld [tilespmem:$0x1FF30]  }
0xdb: {  	v5 =	vmul.f32 v5, v0  }
0xdc: {  	v8 =	vmul.f32 v8, v0  }
0xdd: {  	v4 =	vcvt.f32.s32 v4;
	v5 =	vtrunc.f32 v5;
	v3 =	vadd.f32 $-8.000000000e+00, v3  }
0xde: {  	v8 =	vtrunc.f32 v8;
	v5 =	vcvt.f32.s32 v5;
	v7 =	vadd.f32 $-8.000000000e+00, v37;
	v37 =	vld [tilespmem:$0x1FEB0]  }
0xdf: {  	v8 =	vcvt.f32.s32 v8;
	vm8 =	vgt.s32 v4, $0x0;
	v3 =	vmul.f32 v3, v0;
	[tilespmem:$0x10B0] =	vst v2;
	v2 =	vld [tilespmem:$0x1FF40]  }
0xe0: {  	v9 =	vnsel vm8, $0x0, v4;
	vm12 =	vgt.s32 v5, $0x0;
	v4 =	vadd.f32 $-8.000000000e+00, v33;
	v33 =	vld [tilespmem:$0x1FED0]  }
0xe1: {  	v11 =	vnsel vm12, $0x0, v5;
	v5 =	vld [tilespmem:$0x1FFA0];
	[tilespmem:$0x13D0] =	vst v63;
	v3 =	vtrunc.f32 v3;
	v1 =	vadd.f32 $-8.000000000e+00, v1  }
0xe2: {  	vm11 =	vgt.s32 v8, $0x0;
	[tilespmem:$0x13E0] =	vst v62;
	v62 =	vld [tilespmem:$0x6A0];
	v3 =	vcvt.f32.s32 v3  }
0xe3: {  	v10 =	vnsel vm11, $0x0, v8;
	v7 =	vmul.f32 v7, v0;
	v63 =	vld [tilespmem:$0x6B0];
	[tilespmem:$0x1030] =	vst v37;
	v1 =	vmul.f32 v1, v0  }
0xe4: {  	v4 =	vmul.f32 v4, v0;
	v37 =	vmin.u32 v9, $0x8B;
	vm13 =	vgt.s32 v3, $0x0;
	[tilespmem:$0x10C0] =	vst v2;
	v2 =	vld [tilespmem:$0x1FF50]  }
0xe5: {  	[tilespmem:$0x1150] =	vst v17;
	v9 =	vld [tilespmem:$0x500];
	v8 =	vnsel vm13, $0x0, v3;
	v1 =	vtrunc.f32 v1;
	v3 =	vadd.f32 $-8.000000000e+00, v34  }
0xe6: {  	v4 =	vtrunc.f32 v4;
	[tilespmem:$0x1120] =	vst v5;
	v5 =	vld [tilespmem:$0x1FFB0];
	v1 =	vcvt.f32.s32 v1  }
0xe7: {  	[tilespmem:$0x12F0] =	vst v48;
	v4 =	vcvt.f32.s32 v4;
	v48 =	vadd.f32 $-8.000000000e+00, v62;
	v62 =	vld [tilespmem:$0x700];
	v3 =	vmul.f32 v3, v0  }
0xe8: {  	[tilespmem:$0x11F0] =	vst v32;
	v7 =	vtrunc.f32 v7;
	v36 =	vmin.u32 v12, $0x8B;
	v34 =	vld [tilespmem:$0x1FEE0];
	vm4 =	vgt.s32 v1, $0x0  }
0xe9: {  	vm15 =	vgt.s32 v4, $0x0;
	v12 =	vnsel vm4, $0x0, v1;
	v1 =	vtrunc.f32 v3;
	[tilespmem:$0x10D0] =	vst v2;
	v2 =	vld [tilespmem:$0x1FF60]  }
0xea: {  	[tilespmem:$0x12C0] =	vst v44;
	v7 =	vcvt.f32.s32 v7;
	v6 =	vnsel vm15, $0x0, v4;
	v4 =	vld [tilespmem:$0x510];
	v1 =	vcvt.f32.s32 v1  }
0xeb: {  	v9 =	vadd.f32 $-8.000000000e+00, v9;
	[tilespmem:$0x1130] =	vst v5;
	v5 =	vld [tilespmem:$0x560]  }
0xec: {  	[tilespmem:$0x1330] =	vst v52;
	vm14 =	vgt.s32 v7, $0x0;
	v3 =	vld [tilespmem:$0x1FEF0];
	vm6 =	vgt.s32 v1, $0x0  }
0xed: {  	v9 =	vmul.f32 v9, v0;
	[tilespmem:$0x1060] =	vst v34;
	v34 =	vmin.u32 v8, $0x8B;
	v8 =	vnsel vm6, $0x0, v1;
	v1 =	vld [tilespmem:$0x540]  }
0xee: {  	v11 =	vmin.u32 v11, $0x8B;
	v7 =	vnsel vm14, $0x0, v7;
	[tilespmem:$0x10E0] =	vst v2;
	v2 =	vld [tilespmem:$0x1FF70]  }
0xef: {  	[tilespmem:$0x1400] =	vst v41;
	v4 =	vadd.f32 $-8.000000000e+00, v4;
	v9 =	vtrunc.f32 v9;
	v17 =	vmin.u32 v12, $0x8B;
	v12 =	vld [tilespmem:$0x570]  }
0xf0: {  	v32 =	vld [tilespmem:$0x5B0];
	[tilespmem:$0x1050] =	vst v33;
	v52 =	vadd.f32 $-8.000000000e+00, v63;
	v41 =	vadd.f32 $-8.000000000e+00, v62;
	v9 =	vcvt.f32.s32 v9  }
0xf1: {  	v33 =	vmin.u32 v13, $0x8B;
	v4 =	vmul.f32 v4, v0;
	[tilespmem:$0x1070] =	vst v3;
	v3 =	vadd.f32 $-8.000000000e+00, v35;
	v35 =	vld [tilespmem:$0x1FF00]  }
0xf2: {  	[tilespmem:$0x1370] =	vst v56;
	v56 =	vmul.f32 v52, v0;
	v44 =	vmul.f32 v41, v0;
	vm8 =	vgt.s32 v9, $0x0  }
0xf3: {  	v4 =	vtrunc.f32 v4;
	v9 =	vnsel vm8, $0x0, v9;
	v1 =	vadd.f32 $-8.000000000e+00, v1;
	[tilespmem:$0x10F0] =	vst v2;
	v2 =	vld [tilespmem:$0x1FF80]  }
0xf4: {  	[tilespmem:$0x1180] =	vst v18;
	v5 =	vadd.f32 $-8.000000000e+00, v5;
	v18 =	vmin.u32 v9, $0x8B;
	v9 =	vadd.f32 $-8.000000000e+00, v12  }
0xf5: {  	v32 =	vadd.f32 $-8.000000000e+00, v32;
	v4 =	vcvt.f32.s32 v4;
	v1 =	vmul.f32 v1, v0  }
0xf6: {  	v5 =	vmul.f32 v5, v0;
	v9 =	vmul.f32 v9, v0;
	[tilespmem:$0x1080] =	vst v35;
	v35 =	vmin.u32 v10, $0x8B;
	v10 =	vld [tilespmem:$0x520]  }
0xf7: {  	[tilespmem:$0x1140] =	vst v21;
	v7 =	vmin.u32 v7, $0x8B;
	v13 =	vmul.f32 v3, v0;
	v3 =	vld [tilespmem:$0x530];
	v1 =	vtrunc.f32 v1  }
0xf8: {  	v6 =	vmin.u32 v6, $0x8B;
	v9 =	vtrunc.f32 v9;
	v1 =	vcvt.f32.s32 v1;
	[tilespmem:$0x1100] =	vst v2;
	v2 =	vld [tilespmem:$0x1FF90]  }
0xf9: {  	[tilespmem:$0x1170] =	vst v19;
	vm9 =	vgt.s32 v4, $0x0;
	v19 =	vmin.u32 v8, $0x8B;
	v9 =	vcvt.f32.s32 v9  }
0xfa: {  	[tilespmem:$0x1160] =	vst v20;
	v4 =	vnsel vm9, $0x0, v4;
	v5 =	vtrunc.f32 v5;
	vm12 =	vgt.s32 v1, $0x0  }
0xfb: {  	[tilespmem:$0x1190] =	vst v16;
	v12 =	vld [tilespmem:$0x5A0];
	vm15 =	vgt.s32 v9, $0x0;
	v10 =	vadd.f32 $-8.000000000e+00, v10;
	v8 =	vnsel vm12, $0x0, v1  }
0xfc: {  	[tilespmem:$0x1220] =	vst v22;
	v5 =	vcvt.f32.s32 v5;
	v22 =	vmin.u32 v8, $0x8B;
	v8 =	vnsel vm15, $0x0, v9;
	v9 =	vld [tilespmem:$0x5F0]  }
0xfd: {  	v13 =	vtrunc.f32 v13;
	v3 =	vadd.f32 $-8.000000000e+00, v3;
	v10 =	vmul.f32 v10, v0;
	[tilespmem:$0x1110] =	vst v2;
	v2 =	vld [tilespmem:$0x550]  }
0xfe: {  	[tilespmem:$0x11B0] =	vst v15;
	v21 =	vmin.u32 v14, $0x8B;
	v16 =	vmin.u32 v4, $0x8B;
	v13 =	vcvt.f32.s32 v13  }
0xff: {  	[tilespmem:$0x1200] =	vst v31;
	vm14 =	vgt.s32 v5, $0x0;
	v3 =	vmul.f32 v3, v0;
	v10 =	vtrunc.f32 v10  }
0x100: {  	[tilespmem:$0x1390] =	vst v58;
	v58 =	vld [tilespmem:$0x6F0];
	v5 =	vnsel vm14, $0x0, v5;
	vm7 =	vgt.s32 v13, $0x0;
	v10 =	vcvt.f32.s32 v10  }
0x101: {  	v20 =	vld [tilespmem:$0x580];
	[tilespmem:$0x1210] =	vst v30;
	v12 =	vadd.f32 $-8.000000000e+00, v12;
	v13 =	vnsel vm7, $0x0, v13;
	v3 =	vtrunc.f32 v3  }
0x102: {  	[tilespmem:$0x1320] =	vst v51;
	v51 =	vld [tilespmem:$0x640];
	vm10 =	vgt.s32 v10, $0x0;
	v9 =	vadd.f32 $-8.000000000e+00, v9;
	v2 =	vadd.f32 $-8.000000000e+00, v2  }
0x103: {  	[tilespmem:$0x1230] =	vst v27;
	v14 =	vld [tilespmem:$0x590];
	v3 =	vcvt.f32.s32 v3;
	v1 =	vmin.u32 v13, $0x8B;
	v10 =	vnsel vm10, $0x0, v10  }
0x104: {  	[tilespmem:$0x1240] =	vst v26;
	v9 =	vmul.f32 v9, v0;
	v13 =	vmul.f32 v2, v0;
	v2 =	vmin.u32 v10, $0x8B;
	v10 =	vld [tilespmem:$0x1FFC0]  }
0x105: {  	v27 =	vmin.u32 v5, $0x8B;
	[tilespmem:$0x1470] =	vst v35;
	v35 =	vadd.f32 $-8.000000000e+00, v58;
	vm11 =	vgt.s32 v3, $0x0  }
0x106: {  	[tilespmem:$0x13F0] =	vst v42;
	v42 =	vld [tilespmem:$0x710];
	v31 =	vmul.f32 v12, v0;
	v3 =	vnsel vm11, $0x0, v3;
	v9 =	vtrunc.f32 v9  }
0x107: {  	[tilespmem:$0x1310] =	vst v50;
	v12 =	vld [tilespmem:$0x5D0];
	v15 =	vmin.u32 v3, $0x8B;
	v50 =	vcvt.f32.s32 v9;
	v4 =	vtrunc.f32 v13  }
0x108: {  	[tilespmem:$0x1410] =	vst v40;
	v9 =	vadd.f32 $-8.000000000e+00, v51;
	v3 =	vcvt.f32.s32 v4;
	v4 =	vadd.f32 $-8.000000000e+00, v20;
	v20 =	vld [tilespmem:$0x1FFE0]  }
0x109: {  	v40 =	vmul.f32 v35, v0;
	v51 =	vmul.f32 v48, v0;
	v13 =	vld [tilespmem:$0x1FFD0];
	[tilespmem:$0x11A0] =	vst v10;
	v10 =	vadd.f32 $-8.000000000e+00, v14  }
0x10a: {  	[tilespmem:$0x1250] =	vst v25;
	v25 =	vmin.u32 v8, $0x8B;
	v9 =	vmul.f32 v9, v0;
	v4 =	vmul.f32 v4, v0;
	v14 =	vld [tilespmem:$0x5C0]  }
0x10b: {  	[tilespmem:$0x1260] =	vst v24;
	v48 =	vadd.f32 $-8.000000000e+00, v42;
	vm11 =	vgt.s32 v50, $0x0;
	v10 =	vmul.f32 v10, v0  }
0x10c: {  	[tilespmem:$0x1380] =	vst v57;
	v57 =	vld [tilespmem:$0x670];
	v9 =	vtrunc.f32 v9;
	vm13 =	vgt.s32 v3, $0x0;
	v4 =	vtrunc.f32 v4  }
0x10d: {  	v3 =	vnsel vm13, $0x0, v3;
	[tilespmem:$0x11D0] =	vst v20;
	v20 =	vld [tilespmem:$0x1FFF0];
	v4 =	vcvt.f32.s32 v4;
	v10 =	vtrunc.f32 v10  }
0x10e: {  	[tilespmem:$0x12B0] =	vst v45;
	v45 =	vld [tilespmem:$0x610];
	v9 =	vcvt.f32.s32 v9;
	v26 =	vmin.u32 v3, $0x8B;
	v10 =	vcvt.f32.s32 v10  }
0x10f: {  	[tilespmem:$0x11C0] =	vst v13;
	v13 =	vld [tilespmem:$0x5E0];
	vm4 =	vgt.s32 v4, $0x0;
	v30 =	vadd.f32 $-8.000000000e+00, v14;
	v14 =	vadd.f32 $-8.000000000e+00, v12  }
0x110: {  	[tilespmem:$0x1360] =	vst v55;
	v55 =	vld [tilespmem:$0x660];
	v4 =	vnsel vm4, $0x0, v4;
	vm4 =	vgt.s32 v9, $0x0;
	vm5 =	vgt.s32 v10, $0x0  }
0x111: {  	[tilespmem:$0x13C0] =	vst v61;
	v24 =	vmin.u32 v4, $0x8B;
	v8 =	vmul.f32 v14, v0;
	v14 =	vadd.f32 $-8.000000000e+00, v57  }
0x112: {  	v61 =	vld [tilespmem:$0x690];
	[tilespmem:$0x11E0] =	vst v20;
	v3 =	vnsel vm5, $0x0, v10;
	v20 =	vtrunc.f32 v31;
	v31 =	vmul.f32 v32, v0  }
0x113: {  	[tilespmem:$0x1270] =	vst v23;
	v10 =	vadd.f32 $-8.000000000e+00, v45;
	v5 =	vcvt.f32.s32 v20;
	v23 =	vmin.u32 v3, $0x8B  }
0x114: {  	v3 =	vmul.f32 v30, v0;
	v20 =	vadd.f32 $-8.000000000e+00, v13;
	v8 =	vtrunc.f32 v8  }
0x115: {  	[tilespmem:$0x13A0] =	vst v59;
	v59 =	vld [tilespmem:$0x680];
	v13 =	vadd.f32 $-8.000000000e+00, v55;
	v14 =	vmul.f32 v14, v0;
	v55 =	vtrunc.f32 v51  }
0x116: {  	v9 =	vnsel vm4, $0x0, v9;
	v32 =	vtrunc.f32 v31;
	v8 =	vcvt.f32.s32 v8  }
0x117: {  	v45 =	vadd.f32 $-8.000000000e+00, v61;
	v10 =	vmul.f32 v10, v0;
	v57 =	vcvt.f32.s32 v55  }
0x118: {  	v9 =	vmin.u32 v9, $0x8B;
	v4 =	vcvt.f32.s32 v32;
	v3 =	vtrunc.f32 v3  }
0x119: {  	[tilespmem:$0x12A0] =	vst v43;
	vm6 =	vgt.s32 v5, $0x0;
	v43 =	vmul.f32 v20, v0;
	v13 =	vmul.f32 v13, v0  }
0x11a: {  	v20 =	vadd.f32 $-8.000000000e+00, v59;
	v14 =	vtrunc.f32 v14;
	v59 =	vtrunc.f32 v56  }
0x11b: {  	[tilespmem:$0x12E0] =	vst v47;
	v47 =	vld [tilespmem:$0x620];
	v5 =	vnsel vm6, $0x0, v5;
	v3 =	vcvt.f32.s32 v3;
	v10 =	vtrunc.f32 v10  }
0x11c: {  	vm9 =	vgt.s32 v8, $0x0;
	v14 =	vcvt.f32.s32 v14;
	v61 =	vcvt.f32.s32 v59  }
0x11d: {  	[tilespmem:$0x1290] =	vst v28;
	v28 =	vmin.u32 v5, $0x8B;
	v5 =	vtrunc.f32 v43;
	v10 =	vcvt.f32.s32 v10  }
0x11e: {  	vm7 =	vgt.s32 v4, $0x0;
	v13 =	vtrunc.f32 v13;
	v20 =	vmul.f32 v20, v0  }
0x11f: {  	[tilespmem:$0x12D0] =	vst v46;
	v32 =	vld [tilespmem:$0x600];
	v43 =	vtrunc.f32 v40;
	v4 =	vnsel vm7, $0x0, v4;
	vm8 =	vgt.s32 v3, $0x0  }
0x120: {  	[tilespmem:$0x1300] =	vst v49;
	v46 =	vcvt.f32.s32 v5;
	v5 =	vadd.f32 $-8.000000000e+00, v47;
	v13 =	vcvt.f32.s32 v13  }
0x121: {  	v49 =	vld [tilespmem:$0x630];
	[tilespmem:$0x1510] =	vst v16;
	v47 =	vmul.f32 v45, v0;
	vm7 =	vgt.s32 v14, $0x0;
	v16 =	vcvt.f32.s32 v43  }
0x122: {  	[tilespmem:$0x1280] =	vst v29;
	v29 =	vmin.u32 v4, $0x8B;
	v3 =	vnsel vm8, $0x0, v3;
	v4 =	vnsel vm11, $0x0, v50  }
0x123: {  	vm13 =	vgt.s32 v10, $0x0;
	v20 =	vtrunc.f32 v20;
	v14 =	vnsel vm7, $0x0, v14  }
0x124: {  	vm11 =	vgt.s32 v61, $0x0;
	v12 =	vadd.f32 $-8.000000000e+00, v32;
	v30 =	vmin.u32 v3, $0x8B  }
0x125: {  	v3 =	vnsel vm9, $0x0, v8;
	vm10 =	vgt.s32 v46, $0x0;
	v5 =	vmul.f32 v5, v0  }
0x126: {  	[tilespmem:$0x1340] =	vst v54;
	v8 =	vadd.f32 $-8.000000000e+00, v49;
	v10 =	vnsel vm13, $0x0, v10;
	vm6 =	vgt.s32 v13, $0x0  }
0x127: {  	[tilespmem:$0x1350] =	vst v53;
	v20 =	vcvt.f32.s32 v20;
	v50 =	vtrunc.f32 v47;
	v4 =	vmin.u32 v4, $0x8B  }
0x128: {  	[tilespmem:$0x13B0] =	vst v60;
	v45 =	vld [tilespmem:$0x720];
	v62 =	vmin.u32 v14, $0x8B;
	v31 =	vmin.u32 v3, $0x8B;
	v3 =	vnsel vm10, $0x0, v46  }
0x129: {  	[tilespmem:$0x1480] =	vst v11;
	v59 =	vld [tilespmem:$0x780];
	v13 =	vnsel vm6, $0x0, v13;
	v53 =	vcvt.f32.s32 v50;
	vm10 =	vgt.s32 v57, $0x0  }
0x12a: {  	[tilespmem:$0x14A0] =	vst v7;
	v51 =	vld [tilespmem:$0x760];
	v10 =	vmin.u32 v10, $0x8B;
	v12 =	vmul.f32 v12, v0;
	v32 =	vmin.u32 v3, $0x8B  }
0x12b: {  	v54 =	vld [tilespmem:$0x650];
	[tilespmem:$0x14C0] =	vst v17;
	v5 =	vtrunc.f32 v5;
	v8 =	vmul.f32 v8, v0;
	vm8 =	vgt.s32 v20, $0x0  }
0x12c: {  	[tilespmem:$0x14D0] =	vst v21;
	v49 =	vld [tilespmem:$0x6D0];
	v17 =	vnsel vm10, $0x0, v57;
	v13 =	vmin.u32 v13, $0x8B;
	v5 =	vcvt.f32.s32 v5  }
0x12d: {  	v47 =	vld [tilespmem:$0x730];
	[tilespmem:$0x15D0] =	vst v31;
	v11 =	vnsel vm8, $0x0, v20;
	vm9 =	vgt.s32 v53, $0x0;
	v21 =	vadd.f32 $-8.000000000e+00, v45  }
0x12e: {  	v46 =	vld [tilespmem:$0x6C0];
	[tilespmem:$0x15E0] =	vst v32;
	v31 =	vmin.u32 v17, $0x8B;
	v32 =	vadd.f32 $-8.000000000e+00, v59;
	v12 =	vtrunc.f32 v12  }
0x12f: {  	[tilespmem:$0x15A0] =	vst v28;
	v50 =	vld [tilespmem:$0x750];
	v8 =	vtrunc.f32 v8;
	v7 =	vnsel vm9, $0x0, v53;
	v53 =	vadd.f32 $-8.000000000e+00, v51  }
0x130: {  	[tilespmem:$0x15C0] =	vst v30;
	v30 =	vld [tilespmem:$0x7B0];
	v28 =	vmin.u32 v11, $0x8B;
	v3 =	vcvt.f32.s32 v12;
	v12 =	vadd.f32 $-8.000000000e+00, v54  }
0x131: {  	[tilespmem:$0x1440] =	vst v37;
	vm14 =	vgt.s32 v5, $0x0;
	v8 =	vcvt.f32.s32 v8;
	v37 =	vadd.f32 $-8.000000000e+00, v49  }
0x132: {  	[tilespmem:$0x1500] =	vst v18;
	v21 =	vmul.f32 v21, v0;
	v18 =	vadd.f32 $-8.000000000e+00, v47;
	v7 =	vmin.u32 v7, $0x8B  }
0x133: {  	[tilespmem:$0x1420] =	vst v39;
	v35 =	vmul.f32 v32, v0;
	v5 =	vnsel vm14, $0x0, v5;
	v39 =	vadd.f32 $-8.000000000e+00, v46  }
0x134: {  	[tilespmem:$0x1580] =	vst v24;
	v46 =	vtrunc.f32 v44;
	v52 =	vadd.f32 $-8.000000000e+00, v50;
	v24 =	vmul.f32 v53, v0  }
0x135: {  	[tilespmem:$0x1430] =	vst v38;
	v40 =	vadd.f32 $-8.000000000e+00, v30;
	vm12 =	vgt.s32 v3, $0x0;
	v12 =	vmul.f32 v12, v0  }
0x136: {  	[tilespmem:$0x1530] =	vst v15;
	vm15 =	vgt.s32 v8, $0x0;
	v37 =	vmul.f32 v37, v0;
	v15 =	vcvt.f32.s32 v46  }
0x137: {  	[tilespmem:$0x1450] =	vst v36;
	v5 =	vmin.u32 v5, $0x8B;
	v21 =	vtrunc.f32 v21;
	v18 =	vmul.f32 v18, v0  }
0x138: {  	[tilespmem:$0x1460] =	vst v33;
	v3 =	vnsel vm12, $0x0, v3;
	v8 =	vnsel vm15, $0x0, v8;
	v60 =	vmul.f32 v39, v0  }
0x139: {  	[tilespmem:$0x1590] =	vst v23;
	v54 =	vld [tilespmem:$0x6E0];
	v39 =	vnsel vm11, $0x0, v61;
	v21 =	vcvt.f32.s32 v21;
	v23 =	vmul.f32 v52, v0  }
0x13a: {  	[tilespmem:$0x14B0] =	vst v6;
	v49 =	vld [tilespmem:$0x740];
	vm15 =	vgt.s32 v16, $0x0;
	v58 =	vtrunc.f32 v24;
	v42 =	vmul.f32 v40, v0  }
0x13b: {  	[tilespmem:$0x1490] =	vst v34;
	v12 =	vtrunc.f32 v12;
	v37 =	vtrunc.f32 v37;
	v3 =	vmin.u32 v3, $0x8B  }
0x13c: {  	[tilespmem:$0x1560] =	vst v27;
	v27 =	vld [tilespmem:$0x7A0];
	v16 =	vnsel vm15, $0x0, v16;
	vm4 =	vgt.s32 v15, $0x0;
	v8 =	vmin.u32 v8, $0x8B  }
0x13d: {  	[tilespmem:$0x14E0] =	vst v19;
	v18 =	vtrunc.f32 v18;
	v61 =	vcvt.f32.s32 v58;
	v33 =	vmin.u32 v39, $0x8B  }
0x13e: {  	[tilespmem:$0x14F0] =	vst v1;
	v12 =	vcvt.f32.s32 v12;
	v63 =	vtrunc.f32 v60;
	v36 =	vadd.f32 $-8.000000000e+00, v54  }
0x13f: {  	[tilespmem:$0x1540] =	vst v22;
	v20 =	vcvt.f32.s32 v37;
	v15 =	vnsel vm4, $0x0, v15;
	v22 =	vadd.f32 $-8.000000000e+00, v49  }
0x140: {  	[tilespmem:$0x1570] =	vst v25;
	v18 =	vcvt.f32.s32 v18;
	vm6 =	vgt.s32 v21, $0x0;
	v57 =	vtrunc.f32 v23  }
0x141: {  	[tilespmem:$0x1520] =	vst v2;
	v37 =	vadd.f32 $-8.000000000e+00, v27;
	v41 =	vmin.u32 v16, $0x8B;
	v46 =	vtrunc.f32 v42  }
0x142: {  	[tilespmem:$0x1600] =	vst v3;
	v6 =	vcvt.f32.s32 v63;
	v55 =	vnsel vm6, $0x0, v21;
	v3 =	vcvt.f32.s32 v57  }
0x143: {  	[tilespmem:$0x1550] =	vst v26;
	v24 =	vld [tilespmem:$0x790];
	vm10 =	vgt.s32 v61, $0x0;
	v47 =	vcvt.f32.s32 v46;
	v49 =	vmin.u32 v15, $0x8B  }
0x144: {  	[tilespmem:$0x1640] =	vst v9;
	v52 =	vld [tilespmem:$0x7F0];
	vm5 =	vgt.s32 v12, $0x0;
	v38 =	vmul.f32 v36, v0;
	vm13 =	vgt.s32 v20, $0x0  }
0x145: {  	[tilespmem:$0x15B0] =	vst v29;
	v22 =	vmul.f32 v22, v0;
	vm7 =	vgt.s32 v18, $0x0;
	v29 =	vnsel vm10, $0x0, v61  }
0x146: {  	[tilespmem:$0x15F0] =	vst v4;
	v9 =	vmul.f32 v37, v0;
	v4 =	vmin.u32 v55, $0x8B;
	v12 =	vnsel vm5, $0x0, v12  }
0x147: {  	[tilespmem:$0x1670] =	vst v62;
	v45 =	vld [tilespmem:$0x7C0];
	vm12 =	vgt.s32 v6, $0x0;
	v2 =	vnsel vm13, $0x0, v20;
	v20 =	vmul.f32 v48, v0  }
0x148: {  	[tilespmem:$0x1610] =	vst v10;
	v60 =	vnsel vm7, $0x0, v18;
	vm9 =	vgt.s32 v3, $0x0;
	v36 =	vadd.f32 $-8.000000000e+00, v24  }
0x149: {  	[tilespmem:$0x1660] =	vst v13;
	v54 =	vld [tilespmem:$0x770];
	vm15 =	vgt.s32 v47, $0x0;
	v55 =	vmin.u32 v29, $0x8B;
	v57 =	vadd.f32 $-8.000000000e+00, v52  }
0x14a: {  	[tilespmem:$0x16A0] =	vst v31;
	v1 =	vtrunc.f32 v38;
	v6 =	vnsel vm12, $0x0, v6;
	v12 =	vmin.u32 v12, $0x8B  }
0x14b: {  	[tilespmem:$0x1680] =	vst v28;
	v22 =	vtrunc.f32 v22;
	v3 =	vnsel vm9, $0x0, v3;
	v2 =	vmin.u32 v2, $0x8B  }
0x14c: {  	[tilespmem:$0x1690] =	vst v7;
	v38 =	vtrunc.f32 v35;
	v44 =	vtrunc.f32 v9;
	v9 =	vadd.f32 $-8.000000000e+00, v45  }
0x14d: {  	[tilespmem:$0x1620] =	vst v5;
	v53 =	vmin.u32 v60, $0x8B;
	v1 =	vcvt.f32.s32 v1;
	v20 =	vtrunc.f32 v20  }
0x14e: {  	[tilespmem:$0x1630] =	vst v8;
	v56 =	vcvt.f32.s32 v22;
	v26 =	vadd.f32 $-8.000000000e+00, v54;
	v39 =	vmul.f32 v36, v0  }
0x14f: {  	v50 =	vld [tilespmem:$0x7E0];
	v6 =	vmin.u32 v6, $0x8B;
	v7 =	vcvt.f32.s32 v38;
	[tilespmem:$0x16D0] =	vst v2;
	v2 =	vcvt.f32.s32 v44  }
0x150: {  	[tilespmem:$0x16B0] =	vst v33;
	v3 =	vmin.u32 v3, $0x8B;
	v61 =	vmul.f32 v57, v0;
	v20 =	vcvt.f32.s32 v20  }
0x151: {  	[tilespmem:$0x16F0] =	vst v41;
	v9 =	vmul.f32 v9, v0;
	vm14 =	vgt.s32 v1, $0x0;
	vm8 =	vgt.s32 v56, $0x0  }
0x152: {  	[tilespmem:$0x1700] =	vst v49;
	v8 =	vmul.f32 v26, v0;
	vm12 =	vgt.s32 v7, $0x0;
	v1 =	vnsel vm14, $0x0, v1  }
0x153: {  	v48 =	vld [tilespmem:$0x7D0];
	[tilespmem:$0x1720] =	vst v4;
	vm5 =	vgt.s32 v20, $0x0;
	v63 =	vnsel vm8, $0x0, v56;
	vm14 =	vgt.s32 v2, $0x0  }
0x154: {  	[tilespmem:$0x1750] =	vst v3;
	v56 =	vadd.f32 $-8.000000000e+00, v50;
	v3 =	vtrunc.f32 v9;
	v20 =	vnsel vm5, $0x0, v20  }
0x155: {  	[tilespmem:$0x1760] =	vst v55;
	v34 =	vtrunc.f32 v8;
	v1 =	vmin.u32 v1, $0x8B;
	v8 =	vtrunc.f32 v39  }
0x156: {  	[tilespmem:$0x1650] =	vst v12;
	v54 =	vmin.u32 v63, $0x8B;
	v3 =	vcvt.f32.s32 v3;
	v63 =	vtrunc.f32 v61  }
0x157: {  	[tilespmem:$0x1730] =	vst v53;
	v2 =	vnsel vm14, $0x0, v2;
	v5 =	vcvt.f32.s32 v34;
	v43 =	vcvt.f32.s32 v8  }
0x158: {  	[tilespmem:$0x16E0] =	vst v1;
	v1 =	vnsel vm12, $0x0, v7;
	v51 =	vmin.u32 v20, $0x8B;
	v8 =	vadd.f32 $-8.000000000e+00, v48  }
0x159: {  	[tilespmem:$0x16C0] =	vst v6;
	v7 =	vnsel vm15, $0x0, v47;
	v59 =	vmul.f32 v56, v0;
	v2 =	vmin.u32 v2, $0x8B  }
0x15a: {  	[tilespmem:$0x1740] =	vst v54;
	v1 =	vmin.u32 v1, $0x8B;
	vm11 =	vgt.s32 v5, $0x0;
	v8 =	vmul.f32 v8, v0  }
0x15b: {  	[tilespmem:$0x1710] =	vst v51;
	vm4 =	vgt.s32 v3, $0x0;
	vm13 =	vgt.s32 v43, $0x0;
	v5 =	vnsel vm11, $0x0, v5  }
0x15c: {  	[tilespmem:$0x17A0] =	vst v2;
	v6 =	vnsel vm13, $0x0, v43;
	v5 =	vmin.u32 v5, $0x8B;
	v60 =	vtrunc.f32 v8  }
0x15d: {  	v58 =	vmin.u32 v6, $0x8B;
	v6 =	vtrunc.f32 v59;
	[tilespmem:$0x1770] =	vst v5;
	v5 =	vcvt.f32.s32 v60  }
0x15e: {  	[tilespmem:$0x1780] =	vst v1;
	v1 =	vmin.u32 v7, $0x8B;
	v2 =	vnsel vm4, $0x0, v3;
	v62 =	vcvt.f32.s32 v6  }
0x15f: {  	v3 =	vcvt.f32.s32 v63;
	[tilespmem:$0x17B0] =	vst v1;
	v1 =	vmin.u32 v2, $0x8B;
	vm5 =	vgt.s32 v5, $0x0  }
0x160: {  	[tilespmem:$0x17C0] =	vst v1;
	vm6 =	vgt.s32 v62, $0x0;
	v2 =	vnsel vm5, $0x0, v5  }
0x161: {  	vm7 =	vgt.s32 v3, $0x0;
	[tilespmem:$0x1790] =	vst v58;
	v1 =	vmin.u32 v2, $0x8B;
	v2 =	vnsel vm6, $0x0, v62  }
0x162: {  	[tilespmem:$0x17D0] =	vst v1;
	v1 =	vnsel vm7, $0x0, v3;
	v2 =	vmin.u32 v2, $0x8B  }
0x163: {  	p0 =	seq.s32 s17, $0x600;
	[tilespmem:$0x17E0] =	vst v2;
	v1 =	vmin.u32 v1, $0x8B  }
0x164: {  	s31 =	sadd.s32 s17, s8;
	p1 =	seq.s32 @!p0 s17, $0x0;
	[tilespmem:$0x17F0] =	vst v1  }
0x165: {  	[hbm4b:s31+s2] =	stream.linear.scatter [tilespmem:s11], [sflag:$0x3], $0x800, $0x38;
	[tilespmem:$0x2000] =	vst v63  }
0x166: {  	s19 =	sadd.s32 @!p0 s17, s7;
	s20 =	simm.s32 @!p0 $0x0;
	p1 =	por p0, !p1  }
0x167: {  	[tilespmem:s20], [sflag:$0x1] =	stream.linear.gather @!p0 [hbm4b:s19+s20], $0x800, $0x38;
	[tilespmem:$0x2000] =	vst v63  }
0x168: {  	_ =	swait.ge @p1 [sflag:s15], $0x800  }
0x169: {  	[sflag:s15] =	ssyncset.done @p1 $0x0  }
0x16a: {  	[sflag:s15] =	ssyncadd.s32 @p1 $0xFFFFF800  }
0x16b: {  	_ =	swait.ge [sflag:s12], $0x800  }
0x16c: {  	[sflag:s12] =	ssyncset.done $0x0  }
0x16d: {  	[sflag:s12] =	ssyncadd.s32 $0xFFFFF800  }
0x16e: {  	v1 =	vld [tilespmem:$0x800]  }
0x16f: {  	v2 =	vld [tilespmem:$0x810]  }
0x170: {  	v3 =	vld [tilespmem:$0x820]  }
0x171: {  	v8 =	vld [tilespmem:$0x830]  }
0x172: {  	v10 =	vld [tilespmem:$0x850]  }
0x173: {  	v11 =	vld [tilespmem:$0x860]  }
0x174: {  	v26 =	vld [tilespmem:$0x8E0]  }
0x175: {  	v27 =	vld [tilespmem:$0x8F0]  }
0x176: {  	v34 =	vld [tilespmem:$0x920]  }
0x177: {  	v46 =	vld [tilespmem:$0x980];
	v1 =	vadd.f32 $-8.000000000e+00, v1;
	v2 =	vadd.f32 $-8.000000000e+00, v2  }
0x178: {  	v53 =	vld [tilespmem:$0x9B0];
	v3 =	vadd.f32 $-8.000000000e+00, v3;
	v4 =	vadd.f32 $-8.000000000e+00, v8  }
0x179: {  	v6 =	vadd.f32 $-8.000000000e+00, v10;
	v7 =	vadd.f32 $-8.000000000e+00, v11  }
0x17a: {  	v9 =	vld [tilespmem:$0x840];
	v30 =	vadd.f32 $-8.000000000e+00, v26;
	v11 =	vadd.f32 $-8.000000000e+00, v27;
	v1 =	vmul.f32 v1, v0  }
0x17b: {  	v23 =	vld [tilespmem:$0x8C0];
	v40 =	vadd.f32 $-8.000000000e+00, v34;
	v2 =	vmul.f32 v2, v0;
	v3 =	vmul.f32 v3, v0  }
0x17c: {  	v42 =	vld [tilespmem:$0x950];
	v50 =	vadd.f32 $-8.000000000e+00, v46;
	v4 =	vmul.f32 v4, v0;
	v6 =	vmul.f32 v6, v0  }
0x17d: {  	v59 =	vld [tilespmem:$0x9E0];
	v57 =	vadd.f32 $-8.000000000e+00, v53;
	v18 =	vmul.f32 v7, v0;
	v32 =	vmul.f32 v30, v0  }
0x17e: {  	v19 =	vld [tilespmem:$0x890];
	v11 =	vmul.f32 v11, v0;
	v41 =	vmul.f32 v40, v0  }
0x17f: {  	v22 =	vld [tilespmem:$0x8B0];
	v5 =	vadd.f32 $-8.000000000e+00, v9;
	v52 =	vmul.f32 v50, v0;
	v58 =	vmul.f32 v57, v0  }
0x180: {  	v25 =	vadd.f32 $-8.000000000e+00, v23;
	v1 =	vtrunc.f32 v1;
	v2 =	vtrunc.f32 v2  }
0x181: {  	v44 =	vadd.f32 $-8.000000000e+00, v42;
	v3 =	vtrunc.f32 v3;
	v4 =	vtrunc.f32 v4  }
0x182: {  	v61 =	vadd.f32 $-8.000000000e+00, v59;
	v17 =	vtrunc.f32 v6;
	v20 =	vtrunc.f32 v18  }
0x183: {  	v7 =	vadd.f32 $-8.000000000e+00, v19;
	v33 =	vtrunc.f32 v32;
	v1 =	vcvt.f32.s32 v1  }
0x184: {  	v16 =	vld [tilespmem:$0x870];
	v6 =	vadd.f32 $-8.000000000e+00, v22;
	v37 =	vtrunc.f32 v11;
	v2 =	vcvt.f32.s32 v2  }
0x185: {  	v21 =	vld [tilespmem:$0x8A0];
	v54 =	vtrunc.f32 v52;
	v3 =	vcvt.f32.s32 v3;
	vm8 =	vgt.s32 v1, $0x0  }
0x186: {  	v4 =	vcvt.f32.s32 v4;
	vm9 =	vgt.s32 v2, $0x0;
	v1 =	vnsel vm8, $0x0, v1  }
0x187: {  	v39 =	vld [tilespmem:$0x940];
	vm10 =	vgt.s32 v3, $0x0;
	v2 =	vnsel vm9, $0x0, v2;
	v14 =	vmin.u32 v1, $0x8B  }
0x188: {  	v1 =	vmul.f32 v5, v0;
	v35 =	vmin.u32 v2, $0x8B;
	v2 =	vnsel vm10, $0x0, v3;
	v3 =	vld [tilespmem:$0x880]  }
0x189: {  	vm11 =	vgt.s32 v4, $0x0;
	v5 =	vadd.f32 $-8.000000000e+00, v16;
	v36 =	vmin.u32 v2, $0x8B  }
0x18a: {  	v2 =	vnsel vm11, $0x0, v4;
	v4 =	vadd.f32 $-8.000000000e+00, v21;
	v1 =	vtrunc.f32 v1  }
0x18b: {  	v2 =	vmin.u32 v2, $0x8B;
	v5 =	vmul.f32 v5, v0;
	v1 =	vcvt.f32.s32 v1  }
0x18c: {  	v63 =	vld [tilespmem:$0xA10];
	v11 =	vadd.f32 $-8.000000000e+00, v39;
	[tilespmem:$0x1FD60] =	vst v2;
	v2 =	vcvt.f32.s32 v17;
	v4 =	vmul.f32 v4, v0  }
0x18d: {  	v5 =	vtrunc.f32 v5;
	vm12 =	vgt.s32 v1, $0x0;
	v3 =	vadd.f32 $-8.000000000e+00, v3  }
0x18e: {  	vm13 =	vgt.s32 v2, $0x0;
	v5 =	vcvt.f32.s32 v5;
	v1 =	vnsel vm12, $0x0, v1  }
0x18f: {  	v2 =	vnsel vm13, $0x0, v2;
	v1 =	vmin.u32 v1, $0x8B;
	v3 =	vmul.f32 v3, v0  }
0x190: {  	v4 =	vtrunc.f32 v4;
	v2 =	vmin.u32 v2, $0x8B;
	[tilespmem:$0x1FD70] =	vst v1;
	v1 =	vcvt.f32.s32 v20  }
0x191: {  	v24 =	vld [tilespmem:$0x8D0];
	v22 =	vadd.f32 $-8.000000000e+00, v63;
	v4 =	vcvt.f32.s32 v4;
	[tilespmem:$0x1FD80] =	vst v2;
	v2 =	vtrunc.f32 v3  }
0x192: {  	v3 =	vmul.f32 v7, v0;
	vm14 =	vgt.s32 v1, $0x0;
	v2 =	vcvt.f32.s32 v2  }
0x193: {  	vm15 =	vgt.s32 v5, $0x0;
	vm6 =	vgt.s32 v4, $0x0;
	v1 =	vnsel vm14, $0x0, v1  }
0x194: {  	v3 =	vtrunc.f32 v3;
	v1 =	vmin.u32 v1, $0x8B;
	vm4 =	vgt.s32 v2, $0x0  }
0x195: {  	v29 =	vld [tilespmem:$0x900];
	v3 =	vcvt.f32.s32 v3;
	[tilespmem:$0x1FD90] =	vst v1;
	v1 =	vnsel vm15, $0x0, v5;
	v2 =	vnsel vm4, $0x0, v2  }
0x196: {  	v5 =	vadd.f32 $-8.000000000e+00, v24;
	v24 =	vmul.f32 v22, v0;
	v1 =	vmin.u32 v1, $0x8B  }
0x197: {  	vm5 =	vgt.s32 v3, $0x0;
	[tilespmem:$0x1FDA0] =	vst v1;
	v1 =	vmin.u32 v2, $0x8B;
	v2 =	vmul.f32 v6, v0  }
0x198: {  	v31 =	vld [tilespmem:$0x910];
	v3 =	vnsel vm5, $0x0, v3;
	v6 =	vmul.f32 v25, v0;
	v26 =	vtrunc.f32 v24  }
0x199: {  	[tilespmem:$0x1FDB0] =	vst v1;
	v1 =	vmin.u32 v3, $0x8B;
	v3 =	vmul.f32 v5, v0;
	v2 =	vtrunc.f32 v2  }
0x19a: {  	v28 =	vtrunc.f32 v6;
	v6 =	vadd.f32 $-8.000000000e+00, v29;
	v2 =	vcvt.f32.s32 v2  }
0x19b: {  	v4 =	vnsel vm6, $0x0, v4;
	v5 =	vcvt.f32.s32 v28;
	v3 =	vtrunc.f32 v3  }
0x19c: {  	v38 =	vld [tilespmem:$0x930];
	[tilespmem:$0x1FDC0] =	vst v1;
	v1 =	vmin.u32 v4, $0x8B;
	v3 =	vcvt.f32.s32 v3;
	v6 =	vmul.f32 v6, v0  }
0x19d: {  	v4 =	vadd.f32 $-8.000000000e+00, v31;
	vm7 =	vgt.s32 v2, $0x0;
	vm8 =	vgt.s32 v5, $0x0  }
0x19e: {  	v2 =	vnsel vm7, $0x0, v2;
	vm9 =	vgt.s32 v3, $0x0;
	v6 =	vtrunc.f32 v6  }
0x19f: {  	[tilespmem:$0x1FDD0] =	vst v1;
	v1 =	vmin.u32 v2, $0x8B;
	v2 =	vnsel vm8, $0x0, v5;
	v6 =	vcvt.f32.s32 v6  }
0x1a0: {  	v25 =	vld [tilespmem:$0xA40];
	[tilespmem:$0x1FDE0] =	vst v1;
	v1 =	vmin.u32 v2, $0x8B;
	v2 =	vnsel vm9, $0x0, v3;
	v3 =	vcvt.f32.s32 v33  }
0x1a1: {  	v5 =	vadd.f32 $-8.000000000e+00, v38;
	[tilespmem:$0x1FDF0] =	vst v1;
	v1 =	vmin.u32 v2, $0x8B;
	v2 =	vcvt.f32.s32 v37  }
0x1a2: {  	v43 =	vld [tilespmem:$0x960];
	v4 =	vmul.f32 v4, v0;
	vm12 =	vgt.s32 v6, $0x0;
	vm10 =	vgt.s32 v3, $0x0  }
0x1a3: {  	v45 =	vld [tilespmem:$0x970];
	v5 =	vmul.f32 v5, v0;
	v3 =	vnsel vm10, $0x0, v3;
	vm11 =	vgt.s32 v2, $0x0  }
0x1a4: {  	v48 =	vld [tilespmem:$0x990];
	[tilespmem:$0x1FE00] =	vst v1;
	v1 =	vmin.u32 v3, $0x8B;
	v2 =	vnsel vm11, $0x0, v2;
	v3 =	vtrunc.f32 v4  }
0x1a5: {  	v4 =	vtrunc.f32 v41;
	v41 =	vadd.f32 $-8.000000000e+00, v25;
	v3 =	vcvt.f32.s32 v3  }
0x1a6: {  	[tilespmem:$0x1FE10] =	vst v1;
	v1 =	vmin.u32 v2, $0x8B;
	v2 =	vnsel vm12, $0x0, v6;
	v4 =	vcvt.f32.s32 v4  }
0x1a7: {  	v6 =	vadd.f32 $-8.000000000e+00, v43;
	[tilespmem:$0x1FE20] =	vst v1;
	v1 =	vmin.u32 v2, $0x8B;
	v2 =	vmul.f32 v11, v0  }
0x1a8: {  	v11 =	vadd.f32 $-8.000000000e+00, v45;
	v42 =	vmul.f32 v41, v0;
	vm13 =	vgt.s32 v3, $0x0  }
0x1a9: {  	v56 =	vld [tilespmem:$0x9D0];
	vm14 =	vgt.s32 v4, $0x0;
	v47 =	vmul.f32 v6, v0;
	v6 =	vadd.f32 $-8.000000000e+00, v48  }
0x1aa: {  	v3 =	vnsel vm13, $0x0, v3;
	v2 =	vtrunc.f32 v2;
	v11 =	vmul.f32 v11, v0  }
0x1ab: {  	[tilespmem:$0x1FE30] =	vst v1;
	v1 =	vmin.u32 v3, $0x8B;
	v3 =	vtrunc.f32 v5;
	v2 =	vcvt.f32.s32 v2  }
0x1ac: {  	v4 =	vnsel vm14, $0x0, v4;
	v5 =	vmul.f32 v44, v0;
	v6 =	vmul.f32 v6, v0  }
0x1ad: {  	v49 =	vld [tilespmem:$0x9A0];
	[tilespmem:$0x1FE40] =	vst v1;
	v3 =	vcvt.f32.s32 v3;
	v1 =	vmin.u32 v4, $0x8B;
	v4 =	vtrunc.f32 v47  }
0x1ae: {  	v51 =	vtrunc.f32 v11;
	v11 =	vadd.f32 $-8.000000000e+00, v56;
	vm4 =	vgt.s32 v2, $0x0  }
0x1af: {  	v55 =	vld [tilespmem:$0x9C0];
	v5 =	vtrunc.f32 v5;
	v6 =	vtrunc.f32 v6;
	vm15 =	vgt.s32 v3, $0x0  }
0x1b0: {  	v47 =	vld [tilespmem:$0xAA0];
	v5 =	vcvt.f32.s32 v5;
	v2 =	vnsel vm4, $0x0, v2;
	v3 =	vnsel vm15, $0x0, v3  }
0x1b1: {  	[tilespmem:$0x1FE50] =	vst v1;
	v6 =	vcvt.f32.s32 v6;
	v1 =	vmin.u32 v3, $0x8B;
	v3 =	vcvt.f32.s32 v4  }
0x1b2: {  	v21 =	vmin.u32 v2, $0x8B;
	vm5 =	vgt.s32 v5, $0x0;
	v4 =	vadd.f32 $-8.000000000e+00, v49  }
0x1b3: {  	vm9 =	vgt.s32 v6, $0x0;
	v2 =	vnsel vm5, $0x0, v5;
	vm6 =	vgt.s32 v3, $0x0  }
0x1b4: {  	v17 =	vmin.u32 v2, $0x8B;
	v2 =	vnsel vm6, $0x0, v3;
	v3 =	vcvt.f32.s32 v51  }
0x1b5: {  	v60 =	vld [tilespmem:$0x9F0];
	v5 =	vadd.f32 $-8.000000000e+00, v55;
	v4 =	vmul.f32 v4, v0;
	v51 =	vadd.f32 $-8.000000000e+00, v47  }
0x1b6: {  	v62 =	vld [tilespmem:$0xA00];
	v20 =	vmin.u32 v2, $0x8B;
	v2 =	vcvt.f32.s32 v54;
	vm7 =	vgt.s32 v3, $0x0  }
0x1b7: {  	v5 =	vmul.f32 v5, v0;
	v54 =	vld [tilespmem:$0xAD0];
	v53 =	vmul.f32 v51, v0;
	v3 =	vnsel vm7, $0x0, v3  }
0x1b8: {  	vm8 =	vgt.s32 v2, $0x0;
	v19 =	vmin.u32 v3, $0x8B;
	v3 =	vtrunc.f32 v4  }
0x1b9: {  	v12 =	vld [tilespmem:$0xA20];
	v2 =	vnsel vm8, $0x0, v2;
	v4 =	vtrunc.f32 v58;
	v55 =	vtrunc.f32 v53  }
0x1ba: {  	v3 =	vcvt.f32.s32 v3;
	v18 =	vmin.u32 v2, $0x8B;
	v2 =	vnsel vm9, $0x0, v6  }
0x1bb: {  	v4 =	vcvt.f32.s32 v4;
	v6 =	vadd.f32 $-8.000000000e+00, v60;
	v16 =	vmin.u32 v2, $0x8B  }
0x1bc: {  	v40 =	vld [tilespmem:$0xA60];
	v2 =	vmul.f32 v11, v0;
	v11 =	vadd.f32 $-8.000000000e+00, v62;
	v58 =	vadd.f32 $-8.000000000e+00, v54  }
0x1bd: {  	v43 =	vld [tilespmem:$0xA70];
	vm10 =	vgt.s32 v3, $0x0;
	vm11 =	vgt.s32 v4, $0x0;
	v10 =	vmul.f32 v6, v0  }
0x1be: {  	v60 =	vld [tilespmem:$0xB00];
	v6 =	vadd.f32 $-8.000000000e+00, v12;
	v3 =	vnsel vm10, $0x0, v3;
	v2 =	vtrunc.f32 v2  }
0x1bf: {  	v4 =	vnsel vm11, $0x0, v4;
	v11 =	vmul.f32 v11, v0;
	v59 =	vmul.f32 v58, v0  }
0x1c0: {  	[tilespmem:$0x1FE60] =	vst v1;
	v1 =	vmin.u32 v3, $0x8B;
	v3 =	vtrunc.f32 v5;
	v2 =	vcvt.f32.s32 v2  }
0x1c1: {  	v12 =	vld [tilespmem:$0xB30];
	v5 =	vmul.f32 v61, v0;
	v15 =	vmin.u32 v4, $0x8B;
	v4 =	vtrunc.f32 v10  }
0x1c2: {  	v45 =	vadd.f32 $-8.000000000e+00, v43;
	v6 =	vmul.f32 v6, v0;
	v3 =	vcvt.f32.s32 v3  }
0x1c3: {  	v13 =	vld [tilespmem:$0xA30];
	v23 =	vtrunc.f32 v11;
	v11 =	vadd.f32 $-8.000000000e+00, v40;
	v62 =	vadd.f32 $-8.000000000e+00, v60  }
0x1c4: {  	v27 =	vld [tilespmem:$0xA50];
	vm13 =	vgt.s32 v2, $0x0;
	v5 =	vtrunc.f32 v5;
	v6 =	vtrunc.f32 v6  }
0x1c5: {  	v40 =	vld [tilespmem:$0xB60];
	vm12 =	vgt.s32 v3, $0x0;
	v5 =	vcvt.f32.s32 v5;
	v2 =	vnsel vm13, $0x0, v2  }
0x1c6: {  	v6 =	vcvt.f32.s32 v6;
	v37 =	vadd.f32 $-8.000000000e+00, v12;
	v3 =	vnsel vm12, $0x0, v3  }
0x1c7: {  	[tilespmem:$0x1FE70] =	vst v1;
	v12 =	vld [tilespmem:$0xBC0];
	v1 =	vmin.u32 v3, $0x8B;
	v3 =	vcvt.f32.s32 v4;
	vm14 =	vgt.s32 v5, $0x0  }
0x1c8: {  	v4 =	vadd.f32 $-8.000000000e+00, v13;
	vm6 =	vgt.s32 v6, $0x0;
	v39 =	vmul.f32 v37, v0  }
0x1c9: {  	[tilespmem:$0x1FE80] =	vst v1;
	v1 =	vmin.u32 v2, $0x8B;
	v2 =	vnsel vm14, $0x0, v5;
	v5 =	vadd.f32 $-8.000000000e+00, v27  }
0x1ca: {  	v58 =	vadd.f32 $-8.000000000e+00, v40;
	[tilespmem:$0x1FE90] =	vst v1;
	vm15 =	vgt.s32 v3, $0x0;
	v1 =	vmin.u32 v2, $0x8B  }
0x1cb: {  	v4 =	vmul.f32 v4, v0;
	v2 =	vnsel vm15, $0x0, v3;
	v3 =	vcvt.f32.s32 v23  }
0x1cc: {  	v44 =	vld [tilespmem:$0xA80];
	v37 =	vadd.f32 $-8.000000000e+00, v12;
	v32 =	vmin.u32 v2, $0x8B;
	v2 =	vcvt.f32.s32 v26  }
0x1cd: {  	v46 =	vld [tilespmem:$0xA90];
	v41 =	vtrunc.f32 v39;
	v5 =	vmul.f32 v5, v0;
	vm4 =	vgt.s32 v3, $0x0  }
0x1ce: {  	v39 =	vmul.f32 v37, v0;
	v3 =	vnsel vm4, $0x0, v3;
	vm5 =	vgt.s32 v2, $0x0  }
0x1cf: {  	v49 =	vld [tilespmem:$0xAB0];
	v31 =	vmin.u32 v3, $0x8B;
	v2 =	vnsel vm5, $0x0, v2;
	v3 =	vtrunc.f32 v4  }
0x1d0: {  	v4 =	vtrunc.f32 v42;
	v3 =	vcvt.f32.s32 v3;
	v30 =	vmin.u32 v2, $0x8B  }
0x1d1: {  	v2 =	vnsel vm6, $0x0, v6;
	v4 =	vcvt.f32.s32 v4;
	v6 =	vadd.f32 $-8.000000000e+00, v44  }
0x1d2: {  	v22 =	vmin.u32 v2, $0x8B;
	v2 =	vmul.f32 v11, v0;
	v11 =	vadd.f32 $-8.000000000e+00, v46  }
0x1d3: {  	v57 =	vld [tilespmem:$0xAF0];
	vm7 =	vgt.s32 v3, $0x0;
	vm8 =	vgt.s32 v4, $0x0;
	v48 =	vmul.f32 v6, v0  }
0x1d4: {  	v6 =	vadd.f32 $-8.000000000e+00, v49;
	v3 =	vnsel vm7, $0x0, v3;
	v2 =	vtrunc.f32 v2  }
0x1d5: {  	v11 =	vmul.f32 v11, v0;
	v27 =	vmin.u32 v3, $0x8B;
	v3 =	vtrunc.f32 v5  }
0x1d6: {  	v4 =	vnsel vm8, $0x0, v4;
	v2 =	vcvt.f32.s32 v2;
	v5 =	vmul.f32 v45, v0  }
0x1d7: {  	v26 =	vmin.u32 v4, $0x8B;
	v4 =	vtrunc.f32 v48;
	v3 =	vcvt.f32.s32 v3  }
0x1d8: {  	v50 =	vld [tilespmem:$0xAC0];
	v6 =	vmul.f32 v6, v0;
	v52 =	vtrunc.f32 v11;
	v11 =	vadd.f32 $-8.000000000e+00, v57  }
0x1d9: {  	vm10 =	vgt.s32 v2, $0x0;
	v5 =	vtrunc.f32 v5;
	vm9 =	vgt.s32 v3, $0x0  }
0x1da: {  	v56 =	vld [tilespmem:$0xAE0];
	v6 =	vtrunc.f32 v6;
	v5 =	vcvt.f32.s32 v5;
	v3 =	vnsel vm9, $0x0, v3  }
0x1db: {  	v2 =	vnsel vm10, $0x0, v2;
	v25 =	vmin.u32 v3, $0x8B;
	v3 =	vcvt.f32.s32 v4  }
0x1dc: {  	v6 =	vcvt.f32.s32 v6;
	v24 =	vmin.u32 v2, $0x8B;
	vm11 =	vgt.s32 v5, $0x0  }
0x1dd: {  	v4 =	vadd.f32 $-8.000000000e+00, v50;
	v2 =	vnsel vm11, $0x0, v5;
	vm12 =	vgt.s32 v3, $0x0  }
0x1de: {  	v23 =	vmin.u32 v2, $0x8B;
	v2 =	vnsel vm12, $0x0, v3;
	v3 =	vcvt.f32.s32 v52  }
0x1df: {  	v5 =	vadd.f32 $-8.000000000e+00, v56;
	v29 =	vmin.u32 v2, $0x8B;
	v2 =	vcvt.f32.s32 v55  }
0x1e0: {  	v61 =	vld [tilespmem:$0xB10];
	vm15 =	vgt.s32 v6, $0x0;
	v4 =	vmul.f32 v4, v0;
	vm13 =	vgt.s32 v3, $0x0  }
0x1e1: {  	v63 =	vld [tilespmem:$0xB20];
	v5 =	vmul.f32 v5, v0;
	v3 =	vnsel vm13, $0x0, v3;
	vm14 =	vgt.s32 v2, $0x0  }
0x1e2: {  	v33 =	vld [tilespmem:$0xB40];
	v28 =	vmin.u32 v3, $0x8B;
	v3 =	vtrunc.f32 v4;
	v4 =	vtrunc.f32 v59  }
0x1e3: {  	v2 =	vnsel vm14, $0x0, v2;
	v59 =	vmul.f32 v58, v0;
	v3 =	vcvt.f32.s32 v3  }
0x1e4: {  	v43 =	vmin.u32 v2, $0x8B;
	v2 =	vnsel vm15, $0x0, v6;
	v4 =	vcvt.f32.s32 v4  }
0x1e5: {  	v6 =	vadd.f32 $-8.000000000e+00, v61;
	v45 =	vmin.u32 v2, $0x8B;
	v2 =	vmul.f32 v11, v0  }
0x1e6: {  	v60 =	vld [tilespmem:$0xB90];
	v11 =	vadd.f32 $-8.000000000e+00, v63;
	vm4 =	vgt.s32 v3, $0x0;
	vm5 =	vgt.s32 v4, $0x0  }
0x1e7: {  	v57 =	vld [tilespmem:$0xB80];
	v13 =	vmul.f32 v6, v0;
	v6 =	vadd.f32 $-8.000000000e+00, v33;
	v3 =	vnsel vm4, $0x0, v3  }
0x1e8: {  	v2 =	vtrunc.f32 v2;
	v4 =	vnsel vm5, $0x0, v4;
	v11 =	vmul.f32 v11, v0  }
0x1e9: {  	v44 =	vmin.u32 v3, $0x8B;
	v3 =	vtrunc.f32 v5;
	v2 =	vcvt.f32.s32 v2  }
0x1ea: {  	v5 =	vmul.f32 v62, v0;
	v46 =	vmin.u32 v4, $0x8B;
	v4 =	vtrunc.f32 v13  }
0x1eb: {  	v34 =	vld [tilespmem:$0xB50];
	v6 =	vmul.f32 v6, v0;
	v62 =	vadd.f32 $-8.000000000e+00, v60;
	v3 =	vcvt.f32.s32 v3  }
0x1ec: {  	v42 =	vld [tilespmem:$0xB70];
	v38 =	vtrunc.f32 v11;
	v11 =	vadd.f32 $-8.000000000e+00, v57;
	vm7 =	vgt.s32 v2, $0x0  }
0x1ed: {  	v5 =	vtrunc.f32 v5;
	v6 =	vtrunc.f32 v6;
	vm6 =	vgt.s32 v3, $0x0  }
0x1ee: {  	v5 =	vcvt.f32.s32 v5;
	v2 =	vnsel vm7, $0x0, v2;
	v3 =	vnsel vm6, $0x0, v3  }
0x1ef: {  	v6 =	vcvt.f32.s32 v6;
	v47 =	vmin.u32 v3, $0x8B;
	v3 =	vcvt.f32.s32 v4  }
0x1f0: {  	v48 =	vmin.u32 v2, $0x8B;
	vm8 =	vgt.s32 v5, $0x0;
	v4 =	vadd.f32 $-8.000000000e+00, v34  }
0x1f1: {  	v2 =	vnsel vm8, $0x0, v5;
	v5 =	vadd.f32 $-8.000000000e+00, v42;
	vm9 =	vgt.s32 v3, $0x0  }
0x1f2: {  	v49 =	vmin.u32 v2, $0x8B;
	v2 =	vnsel vm9, $0x0, v3;
	v3 =	vcvt.f32.s32 v38  }
0x1f3: {  	v61 =	vld [tilespmem:$0xBA0];
	vm12 =	vgt.s32 v6, $0x0;
	v50 =	vmin.u32 v2, $0x8B;
	v2 =	vcvt.f32.s32 v41  }
0x1f4: {  	v4 =	vmul.f32 v4, v0;
	v5 =	vmul.f32 v5, v0;
	vm10 =	vgt.s32 v3, $0x0  }
0x1f5: {  	v63 =	vld [tilespmem:$0xBB0];
	v41 =	vtrunc.f32 v39;
	v3 =	vnsel vm10, $0x0, v3;
	vm11 =	vgt.s32 v2, $0x0  }
0x1f6: {  	v51 =	vmin.u32 v3, $0x8B;
	v2 =	vnsel vm11, $0x0, v2;
	v3 =	vtrunc.f32 v4  }
0x1f7: {  	v4 =	vtrunc.f32 v59;
	v3 =	vcvt.f32.s32 v3;
	v52 =	vmin.u32 v2, $0x8B  }
0x1f8: {  	v33 =	vld [tilespmem:$0xBD0];
	v2 =	vnsel vm12, $0x0, v6;
	v4 =	vcvt.f32.s32 v4;
	v6 =	vadd.f32 $-8.000000000e+00, v61  }
0x1f9: {  	v54 =	vmin.u32 v2, $0x8B;
	v2 =	vmul.f32 v11, v0;
	vm13 =	vgt.s32 v3, $0x0  }
0x1fa: {  	v11 =	vadd.f32 $-8.000000000e+00, v63;
	v13 =	vmul.f32 v6, v0;
	v3 =	vnsel vm13, $0x0, v3  }
0x1fb: {  	v2 =	vtrunc.f32 v2;
	v53 =	vmin.u32 v3, $0x8B;
	v3 =	vtrunc.f32 v5  }
0x1fc: {  	vm14 =	vgt.s32 v4, $0x0;
	v5 =	vmul.f32 v62, v0;
	v3 =	vcvt.f32.s32 v3  }
0x1fd: {  	v6 =	vadd.f32 $-8.000000000e+00, v33;
	v4 =	vnsel vm14, $0x0, v4;
	v2 =	vcvt.f32.s32 v2  }
0x1fe: {  	v55 =	vmin.u32 v4, $0x8B;
	v5 =	vtrunc.f32 v5;
	vm15 =	vgt.s32 v3, $0x0  }
0x1ff: {  	v4 =	vtrunc.f32 v13;
	v5 =	vcvt.f32.s32 v5;
	v3 =	vnsel vm15, $0x0, v3  }
0x200: {  	vm4 =	vgt.s32 v2, $0x0;
	v56 =	vmin.u32 v3, $0x8B;
	v3 =	vcvt.f32.s32 v4  }
0x201: {  	v6 =	vmul.f32 v6, v0;
	v2 =	vnsel vm4, $0x0, v2;
	vm5 =	vgt.s32 v5, $0x0  }
0x202: {  	v12 =	vld [tilespmem:$0xC10];
	v57 =	vmin.u32 v2, $0x8B;
	v2 =	vnsel vm5, $0x0, v5;
	vm6 =	vgt.s32 v3, $0x0  }
0x203: {  	v11 =	vmul.f32 v11, v0;
	v58 =	vmin.u32 v2, $0x8B;
	v2 =	vnsel vm6, $0x0, v3  }
0x204: {  	v6 =	vtrunc.f32 v6;
	v59 =	vmin.u32 v2, $0x8B;
	v2 =	vcvt.f32.s32 v41  }
0x205: {  	v6 =	vcvt.f32.s32 v6  }
0x206: {  	v38 =	vtrunc.f32 v11;
	vm8 =	vgt.s32 v2, $0x0  }
0x207: {  	v11 =	vadd.f32 $-8.000000000e+00, v12;
	vm9 =	vgt.s32 v6, $0x0;
	v2 =	vnsel vm8, $0x0, v2  }
0x208: {  	v61 =	vmin.u32 v2, $0x8B;
	v2 =	vnsel vm9, $0x0, v6  }
0x209: {  	v63 =	vmin.u32 v2, $0x8B;
	v2 =	vmul.f32 v11, v0  }
0x20a: {  	v40 =	vld [tilespmem:$0xBF0]  }
0x20b: {  	v12 =	vld [tilespmem:$0xC60];
	v2 =	vtrunc.f32 v2  }
0x20c: {  	v2 =	vcvt.f32.s32 v2;
	_ =	sdelay $0x1  }
0x20d: {  	vm13 =	vgt.s32 v2, $0x0  }
0x20e: {  	v2 =	vnsel vm13, $0x0, v2  }
0x20f: {  	v13 =	vadd.f32 $-8.000000000e+00, v40;
	v40 =	vmin.u32 v2, $0x8B;
	v2 =	vadd.f32 $-8.000000000e+00, v12;
	_ =	sdelay $0x1  }
0x210: {  	v2 =	vmul.f32 v2, v0  }
0x211: {  	v33 =	vmul.f32 v13, v0;
	v13 =	vld [tilespmem:$0xC70]  }
0x212: {  	v2 =	vtrunc.f32 v2  }
0x213: {  	v2 =	vcvt.f32.s32 v2;
	_ =	sdelay $0x1  }
0x214: {  	v34 =	vld [tilespmem:$0xBE0];
	vm6 =	vgt.s32 v2, $0x0  }
0x215: {  	v8 =	vadd.f32 $-8.000000000e+00, v13;
	v13 =	vnsel vm6, $0x0, v2;
	v2 =	vld [tilespmem:$0xCD0]  }
0x216: {  	[tilespmem:$0x1FEA0] =	vst v1;
	v1 =	vld [tilespmem:$0xC20];
	_ =	sdelay $0x2  }
0x217: {  	v42 =	vld [tilespmem:$0xC00];
	v4 =	vadd.f32 $-8.000000000e+00, v34;
	v3 =	vcvt.f32.s32 v38  }
0x218: {  	v2 =	vadd.f32 $-8.000000000e+00, v2  }
0x219: {  	v1 =	vadd.f32 $-8.000000000e+00, v1;
	v4 =	vmul.f32 v4, v0;
	vm7 =	vgt.s32 v3, $0x0  }
0x21a: {  	v34 =	vld [tilespmem:$0xC30];
	v3 =	vnsel vm7, $0x0, v3;
	v2 =	vmul.f32 v2, v0  }
0x21b: {  	[tilespmem:$0x1800] =	vst v14;
	v14 =	vld [tilespmem:$0x1FD70];
	v1 =	vmul.f32 v1, v0;
	v60 =	vmin.u32 v3, $0x8B;
	v3 =	vtrunc.f32 v4  }
0x21c: {  	v5 =	vadd.f32 $-8.000000000e+00, v42;
	v3 =	vcvt.f32.s32 v3;
	v2 =	vtrunc.f32 v2  }
0x21d: {  	v4 =	vtrunc.f32 v33;
	v2 =	vcvt.f32.s32 v2  }
0x21e: {  	v5 =	vmul.f32 v5, v0;
	v38 =	vld [tilespmem:$0xC50];
	v4 =	vcvt.f32.s32 v4;
	vm10 =	vgt.s32 v3, $0x0  }
0x21f: {  	v6 =	vadd.f32 $-8.000000000e+00, v34;
	v3 =	vnsel vm10, $0x0, v3;
	vm13 =	vgt.s32 v2, $0x0  }
0x220: {  	[tilespmem:$0x1840] =	vst v14;
	v62 =	vmin.u32 v3, $0x8B;
	v3 =	vtrunc.f32 v5;
	v14 =	vnsel vm13, $0x0, v2;
	v2 =	vld [tilespmem:$0x1FDC0]  }
0x221: {  	v37 =	vld [tilespmem:$0xC40];
	v1 =	vtrunc.f32 v1;
	v3 =	vcvt.f32.s32 v3  }
0x222: {  	v1 =	vcvt.f32.s32 v1;
	vm11 =	vgt.s32 v4, $0x0;
	v11 =	vmul.f32 v6, v0  }
0x223: {  	v7 =	vadd.f32 $-8.000000000e+00, v38;
	v4 =	vnsel vm11, $0x0, v4;
	vm12 =	vgt.s32 v3, $0x0  }
0x224: {  	v34 =	vld [tilespmem:$0xC80];
	v42 =	vmin.u32 v4, $0x8B;
	v4 =	vtrunc.f32 v11;
	v3 =	vnsel vm12, $0x0, v3  }
0x225: {  	vm14 =	vgt.s32 v1, $0x0;
	v41 =	vmin.u32 v3, $0x8B;
	v3 =	vcvt.f32.s32 v4;
	[tilespmem:$0x1890] =	vst v2;
	v2 =	vld [tilespmem:$0x1FDD0]  }
0x226: {  	[tilespmem:$0x1810] =	vst v35;
	v35 =	vld [tilespmem:$0xCF0];
	v1 =	vnsel vm14, $0x0, v1;
	v7 =	vmul.f32 v7, v0;
	v5 =	vadd.f32 $-8.000000000e+00, v37  }
0x227: {  	[tilespmem:$0x19F0] =	vst v32;
	v32 =	vld [tilespmem:$0xDB0];
	v39 =	vmin.u32 v1, $0x8B;
	v8 =	vmul.f32 v8, v0;
	vm15 =	vgt.s32 v3, $0x0  }
0x228: {  	v7 =	vtrunc.f32 v7;
	v33 =	vmul.f32 v5, v0;
	v1 =	vnsel vm15, $0x0, v3;
	v3 =	vld [tilespmem:$0xC90]  }
0x229: {  	v37 =	vld [tilespmem:$0xCA0];
	v5 =	vadd.f32 $-8.000000000e+00, v34;
	v38 =	vmin.u32 v1, $0x8B;
	v1 =	vcvt.f32.s32 v7  }
0x22a: {  	[tilespmem:$0x18A0] =	vst v2;
	v2 =	vld [tilespmem:$0x1FDE0]  }
0x22b: {  	v8 =	vtrunc.f32 v8;
	[tilespmem:$0x1BE0] =	vst v62;
	v62 =	vld [tilespmem:$0xEA0];
	v5 =	vmul.f32 v5, v0;
	vm5 =	vgt.s32 v1, $0x0  }
0x22c: {  	v8 =	vcvt.f32.s32 v8;
	v12 =	vnsel vm5, $0x0, v1;
	v1 =	vld [tilespmem:$0xCC0]  }
0x22d: {  	v4 =	vtrunc.f32 v33;
	v33 =	vld [tilespmem:$0xCB0];
	v5 =	vtrunc.f32 v5;
	v3 =	vadd.f32 $-8.000000000e+00, v3  }
0x22e: {  	v4 =	vcvt.f32.s32 v4;
	v5 =	vcvt.f32.s32 v5;
	v7 =	vadd.f32 $-8.000000000e+00, v37;
	v37 =	vld [tilespmem:$0x1FD60]  }
0x22f: {  	v3 =	vmul.f32 v3, v0;
	[tilespmem:$0x18B0] =	vst v2;
	v2 =	vld [tilespmem:$0x1FDF0]  }
0x230: {  	vm7 =	vgt.s32 v8, $0x0;
	v34 =	vld [tilespmem:$0xCE0];
	vm4 =	vgt.s32 v4, $0x0;
	vm8 =	vgt.s32 v5, $0x0  }
0x231: {  	[tilespmem:$0x1AF0] =	vst v48;
	v11 =	vnsel vm8, $0x0, v5;
	v5 =	vld [tilespmem:$0x1FE50];
	v3 =	vtrunc.f32 v3;
	v1 =	vadd.f32 $-8.000000000e+00, v1  }
0x232: {  	[tilespmem:$0x1BD0] =	vst v63;
	v63 =	vld [tilespmem:$0xEB0];
	v9 =	vnsel vm4, $0x0, v4;
	v4 =	vadd.f32 $-8.000000000e+00, v33;
	v3 =	vcvt.f32.s32 v3  }
0x233: {  	v10 =	vnsel vm7, $0x0, v8;
	v48 =	vadd.f32 $-8.000000000e+00, v62;
	v62 =	vld [tilespmem:$0xF00];
	[tilespmem:$0x1830] =	vst v37;
	v1 =	vmul.f32 v1, v0  }
0x234: {  	v4 =	vmul.f32 v4, v0;
	v37 =	vmin.u32 v9, $0x8B;
	vm9 =	vgt.s32 v3, $0x0;
	[tilespmem:$0x18C0] =	vst v2;
	v2 =	vld [tilespmem:$0x1FE00]  }
0x235: {  	[tilespmem:$0x1820] =	vst v36;
	v9 =	vld [tilespmem:$0xD00];
	v8 =	vnsel vm9, $0x0, v3;
	v1 =	vtrunc.f32 v1;
	v3 =	vadd.f32 $-8.000000000e+00, v34  }
0x236: {  	v4 =	vtrunc.f32 v4;
	[tilespmem:$0x1920] =	vst v5;
	v5 =	vld [tilespmem:$0x1FE60];
	v1 =	vcvt.f32.s32 v1  }
0x237: {  	[tilespmem:$0x1950] =	vst v17;
	v33 =	vld [tilespmem:$0x1FD80];
	v4 =	vcvt.f32.s32 v4;
	v3 =	vmul.f32 v3, v0  }
0x238: {  	[tilespmem:$0x1B30] =	vst v52;
	v36 =	vmin.u32 v12, $0x8B;
	v34 =	vld [tilespmem:$0x1FD90];
	vm12 =	vgt.s32 v1, $0x0  }
0x239: {  	vm11 =	vgt.s32 v4, $0x0;
	v12 =	vnsel vm12, $0x0, v1;
	v1 =	vtrunc.f32 v3;
	[tilespmem:$0x18D0] =	vst v2;
	v2 =	vld [tilespmem:$0x1FE10]  }
0x23a: {  	[tilespmem:$0x1B70] =	vst v56;
	v6 =	vnsel vm11, $0x0, v4;
	v4 =	vld [tilespmem:$0xD10];
	v1 =	vcvt.f32.s32 v1  }
0x23b: {  	v32 =	vadd.f32 $-8.000000000e+00, v32;
	v9 =	vadd.f32 $-8.000000000e+00, v9;
	[tilespmem:$0x1930] =	vst v5;
	v5 =	vld [tilespmem:$0xD60]  }
0x23c: {  	v52 =	vadd.f32 $-8.000000000e+00, v63;
	[tilespmem:$0x1C00] =	vst v41;
	v7 =	vmul.f32 v7, v0;
	v3 =	vld [tilespmem:$0x1FDA0];
	vm14 =	vgt.s32 v1, $0x0  }
0x23d: {  	v9 =	vmul.f32 v9, v0;
	[tilespmem:$0x1860] =	vst v34;
	v34 =	vmin.u32 v8, $0x8B;
	v8 =	vnsel vm14, $0x0, v1;
	v1 =	vld [tilespmem:$0xD40]  }
0x23e: {  	v56 =	vmul.f32 v52, v0;
	v11 =	vmin.u32 v11, $0x8B;
	v41 =	vadd.f32 $-8.000000000e+00, v62;
	[tilespmem:$0x18E0] =	vst v2;
	v2 =	vld [tilespmem:$0x1FE20]  }
0x23f: {  	[tilespmem:$0x1AC0] =	vst v44;
	v7 =	vtrunc.f32 v7;
	v9 =	vtrunc.f32 v9;
	v17 =	vmin.u32 v12, $0x8B;
	v12 =	vld [tilespmem:$0xD70]  }
0x240: {  	v7 =	vcvt.f32.s32 v7;
	[tilespmem:$0x1850] =	vst v33;
	v4 =	vadd.f32 $-8.000000000e+00, v4;
	v9 =	vcvt.f32.s32 v9  }
0x241: {  	v44 =	vmul.f32 v41, v0;
	v33 =	vmin.u32 v13, $0x8B;
	[tilespmem:$0x1870] =	vst v3;
	v3 =	vadd.f32 $-8.000000000e+00, v35;
	v35 =	vld [tilespmem:$0x1FDB0]  }
0x242: {  	vm10 =	vgt.s32 v7, $0x0;
	v4 =	vmul.f32 v4, v0;
	vm4 =	vgt.s32 v9, $0x0  }
0x243: {  	v5 =	vadd.f32 $-8.000000000e+00, v5;
	v9 =	vnsel vm4, $0x0, v9;
	v1 =	vadd.f32 $-8.000000000e+00, v1;
	[tilespmem:$0x18F0] =	vst v2;
	v2 =	vld [tilespmem:$0x1FE30]  }
0x244: {  	[tilespmem:$0x1980] =	vst v18;
	v4 =	vtrunc.f32 v4;
	v18 =	vmin.u32 v9, $0x8B;
	v9 =	vadd.f32 $-8.000000000e+00, v12  }
0x245: {  	v7 =	vnsel vm10, $0x0, v7;
	v5 =	vmul.f32 v5, v0;
	v1 =	vmul.f32 v1, v0  }
0x246: {  	v4 =	vcvt.f32.s32 v4;
	v9 =	vmul.f32 v9, v0;
	[tilespmem:$0x1880] =	vst v35;
	v35 =	vmin.u32 v10, $0x8B;
	v10 =	vld [tilespmem:$0xD20]  }
0x247: {  	[tilespmem:$0x1940] =	vst v21;
	v7 =	vmin.u32 v7, $0x8B;
	v13 =	vmul.f32 v3, v0;
	v3 =	vld [tilespmem:$0xD30];
	v1 =	vtrunc.f32 v1  }
0x248: {  	v6 =	vmin.u32 v6, $0x8B;
	v9 =	vtrunc.f32 v9;
	v1 =	vcvt.f32.s32 v1;
	[tilespmem:$0x1900] =	vst v2;
	v2 =	vld [tilespmem:$0x1FE40]  }
0x249: {  	[tilespmem:$0x1960] =	vst v20;
	v5 =	vtrunc.f32 v5;
	vm5 =	vgt.s32 v4, $0x0;
	v9 =	vcvt.f32.s32 v9  }
0x24a: {  	[tilespmem:$0x1970] =	vst v19;
	v19 =	vmin.u32 v8, $0x8B;
	v5 =	vcvt.f32.s32 v5;
	vm8 =	vgt.s32 v1, $0x0  }
0x24b: {  	[tilespmem:$0x1990] =	vst v16;
	v12 =	vld [tilespmem:$0xDA0];
	vm11 =	vgt.s32 v9, $0x0;
	v10 =	vadd.f32 $-8.000000000e+00, v10;
	v8 =	vnsel vm8, $0x0, v1  }
0x24c: {  	[tilespmem:$0x1A20] =	vst v22;
	v4 =	vnsel vm5, $0x0, v4;
	v22 =	vmin.u32 v8, $0x8B;
	v8 =	vnsel vm11, $0x0, v9;
	v9 =	vld [tilespmem:$0xDF0]  }
0x24d: {  	v13 =	vtrunc.f32 v13;
	v3 =	vadd.f32 $-8.000000000e+00, v3;
	v10 =	vmul.f32 v10, v0;
	[tilespmem:$0x1910] =	vst v2;
	v2 =	vld [tilespmem:$0xD50]  }
0x24e: {  	[tilespmem:$0x19B0] =	vst v15;
	v21 =	vmin.u32 v14, $0x8B;
	v16 =	vmin.u32 v4, $0x8B;
	v13 =	vcvt.f32.s32 v13  }
0x24f: {  	[tilespmem:$0x1A00] =	vst v31;
	vm10 =	vgt.s32 v5, $0x0;
	v3 =	vmul.f32 v3, v0;
	v10 =	vtrunc.f32 v10  }
0x250: {  	[tilespmem:$0x1B90] =	vst v58;
	v58 =	vld [tilespmem:$0xEF0];
	v5 =	vnsel vm10, $0x0, v5;
	vm15 =	vgt.s32 v13, $0x0;
	v10 =	vcvt.f32.s32 v10  }
0x251: {  	v20 =	vld [tilespmem:$0xD80];
	[tilespmem:$0x1A10] =	vst v30;
	v12 =	vadd.f32 $-8.000000000e+00, v12;
	v13 =	vnsel vm15, $0x0, v13;
	v3 =	vtrunc.f32 v3  }
0x252: {  	[tilespmem:$0x1B20] =	vst v51;
	v51 =	vld [tilespmem:$0xE40];
	vm6 =	vgt.s32 v10, $0x0;
	v9 =	vadd.f32 $-8.000000000e+00, v9;
	v2 =	vadd.f32 $-8.000000000e+00, v2  }
0x253: {  	[tilespmem:$0x1A30] =	vst v27;
	v14 =	vld [tilespmem:$0xD90];
	v3 =	vcvt.f32.s32 v3;
	v1 =	vmin.u32 v13, $0x8B;
	v10 =	vnsel vm6, $0x0, v10  }
0x254: {  	[tilespmem:$0x1A40] =	vst v26;
	v9 =	vmul.f32 v9, v0;
	v13 =	vmul.f32 v2, v0;
	v2 =	vmin.u32 v10, $0x8B;
	v10 =	vld [tilespmem:$0x1FE70]  }
0x255: {  	v27 =	vmin.u32 v5, $0x8B;
	[tilespmem:$0x1C70] =	vst v35;
	v35 =	vadd.f32 $-8.000000000e+00, v58;
	vm7 =	vgt.s32 v3, $0x0  }
0x256: {  	[tilespmem:$0x1BF0] =	vst v42;
	v42 =	vld [tilespmem:$0xF10];
	v31 =	vmul.f32 v12, v0;
	v3 =	vnsel vm7, $0x0, v3;
	v9 =	vtrunc.f32 v9  }
0x257: {  	[tilespmem:$0x1B10] =	vst v50;
	v12 =	vld [tilespmem:$0xDD0];
	v15 =	vmin.u32 v3, $0x8B;
	v50 =	vcvt.f32.s32 v9;
	v4 =	vtrunc.f32 v13  }
0x258: {  	[tilespmem:$0x1C10] =	vst v40;
	v9 =	vadd.f32 $-8.000000000e+00, v51;
	v3 =	vcvt.f32.s32 v4;
	v4 =	vadd.f32 $-8.000000000e+00, v20;
	v20 =	vld [tilespmem:$0x1FE90]  }
0x259: {  	v40 =	vmul.f32 v35, v0;
	v51 =	vmul.f32 v48, v0;
	v13 =	vld [tilespmem:$0x1FE80];
	[tilespmem:$0x19A0] =	vst v10;
	v10 =	vadd.f32 $-8.000000000e+00, v14  }
0x25a: {  	[tilespmem:$0x1A50] =	vst v25;
	v25 =	vmin.u32 v8, $0x8B;
	v9 =	vmul.f32 v9, v0;
	v4 =	vmul.f32 v4, v0;
	v14 =	vld [tilespmem:$0xDC0]  }
0x25b: {  	[tilespmem:$0x1A60] =	vst v24;
	v48 =	vadd.f32 $-8.000000000e+00, v42;
	vm7 =	vgt.s32 v50, $0x0;
	v10 =	vmul.f32 v10, v0  }
0x25c: {  	[tilespmem:$0x1B80] =	vst v57;
	v57 =	vld [tilespmem:$0xE70];
	v9 =	vtrunc.f32 v9;
	vm9 =	vgt.s32 v3, $0x0;
	v4 =	vtrunc.f32 v4  }
0x25d: {  	v3 =	vnsel vm9, $0x0, v3;
	[tilespmem:$0x19D0] =	vst v20;
	v20 =	vld [tilespmem:$0x1FEA0];
	v4 =	vcvt.f32.s32 v4;
	v10 =	vtrunc.f32 v10  }
0x25e: {  	[tilespmem:$0x1AB0] =	vst v45;
	v45 =	vld [tilespmem:$0xE10];
	v9 =	vcvt.f32.s32 v9;
	v26 =	vmin.u32 v3, $0x8B;
	v10 =	vcvt.f32.s32 v10  }
0x25f: {  	[tilespmem:$0x19C0] =	vst v13;
	v13 =	vld [tilespmem:$0xDE0];
	vm12 =	vgt.s32 v4, $0x0;
	v30 =	vadd.f32 $-8.000000000e+00, v14;
	v14 =	vadd.f32 $-8.000000000e+00, v12  }
0x260: {  	[tilespmem:$0x1B60] =	vst v55;
	v55 =	vld [tilespmem:$0xE60];
	v4 =	vnsel vm12, $0x0, v4;
	vm12 =	vgt.s32 v9, $0x0;
	vm13 =	vgt.s32 v10, $0x0  }
0x261: {  	[tilespmem:$0x1BC0] =	vst v61;
	v24 =	vmin.u32 v4, $0x8B;
	v8 =	vmul.f32 v14, v0;
	v14 =	vadd.f32 $-8.000000000e+00, v57  }
0x262: {  	v61 =	vld [tilespmem:$0xE90];
	[tilespmem:$0x19E0] =	vst v20;
	v3 =	vnsel vm13, $0x0, v10;
	v20 =	vtrunc.f32 v31;
	v31 =	vmul.f32 v32, v0  }
0x263: {  	[tilespmem:$0x1A70] =	vst v23;
	v10 =	vadd.f32 $-8.000000000e+00, v45;
	v5 =	vcvt.f32.s32 v20;
	v23 =	vmin.u32 v3, $0x8B  }
0x264: {  	v3 =	vmul.f32 v30, v0;
	v20 =	vadd.f32 $-8.000000000e+00, v13;
	v8 =	vtrunc.f32 v8  }
0x265: {  	[tilespmem:$0x1BA0] =	vst v59;
	v59 =	vld [tilespmem:$0xE80];
	v13 =	vadd.f32 $-8.000000000e+00, v55;
	v14 =	vmul.f32 v14, v0;
	v55 =	vtrunc.f32 v51  }
0x266: {  	v9 =	vnsel vm12, $0x0, v9;
	v32 =	vtrunc.f32 v31;
	v8 =	vcvt.f32.s32 v8  }
0x267: {  	v45 =	vadd.f32 $-8.000000000e+00, v61;
	v10 =	vmul.f32 v10, v0;
	v57 =	vcvt.f32.s32 v55  }
0x268: {  	v9 =	vmin.u32 v9, $0x8B;
	v4 =	vcvt.f32.s32 v32;
	v3 =	vtrunc.f32 v3  }
0x269: {  	[tilespmem:$0x1AA0] =	vst v43;
	vm14 =	vgt.s32 v5, $0x0;
	v43 =	vmul.f32 v20, v0;
	v13 =	vmul.f32 v13, v0  }
0x26a: {  	v20 =	vadd.f32 $-8.000000000e+00, v59;
	v14 =	vtrunc.f32 v14;
	v59 =	vtrunc.f32 v56  }
0x26b: {  	[tilespmem:$0x1AE0] =	vst v47;
	v47 =	vld [tilespmem:$0xE20];
	v5 =	vnsel vm14, $0x0, v5;
	v3 =	vcvt.f32.s32 v3;
	v10 =	vtrunc.f32 v10  }
0x26c: {  	vm5 =	vgt.s32 v8, $0x0;
	v14 =	vcvt.f32.s32 v14;
	v61 =	vcvt.f32.s32 v59  }
0x26d: {  	[tilespmem:$0x1A90] =	vst v28;
	v28 =	vmin.u32 v5, $0x8B;
	v5 =	vtrunc.f32 v43;
	v10 =	vcvt.f32.s32 v10  }
0x26e: {  	vm15 =	vgt.s32 v4, $0x0;
	v13 =	vtrunc.f32 v13;
	v20 =	vmul.f32 v20, v0  }
0x26f: {  	[tilespmem:$0x1AD0] =	vst v46;
	v32 =	vld [tilespmem:$0xE00];
	v43 =	vtrunc.f32 v40;
	v4 =	vnsel vm15, $0x0, v4;
	vm4 =	vgt.s32 v3, $0x0  }
0x270: {  	[tilespmem:$0x1B00] =	vst v49;
	v46 =	vcvt.f32.s32 v5;
	v5 =	vadd.f32 $-8.000000000e+00, v47;
	v13 =	vcvt.f32.s32 v13  }
0x271: {  	v49 =	vld [tilespmem:$0xE30];
	[tilespmem:$0x1D10] =	vst v16;
	v47 =	vmul.f32 v45, v0;
	vm15 =	vgt.s32 v14, $0x0;
	v16 =	vcvt.f32.s32 v43  }
0x272: {  	[tilespmem:$0x1A80] =	vst v29;
	v29 =	vmin.u32 v4, $0x8B;
	v3 =	vnsel vm4, $0x0, v3;
	v4 =	vnsel vm7, $0x0, v50  }
0x273: {  	vm9 =	vgt.s32 v10, $0x0;
	v20 =	vtrunc.f32 v20;
	v14 =	vnsel vm15, $0x0, v14  }
0x274: {  	vm7 =	vgt.s32 v61, $0x0;
	v12 =	vadd.f32 $-8.000000000e+00, v32;
	v30 =	vmin.u32 v3, $0x8B  }
0x275: {  	v3 =	vnsel vm5, $0x0, v8;
	vm6 =	vgt.s32 v46, $0x0;
	v5 =	vmul.f32 v5, v0  }
0x276: {  	[tilespmem:$0x1B40] =	vst v54;
	v8 =	vadd.f32 $-8.000000000e+00, v49;
	v10 =	vnsel vm9, $0x0, v10;
	vm14 =	vgt.s32 v13, $0x0  }
0x277: {  	[tilespmem:$0x1B50] =	vst v53;
	v20 =	vcvt.f32.s32 v20;
	v50 =	vtrunc.f32 v47;
	v4 =	vmin.u32 v4, $0x8B  }
0x278: {  	[tilespmem:$0x1C20] =	vst v39;
	v45 =	vld [tilespmem:$0xF20];
	v62 =	vmin.u32 v14, $0x8B;
	v31 =	vmin.u32 v3, $0x8B;
	v3 =	vnsel vm6, $0x0, v46  }
0x279: {  	[tilespmem:$0x1C80] =	vst v11;
	v59 =	vld [tilespmem:$0xF80];
	v13 =	vnsel vm14, $0x0, v13;
	v53 =	vcvt.f32.s32 v50;
	vm6 =	vgt.s32 v57, $0x0  }
0x27a: {  	[tilespmem:$0x1CA0] =	vst v7;
	v51 =	vld [tilespmem:$0xF60];
	v10 =	vmin.u32 v10, $0x8B;
	v12 =	vmul.f32 v12, v0;
	v32 =	vmin.u32 v3, $0x8B  }
0x27b: {  	v54 =	vld [tilespmem:$0xE50];
	[tilespmem:$0x1CC0] =	vst v17;
	v5 =	vtrunc.f32 v5;
	v8 =	vmul.f32 v8, v0;
	vm4 =	vgt.s32 v20, $0x0  }
0x27c: {  	[tilespmem:$0x1CD0] =	vst v21;
	v49 =	vld [tilespmem:$0xED0];
	v17 =	vnsel vm6, $0x0, v57;
	v13 =	vmin.u32 v13, $0x8B;
	v5 =	vcvt.f32.s32 v5  }
0x27d: {  	v47 =	vld [tilespmem:$0xF30];
	[tilespmem:$0x1DD0] =	vst v31;
	v11 =	vnsel vm4, $0x0, v20;
	vm5 =	vgt.s32 v53, $0x0;
	v21 =	vadd.f32 $-8.000000000e+00, v45  }
0x27e: {  	v46 =	vld [tilespmem:$0xEC0];
	[tilespmem:$0x1DE0] =	vst v32;
	v31 =	vmin.u32 v17, $0x8B;
	v32 =	vadd.f32 $-8.000000000e+00, v59;
	v12 =	vtrunc.f32 v12  }
0x27f: {  	[tilespmem:$0x1DA0] =	vst v28;
	v50 =	vld [tilespmem:$0xF50];
	v8 =	vtrunc.f32 v8;
	v7 =	vnsel vm5, $0x0, v53;
	v53 =	vadd.f32 $-8.000000000e+00, v51  }
0x280: {  	[tilespmem:$0x1DC0] =	vst v30;
	v30 =	vld [tilespmem:$0xFB0];
	v28 =	vmin.u32 v11, $0x8B;
	v3 =	vcvt.f32.s32 v12;
	v12 =	vadd.f32 $-8.000000000e+00, v54  }
0x281: {  	[tilespmem:$0x1C40] =	vst v37;
	vm10 =	vgt.s32 v5, $0x0;
	v8 =	vcvt.f32.s32 v8;
	v37 =	vadd.f32 $-8.000000000e+00, v49  }
0x282: {  	[tilespmem:$0x1D00] =	vst v18;
	v21 =	vmul.f32 v21, v0;
	v18 =	vadd.f32 $-8.000000000e+00, v47;
	v7 =	vmin.u32 v7, $0x8B  }
0x283: {  	[tilespmem:$0x1BB0] =	vst v60;
	v35 =	vmul.f32 v32, v0;
	v5 =	vnsel vm10, $0x0, v5;
	v39 =	vadd.f32 $-8.000000000e+00, v46  }
0x284: {  	[tilespmem:$0x1D80] =	vst v24;
	v46 =	vtrunc.f32 v44;
	v52 =	vadd.f32 $-8.000000000e+00, v50;
	v24 =	vmul.f32 v53, v0  }
0x285: {  	[tilespmem:$0x1C30] =	vst v38;
	v40 =	vadd.f32 $-8.000000000e+00, v30;
	vm8 =	vgt.s32 v3, $0x0;
	v12 =	vmul.f32 v12, v0  }
0x286: {  	[tilespmem:$0x1D30] =	vst v15;
	vm11 =	vgt.s32 v8, $0x0;
	v37 =	vmul.f32 v37, v0;
	v15 =	vcvt.f32.s32 v46  }
0x287: {  	[tilespmem:$0x1C50] =	vst v36;
	v5 =	vmin.u32 v5, $0x8B;
	v21 =	vtrunc.f32 v21;
	v18 =	vmul.f32 v18, v0  }
0x288: {  	[tilespmem:$0x1C60] =	vst v33;
	v3 =	vnsel vm8, $0x0, v3;
	v8 =	vnsel vm11, $0x0, v8;
	v60 =	vmul.f32 v39, v0  }
0x289: {  	[tilespmem:$0x1D90] =	vst v23;
	v54 =	vld [tilespmem:$0xEE0];
	v39 =	vnsel vm7, $0x0, v61;
	v21 =	vcvt.f32.s32 v21;
	v23 =	vmul.f32 v52, v0  }
0x28a: {  	[tilespmem:$0x1CB0] =	vst v6;
	v49 =	vld [tilespmem:$0xF40];
	vm11 =	vgt.s32 v16, $0x0;
	v58 =	vtrunc.f32 v24;
	v42 =	vmul.f32 v40, v0  }
0x28b: {  	[tilespmem:$0x1C90] =	vst v34;
	v12 =	vtrunc.f32 v12;
	v37 =	vtrunc.f32 v37;
	v3 =	vmin.u32 v3, $0x8B  }
0x28c: {  	[tilespmem:$0x1D60] =	vst v27;
	v27 =	vld [tilespmem:$0xFA0];
	v16 =	vnsel vm11, $0x0, v16;
	vm12 =	vgt.s32 v15, $0x0;
	v8 =	vmin.u32 v8, $0x8B  }
0x28d: {  	[tilespmem:$0x1CE0] =	vst v19;
	v18 =	vtrunc.f32 v18;
	v61 =	vcvt.f32.s32 v58;
	v33 =	vmin.u32 v39, $0x8B  }
0x28e: {  	[tilespmem:$0x1CF0] =	vst v1;
	v12 =	vcvt.f32.s32 v12;
	v63 =	vtrunc.f32 v60;
	v36 =	vadd.f32 $-8.000000000e+00, v54  }
0x28f: {  	[tilespmem:$0x1D40] =	vst v22;
	v20 =	vcvt.f32.s32 v37;
	v15 =	vnsel vm12, $0x0, v15;
	v22 =	vadd.f32 $-8.000000000e+00, v49  }
0x290: {  	[tilespmem:$0x1D70] =	vst v25;
	v18 =	vcvt.f32.s32 v18;
	vm14 =	vgt.s32 v21, $0x0;
	v57 =	vtrunc.f32 v23  }
0x291: {  	[tilespmem:$0x1D20] =	vst v2;
	v37 =	vadd.f32 $-8.000000000e+00, v27;
	v41 =	vmin.u32 v16, $0x8B;
	v46 =	vtrunc.f32 v42  }
0x292: {  	[tilespmem:$0x1E00] =	vst v3;
	v6 =	vcvt.f32.s32 v63;
	v55 =	vnsel vm14, $0x0, v21;
	v3 =	vcvt.f32.s32 v57  }
0x293: {  	[tilespmem:$0x1D50] =	vst v26;
	v24 =	vld [tilespmem:$0xF90];
	vm6 =	vgt.s32 v61, $0x0;
	v47 =	vcvt.f32.s32 v46;
	v49 =	vmin.u32 v15, $0x8B  }
0x294: {  	[tilespmem:$0x1E40] =	vst v9;
	v52 =	vld [tilespmem:$0xFF0];
	vm13 =	vgt.s32 v12, $0x0;
	v38 =	vmul.f32 v36, v0;
	vm9 =	vgt.s32 v20, $0x0  }
0x295: {  	[tilespmem:$0x1DB0] =	vst v29;
	v22 =	vmul.f32 v22, v0;
	vm15 =	vgt.s32 v18, $0x0;
	v29 =	vnsel vm6, $0x0, v61  }
0x296: {  	[tilespmem:$0x1DF0] =	vst v4;
	v9 =	vmul.f32 v37, v0;
	v4 =	vmin.u32 v55, $0x8B;
	v12 =	vnsel vm13, $0x0, v12  }
0x297: {  	[tilespmem:$0x1E70] =	vst v62;
	v45 =	vld [tilespmem:$0xFC0];
	vm8 =	vgt.s32 v6, $0x0;
	v2 =	vnsel vm9, $0x0, v20;
	v20 =	vmul.f32 v48, v0  }
0x298: {  	[tilespmem:$0x1E10] =	vst v10;
	v60 =	vnsel vm15, $0x0, v18;
	vm5 =	vgt.s32 v3, $0x0;
	v36 =	vadd.f32 $-8.000000000e+00, v24  }
0x299: {  	[tilespmem:$0x1E60] =	vst v13;
	v54 =	vld [tilespmem:$0xF70];
	vm11 =	vgt.s32 v47, $0x0;
	v55 =	vmin.u32 v29, $0x8B;
	v57 =	vadd.f32 $-8.000000000e+00, v52  }
0x29a: {  	[tilespmem:$0x1EA0] =	vst v31;
	v1 =	vtrunc.f32 v38;
	v6 =	vnsel vm8, $0x0, v6;
	v12 =	vmin.u32 v12, $0x8B  }
0x29b: {  	[tilespmem:$0x1E80] =	vst v28;
	v22 =	vtrunc.f32 v22;
	v3 =	vnsel vm5, $0x0, v3;
	v2 =	vmin.u32 v2, $0x8B  }
0x29c: {  	[tilespmem:$0x1E90] =	vst v7;
	v38 =	vtrunc.f32 v35;
	v44 =	vtrunc.f32 v9;
	v9 =	vadd.f32 $-8.000000000e+00, v45  }
0x29d: {  	[tilespmem:$0x1E20] =	vst v5;
	v53 =	vmin.u32 v60, $0x8B;
	v1 =	vcvt.f32.s32 v1;
	v20 =	vtrunc.f32 v20  }
0x29e: {  	[tilespmem:$0x1E30] =	vst v8;
	v56 =	vcvt.f32.s32 v22;
	v26 =	vadd.f32 $-8.000000000e+00, v54;
	v39 =	vmul.f32 v36, v0  }
0x29f: {  	v50 =	vld [tilespmem:$0xFE0];
	v6 =	vmin.u32 v6, $0x8B;
	v7 =	vcvt.f32.s32 v38;
	[tilespmem:$0x1ED0] =	vst v2;
	v2 =	vcvt.f32.s32 v44  }
0x2a0: {  	[tilespmem:$0x1EB0] =	vst v33;
	v3 =	vmin.u32 v3, $0x8B;
	v61 =	vmul.f32 v57, v0;
	v20 =	vcvt.f32.s32 v20  }
0x2a1: {  	[tilespmem:$0x1EF0] =	vst v41;
	v9 =	vmul.f32 v9, v0;
	vm10 =	vgt.s32 v1, $0x0;
	vm4 =	vgt.s32 v56, $0x0  }
0x2a2: {  	[tilespmem:$0x1F00] =	vst v49;
	v8 =	vmul.f32 v26, v0;
	vm8 =	vgt.s32 v7, $0x0;
	v1 =	vnsel vm10, $0x0, v1  }
0x2a3: {  	v48 =	vld [tilespmem:$0xFD0];
	[tilespmem:$0x1F20] =	vst v4;
	vm13 =	vgt.s32 v20, $0x0;
	v63 =	vnsel vm4, $0x0, v56;
	vm10 =	vgt.s32 v2, $0x0  }
0x2a4: {  	[tilespmem:$0x1F50] =	vst v3;
	v56 =	vadd.f32 $-8.000000000e+00, v50;
	v3 =	vtrunc.f32 v9;
	v20 =	vnsel vm13, $0x0, v20  }
0x2a5: {  	[tilespmem:$0x1F60] =	vst v55;
	v34 =	vtrunc.f32 v8;
	v1 =	vmin.u32 v1, $0x8B;
	v8 =	vtrunc.f32 v39  }
0x2a6: {  	[tilespmem:$0x1E50] =	vst v12;
	v54 =	vmin.u32 v63, $0x8B;
	v3 =	vcvt.f32.s32 v3;
	v63 =	vtrunc.f32 v61  }
0x2a7: {  	[tilespmem:$0x1F30] =	vst v53;
	v2 =	vnsel vm10, $0x0, v2;
	v5 =	vcvt.f32.s32 v34;
	v43 =	vcvt.f32.s32 v8  }
0x2a8: {  	[tilespmem:$0x1EE0] =	vst v1;
	v1 =	vnsel vm8, $0x0, v7;
	v51 =	vmin.u32 v20, $0x8B;
	v8 =	vadd.f32 $-8.000000000e+00, v48  }
0x2a9: {  	[tilespmem:$0x1EC0] =	vst v6;
	v7 =	vnsel vm11, $0x0, v47;
	v59 =	vmul.f32 v56, v0;
	v2 =	vmin.u32 v2, $0x8B  }
0x2aa: {  	[tilespmem:$0x1F40] =	vst v54;
	v1 =	vmin.u32 v1, $0x8B;
	vm7 =	vgt.s32 v5, $0x0;
	v8 =	vmul.f32 v8, v0  }
0x2ab: {  	[tilespmem:$0x1F10] =	vst v51;
	vm12 =	vgt.s32 v3, $0x0;
	vm9 =	vgt.s32 v43, $0x0;
	v5 =	vnsel vm7, $0x0, v5  }
0x2ac: {  	[tilespmem:$0x1FA0] =	vst v2;
	v6 =	vnsel vm9, $0x0, v43;
	v5 =	vmin.u32 v5, $0x8B;
	v60 =	vtrunc.f32 v8  }
0x2ad: {  	v58 =	vmin.u32 v6, $0x8B;
	v6 =	vtrunc.f32 v59;
	[tilespmem:$0x1F70] =	vst v5;
	v5 =	vcvt.f32.s32 v60  }
0x2ae: {  	[tilespmem:$0x1F80] =	vst v1;
	v1 =	vmin.u32 v7, $0x8B;
	v2 =	vnsel vm12, $0x0, v3;
	v62 =	vcvt.f32.s32 v6  }
0x2af: {  	v3 =	vcvt.f32.s32 v63;
	[tilespmem:$0x1FB0] =	vst v1;
	v1 =	vmin.u32 v2, $0x8B;
	vm13 =	vgt.s32 v5, $0x0  }
0x2b0: {  	[tilespmem:$0x1FC0] =	vst v1;
	vm14 =	vgt.s32 v62, $0x0;
	v2 =	vnsel vm13, $0x0, v5  }
.Ltmp2:
0x2b1: {  	vm15 =	vgt.s32 v3, $0x0;
	[tilespmem:$0x1F90] =	vst v58;
	v1 =	vmin.u32 v2, $0x8B;
	v2 =	vnsel vm14, $0x0, v62;
	(pc) =	sbr.rel @p0 .LBB2_4-.Ltmp2, $4  }
0x2b2: {  	[tilespmem:$0x1FD0] =	vst v1;
	v1 =	vnsel vm15, $0x0, v3;
	v2 =	vmin.u32 v2, $0x8B  }
0x2b3: {  	[tilespmem:$0x1FE0] =	vst v2;
	v1 =	vmin.u32 v1, $0x8B  }
0x2b4: {  	s18 =	sadd.s32 $0x100, s31;
	[tilespmem:$0x1FF0] =	vst v1  }
0x2b5: {  	[hbm4b:s18+s2] =	stream.linear.scatter [tilespmem:s13], [sflag:$0x4], $0x800, $0x38;
	[tilespmem:$0x2000] =	vst v63  }
.Ltmp3:
0x2b6: {  	(pc) =	sbr.rel .LBB2_2-.Ltmp3, $3  }
0x2b7: {  	_ =	sdelay $0x1  }
0x2b8: {  	s18 =	sadd.s32 s17, s6;
	s17 =	sadd.s32 $0x200, s17  }
0x2b9: {  	[tilespmem:s9], [sflag:$0x2] =	stream.linear.gather [hbm4b:s18+s2], $0x800, $0x38;
	[tilespmem:$0x2000] =	vst v63  }
.LBB2_5:
0x2ba: {  	_ =	sfence.sel $0x180000  }
0x2bb: {  	[bflag:$0x0] =	sbarrier.arrive $0xFFFF  }
0x2bc: {  	p0 =	sne.s32 s1, $0x0;
	_ =	strace $0x90000047  }
0x2bd: {  	s0 =	sadd.s32 @!p0 $0x100000, s0;
	[bflag:$0x2] =	sbarrier.arrive $0xFFFF  }
0x2be: {  	[sflag:s0] =	ssyncadd.tile.s32 @!p0 $0x1;
	_ =	shalt  }
.Lfunc_end2:
_tile_overlayer_lowered:
.L_overlay_start_2:
0x2bf: {  	(tag) =	ssettag $0x2  }
0x2c0: {  	s0 =	rddreg [dreg:$0x0];
	s2 =	stileid.u32  }
0x2c1: {  	s1 =	rddreg [dreg:$0x1];
	p0 =	sne.s32 s2, $0x0  }
0x2c2: {  	s3 =	rddreg [dreg:$0x2];
	[bflag:$0x3] =	sbarrier.arrive $0xFFFF;
	s2 =	simm.s32 @!p0 $0x1C05  }
0x2c3: {  	[timem:s3], [sflag:s2] =	dma.local @!p0 [hbm:s0], s1  }
0x2c4: {  	s0 =	simm.s32 @!p0 $0x5  }
0x2c5: {  	_ =	swait.ge @!p0 [sflag:s0], s1  }
0x2c6: {  	s1 =	ssub.s32 @!p0 $0x0, s1;
	[sflag:s0] =	ssyncset.done @!p0 $0x0  }
0x2c7: {  	[sflag:s0] =	ssyncadd.s32 @!p0 s1  }
0x2c8: {  	[bflag:$0x3] =	sbarrier.arrive $0xFFFF  }
0x2c9: {  	_ =	shalt  }

</sc_bundles>
